<compile_context>
chip_gen: v7x
topology: tpu7x:2x2x1
jax: 0.10.2.dev20260603
libtpu: 0.0.44.dev20260713+nightly
codegen_flags: <defaults>
</compile_context>

<pallas_src>
import functools

import jax
import jax.numpy as jnp
from jax import lax
from jax.experimental import pallas as pl
from jax.experimental.pallas import tpu as pltpu
from jax.experimental.pallas import tpu_sc as plsc

N = 10000
E = 320000
D = 128
ED = 16
C = 128

NPAD = 10112
BLK = 128
GRID = NPAD // BLK

NC = 2
NS = 16
NW = NC * NS
EPW = E // NW
CH = 80
NCHUNK = EPW // CH
ROWS_PER_S = NPAD // NS

_INV_SQRT_C = 1.0 / (C ** 0.5)



def _mm_body(a_ref, w_ref, b_ref, o_ref, *, act):
    o = jnp.dot(a_ref[...], w_ref[...], preferred_element_type=jnp.float32)
    o = o + b_ref[...]
    if act:
        o = jnp.where(o > 0, o, 0.01 * o)
    o_ref[...] = o


def _mm(a, w, b, act):
    m, k = a.shape
    o = w.shape[1]
    return pl.pallas_call(
        functools.partial(_mm_body, act=act),
        grid=(m // BLK,),
        in_specs=[
            pl.BlockSpec((BLK, k), lambda i: (i, 0)),
            pl.BlockSpec((k, o), lambda i: (0, 0)),
            pl.BlockSpec((1, o), lambda i: (0, 0)),
        ],
        out_specs=pl.BlockSpec((BLK, o), lambda i: (i, 0)),
        out_shape=jax.ShapeDtypeStruct((m, o), jnp.float32),
    )(a, w, b.reshape(1, o))


def _proj_body(x_ref, w_ref, b_ref, wet_ref, q_ref, k_ref, v_ref, s_ref, qe_ref):
    o = jnp.dot(x_ref[...], w_ref[...], preferred_element_type=jnp.float32)
    o = o + b_ref[...]
    q = o[:, 0:C]
    q_ref[...] = q
    k_ref[...] = o[:, C:2 * C]
    v_ref[...] = o[:, 2 * C:3 * C]
    s_ref[...] = o[:, 3 * C:4 * C]
    qe_ref[...] = jnp.dot(q, wet_ref[...], preferred_element_type=jnp.float32)


def _proj(x, wcat, bcat, wet):
    return pl.pallas_call(
        _proj_body,
        grid=(GRID,),
        in_specs=[
            pl.BlockSpec((BLK, D), lambda i: (i, 0)),
            pl.BlockSpec((D, 4 * C), lambda i: (0, 0)),
            pl.BlockSpec((1, 4 * C), lambda i: (0, 0)),
            pl.BlockSpec((C, ED), lambda i: (0, 0)),
        ],
        out_specs=[
            pl.BlockSpec((BLK, C), lambda i: (i, 0)),
            pl.BlockSpec((BLK, C), lambda i: (i, 0)),
            pl.BlockSpec((BLK, C), lambda i: (i, 0)),
            pl.BlockSpec((BLK, C), lambda i: (i, 0)),
            pl.BlockSpec((BLK, ED), lambda i: (i, 0)),
        ],
        out_shape=[
            jax.ShapeDtypeStruct((NPAD, C), jnp.float32),
            jax.ShapeDtypeStruct((NPAD, C), jnp.float32),
            jax.ShapeDtypeStruct((NPAD, C), jnp.float32),
            jax.ShapeDtypeStruct((NPAD, C), jnp.float32),
            jax.ShapeDtypeStruct((NPAD, ED), jnp.float32),
        ],
    )(x, wcat, bcat.reshape(1, 4 * C), wet)


def _combine_body(a128_ref, ae_ref, den_ref, skip_ref, we_ref, ones_ref, o_ref):
    a = a128_ref[0] + a128_ref[1]
    ae = ae_ref[0] + ae_ref[1]
    numer = a + jnp.dot(ae, we_ref[...], preferred_element_type=jnp.float32)
    den = lax.dot_general(den_ref[...], ones_ref[...],
                          (((0,), (0,)), ((), ())),
                          preferred_element_type=jnp.float32)
    o = numer / (den + 1e-16) + skip_ref[...]
    o_ref[...] = jnp.where(o > 0, o, 0.01 * o)


def _combine(a128, ae, den, skip, we):
    return pl.pallas_call(
        _combine_body,
        grid=(GRID,),
        in_specs=[
            pl.BlockSpec((2, BLK, C), lambda i: (0, i, 0)),
            pl.BlockSpec((2, BLK, ED), lambda i: (0, i, 0)),
            pl.BlockSpec((NW, BLK), lambda i: (0, i)),
            pl.BlockSpec((BLK, C), lambda i: (i, 0)),
            pl.BlockSpec((ED, C), lambda i: (0, 0)),
            pl.BlockSpec((NW, 1), lambda i: (0, 0)),
        ],
        out_specs=pl.BlockSpec((BLK, C), lambda i: (i, 0)),
        out_shape=jax.ShapeDtypeStruct((NPAD, C), jnp.float32),
    )(a128, ae, den, skip, we, jnp.ones((NW, 1), jnp.float32))



def _edge_body(src_hbm, dst_hbm, ea_hbm, q_hbm, k_hbm, v_hbm, qe_hbm,
               z128_hbm, zae_hbm, zden_hbm,
               a128_out, ae_out, den_out,
               sidx, didx, qvrows, krows, qerows, earows, eam,
               pbuf, exbuf, den, a128_sh, ae_sh,
               sem1, sem2, sem3, sem4):
    cid = lax.axis_index("c")
    sid = lax.axis_index("s")
    wid = sid * NC + cid
    tile_base = wid * EPW
    srow = sid * (N // NS)

    pltpu.sync_copy(z128_hbm.at[pl.ds(srow, N // NS)],
                    a128_sh.at[pl.ds(srow, N // NS)])
    pltpu.sync_copy(zae_hbm.at[pl.ds(srow, N // NS)],
                    ae_sh.at[pl.ds(srow, N // NS)])
    pltpu.sync_copy(zden_hbm, den)

    plsc.subcore_barrier()

    iota16 = lax.iota(jnp.int32, 16)

    def _chunk(j, _):
        base = tile_base + j * CH
        pltpu.sync_copy(src_hbm.at[pl.ds(base, CH)], sidx)
        pltpu.sync_copy(dst_hbm.at[pl.ds(base, CH)], didx)
        cp_q = pltpu.async_copy(q_hbm.at[didx], qvrows, sem1)
        cp_k = pltpu.async_copy(k_hbm.at[sidx], krows, sem2)
        cp_qe = pltpu.async_copy(qe_hbm.at[didx], qerows, sem4)
        pltpu.sync_copy(ea_hbm.at[pl.ds(base, CH)], earows)
        cp_q.wait()
        cp_k.wait()
        cp_qe.wait()

        def _group(g, _):
            e0 = g * 16
            for ii in range(16):
                e = e0 + ii
                acc = qerows[e, :] * earows[e, :]
                for c in range(C // 16):
                    acc = acc + (qvrows[e, pl.ds(c * 16, 16)] *
                                 krows[e, pl.ds(c * 16, 16)])
                pbuf[ii, pl.ds(0, 16)] = acc
            tot = plsc.load_gather(pbuf, [iota16, jnp.zeros((16,), jnp.int32)])
            for c in range(1, 16):
                tot = tot + plsc.load_gather(
                    pbuf, [iota16, jnp.full((16,), c, jnp.int32)])
            ex = jnp.exp(tot * _INV_SQRT_C)
            exbuf[pl.ds(e0, 16)] = ex
            didx_v = didx[pl.ds(e0, 16)]
            plsc.addupdate_scatter(den, [didx_v], ex)
            return 0
        lax.fori_loop(0, CH // 16, _group, 0)

        cp_v = pltpu.async_copy(v_hbm.at[sidx], qvrows, sem3)

        def _eascale(e, _):
            exs = plsc.load_gather(exbuf, [jnp.full((16,), e, jnp.int32)])
            eam[e, :] = earows[e, :] * exs
            return 0
        lax.fori_loop(0, CH, _eascale, 0)

        cp_v.wait()

        def _vscale(e, _):
            exs = plsc.load_gather(exbuf, [jnp.full((16,), e, jnp.int32)])
            for c in range(C // 16):
                qvrows[e, pl.ds(c * 16, 16)] = (
                    qvrows[e, pl.ds(c * 16, 16)] * exs)
            return 0
        lax.fori_loop(0, CH, _vscale, 0)

        pltpu.sync_copy(qvrows, a128_sh.at[didx], add=True)
        pltpu.sync_copy(eam, ae_sh.at[didx], add=True)
        return 0

    lax.fori_loop(0, NCHUNK, _chunk, 0)

    pltpu.sync_copy(den, den_out.at[wid, pl.ds(0, N)])

    plsc.subcore_barrier()

    pltpu.sync_copy(a128_sh.at[pl.ds(srow, N // NS)],
                    a128_out.at[cid, pl.ds(srow, N // NS)])
    pltpu.sync_copy(ae_sh.at[pl.ds(srow, N // NS)],
                    ae_out.at[cid, pl.ds(srow, N // NS)])


_edge_pass = pl.kernel(
    _edge_body,
    out_type=[
        jax.ShapeDtypeStruct((NC, NPAD, C), jnp.float32),
        jax.ShapeDtypeStruct((NC, NPAD, ED), jnp.float32),
        jax.ShapeDtypeStruct((NW, NPAD), jnp.float32),
    ],
    mesh=plsc.VectorSubcoreMesh(core_axis_name="c", subcore_axis_name="s",
                                num_cores=NC, num_subcores=NS),
    compiler_params=pltpu.CompilerParams(use_tc_tiling_on_sc=False,
                                         needs_layout_passes=False),
    scratch_types=[
        pltpu.VMEM((CH,), jnp.int32),
        pltpu.VMEM((CH,), jnp.int32),
        pltpu.VMEM((CH, C), jnp.float32),
        pltpu.VMEM((CH, C), jnp.float32),
        pltpu.VMEM((CH, ED), jnp.float32),
        pltpu.VMEM((CH, ED), jnp.float32),
        pltpu.VMEM((CH, ED), jnp.float32),
        pltpu.VMEM((16, 17), jnp.float32),
        pltpu.VMEM((CH,), jnp.float32),
        pltpu.VMEM((N,), jnp.float32),
        pltpu.VMEM_SHARED((N, C), jnp.float32),
        pltpu.VMEM_SHARED((N, ED), jnp.float32),
        pltpu.SemaphoreType.DMA,
        pltpu.SemaphoreType.DMA,
        pltpu.SemaphoreType.DMA,
        pltpu.SemaphoreType.DMA,
    ],
)



def _layer(x, src, dst, ea, z128, zae, zden, Wq, bq, Wk, bk, Wv, bv, We, Ws, bs):
    wcat = jnp.concatenate([Wq, Wk, Wv, Ws], axis=1)
    bcat = jnp.concatenate([bq, bk, bv, bs], axis=0)
    q, k, v, skip, qe = _proj(x, wcat, bcat, We.T)
    a128, ae, den = _edge_pass(src, dst, ea, q, k, v, qe, z128, zae, zden)
    return _combine(a128, ae, den, skip, We)


def kernel(x, pe, edge_index, edge_attr, batch,
           Wq0, bq0, Wk0, bk0, Wv0, bv0, We0, Ws0, bs0,
           Wq1, bq1, Wk1, bk1, Wv1, bv1, We1, Ws1, bs1,
           mlp_W1, mlp_b1, mlp_W2, mlp_b2):
    src = edge_index[0]
    dst = edge_index[1]
    xpad = jnp.zeros((NPAD, D), jnp.float32).at[:N].set(x)
    z128 = jnp.zeros((N, C), jnp.float32)
    zae = jnp.zeros((N, ED), jnp.float32)
    zden = jnp.zeros((N,), jnp.float32)

    h = _layer(xpad, src, dst, edge_attr, z128, zae, zden,
               Wq0, bq0, Wk0, bk0, Wv0, bv0, We0, Ws0, bs0)
    h = _layer(h, src, dst, edge_attr, z128, zae, zden,
               Wq1, bq1, Wk1, bk1, Wv1, bv1, We1, Ws1, bs1)
    h = _mm(h, mlp_W1, mlp_b1, act=True)
    h = _mm(h, mlp_W2, mlp_b2, act=False)
    return h[:N]

# --- scband reference (transcript-rebuilt; emitter-appended) ---
"""Pipeline reference for scband-gnn-transformer-conv-21869973471855 (READ-ONLY COPY).

The authoritative reference and input builder live on the scoring server;
editing this copy changes nothing except your own understanding.
"""

import jax, jax.numpy as jnp
import numpy as np

N = 10000; E = 320000; D = 128; ED = 16; H = 1; C = 128; HID = 128; OUT = 128


def segment_softmax(scores, seg, n):
    m = jax.ops.segment_max(scores, seg, num_segments=n)
    m = jnp.where(jnp.isfinite(m), m, 0.0)
    ex = jnp.exp(scores - m[seg])
    s = jax.ops.segment_sum(ex, seg, num_segments=n)
    return ex / (s[seg] + 1e-16)


def conv(x, src, dst, ea, Wq, bq, Wk, bk, Wv, bv, We, Ws, bs):
    n = x.shape[0]
    q = (x @ Wq + bq).reshape(n, H, C)
    k = (x @ Wk + bk).reshape(n, H, C)
    v = (x @ Wv + bv).reshape(n, H, C)
    e = (ea @ We).reshape(-1, H, C)
    kj = k[src] + e
    a = jnp.sum(q[dst] * kj, axis=-1) / jnp.sqrt(float(C))
    a = segment_softmax(a, dst, n)
    msg = (v[src] + e) * a[:, :, None]
    out = jax.ops.segment_sum(msg, dst, num_segments=n).reshape(n, H * C)
    return out + x @ Ws + bs


def setup_inputs(seed: int = 0):
    key = jax.random.key(seed)
    ks = jax.random.split(key, 32)
    inp = {}
    inp['x'] = jax.random.normal(ks[0], (N, D), dtype=jnp.float32)
    inp['pe'] = jax.random.normal(ks[1], (N, 16), dtype=jnp.float32)
    inp['edge_index'] = jax.random.randint(ks[2], (2, E), 0, N, dtype=jnp.int32)
    inp['edge_attr'] = jax.random.normal(ks[3], (E, ED), dtype=jnp.float32)
    inp['batch'] = jnp.zeros((N,), dtype=jnp.int32)
    i = 4
    for l in range(2):
        din = D if l == 0 else H * C
        inp['Wq%d' % l] = jax.random.normal(ks[i], (din, H * C), dtype=jnp.float32) * 0.05; i += 1
        inp['bq%d' % l] = jnp.zeros((H * C,), dtype=jnp.float32)
        inp['Wk%d' % l] = jax.random.normal(ks[i], (din, H * C), dtype=jnp.float32) * 0.05; i += 1
        inp['bk%d' % l] = jnp.zeros((H * C,), dtype=jnp.float32)
        inp['Wv%d' % l] = jax.random.normal(ks[i], (din, H * C), dtype=jnp.float32) * 0.05; i += 1
        inp['bv%d' % l] = jnp.zeros((H * C,), dtype=jnp.float32)
        inp['We%d' % l] = jax.random.normal(ks[i], (ED, H * C), dtype=jnp.float32) * 0.05; i += 1
        inp['Ws%d' % l] = jax.random.normal(ks[i], (din, H * C), dtype=jnp.float32) * 0.05; i += 1
        inp['bs%d' % l] = jnp.zeros((H * C,), dtype=jnp.float32)
    inp['mlp_W1'] = jax.random.normal(ks[i], (H * C, HID), dtype=jnp.float32) * 0.05; i += 1
    inp['mlp_b1'] = jnp.zeros((HID,), dtype=jnp.float32)
    inp['mlp_W2'] = jax.random.normal(ks[i], (HID, OUT), dtype=jnp.float32) * 0.05; i += 1
    inp['mlp_b2'] = jnp.zeros((OUT,), dtype=jnp.float32)
    return inp


def reference(x, pe, edge_index, edge_attr, batch, Wq0, bq0, Wk0, bk0, Wv0, bv0, We0, Ws0, bs0, Wq1, bq1, Wk1, bk1, Wv1, bv1, We1, Ws1, bs1, mlp_W1, mlp_b1, mlp_W2, mlp_b2):
    src, dst = edge_index[0], edge_index[1]
    h = conv(x, src, dst, edge_attr, Wq0, bq0, Wk0, bk0, Wv0, bv0, We0, Ws0, bs0)
    h = jax.nn.leaky_relu(h, 0.01)
    h = conv(h, src, dst, edge_attr, Wq1, bq1, Wk1, bk1, Wv1, bv1, We1, Ws1, bs1)
    h = jax.nn.leaky_relu(h, 0.01)
    h = jax.nn.leaky_relu(h @ mlp_W1 + mlp_b1, 0.01)
    return h @ mlp_W2 + mlp_b2

if __name__ == "__main__":
    import jax
    _d = setup_inputs()
    print(jax.jit(kernel)(*tuple(_d.values())))

</pallas_src>

<mosaic_0001>
#map = affine_map<(d0, d1) -> (0)>
#map1 = affine_map<(d0, d1) -> (0, 0)>
#map2 = affine_map<(d0, d1) -> (0, 0, 0)>
module attributes {stable_mosaic.version = 14 : i64} {
  func.func @_edge_body(%arg0: i32, %arg1: i32, %arg2: memref<320000xi32, #tpu.memory_space<hbm>>, %arg3: memref<320000xi32, #tpu.memory_space<hbm>>, %arg4: memref<320000x16xf32, #tpu.memory_space<hbm>>, %arg5: memref<10112x128xf32, #tpu.memory_space<hbm>>, %arg6: memref<10112x128xf32, #tpu.memory_space<hbm>>, %arg7: memref<10112x128xf32, #tpu.memory_space<hbm>>, %arg8: memref<10112x16xf32, #tpu.memory_space<hbm>>, %arg9: memref<10000x128xf32, #tpu.memory_space<hbm>>, %arg10: memref<10000x16xf32, #tpu.memory_space<hbm>>, %arg11: memref<10000xf32, #tpu.memory_space<hbm>>, %arg12: memref<2x10112x128xf32, #tpu.memory_space<hbm>>, %arg13: memref<2x10112x16xf32, #tpu.memory_space<hbm>>, %arg14: memref<32x10112xf32, #tpu.memory_space<hbm>>, %arg15: memref<80xi32, #tpu.memory_space<vmem>>, %arg16: memref<80xi32, #tpu.memory_space<vmem>>, %arg17: memref<80x128xf32, #tpu.memory_space<vmem>>, %arg18: memref<80x128xf32, #tpu.memory_space<vmem>>, %arg19: memref<80x16xf32, #tpu.memory_space<vmem>>, %arg20: memref<80x16xf32, #tpu.memory_space<vmem>>, %arg21: memref<80x16xf32, #tpu.memory_space<vmem>>, %arg22: memref<16x17xf32, #tpu.memory_space<vmem>>, %arg23: memref<80xf32, #tpu.memory_space<vmem>>, %arg24: memref<10000xf32, #tpu.memory_space<vmem>>, %arg25: memref<10000x128xf32, #tpu.memory_space<vmem_shared>>, %arg26: memref<10000x16xf32, #tpu.memory_space<vmem_shared>>, %arg27: memref<!tpu.dma_semaphore, #tpu.memory_space<semaphore_mem>>, %arg28: memref<!tpu.dma_semaphore, #tpu.memory_space<semaphore_mem>>, %arg29: memref<!tpu.dma_semaphore, #tpu.memory_space<semaphore_mem>>, %arg30: memref<!tpu.dma_semaphore, #tpu.memory_space<semaphore_mem>>) attributes {dimension_semantics = [#tpu.dimension_semantics<core_parallel>, #tpu.dimension_semantics<subcore_parallel>], iteration_bounds = array<i64: 2, 16>, scalar_prefetch = 0 : i64, scratch_operands = 16 : i64, tpu.core_type = #tpu.core_type<sc_vector_subcore>, window_params = [{transform_indices = #map}, {transform_indices = #map}, {transform_indices = #map1}, {transform_indices = #map1}, {transform_indices = #map1}, {transform_indices = #map1}, {transform_indices = #map1}, {transform_indices = #map1}, {transform_indices = #map1}, {transform_indices = #map}, {transform_indices = #map2}, {transform_indices = #map2}, {transform_indices = #map1}]} {
    %mul3A = arith.constant 2 : i32
    %mul3A_0 = arith.muli %arg1, %mul3A : i32
    %add3A = arith.addi %mul3A_0, %arg0 : i32
    %mul3A_1 = arith.constant 10000 : i32
    %mul3A_2 = arith.muli %add3A, %mul3A_1 : i32
    %mul3A_3 = arith.constant 625 : i32
    %mul3A_4 = arith.muli %arg1, %mul3A_3 : i32
    "tpu.region"() ({
      %run_scoped3A = tpu.sem_alloc : memref<!tpu.dma_semaphore, #tpu.memory_space<semaphore_mem>>
      %dma_start3A = arith.constant 0 : i32
      %dma_start3A_12 = tpu.memref_slice %arg25[%mul3A_4, %dma_start3A] : memref<10000x128xf32, #tpu.memory_space<vmem_shared>> -> memref<625x128xf32, #tpu.memory_space<vmem_shared>>
      %dma_start3A_13 = arith.constant 0 : i32
      %dma_start3A_14 = tpu.memref_slice %arg9[%mul3A_4, %dma_start3A_13] : memref<10000x128xf32, #tpu.memory_space<hbm>> -> memref<625x128xf32, #tpu.memory_space<hbm>>
      tpu.enqueue_dma source(%dma_start3A_14 : memref<625x128xf32, #tpu.memory_space<hbm>>) target(%dma_start3A_12 : memref<625x128xf32, #tpu.memory_space<vmem_shared>>) target_semaphore(%run_scoped3A : memref<!tpu.dma_semaphore, #tpu.memory_space<semaphore_mem>>)
      %dma_wait3A = arith.constant 0 : i32
      %dma_wait3A_15 = tpu.memref_slice %arg25[%mul3A_4, %dma_wait3A] : memref<10000x128xf32, #tpu.memory_space<vmem_shared>> -> memref<625x128xf32, #tpu.memory_space<vmem_shared>>
      %dma_wait3A_16 = arith.constant 0 : i32
      %dma_wait3A_17 = tpu.memref_slice %arg9[%mul3A_4, %dma_wait3A_16] : memref<10000x128xf32, #tpu.memory_space<hbm>> -> memref<625x128xf32, #tpu.memory_space<hbm>>
      tpu.wait_dma2 semaphore(%run_scoped3A : memref<!tpu.dma_semaphore, #tpu.memory_space<semaphore_mem>>) src(%dma_wait3A_17 : memref<625x128xf32, #tpu.memory_space<hbm>>) dst(%dma_wait3A_15 : memref<625x128xf32, #tpu.memory_space<vmem_shared>>)
      tpu.yield
    }) : () -> ()
    "tpu.region"() ({
      %run_scoped3A = tpu.sem_alloc : memref<!tpu.dma_semaphore, #tpu.memory_space<semaphore_mem>>
      %dma_start3A = arith.constant 0 : i32
      %dma_start3A_12 = tpu.memref_slice %arg26[%mul3A_4, %dma_start3A] : memref<10000x16xf32, #tpu.memory_space<vmem_shared>> -> memref<625x16xf32, #tpu.memory_space<vmem_shared>>
      %dma_start3A_13 = arith.constant 0 : i32
      %dma_start3A_14 = tpu.memref_slice %arg10[%mul3A_4, %dma_start3A_13] : memref<10000x16xf32, #tpu.memory_space<hbm>> -> memref<625x16xf32, #tpu.memory_space<hbm>>
      tpu.enqueue_dma source(%dma_start3A_14 : memref<625x16xf32, #tpu.memory_space<hbm>>) target(%dma_start3A_12 : memref<625x16xf32, #tpu.memory_space<vmem_shared>>) target_semaphore(%run_scoped3A : memref<!tpu.dma_semaphore, #tpu.memory_space<semaphore_mem>>)
      %dma_wait3A = arith.constant 0 : i32
      %dma_wait3A_15 = tpu.memref_slice %arg26[%mul3A_4, %dma_wait3A] : memref<10000x16xf32, #tpu.memory_space<vmem_shared>> -> memref<625x16xf32, #tpu.memory_space<vmem_shared>>
      %dma_wait3A_16 = arith.constant 0 : i32
      %dma_wait3A_17 = tpu.memref_slice %arg10[%mul3A_4, %dma_wait3A_16] : memref<10000x16xf32, #tpu.memory_space<hbm>> -> memref<625x16xf32, #tpu.memory_space<hbm>>
      tpu.wait_dma2 semaphore(%run_scoped3A : memref<!tpu.dma_semaphore, #tpu.memory_space<semaphore_mem>>) src(%dma_wait3A_17 : memref<625x16xf32, #tpu.memory_space<hbm>>) dst(%dma_wait3A_15 : memref<625x16xf32, #tpu.memory_space<vmem_shared>>)
      tpu.yield
    }) : () -> ()
    "tpu.region"() ({
      %run_scoped3A = tpu.sem_alloc : memref<!tpu.dma_semaphore, #tpu.memory_space<semaphore_mem>>
      tpu.enqueue_dma source(%arg11 : memref<10000xf32, #tpu.memory_space<hbm>>) target(%arg24 : memref<10000xf32, #tpu.memory_space<vmem>>) target_semaphore(%run_scoped3A : memref<!tpu.dma_semaphore, #tpu.memory_space<semaphore_mem>>)
      tpu.wait_dma2 semaphore(%run_scoped3A : memref<!tpu.dma_semaphore, #tpu.memory_space<semaphore_mem>>) src(%arg11 : memref<10000xf32, #tpu.memory_space<hbm>>) dst(%arg24 : memref<10000xf32, #tpu.memory_space<vmem>>)
      tpu.yield
    }) : () -> ()
    %barrier3A = arith.constant 0 : index
    tpu.barrier barrier_id(%barrier3A)
    %iota3A = tpu.iota {dimensions = array<i32: 0>} : vector<16xi32>
    %scan3A = arith.constant 0 : i32
    %scan3A_5 = arith.constant 0 : i32
    %scan3A_6 = arith.constant 125 : i32
    %scan3A_7 = arith.addi %scan3A_5, %scan3A_6 : i32
    %scan3A_8 = arith.constant 1 : i32
    %scan3A_9 = scf.for %scan3A_12 = %scan3A_5 to %scan3A_7 step %scan3A_8 iter_args(%scan3A_13 = %scan3A) -> (i32)  : i32 {
      %mul3A_14 = arith.constant 80 : i32
      %mul3A_15 = arith.muli %scan3A_12, %mul3A_14 : i32
      %add3A_16 = arith.addi %mul3A_2, %mul3A_15 : i32
      "tpu.region"() ({
        %run_scoped3A = tpu.sem_alloc : memref<!tpu.dma_semaphore, #tpu.memory_space<semaphore_mem>>
        %dma_start3A_61 = tpu.memref_slice %arg2[%add3A_16] : memref<320000xi32, #tpu.memory_space<hbm>> -> memref<80xi32, #tpu.memory_space<hbm>>
        %dma_start3A_62 = tpu.memref_slice %arg2[%add3A_16] : memref<320000xi32, #tpu.memory_space<hbm>> -> memref<80xi32, #tpu.memory_space<hbm>>
        tpu.enqueue_dma source(%dma_start3A_62 : memref<80xi32, #tpu.memory_space<hbm>>) target(%arg15 : memref<80xi32, #tpu.memory_space<vmem>>) target_semaphore(%run_scoped3A : memref<!tpu.dma_semaphore, #tpu.memory_space<semaphore_mem>>)
        %dma_wait3A_63 = tpu.memref_slice %arg2[%add3A_16] : memref<320000xi32, #tpu.memory_space<hbm>> -> memref<80xi32, #tpu.memory_space<hbm>>
        %dma_wait3A_64 = tpu.memref_slice %arg2[%add3A_16] : memref<320000xi32, #tpu.memory_space<hbm>> -> memref<80xi32, #tpu.memory_space<hbm>>
        tpu.wait_dma2 semaphore(%run_scoped3A : memref<!tpu.dma_semaphore, #tpu.memory_space<semaphore_mem>>) src(%dma_wait3A_64 : memref<80xi32, #tpu.memory_space<hbm>>) dst(%arg15 : memref<80xi32, #tpu.memory_space<vmem>>)
        tpu.yield
      }) : () -> ()
      "tpu.region"() ({
        %run_scoped3A = tpu.sem_alloc : memref<!tpu.dma_semaphore, #tpu.memory_space<semaphore_mem>>
        %dma_start3A_61 = tpu.memref_slice %arg3[%add3A_16] : memref<320000xi32, #tpu.memory_space<hbm>> -> memref<80xi32, #tpu.memory_space<hbm>>
        %dma_start3A_62 = tpu.memref_slice %arg3[%add3A_16] : memref<320000xi32, #tpu.memory_space<hbm>> -> memref<80xi32, #tpu.memory_space<hbm>>
        tpu.enqueue_dma source(%dma_start3A_62 : memref<80xi32, #tpu.memory_space<hbm>>) target(%arg16 : memref<80xi32, #tpu.memory_space<vmem>>) target_semaphore(%run_scoped3A : memref<!tpu.dma_semaphore, #tpu.memory_space<semaphore_mem>>)
        %dma_wait3A_63 = tpu.memref_slice %arg3[%add3A_16] : memref<320000xi32, #tpu.memory_space<hbm>> -> memref<80xi32, #tpu.memory_space<hbm>>
        %dma_wait3A_64 = tpu.memref_slice %arg3[%add3A_16] : memref<320000xi32, #tpu.memory_space<hbm>> -> memref<80xi32, #tpu.memory_space<hbm>>
        tpu.wait_dma2 semaphore(%run_scoped3A : memref<!tpu.dma_semaphore, #tpu.memory_space<semaphore_mem>>) src(%dma_wait3A_64 : memref<80xi32, #tpu.memory_space<hbm>>) dst(%arg16 : memref<80xi32, #tpu.memory_space<vmem>>)
        tpu.yield
      }) : () -> ()
      %dma_start3A = arith.constant 0 : i32
      %dma_start3A_17 = arith.constant 0 : i32
      %dma_start3A_18 = tpu.memref_slice %arg5[%dma_start3A, %dma_start3A_17] : memref<10112x128xf32, #tpu.memory_space<hbm>> -> memref<10112x128xf32, #tpu.memory_space<hbm>>
      tpu.enqueue_indirect_dma source(%dma_start3A_18 : memref<10112x128xf32, #tpu.memory_space<hbm>>) target(%arg17 : memref<80x128xf32, #tpu.memory_space<vmem>>) offsets(%arg16 : memref<80xi32, #tpu.memory_space<vmem>>) semaphore(%arg27 : memref<!tpu.dma_semaphore, #tpu.memory_space<semaphore_mem>>)
      %dma_start3A_19 = arith.constant 0 : i32
      %dma_start3A_20 = arith.constant 0 : i32
      %dma_start3A_21 = tpu.memref_slice %arg6[%dma_start3A_19, %dma_start3A_20] : memref<10112x128xf32, #tpu.memory_space<hbm>> -> memref<10112x128xf32, #tpu.memory_space<hbm>>
      tpu.enqueue_indirect_dma source(%dma_start3A_21 : memref<10112x128xf32, #tpu.memory_space<hbm>>) target(%arg18 : memref<80x128xf32, #tpu.memory_space<vmem>>) offsets(%arg15 : memref<80xi32, #tpu.memory_space<vmem>>) semaphore(%arg28 : memref<!tpu.dma_semaphore, #tpu.memory_space<semaphore_mem>>)
      %dma_start3A_22 = arith.constant 0 : i32
      %dma_start3A_23 = arith.constant 0 : i32
      %dma_start3A_24 = tpu.memref_slice %arg8[%dma_start3A_22, %dma_start3A_23] : memref<10112x16xf32, #tpu.memory_space<hbm>> -> memref<10112x16xf32, #tpu.memory_space<hbm>>
      tpu.enqueue_indirect_dma source(%dma_start3A_24 : memref<10112x16xf32, #tpu.memory_space<hbm>>) target(%arg19 : memref<80x16xf32, #tpu.memory_space<vmem>>) offsets(%arg16 : memref<80xi32, #tpu.memory_space<vmem>>) semaphore(%arg30 : memref<!tpu.dma_semaphore, #tpu.memory_space<semaphore_mem>>)
      "tpu.region"() ({
        %run_scoped3A = tpu.sem_alloc : memref<!tpu.dma_semaphore, #tpu.memory_space<semaphore_mem>>
        %dma_start3A_61 = arith.constant 0 : i32
        %dma_start3A_62 = tpu.memref_slice %arg4[%add3A_16, %dma_start3A_61] : memref<320000x16xf32, #tpu.memory_space<hbm>> -> memref<80x16xf32, #tpu.memory_space<hbm>>
        %dma_start3A_63 = arith.constant 0 : i32
        %dma_start3A_64 = tpu.memref_slice %arg4[%add3A_16, %dma_start3A_63] : memref<320000x16xf32, #tpu.memory_space<hbm>> -> memref<80x16xf32, #tpu.memory_space<hbm>>
        tpu.enqueue_dma source(%dma_start3A_64 : memref<80x16xf32, #tpu.memory_space<hbm>>) target(%arg20 : memref<80x16xf32, #tpu.memory_space<vmem>>) target_semaphore(%run_scoped3A : memref<!tpu.dma_semaphore, #tpu.memory_space<semaphore_mem>>)
        %dma_wait3A_65 = arith.constant 0 : i32
        %dma_wait3A_66 = tpu.memref_slice %arg4[%add3A_16, %dma_wait3A_65] : memref<320000x16xf32, #tpu.memory_space<hbm>> -> memref<80x16xf32, #tpu.memory_space<hbm>>
        %dma_wait3A_67 = arith.constant 0 : i32
        %dma_wait3A_68 = tpu.memref_slice %arg4[%add3A_16, %dma_wait3A_67] : memref<320000x16xf32, #tpu.memory_space<hbm>> -> memref<80x16xf32, #tpu.memory_space<hbm>>
        tpu.wait_dma2 semaphore(%run_scoped3A : memref<!tpu.dma_semaphore, #tpu.memory_space<semaphore_mem>>) src(%dma_wait3A_68 : memref<80x16xf32, #tpu.memory_space<hbm>>) dst(%arg20 : memref<80x16xf32, #tpu.memory_space<vmem>>)
        tpu.yield
      }) : () -> ()
      %dma_wait3A = arith.constant 0 : i32
      %dma_wait3A_25 = arith.constant 0 : i32
      %dma_wait3A_26 = tpu.memref_slice %arg5[%dma_wait3A, %dma_wait3A_25] : memref<10112x128xf32, #tpu.memory_space<hbm>> -> memref<10112x128xf32, #tpu.memory_space<hbm>>
      tpu.wait_indirect_dma semaphore(%arg27 : memref<!tpu.dma_semaphore, #tpu.memory_space<semaphore_mem>>) src(%dma_wait3A_26 : memref<10112x128xf32, #tpu.memory_space<hbm>>) dst(%arg17 : memref<80x128xf32, #tpu.memory_space<vmem>>)
      %dma_wait3A_27 = arith.constant 0 : i32
      %dma_wait3A_28 = arith.constant 0 : i32
      %dma_wait3A_29 = tpu.memref_slice %arg6[%dma_wait3A_27, %dma_wait3A_28] : memref<10112x128xf32, #tpu.memory_space<hbm>> -> memref<10112x128xf32, #tpu.memory_space<hbm>>
      tpu.wait_indirect_dma semaphore(%arg28 : memref<!tpu.dma_semaphore, #tpu.memory_space<semaphore_mem>>) src(%dma_wait3A_29 : memref<10112x128xf32, #tpu.memory_space<hbm>>) dst(%arg18 : memref<80x128xf32, #tpu.memory_space<vmem>>)
      %dma_wait3A_30 = arith.constant 0 : i32
      %dma_wait3A_31 = arith.constant 0 : i32
      %dma_wait3A_32 = tpu.memref_slice %arg8[%dma_wait3A_30, %dma_wait3A_31] : memref<10112x16xf32, #tpu.memory_space<hbm>> -> memref<10112x16xf32, #tpu.memory_space<hbm>>
      tpu.wait_indirect_dma semaphore(%arg30 : memref<!tpu.dma_semaphore, #tpu.memory_space<semaphore_mem>>) src(%dma_wait3A_32 : memref<10112x16xf32, #tpu.memory_space<hbm>>) dst(%arg19 : memref<80x16xf32, #tpu.memory_space<vmem>>)
      %scan3A_33 = arith.constant 0 : i32
      %scan3A_34 = arith.constant 0 : i32
      %scan3A_35 = arith.constant 5 : i32
      %scan3A_36 = arith.addi %scan3A_34, %scan3A_35 : i32
      %scan3A_37 = arith.constant 1 : i32
      %scan3A_38 = scf.for %scan3A_61 = %scan3A_34 to %scan3A_36 step %scan3A_37 iter_args(%scan3A_62 = %scan3A_33) -> (i32)  : i32 {
        %mul3A_63 = arith.constant 16 : i32
        %mul3A_64 = arith.muli %scan3A_61, %mul3A_63 : i32
        %add3A_65 = arith.constant 0 : i32
        %add3A_66 = arith.addi %mul3A_64, %add3A_65 : i32
        %get3A = arith.index_cast %add3A_66 : i32 to index
        %get3A_67 = arith.constant 0 : index
        %get3A_68 = tpu.vector_load %arg19[%get3A, %get3A_67] {strides = array<i32>} : memref<80x16xf32, #tpu.memory_space<vmem>>, vector<16xf32>,
        %get3A_69 = arith.index_cast %add3A_66 : i32 to index
        %get3A_70 = arith.constant 0 : index
        %get3A_71 = tpu.vector_load %arg20[%get3A_69, %get3A_70] {strides = array<i32>} : memref<80x16xf32, #tpu.memory_space<vmem>>, vector<16xf32>,
        %mul3A_72 = arith.mulf %get3A_68, %get3A_71 : vector<16xf32>
        %get3A_73 = arith.index_cast %add3A_66 : i32 to index
        %get3A_74 = arith.constant 0 : index
        %get3A_75 = tpu.vector_load %arg17[%get3A_73, %get3A_74] {strides = array<i32>} : memref<80x128xf32, #tpu.memory_space<vmem>>, vector<16xf32>,
        %get3A_76 = arith.index_cast %add3A_66 : i32 to index
        %get3A_77 = arith.constant 0 : index
        %get3A_78 = tpu.vector_load %arg18[%get3A_76, %get3A_77] {strides = array<i32>} : memref<80x128xf32, #tpu.memory_space<vmem>>, vector<16xf32>,
        %mul3A_79 = arith.mulf %get3A_75, %get3A_78 : vector<16xf32>
        %add3A_80 = arith.addf %mul3A_72, %mul3A_79 : vector<16xf32>
        %get3A_81 = arith.index_cast %add3A_66 : i32 to index
        %get3A_82 = arith.constant 16 : index
        %get3A_83 = tpu.vector_load %arg17[%get3A_81, %get3A_82] {strides = array<i32>} : memref<80x128xf32, #tpu.memory_space<vmem>>, vector<16xf32>,
        %get3A_84 = arith.index_cast %add3A_66 : i32 to index
        %get3A_85 = arith.constant 16 : index
        %get3A_86 = tpu.vector_load %arg18[%get3A_84, %get3A_85] {strides = array<i32>} : memref<80x128xf32, #tpu.memory_space<vmem>>, vector<16xf32>,
        %mul3A_87 = arith.mulf %get3A_83, %get3A_86 : vector<16xf32>
        %add3A_88 = arith.addf %add3A_80, %mul3A_87 : vector<16xf32>
        %get3A_89 = arith.index_cast %add3A_66 : i32 to index
        %get3A_90 = arith.constant 32 : index
        %get3A_91 = tpu.vector_load %arg17[%get3A_89, %get3A_90] {strides = array<i32>} : memref<80x128xf32, #tpu.memory_space<vmem>>, vector<16xf32>,
        %get3A_92 = arith.index_cast %add3A_66 : i32 to index
        %get3A_93 = arith.constant 32 : index
        %get3A_94 = tpu.vector_load %arg18[%get3A_92, %get3A_93] {strides = array<i32>} : memref<80x128xf32, #tpu.memory_space<vmem>>, vector<16xf32>,
        %mul3A_95 = arith.mulf %get3A_91, %get3A_94 : vector<16xf32>
        %add3A_96 = arith.addf %add3A_88, %mul3A_95 : vector<16xf32>
        %get3A_97 = arith.index_cast %add3A_66 : i32 to index
        %get3A_98 = arith.constant 48 : index
        %get3A_99 = tpu.vector_load %arg17[%get3A_97, %get3A_98] {strides = array<i32>} : memref<80x128xf32, #tpu.memory_space<vmem>>, vector<16xf32>,
        %get3A_100 = arith.index_cast %add3A_66 : i32 to index
        %get3A_101 = arith.constant 48 : index
        %get3A_102 = tpu.vector_load %arg18[%get3A_100, %get3A_101] {strides = array<i32>} : memref<80x128xf32, #tpu.memory_space<vmem>>, vector<16xf32>,
        %mul3A_103 = arith.mulf %get3A_99, %get3A_102 : vector<16xf32>
        %add3A_104 = arith.addf %add3A_96, %mul3A_103 : vector<16xf32>
        %get3A_105 = arith.index_cast %add3A_66 : i32 to index
        %get3A_106 = arith.constant 64 : index
        %get3A_107 = tpu.vector_load %arg17[%get3A_105, %get3A_106] {strides = array<i32>} : memref<80x128xf32, #tpu.memory_space<vmem>>, vector<16xf32>,
        %get3A_108 = arith.index_cast %add3A_66 : i32 to index
        %get3A_109 = arith.constant 64 : index
        %get3A_110 = tpu.vector_load %arg18[%get3A_108, %get3A_109] {strides = array<i32>} : memref<80x128xf32, #tpu.memory_space<vmem>>, vector<16xf32>,
        %mul3A_111 = arith.mulf %get3A_107, %get3A_110 : vector<16xf32>
        %add3A_112 = arith.addf %add3A_104, %mul3A_111 : vector<16xf32>
        %get3A_113 = arith.index_cast %add3A_66 : i32 to index
        %get3A_114 = arith.constant 80 : index
        %get3A_115 = tpu.vector_load %arg17[%get3A_113, %get3A_114] {strides = array<i32>} : memref<80x128xf32, #tpu.memory_space<vmem>>, vector<16xf32>,
        %get3A_116 = arith.index_cast %add3A_66 : i32 to index
        %get3A_117 = arith.constant 80 : index
        %get3A_118 = tpu.vector_load %arg18[%get3A_116, %get3A_117] {strides = array<i32>} : memref<80x128xf32, #tpu.memory_space<vmem>>, vector<16xf32>,
        %mul3A_119 = arith.mulf %get3A_115, %get3A_118 : vector<16xf32>
        %add3A_120 = arith.addf %add3A_112, %mul3A_119 : vector<16xf32>
        %get3A_121 = arith.index_cast %add3A_66 : i32 to index
        %get3A_122 = arith.constant 96 : index
        %get3A_123 = tpu.vector_load %arg17[%get3A_121, %get3A_122] {strides = array<i32>} : memref<80x128xf32, #tpu.memory_space<vmem>>, vector<16xf32>,
        %get3A_124 = arith.index_cast %add3A_66 : i32 to index
        %get3A_125 = arith.constant 96 : index
        %get3A_126 = tpu.vector_load %arg18[%get3A_124, %get3A_125] {strides = array<i32>} : memref<80x128xf32, #tpu.memory_space<vmem>>, vector<16xf32>,
        %mul3A_127 = arith.mulf %get3A_123, %get3A_126 : vector<16xf32>
        %add3A_128 = arith.addf %add3A_120, %mul3A_127 : vector<16xf32>
        %get3A_129 = arith.index_cast %add3A_66 : i32 to index
        %get3A_130 = arith.constant 112 : index
        %get3A_131 = tpu.vector_load %arg17[%get3A_129, %get3A_130] {strides = array<i32>} : memref<80x128xf32, #tpu.memory_space<vmem>>, vector<16xf32>,
        %get3A_132 = arith.index_cast %add3A_66 : i32 to index
        %get3A_133 = arith.constant 112 : index
        %get3A_134 = tpu.vector_load %arg18[%get3A_132, %get3A_133] {strides = array<i32>} : memref<80x128xf32, #tpu.memory_space<vmem>>, vector<16xf32>,
        %mul3A_135 = arith.mulf %get3A_131, %get3A_134 : vector<16xf32>
        %add3A_136 = arith.addf %add3A_128, %mul3A_135 : vector<16xf32>
        %swap3A = arith.constant 0 : i32
        %swap3A_137 = arith.index_cast %swap3A : i32 to index
        %swap3A_138 = arith.constant 0 : index
        %swap3A_139 = tpu.vector_load %arg22[%swap3A_137, %swap3A_138] {strides = array<i32>} : memref<16x17xf32, #tpu.memory_space<vmem>>, vector<16xf32>,
        tpu.vector_store %arg22[%swap3A_137, %swap3A_138], %add3A_136 {strides = array<i32>} : memref<16x17xf32, #tpu.memory_space<vmem>>, vector<16xf32>,
        %add3A_140 = arith.constant 1 : i32
        %add3A_141 = arith.addi %mul3A_64, %add3A_140 : i32
        %get3A_142 = arith.index_cast %add3A_141 : i32 to index
        %get3A_143 = arith.constant 0 : index
        %get3A_144 = tpu.vector_load %arg19[%get3A_142, %get3A_143] {strides = array<i32>} : memref<80x16xf32, #tpu.memory_space<vmem>>, vector<16xf32>,
        %get3A_145 = arith.index_cast %add3A_141 : i32 to index
        %get3A_146 = arith.constant 0 : index
        %get3A_147 = tpu.vector_load %arg20[%get3A_145, %get3A_146] {strides = array<i32>} : memref<80x16xf32, #tpu.memory_space<vmem>>, vector<16xf32>,
        %mul3A_148 = arith.mulf %get3A_144, %get3A_147 : vector<16xf32>
        %get3A_149 = arith.index_cast %add3A_141 : i32 to index
        %get3A_150 = arith.constant 0 : index
        %get3A_151 = tpu.vector_load %arg17[%get3A_149, %get3A_150] {strides = array<i32>} : memref<80x128xf32, #tpu.memory_space<vmem>>, vector<16xf32>,
        %get3A_152 = arith.index_cast %add3A_141 : i32 to index
        %get3A_153 = arith.constant 0 : index
        %get3A_154 = tpu.vector_load %arg18[%get3A_152, %get3A_153] {strides = array<i32>} : memref<80x128xf32, #tpu.memory_space<vmem>>, vector<16xf32>,
        %mul3A_155 = arith.mulf %get3A_151, %get3A_154 : vector<16xf32>
        %add3A_156 = arith.addf %mul3A_148, %mul3A_155 : vector<16xf32>
        %get3A_157 = arith.index_cast %add3A_141 : i32 to index
        %get3A_158 = arith.constant 16 : index
        %get3A_159 = tpu.vector_load %arg17[%get3A_157, %get3A_158] {strides = array<i32>} : memref<80x128xf32, #tpu.memory_space<vmem>>, vector<16xf32>,
        %get3A_160 = arith.index_cast %add3A_141 : i32 to index
        %get3A_161 = arith.constant 16 : index
        %get3A_162 = tpu.vector_load %arg18[%get3A_160, %get3A_161] {strides = array<i32>} : memref<80x128xf32, #tpu.memory_space<vmem>>, vector<16xf32>,
        %mul3A_163 = arith.mulf %get3A_159, %get3A_162 : vector<16xf32>
        %add3A_164 = arith.addf %add3A_156, %mul3A_163 : vector<16xf32>
        %get3A_165 = arith.index_cast %add3A_141 : i32 to index
        %get3A_166 = arith.constant 32 : index
        %get3A_167 = tpu.vector_load %arg17[%get3A_165, %get3A_166] {strides = array<i32>} : memref<80x128xf32, #tpu.memory_space<vmem>>, vector<16xf32>,
        %get3A_168 = arith.index_cast %add3A_141 : i32 to index
        %get3A_169 = arith.constant 32 : index
        %get3A_170 = tpu.vector_load %arg18[%get3A_168, %get3A_169] {strides = array<i32>} : memref<80x128xf32, #tpu.memory_space<vmem>>, vector<16xf32>,
        %mul3A_171 = arith.mulf %get3A_167, %get3A_170 : vector<16xf32>
        %add3A_172 = arith.addf %add3A_164, %mul3A_171 : vector<16xf32>
        %get3A_173 = arith.index_cast %add3A_141 : i32 to index
        %get3A_174 = arith.constant 48 : index
        %get3A_175 = tpu.vector_load %arg17[%get3A_173, %get3A_174] {strides = array<i32>} : memref<80x128xf32, #tpu.memory_space<vmem>>, vector<16xf32>,
        %get3A_176 = arith.index_cast %add3A_141 : i32 to index
        %get3A_177 = arith.constant 48 : index
        %get3A_178 = tpu.vector_load %arg18[%get3A_176, %get3A_177] {strides = array<i32>} : memref<80x128xf32, #tpu.memory_space<vmem>>, vector<16xf32>,
        %mul3A_179 = arith.mulf %get3A_175, %get3A_178 : vector<16xf32>
        %add3A_180 = arith.addf %add3A_172, %mul3A_179 : vector<16xf32>
        %get3A_181 = arith.index_cast %add3A_141 : i32 to index
        %get3A_182 = arith.constant 64 : index
        %get3A_183 = tpu.vector_load %arg17[%get3A_181, %get3A_182] {strides = array<i32>} : memref<80x128xf32, #tpu.memory_space<vmem>>, vector<16xf32>,
        %get3A_184 = arith.index_cast %add3A_141 : i32 to index
        %get3A_185 = arith.constant 64 : index
        %get3A_186 = tpu.vector_load %arg18[%get3A_184, %get3A_185] {strides = array<i32>} : memref<80x128xf32, #tpu.memory_space<vmem>>, vector<16xf32>,
        %mul3A_187 = arith.mulf %get3A_183, %get3A_186 : vector<16xf32>
        %add3A_188 = arith.addf %add3A_180, %mul3A_187 : vector<16xf32>
        %get3A_189 = arith.index_cast %add3A_141 : i32 to index
        %get3A_190 = arith.constant 80 : index
        %get3A_191 = tpu.vector_load %arg17[%get3A_189, %get3A_190] {strides = array<i32>} : memref<80x128xf32, #tpu.memory_space<vmem>>, vector<16xf32>,
        %get3A_192 = arith.index_cast %add3A_141 : i32 to index
        %get3A_193 = arith.constant 80 : index
        %get3A_194 = tpu.vector_load %arg18[%get3A_192, %get3A_193] {strides = array<i32>} : memref<80x128xf32, #tpu.memory_space<vmem>>, vector<16xf32>,
        %mul3A_195 = arith.mulf %get3A_191, %get3A_194 : vector<16xf32>
        %add3A_196 = arith.addf %add3A_188, %mul3A_195 : vector<16xf32>
        %get3A_197 = arith.index_cast %add3A_141 : i32 to index
        %get3A_198 = arith.constant 96 : index
        %get3A_199 = tpu.vector_load %arg17[%get3A_197, %get3A_198] {strides = array<i32>} : memref<80x128xf32, #tpu.memory_space<vmem>>, vector<16xf32>,
        %get3A_200 = arith.index_cast %add3A_141 : i32 to index
        %get3A_201 = arith.constant 96 : index
        %get3A_202 = tpu.vector_load %arg18[%get3A_200, %get3A_201] {strides = array<i32>} : memref<80x128xf32, #tpu.memory_space<vmem>>, vector<16xf32>,
        %mul3A_203 = arith.mulf %get3A_199, %get3A_202 : vector<16xf32>
        %add3A_204 = arith.addf %add3A_196, %mul3A_203 : vector<16xf32>
        %get3A_205 = arith.index_cast %add3A_141 : i32 to index
        %get3A_206 = arith.constant 112 : index
        %get3A_207 = tpu.vector_load %arg17[%get3A_205, %get3A_206] {strides = array<i32>} : memref<80x128xf32, #tpu.memory_space<vmem>>, vector<16xf32>,
        %get3A_208 = arith.index_cast %add3A_141 : i32 to index
        %get3A_209 = arith.constant 112 : index
        %get3A_210 = tpu.vector_load %arg18[%get3A_208, %get3A_209] {strides = array<i32>} : memref<80x128xf32, #tpu.memory_space<vmem>>, vector<16xf32>,
        %mul3A_211 = arith.mulf %get3A_207, %get3A_210 : vector<16xf32>
        %add3A_212 = arith.addf %add3A_204, %mul3A_211 : vector<16xf32>
        %swap3A_213 = arith.constant 1 : i32
        %swap3A_214 = arith.index_cast %swap3A_213 : i32 to index
        %swap3A_215 = arith.constant 0 : index
        %swap3A_216 = tpu.vector_load %arg22[%swap3A_214, %swap3A_215] {strides = array<i32>} : memref<16x17xf32, #tpu.memory_space<vmem>>, vector<16xf32>,
        tpu.vector_store %arg22[%swap3A_214, %swap3A_215], %add3A_212 {strides = array<i32>} : memref<16x17xf32, #tpu.memory_space<vmem>>, vector<16xf32>,
        %add3A_217 = arith.constant 2 : i32
        %add3A_218 = arith.addi %mul3A_64, %add3A_217 : i32
        %get3A_219 = arith.index_cast %add3A_218 : i32 to index
        %get3A_220 = arith.constant 0 : index
        %get3A_221 = tpu.vector_load %arg19[%get3A_219, %get3A_220] {strides = array<i32>} : memref<80x16xf32, #tpu.memory_space<vmem>>, vector<16xf32>,
        %get3A_222 = arith.index_cast %add3A_218 : i32 to index
        %get3A_223 = arith.constant 0 : index
        %get3A_224 = tpu.vector_load %arg20[%get3A_222, %get3A_223] {strides = array<i32>} : memref<80x16xf32, #tpu.memory_space<vmem>>, vector<16xf32>,
        %mul3A_225 = arith.mulf %get3A_221, %get3A_224 : vector<16xf32>
        %get3A_226 = arith.index_cast %add3A_218 : i32 to index
        %get3A_227 = arith.constant 0 : index
        %get3A_228 = tpu.vector_load %arg17[%get3A_226, %get3A_227] {strides = array<i32>} : memref<80x128xf32, #tpu.memory_space<vmem>>, vector<16xf32>,
        %get3A_229 = arith.index_cast %add3A_218 : i32 to index
        %get3A_230 = arith.constant 0 : index
        %get3A_231 = tpu.vector_load %arg18[%get3A_229, %get3A_230] {strides = array<i32>} : memref<80x128xf32, #tpu.memory_space<vmem>>, vector<16xf32>,
        %mul3A_232 = arith.mulf %get3A_228, %get3A_231 : vector<16xf32>
        %add3A_233 = arith.addf %mul3A_225, %mul3A_232 : vector<16xf32>
        %get3A_234 = arith.index_cast %add3A_218 : i32 to index
        %get3A_235 = arith.constant 16 : index
        %get3A_236 = tpu.vector_load %arg17[%get3A_234, %get3A_235] {strides = array<i32>} : memref<80x128xf32, #tpu.memory_space<vmem>>, vector<16xf32>,
        %get3A_237 = arith.index_cast %add3A_218 : i32 to index
        %get3A_238 = arith.constant 16 : index
        %get3A_239 = tpu.vector_load %arg18[%get3A_237, %get3A_238] {strides = array<i32>} : memref<80x128xf32, #tpu.memory_space<vmem>>, vector<16xf32>,
        %mul3A_240 = arith.mulf %get3A_236, %get3A_239 : vector<16xf32>
        %add3A_241 = arith.addf %add3A_233, %mul3A_240 : vector<16xf32>
        %get3A_242 = arith.index_cast %add3A_218 : i32 to index
        %get3A_243 = arith.constant 32 : index
        %get3A_244 = tpu.vector_load %arg17[%get3A_242, %get3A_243] {strides = array<i32>} : memref<80x128xf32, #tpu.memory_space<vmem>>, vector<16xf32>,
        %get3A_245 = arith.index_cast %add3A_218 : i32 to index
        %get3A_246 = arith.constant 32 : index
        %get3A_247 = tpu.vector_load %arg18[%get3A_245, %get3A_246] {strides = array<i32>} : memref<80x128xf32, #tpu.memory_space<vmem>>, vector<16xf32>,
        %mul3A_248 = arith.mulf %get3A_244, %get3A_247 : vector<16xf32>
        %add3A_249 = arith.addf %add3A_241, %mul3A_248 : vector<16xf32>
        %get3A_250 = arith.index_cast %add3A_218 : i32 to index
        %get3A_251 = arith.constant 48 : index
        %get3A_252 = tpu.vector_load %arg17[%get3A_250, %get3A_251] {strides = array<i32>} : memref<80x128xf32, #tpu.memory_space<vmem>>, vector<16xf32>,
        %get3A_253 = arith.index_cast %add3A_218 : i32 to index
        %get3A_254 = arith.constant 48 : index
        %get3A_255 = tpu.vector_load %arg18[%get3A_253, %get3A_254] {strides = array<i32>} : memref<80x128xf32, #tpu.memory_space<vmem>>, vector<16xf32>,
        %mul3A_256 = arith.mulf %get3A_252, %get3A_255 : vector<16xf32>
        %add3A_257 = arith.addf %add3A_249, %mul3A_256 : vector<16xf32>
        %get3A_258 = arith.index_cast %add3A_218 : i32 to index
        %get3A_259 = arith.constant 64 : index
        %get3A_260 = tpu.vector_load %arg17[%get3A_258, %get3A_259] {strides = array<i32>} : memref<80x128xf32, #tpu.memory_space<vmem>>, vector<16xf32>,
        %get3A_261 = arith.index_cast %add3A_218 : i32 to index
        %get3A_262 = arith.constant 64 : index
        %get3A_263 = tpu.vector_load %arg18[%get3A_261, %get3A_262] {strides = array<i32>} : memref<80x128xf32, #tpu.memory_space<vmem>>, vector<16xf32>,
        %mul3A_264 = arith.mulf %get3A_260, %get3A_263 : vector<16xf32>
        %add3A_265 = arith.addf %add3A_257, %mul3A_264 : vector<16xf32>
        %get3A_266 = arith.index_cast %add3A_218 : i32 to index
        %get3A_267 = arith.constant 80 : index
        %get3A_268 = tpu.vector_load %arg17[%get3A_266, %get3A_267] {strides = array<i32>} : memref<80x128xf32, #tpu.memory_space<vmem>>, vector<16xf32>,
        %get3A_269 = arith.index_cast %add3A_218 : i32 to index
        %get3A_270 = arith.constant 80 : index
        %get3A_271 = tpu.vector_load %arg18[%get3A_269, %get3A_270] {strides = array<i32>} : memref<80x128xf32, #tpu.memory_space<vmem>>, vector<16xf32>,
        %mul3A_272 = arith.mulf %get3A_268, %get3A_271 : vector<16xf32>
        %add3A_273 = arith.addf %add3A_265, %mul3A_272 : vector<16xf32>
        %get3A_274 = arith.index_cast %add3A_218 : i32 to index
        %get3A_275 = arith.constant 96 : index
        %get3A_276 = tpu.vector_load %arg17[%get3A_274, %get3A_275] {strides = array<i32>} : memref<80x128xf32, #tpu.memory_space<vmem>>, vector<16xf32>,
        %get3A_277 = arith.index_cast %add3A_218 : i32 to index
        %get3A_278 = arith.constant 96 : index
        %get3A_279 = tpu.vector_load %arg18[%get3A_277, %get3A_278] {strides = array<i32>} : memref<80x128xf32, #tpu.memory_space<vmem>>, vector<16xf32>,
        %mul3A_280 = arith.mulf %get3A_276, %get3A_279 : vector<16xf32>
        %add3A_281 = arith.addf %add3A_273, %mul3A_280 : vector<16xf32>
        %get3A_282 = arith.index_cast %add3A_218 : i32 to index
        %get3A_283 = arith.constant 112 : index
        %get3A_284 = tpu.vector_load %arg17[%get3A_282, %get3A_283] {strides = array<i32>} : memref<80x128xf32, #tpu.memory_space<vmem>>, vector<16xf32>,
        %get3A_285 = arith.index_cast %add3A_218 : i32 to index
        %get3A_286 = arith.constant 112 : index
        %get3A_287 = tpu.vector_load %arg18[%get3A_285, %get3A_286] {strides = array<i32>} : memref<80x128xf32, #tpu.memory_space<vmem>>, vector<16xf32>,
        %mul3A_288 = arith.mulf %get3A_284, %get3A_287 : vector<16xf32>
        %add3A_289 = arith.addf %add3A_281, %mul3A_288 : vector<16xf32>
        %swap3A_290 = arith.constant 2 : i32
        %swap3A_291 = arith.index_cast %swap3A_290 : i32 to index
        %swap3A_292 = arith.constant 0 : index
        %swap3A_293 = tpu.vector_load %arg22[%swap3A_291, %swap3A_292] {strides = array<i32>} : memref<16x17xf32, #tpu.memory_space<vmem>>, vector<16xf32>,
        tpu.vector_store %arg22[%swap3A_291, %swap3A_292], %add3A_289 {strides = array<i32>} : memref<16x17xf32, #tpu.memory_space<vmem>>, vector<16xf32>,
        %add3A_294 = arith.constant 3 : i32
        %add3A_295 = arith.addi %mul3A_64, %add3A_294 : i32
        %get3A_296 = arith.index_cast %add3A_295 : i32 to index
        %get3A_297 = arith.constant 0 : index
        %get3A_298 = tpu.vector_load %arg19[%get3A_296, %get3A_297] {strides = array<i32>} : memref<80x16xf32, #tpu.memory_space<vmem>>, vector<16xf32>,
        %get3A_299 = arith.index_cast %add3A_295 : i32 to index
        %get3A_300 = arith.constant 0 : index
        %get3A_301 = tpu.vector_load %arg20[%get3A_299, %get3A_300] {strides = array<i32>} : memref<80x16xf32, #tpu.memory_space<vmem>>, vector<16xf32>,
        %mul3A_302 = arith.mulf %get3A_298, %get3A_301 : vector<16xf32>
        %get3A_303 = arith.index_cast %add3A_295 : i32 to index
        %get3A_304 = arith.constant 0 : index
        %get3A_305 = tpu.vector_load %arg17[%get3A_303, %get3A_304] {strides = array<i32>} : memref<80x128xf32, #tpu.memory_space<vmem>>, vector<16xf32>,
        %get3A_306 = arith.index_cast %add3A_295 : i32 to index
        %get3A_307 = arith.constant 0 : index
        %get3A_308 = tpu.vector_load %arg18[%get3A_306, %get3A_307] {strides = array<i32>} : memref<80x128xf32, #tpu.memory_space<vmem>>, vector<16xf32>,
        %mul3A_309 = arith.mulf %get3A_305, %get3A_308 : vector<16xf32>
        %add3A_310 = arith.addf %mul3A_302, %mul3A_309 : vector<16xf32>
        %get3A_311 = arith.index_cast %add3A_295 : i32 to index
        %get3A_312 = arith.constant 16 : index
        %get3A_313 = tpu.vector_load %arg17[%get3A_311, %get3A_312] {strides = array<i32>} : memref<80x128xf32, #tpu.memory_space<vmem>>, vector<16xf32>,
        %get3A_314 = arith.index_cast %add3A_295 : i32 to index
        %get3A_315 = arith.constant 16 : index
        %get3A_316 = tpu.vector_load %arg18[%get3A_314, %get3A_315] {strides = array<i32>} : memref<80x128xf32, #tpu.memory_space<vmem>>, vector<16xf32>,
        %mul3A_317 = arith.mulf %get3A_313, %get3A_316 : vector<16xf32>
        %add3A_318 = arith.addf %add3A_310, %mul3A_317 : vector<16xf32>
        %get3A_319 = arith.index_cast %add3A_295 : i32 to index
        %get3A_320 = arith.constant 32 : index
        %get3A_321 = tpu.vector_load %arg17[%get3A_319, %get3A_320] {strides = array<i32>} : memref<80x128xf32, #tpu.memory_space<vmem>>, vector<16xf32>,
        %get3A_322 = arith.index_cast %add3A_295 : i32 to index
        %get3A_323 = arith.constant 32 : index
        %get3A_324 = tpu.vector_load %arg18[%get3A_322, %get3A_323] {strides = array<i32>} : memref<80x128xf32, #tpu.memory_space<vmem>>, vector<16xf32>,
        %mul3A_325 = arith.mulf %get3A_321, %get3A_324 : vector<16xf32>
        %add3A_326 = arith.addf %add3A_318, %mul3A_325 : vector<16xf32>
        %get3A_327 = arith.index_cast %add3A_295 : i32 to index
        %get3A_328 = arith.constant 48 : index
        %get3A_329 = tpu.vector_load %arg17[%get3A_327, %get3A_328] {strides = array<i32>} : memref<80x128xf32, #tpu.memory_space<vmem>>, vector<16xf32>,
        %get3A_330 = arith.index_cast %add3A_295 : i32 to index
        %get3A_331 = arith.constant 48 : index
        %get3A_332 = tpu.vector_load %arg18[%get3A_330, %get3A_331] {strides = array<i32>} : memref<80x128xf32, #tpu.memory_space<vmem>>, vector<16xf32>,
        %mul3A_333 = arith.mulf %get3A_329, %get3A_332 : vector<16xf32>
        %add3A_334 = arith.addf %add3A_326, %mul3A_333 : vector<16xf32>
        %get3A_335 = arith.index_cast %add3A_295 : i32 to index
        %get3A_336 = arith.constant 64 : index
        %get3A_337 = tpu.vector_load %arg17[%get3A_335, %get3A_336] {strides = array<i32>} : memref<80x128xf32, #tpu.memory_space<vmem>>, vector<16xf32>,
        %get3A_338 = arith.index_cast %add3A_295 : i32 to index
        %get3A_339 = arith.constant 64 : index
        %get3A_340 = tpu.vector_load %arg18[%get3A_338, %get3A_339] {strides = array<i32>} : memref<80x128xf32, #tpu.memory_space<vmem>>, vector<16xf32>,
        %mul3A_341 = arith.mulf %get3A_337, %get3A_340 : vector<16xf32>
        %add3A_342 = arith.addf %add3A_334, %mul3A_341 : vector<16xf32>
        %get3A_343 = arith.index_cast %add3A_295 : i32 to index
        %get3A_344 = arith.constant 80 : index
        %get3A_345 = tpu.vector_load %arg17[%get3A_343, %get3A_344] {strides = array<i32>} : memref<80x128xf32, #tpu.memory_space<vmem>>, vector<16xf32>,
        %get3A_346 = arith.index_cast %add3A_295 : i32 to index
        %get3A_347 = arith.constant 80 : index
        %get3A_348 = tpu.vector_load %arg18[%get3A_346, %get3A_347] {strides = array<i32>} : memref<80x128xf32, #tpu.memory_space<vmem>>, vector<16xf32>,
        %mul3A_349 = arith.mulf %get3A_345, %get3A_348 : vector<16xf32>
        %add3A_350 = arith.addf %add3A_342, %mul3A_349 : vector<16xf32>
        %get3A_351 = arith.index_cast %add3A_295 : i32 to index
        %get3A_352 = arith.constant 96 : index
        %get3A_353 = tpu.vector_load %arg17[%get3A_351, %get3A_352] {strides = array<i32>} : memref<80x128xf32, #tpu.memory_space<vmem>>, vector<16xf32>,
        %get3A_354 = arith.index_cast %add3A_295 : i32 to index
        %get3A_355 = arith.constant 96 : index
        %get3A_356 = tpu.vector_load %arg18[%get3A_354, %get3A_355] {strides = array<i32>} : memref<80x128xf32, #tpu.memory_space<vmem>>, vector<16xf32>,
        %mul3A_357 = arith.mulf %get3A_353, %get3A_356 : vector<16xf32>
        %add3A_358 = arith.addf %add3A_350, %mul3A_357 : vector<16xf32>
        %get3A_359 = arith.index_cast %add3A_295 : i32 to index
        %get3A_360 = arith.constant 112 : index
        %get3A_361 = tpu.vector_load %arg17[%get3A_359, %get3A_360] {strides = array<i32>} : memref<80x128xf32, #tpu.memory_space<vmem>>, vector<16xf32>,
        %get3A_362 = arith.index_cast %add3A_295 : i32 to index
        %get3A_363 = arith.constant 112 : index
        %get3A_364 = tpu.vector_load %arg18[%get3A_362, %get3A_363] {strides = array<i32>} : memref<80x128xf32, #tpu.memory_space<vmem>>, vector<16xf32>,
        %mul3A_365 = arith.mulf %get3A_361, %get3A_364 : vector<16xf32>
        %add3A_366 = arith.addf %add3A_358, %mul3A_365 : vector<16xf32>
        %swap3A_367 = arith.constant 3 : i32
        %swap3A_368 = arith.index_cast %swap3A_367 : i32 to index
        %swap3A_369 = arith.constant 0 : index
        %swap3A_370 = tpu.vector_load %arg22[%swap3A_368, %swap3A_369] {strides = array<i32>} : memref<16x17xf32, #tpu.memory_space<vmem>>, vector<16xf32>,
        tpu.vector_store %arg22[%swap3A_368, %swap3A_369], %add3A_366 {strides = array<i32>} : memref<16x17xf32, #tpu.memory_space<vmem>>, vector<16xf32>,
        %add3A_371 = arith.constant 4 : i32
        %add3A_372 = arith.addi %mul3A_64, %add3A_371 : i32
        %get3A_373 = arith.index_cast %add3A_372 : i32 to index
        %get3A_374 = arith.constant 0 : index
        %get3A_375 = tpu.vector_load %arg19[%get3A_373, %get3A_374] {strides = array<i32>} : memref<80x16xf32, #tpu.memory_space<vmem>>, vector<16xf32>,
        %get3A_376 = arith.index_cast %add3A_372 : i32 to index
        %get3A_377 = arith.constant 0 : index
        %get3A_378 = tpu.vector_load %arg20[%get3A_376, %get3A_377] {strides = array<i32>} : memref<80x16xf32, #tpu.memory_space<vmem>>, vector<16xf32>,
        %mul3A_379 = arith.mulf %get3A_375, %get3A_378 : vector<16xf32>
        %get3A_380 = arith.index_cast %add3A_372 : i32 to index
        %get3A_381 = arith.constant 0 : index
        %get3A_382 = tpu.vector_load %arg17[%get3A_380, %get3A_381] {strides = array<i32>} : memref<80x128xf32, #tpu.memory_space<vmem>>, vector<16xf32>,
        %get3A_383 = arith.index_cast %add3A_372 : i32 to index
        %get3A_384 = arith.constant 0 : index
        %get3A_385 = tpu.vector_load %arg18[%get3A_383, %get3A_384] {strides = array<i32>} : memref<80x128xf32, #tpu.memory_space<vmem>>, vector<16xf32>,
        %mul3A_386 = arith.mulf %get3A_382, %get3A_385 : vector<16xf32>
        %add3A_387 = arith.addf %mul3A_379, %mul3A_386 : vector<16xf32>
        %get3A_388 = arith.index_cast %add3A_372 : i32 to index
        %get3A_389 = arith.constant 16 : index
        %get3A_390 = tpu.vector_load %arg17[%get3A_388, %get3A_389] {strides = array<i32>} : memref<80x128xf32, #tpu.memory_space<vmem>>, vector<16xf32>,
        %get3A_391 = arith.index_cast %add3A_372 : i32 to index
        %get3A_392 = arith.constant 16 : index
        %get3A_393 = tpu.vector_load %arg18[%get3A_391, %get3A_392] {strides = array<i32>} : memref<80x128xf32, #tpu.memory_space<vmem>>, vector<16xf32>,
        %mul3A_394 = arith.mulf %get3A_390, %get3A_393 : vector<16xf32>
        %add3A_395 = arith.addf %add3A_387, %mul3A_394 : vector<16xf32>
        %get3A_396 = arith.index_cast %add3A_372 : i32 to index
        %get3A_397 = arith.constant 32 : index
        %get3A_398 = tpu.vector_load %arg17[%get3A_396, %get3A_397] {strides = array<i32>} : memref<80x128xf32, #tpu.memory_space<vmem>>, vector<16xf32>,
        %get3A_399 = arith.index_cast %add3A_372 : i32 to index
        %get3A_400 = arith.constant 32 : index
        %get3A_401 = tpu.vector_load %arg18[%get3A_399, %get3A_400] {strides = array<i32>} : memref<80x128xf32, #tpu.memory_space<vmem>>, vector<16xf32>,
        %mul3A_402 = arith.mulf %get3A_398, %get3A_401 : vector<16xf32>
        %add3A_403 = arith.addf %add3A_395, %mul3A_402 : vector<16xf32>
        %get3A_404 = arith.index_cast %add3A_372 : i32 to index
        %get3A_405 = arith.constant 48 : index
        %get3A_406 = tpu.vector_load %arg17[%get3A_404, %get3A_405] {strides = array<i32>} : memref<80x128xf32, #tpu.memory_space<vmem>>, vector<16xf32>,
        %get3A_407 = arith.index_cast %add3A_372 : i32 to index
        %get3A_408 = arith.constant 48 : index
        %get3A_409 = tpu.vector_load %arg18[%get3A_407, %get3A_408] {strides = array<i32>} : memref<80x128xf32, #tpu.memory_space<vmem>>, vector<16xf32>,
        %mul3A_410 = arith.mulf %get3A_406, %get3A_409 : vector<16xf32>
        %add3A_411 = arith.addf %add3A_403, %mul3A_410 : vector<16xf32>
        %get3A_412 = arith.index_cast %add3A_372 : i32 to index
        %get3A_413 = arith.constant 64 : index
        %get3A_414 = tpu.vector_load %arg17[%get3A_412, %get3A_413] {strides = array<i32>} : memref<80x128xf32, #tpu.memory_space<vmem>>, vector<16xf32>,
        %get3A_415 = arith.index_cast %add3A_372 : i32 to index
        %get3A_416 = arith.constant 64 : index
        %get3A_417 = tpu.vector_load %arg18[%get3A_415, %get3A_416] {strides = array<i32>} : memref<80x128xf32, #tpu.memory_space<vmem>>, vector<16xf32>,
        %mul3A_418 = arith.mulf %get3A_414, %get3A_417 : vector<16xf32>
        %add3A_419 = arith.addf %add3A_411, %mul3A_418 : vector<16xf32>
        %get3A_420 = arith.index_cast %add3A_372 : i32 to index
        %get3A_421 = arith.constant 80 : index
        %get3A_422 = tpu.vector_load %arg17[%get3A_420, %get3A_421] {strides = array<i32>} : memref<80x128xf32, #tpu.memory_space<vmem>>, vector<16xf32>,
        %get3A_423 = arith.index_cast %add3A_372 : i32 to index
        %get3A_424 = arith.constant 80 : index
        %get3A_425 = tpu.vector_load %arg18[%get3A_423, %get3A_424] {strides = array<i32>} : memref<80x128xf32, #tpu.memory_space<vmem>>, vector<16xf32>,
        %mul3A_426 = arith.mulf %get3A_422, %get3A_425 : vector<16xf32>
        %add3A_427 = arith.addf %add3A_419, %mul3A_426 : vector<16xf32>
        %get3A_428 = arith.index_cast %add3A_372 : i32 to index
        %get3A_429 = arith.constant 96 : index
        %get3A_430 = tpu.vector_load %arg17[%get3A_428, %get3A_429] {strides = array<i32>} : memref<80x128xf32, #tpu.memory_space<vmem>>, vector<16xf32>,
        %get3A_431 = arith.index_cast %add3A_372 : i32 to index
        %get3A_432 = arith.constant 96 : index
        %get3A_433 = tpu.vector_load %arg18[%get3A_431, %get3A_432] {strides = array<i32>} : memref<80x128xf32, #tpu.memory_space<vmem>>, vector<16xf32>,
        %mul3A_434 = arith.mulf %get3A_430, %get3A_433 : vector<16xf32>
        %add3A_435 = arith.addf %add3A_427, %mul3A_434 : vector<16xf32>
        %get3A_436 = arith.index_cast %add3A_372 : i32 to index
        %get3A_437 = arith.constant 112 : index
        %get3A_438 = tpu.vector_load %arg17[%get3A_436, %get3A_437] {strides = array<i32>} : memref<80x128xf32, #tpu.memory_space<vmem>>, vector<16xf32>,
        %get3A_439 = arith.index_cast %add3A_372 : i32 to index
        %get3A_440 = arith.constant 112 : index
        %get3A_441 = tpu.vector_load %arg18[%get3A_439, %get3A_440] {strides = array<i32>} : memref<80x128xf32, #tpu.memory_space<vmem>>, vector<16xf32>,
        %mul3A_442 = arith.mulf %get3A_438, %get3A_441 : vector<16xf32>
        %add3A_443 = arith.addf %add3A_435, %mul3A_442 : vector<16xf32>
        %swap3A_444 = arith.constant 4 : i32
        %swap3A_445 = arith.index_cast %swap3A_444 : i32 to index
        %swap3A_446 = arith.constant 0 : index
        %swap3A_447 = tpu.vector_load %arg22[%swap3A_445, %swap3A_446] {strides = array<i32>} : memref<16x17xf32, #tpu.memory_space<vmem>>, vector<16xf32>,
        tpu.vector_store %arg22[%swap3A_445, %swap3A_446], %add3A_443 {strides = array<i32>} : memref<16x17xf32, #tpu.memory_space<vmem>>, vector<16xf32>,
        %add3A_448 = arith.constant 5 : i32
        %add3A_449 = arith.addi %mul3A_64, %add3A_448 : i32
        %get3A_450 = arith.index_cast %add3A_449 : i32 to index
        %get3A_451 = arith.constant 0 : index
        %get3A_452 = tpu.vector_load %arg19[%get3A_450, %get3A_451] {strides = array<i32>} : memref<80x16xf32, #tpu.memory_space<vmem>>, vector<16xf32>,
        %get3A_453 = arith.index_cast %add3A_449 : i32 to index
        %get3A_454 = arith.constant 0 : index
        %get3A_455 = tpu.vector_load %arg20[%get3A_453, %get3A_454] {strides = array<i32>} : memref<80x16xf32, #tpu.memory_space<vmem>>, vector<16xf32>,
        %mul3A_456 = arith.mulf %get3A_452, %get3A_455 : vector<16xf32>
        %get3A_457 = arith.index_cast %add3A_449 : i32 to index
        %get3A_458 = arith.constant 0 : index
        %get3A_459 = tpu.vector_load %arg17[%get3A_457, %get3A_458] {strides = array<i32>} : memref<80x128xf32, #tpu.memory_space<vmem>>, vector<16xf32>,
        %get3A_460 = arith.index_cast %add3A_449 : i32 to index
        %get3A_461 = arith.constant 0 : index
        %get3A_462 = tpu.vector_load %arg18[%get3A_460, %get3A_461] {strides = array<i32>} : memref<80x128xf32, #tpu.memory_space<vmem>>, vector<16xf32>,
        %mul3A_463 = arith.mulf %get3A_459, %get3A_462 : vector<16xf32>
        %add3A_464 = arith.addf %mul3A_456, %mul3A_463 : vector<16xf32>
        %get3A_465 = arith.index_cast %add3A_449 : i32 to index
        %get3A_466 = arith.constant 16 : index
        %get3A_467 = tpu.vector_load %arg17[%get3A_465, %get3A_466] {strides = array<i32>} : memref<80x128xf32, #tpu.memory_space<vmem>>, vector<16xf32>,
        %get3A_468 = arith.index_cast %add3A_449 : i32 to index
        %get3A_469 = arith.constant 16 : index
        %get3A_470 = tpu.vector_load %arg18[%get3A_468, %get3A_469] {strides = array<i32>} : memref<80x128xf32, #tpu.memory_space<vmem>>, vector<16xf32>,
        %mul3A_471 = arith.mulf %get3A_467, %get3A_470 : vector<16xf32>
        %add3A_472 = arith.addf %add3A_464, %mul3A_471 : vector<16xf32>
        %get3A_473 = arith.index_cast %add3A_449 : i32 to index
        %get3A_474 = arith.constant 32 : index
        %get3A_475 = tpu.vector_load %arg17[%get3A_473, %get3A_474] {strides = array<i32>} : memref<80x128xf32, #tpu.memory_space<vmem>>, vector<16xf32>,
        %get3A_476 = arith.index_cast %add3A_449 : i32 to index
        %get3A_477 = arith.constant 32 : index
        %get3A_478 = tpu.vector_load %arg18[%get3A_476, %get3A_477] {strides = array<i32>} : memref<80x128xf32, #tpu.memory_space<vmem>>, vector<16xf32>,
        %mul3A_479 = arith.mulf %get3A_475, %get3A_478 : vector<16xf32>
        %add3A_480 = arith.addf %add3A_472, %mul3A_479 : vector<16xf32>
        %get3A_481 = arith.index_cast %add3A_449 : i32 to index
        %get3A_482 = arith.constant 48 : index
        %get3A_483 = tpu.vector_load %arg17[%get3A_481, %get3A_482] {strides = array<i32>} : memref<80x128xf32, #tpu.memory_space<vmem>>, vector<16xf32>,
        %get3A_484 = arith.index_cast %add3A_449 : i32 to index
        %get3A_485 = arith.constant 48 : index
        %get3A_486 = tpu.vector_load %arg18[%get3A_484, %get3A_485] {strides = array<i32>} : memref<80x128xf32, #tpu.memory_space<vmem>>, vector<16xf32>,
        %mul3A_487 = arith.mulf %get3A_483, %get3A_486 : vector<16xf32>
        %add3A_488 = arith.addf %add3A_480, %mul3A_487 : vector<16xf32>
        %get3A_489 = arith.index_cast %add3A_449 : i32 to index
        %get3A_490 = arith.constant 64 : index
        %get3A_491 = tpu.vector_load %arg17[%get3A_489, %get3A_490] {strides = array<i32>} : memref<80x128xf32, #tpu.memory_space<vmem>>, vector<16xf32>,
        %get3A_492 = arith.index_cast %add3A_449 : i32 to index
        %get3A_493 = arith.constant 64 : index
        %get3A_494 = tpu.vector_load %arg18[%get3A_492, %get3A_493] {strides = array<i32>} : memref<80x128xf32, #tpu.memory_space<vmem>>, vector<16xf32>,
        %mul3A_495 = arith.mulf %get3A_491, %get3A_494 : vector<16xf32>
        %add3A_496 = arith.addf %add3A_488, %mul3A_495 : vector<16xf32>
        %get3A_497 = arith.index_cast %add3A_449 : i32 to index
        %get3A_498 = arith.constant 80 : index
        %get3A_499 = tpu.vector_load %arg17[%get3A_497, %get3A_498] {strides = array<i32>} : memref<80x128xf32, #tpu.memory_space<vmem>>, vector<16xf32>,
        %get3A_500 = arith.index_cast %add3A_449 : i32 to index
        %get3A_501 = arith.constant 80 : index
        %get3A_502 = tpu.vector_load %arg18[%get3A_500, %get3A_501] {strides = array<i32>} : memref<80x128xf32, #tpu.memory_space<vmem>>, vector<16xf32>,
        %mul3A_503 = arith.mulf %get3A_499, %get3A_502 : vector<16xf32>
        %add3A_504 = arith.addf %add3A_496, %mul3A_503 : vector<16xf32>
        %get3A_505 = arith.index_cast %add3A_449 : i32 to index
        %get3A_506 = arith.constant 96 : index
        %get3A_507 = tpu.vector_load %arg17[%get3A_505, %get3A_506] {strides = array<i32>} : memref<80x128xf32, #tpu.memory_space<vmem>>, vector<16xf32>,
        %get3A_508 = arith.index_cast %add3A_449 : i32 to index
        %get3A_509 = arith.constant 96 : index
        %get3A_510 = tpu.vector_load %arg18[%get3A_508, %get3A_509] {strides = array<i32>} : memref<80x128xf32, #tpu.memory_space<vmem>>, vector<16xf32>,
        %mul3A_511 = arith.mulf %get3A_507, %get3A_510 : vector<16xf32>
        %add3A_512 = arith.addf %add3A_504, %mul3A_511 : vector<16xf32>
        %get3A_513 = arith.index_cast %add3A_449 : i32 to index
        %get3A_514 = arith.constant 112 : index
        %get3A_515 = tpu.vector_load %arg17[%get3A_513, %get3A_514] {strides = array<i32>} : memref<80x128xf32, #tpu.memory_space<vmem>>, vector<16xf32>,
        %get3A_516 = arith.index_cast %add3A_449 : i32 to index
        %get3A_517 = arith.constant 112 : index
        %get3A_518 = tpu.vector_load %arg18[%get3A_516, %get3A_517] {strides = array<i32>} : memref<80x128xf32, #tpu.memory_space<vmem>>, vector<16xf32>,
        %mul3A_519 = arith.mulf %get3A_515, %get3A_518 : vector<16xf32>
        %add3A_520 = arith.addf %add3A_512, %mul3A_519 : vector<16xf32>
        %swap3A_521 = arith.constant 5 : i32
        %swap3A_522 = arith.index_cast %swap3A_521 : i32 to index
        %swap3A_523 = arith.constant 0 : index
        %swap3A_524 = tpu.vector_load %arg22[%swap3A_522, %swap3A_523] {strides = array<i32>} : memref<16x17xf32, #tpu.memory_space<vmem>>, vector<16xf32>,
        tpu.vector_store %arg22[%swap3A_522, %swap3A_523], %add3A_520 {strides = array<i32>} : memref<16x17xf32, #tpu.memory_space<vmem>>, vector<16xf32>,
        %add3A_525 = arith.constant 6 : i32
        %add3A_526 = arith.addi %mul3A_64, %add3A_525 : i32
        %get3A_527 = arith.index_cast %add3A_526 : i32 to index
        %get3A_528 = arith.constant 0 : index
        %get3A_529 = tpu.vector_load %arg19[%get3A_527, %get3A_528] {strides = array<i32>} : memref<80x16xf32, #tpu.memory_space<vmem>>, vector<16xf32>,
        %get3A_530 = arith.index_cast %add3A_526 : i32 to index
        %get3A_531 = arith.constant 0 : index
        %get3A_532 = tpu.vector_load %arg20[%get3A_530, %get3A_531] {strides = array<i32>} : memref<80x16xf32, #tpu.memory_space<vmem>>, vector<16xf32>,
        %mul3A_533 = arith.mulf %get3A_529, %get3A_532 : vector<16xf32>
        %get3A_534 = arith.index_cast %add3A_526 : i32 to index
        %get3A_535 = arith.constant 0 : index
        %get3A_536 = tpu.vector_load %arg17[%get3A_534, %get3A_535] {strides = array<i32>} : memref<80x128xf32, #tpu.memory_space<vmem>>, vector<16xf32>,
        %get3A_537 = arith.index_cast %add3A_526 : i32 to index
        %get3A_538 = arith.constant 0 : index
        %get3A_539 = tpu.vector_load %arg18[%get3A_537, %get3A_538] {strides = array<i32>} : memref<80x128xf32, #tpu.memory_space<vmem>>, vector<16xf32>,
        %mul3A_540 = arith.mulf %get3A_536, %get3A_539 : vector<16xf32>
        %add3A_541 = arith.addf %mul3A_533, %mul3A_540 : vector<16xf32>
        %get3A_542 = arith.index_cast %add3A_526 : i32 to index
        %get3A_543 = arith.constant 16 : index
        %get3A_544 = tpu.vector_load %arg17[%get3A_542, %get3A_543] {strides = array<i32>} : memref<80x128xf32, #tpu.memory_space<vmem>>, vector<16xf32>,
        %get3A_545 = arith.index_cast %add3A_526 : i32 to index
        %get3A_546 = arith.constant 16 : index
        %get3A_547 = tpu.vector_load %arg18[%get3A_545, %get3A_546] {strides = array<i32>} : memref<80x128xf32, #tpu.memory_space<vmem>>, vector<16xf32>,
        %mul3A_548 = arith.mulf %get3A_544, %get3A_547 : vector<16xf32>
        %add3A_549 = arith.addf %add3A_541, %mul3A_548 : vector<16xf32>
        %get3A_550 = arith.index_cast %add3A_526 : i32 to index
        %get3A_551 = arith.constant 32 : index
        %get3A_552 = tpu.vector_load %arg17[%get3A_550, %get3A_551] {strides = array<i32>} : memref<80x128xf32, #tpu.memory_space<vmem>>, vector<16xf32>,
        %get3A_553 = arith.index_cast %add3A_526 : i32 to index
        %get3A_554 = arith.constant 32 : index
        %get3A_555 = tpu.vector_load %arg18[%get3A_553, %get3A_554] {strides = array<i32>} : memref<80x128xf32, #tpu.memory_space<vmem>>, vector<16xf32>,
        %mul3A_556 = arith.mulf %get3A_552, %get3A_555 : vector<16xf32>
        %add3A_557 = arith.addf %add3A_549, %mul3A_556 : vector<16xf32>
        %get3A_558 = arith.index_cast %add3A_526 : i32 to index
        %get3A_559 = arith.constant 48 : index
        %get3A_560 = tpu.vector_load %arg17[%get3A_558, %get3A_559] {strides = array<i32>} : memref<80x128xf32, #tpu.memory_space<vmem>>, vector<16xf32>,
        %get3A_561 = arith.index_cast %add3A_526 : i32 to index
        %get3A_562 = arith.constant 48 : index
        %get3A_563 = tpu.vector_load %arg18[%get3A_561, %get3A_562] {strides = array<i32>} : memref<80x128xf32, #tpu.memory_space<vmem>>, vector<16xf32>,
        %mul3A_564 = arith.mulf %get3A_560, %get3A_563 : vector<16xf32>
        %add3A_565 = arith.addf %add3A_557, %mul3A_564 : vector<16xf32>
        %get3A_566 = arith.index_cast %add3A_526 : i32 to index
        %get3A_567 = arith.constant 64 : index
        %get3A_568 = tpu.vector_load %arg17[%get3A_566, %get3A_567] {strides = array<i32>} : memref<80x128xf32, #tpu.memory_space<vmem>>, vector<16xf32>,
        %get3A_569 = arith.index_cast %add3A_526 : i32 to index
        %get3A_570 = arith.constant 64 : index
        %get3A_571 = tpu.vector_load %arg18[%get3A_569, %get3A_570] {strides = array<i32>} : memref<80x128xf32, #tpu.memory_space<vmem>>, vector<16xf32>,
        %mul3A_572 = arith.mulf %get3A_568, %get3A_571 : vector<16xf32>
        %add3A_573 = arith.addf %add3A_565, %mul3A_572 : vector<16xf32>
        %get3A_574 = arith.index_cast %add3A_526 : i32 to index
        %get3A_575 = arith.constant 80 : index
        %get3A_576 = tpu.vector_load %arg17[%get3A_574, %get3A_575] {strides = array<i32>} : memref<80x128xf32, #tpu.memory_space<vmem>>, vector<16xf32>,
        %get3A_577 = arith.index_cast %add3A_526 : i32 to index
        %get3A_578 = arith.constant 80 : index
        %get3A_579 = tpu.vector_load %arg18[%get3A_577, %get3A_578] {strides = array<i32>} : memref<80x128xf32, #tpu.memory_space<vmem>>, vector<16xf32>,
        %mul3A_580 = arith.mulf %get3A_576, %get3A_579 : vector<16xf32>
        %add3A_581 = arith.addf %add3A_573, %mul3A_580 : vector<16xf32>
        %get3A_582 = arith.index_cast %add3A_526 : i32 to index
        %get3A_583 = arith.constant 96 : index
        %get3A_584 = tpu.vector_load %arg17[%get3A_582, %get3A_583] {strides = array<i32>} : memref<80x128xf32, #tpu.memory_space<vmem>>, vector<16xf32>,
        %get3A_585 = arith.index_cast %add3A_526 : i32 to index
        %get3A_586 = arith.constant 96 : index
        %get3A_587 = tpu.vector_load %arg18[%get3A_585, %get3A_586] {strides = array<i32>} : memref<80x128xf32, #tpu.memory_space<vmem>>, vector<16xf32>,
        %mul3A_588 = arith.mulf %get3A_584, %get3A_587 : vector<16xf32>
        %add3A_589 = arith.addf %add3A_581, %mul3A_588 : vector<16xf32>
        %get3A_590 = arith.index_cast %add3A_526 : i32 to index
        %get3A_591 = arith.constant 112 : index
        %get3A_592 = tpu.vector_load %arg17[%get3A_590, %get3A_591] {strides = array<i32>} : memref<80x128xf32, #tpu.memory_space<vmem>>, vector<16xf32>,
        %get3A_593 = arith.index_cast %add3A_526 : i32 to index
        %get3A_594 = arith.constant 112 : index
        %get3A_595 = tpu.vector_load %arg18[%get3A_593, %get3A_594] {strides = array<i32>} : memref<80x128xf32, #tpu.memory_space<vmem>>, vector<16xf32>,
        %mul3A_596 = arith.mulf %get3A_592, %get3A_595 : vector<16xf32>
        %add3A_597 = arith.addf %add3A_589, %mul3A_596 : vector<16xf32>
        %swap3A_598 = arith.constant 6 : i32
        %swap3A_599 = arith.index_cast %swap3A_598 : i32 to index
        %swap3A_600 = arith.constant 0 : index
        %swap3A_601 = tpu.vector_load %arg22[%swap3A_599, %swap3A_600] {strides = array<i32>} : memref<16x17xf32, #tpu.memory_space<vmem>>, vector<16xf32>,
        tpu.vector_store %arg22[%swap3A_599, %swap3A_600], %add3A_597 {strides = array<i32>} : memref<16x17xf32, #tpu.memory_space<vmem>>, vector<16xf32>,
        %add3A_602 = arith.constant 7 : i32
        %add3A_603 = arith.addi %mul3A_64, %add3A_602 : i32
        %get3A_604 = arith.index_cast %add3A_603 : i32 to index
        %get3A_605 = arith.constant 0 : index
        %get3A_606 = tpu.vector_load %arg19[%get3A_604, %get3A_605] {strides = array<i32>} : memref<80x16xf32, #tpu.memory_space<vmem>>, vector<16xf32>,
        %get3A_607 = arith.index_cast %add3A_603 : i32 to index
        %get3A_608 = arith.constant 0 : index
        %get3A_609 = tpu.vector_load %arg20[%get3A_607, %get3A_608] {strides = array<i32>} : memref<80x16xf32, #tpu.memory_space<vmem>>, vector<16xf32>,
        %mul3A_610 = arith.mulf %get3A_606, %get3A_609 : vector<16xf32>
        %get3A_611 = arith.index_cast %add3A_603 : i32 to index
        %get3A_612 = arith.constant 0 : index
        %get3A_613 = tpu.vector_load %arg17[%get3A_611, %get3A_612] {strides = array<i32>} : memref<80x128xf32, #tpu.memory_space<vmem>>, vector<16xf32>,
        %get3A_614 = arith.index_cast %add3A_603 : i32 to index
        %get3A_615 = arith.constant 0 : index
        %get3A_616 = tpu.vector_load %arg18[%get3A_614, %get3A_615] {strides = array<i32>} : memref<80x128xf32, #tpu.memory_space<vmem>>, vector<16xf32>,
        %mul3A_617 = arith.mulf %get3A_613, %get3A_616 : vector<16xf32>
        %add3A_618 = arith.addf %mul3A_610, %mul3A_617 : vector<16xf32>
        %get3A_619 = arith.index_cast %add3A_603 : i32 to index
        %get3A_620 = arith.constant 16 : index
        %get3A_621 = tpu.vector_load %arg17[%get3A_619, %get3A_620] {strides = array<i32>} : memref<80x128xf32, #tpu.memory_space<vmem>>, vector<16xf32>,
        %get3A_622 = arith.index_cast %add3A_603 : i32 to index
        %get3A_623 = arith.constant 16 : index
        %get3A_624 = tpu.vector_load %arg18[%get3A_622, %get3A_623] {strides = array<i32>} : memref<80x128xf32, #tpu.memory_space<vmem>>, vector<16xf32>,
        %mul3A_625 = arith.mulf %get3A_621, %get3A_624 : vector<16xf32>
        %add3A_626 = arith.addf %add3A_618, %mul3A_625 : vector<16xf32>
        %get3A_627 = arith.index_cast %add3A_603 : i32 to index
        %get3A_628 = arith.constant 32 : index
        %get3A_629 = tpu.vector_load %arg17[%get3A_627, %get3A_628] {strides = array<i32>} : memref<80x128xf32, #tpu.memory_space<vmem>>, vector<16xf32>,
        %get3A_630 = arith.index_cast %add3A_603 : i32 to index
        %get3A_631 = arith.constant 32 : index
        %get3A_632 = tpu.vector_load %arg18[%get3A_630, %get3A_631] {strides = array<i32>} : memref<80x128xf32, #tpu.memory_space<vmem>>, vector<16xf32>,
        %mul3A_633 = arith.mulf %get3A_629, %get3A_632 : vector<16xf32>
        %add3A_634 = arith.addf %add3A_626, %mul3A_633 : vector<16xf32>
        %get3A_635 = arith.index_cast %add3A_603 : i32 to index
        %get3A_636 = arith.constant 48 : index
        %get3A_637 = tpu.vector_load %arg17[%get3A_635, %get3A_636] {strides = array<i32>} : memref<80x128xf32, #tpu.memory_space<vmem>>, vector<16xf32>,
        %get3A_638 = arith.index_cast %add3A_603 : i32 to index
        %get3A_639 = arith.constant 48 : index
        %get3A_640 = tpu.vector_load %arg18[%get3A_638, %get3A_639] {strides = array<i32>} : memref<80x128xf32, #tpu.memory_space<vmem>>, vector<16xf32>,
        %mul3A_641 = arith.mulf %get3A_637, %get3A_640 : vector<16xf32>
        %add3A_642 = arith.addf %add3A_634, %mul3A_641 : vector<16xf32>
        %get3A_643 = arith.index_cast %add3A_603 : i32 to index
        %get3A_644 = arith.constant 64 : index
        %get3A_645 = tpu.vector_load %arg17[%get3A_643, %get3A_644] {strides = array<i32>} : memref<80x128xf32, #tpu.memory_space<vmem>>, vector<16xf32>,
        %get3A_646 = arith.index_cast %add3A_603 : i32 to index
        %get3A_647 = arith.constant 64 : index
        %get3A_648 = tpu.vector_load %arg18[%get3A_646, %get3A_647] {strides = array<i32>} : memref<80x128xf32, #tpu.memory_space<vmem>>, vector<16xf32>,
        %mul3A_649 = arith.mulf %get3A_645, %get3A_648 : vector<16xf32>
        %add3A_650 = arith.addf %add3A_642, %mul3A_649 : vector<16xf32>
        %get3A_651 = arith.index_cast %add3A_603 : i32 to index
        %get3A_652 = arith.constant 80 : index
        %get3A_653 = tpu.vector_load %arg17[%get3A_651, %get3A_652] {strides = array<i32>} : memref<80x128xf32, #tpu.memory_space<vmem>>, vector<16xf32>,
        %get3A_654 = arith.index_cast %add3A_603 : i32 to index
        %get3A_655 = arith.constant 80 : index
        %get3A_656 = tpu.vector_load %arg18[%get3A_654, %get3A_655] {strides = array<i32>} : memref<80x128xf32, #tpu.memory_space<vmem>>, vector<16xf32>,
        %mul3A_657 = arith.mulf %get3A_653, %get3A_656 : vector<16xf32>
        %add3A_658 = arith.addf %add3A_650, %mul3A_657 : vector<16xf32>
        %get3A_659 = arith.index_cast %add3A_603 : i32 to index
        %get3A_660 = arith.constant 96 : index
        %get3A_661 = tpu.vector_load %arg17[%get3A_659, %get3A_660] {strides = array<i32>} : memref<80x128xf32, #tpu.memory_space<vmem>>, vector<16xf32>,
        %get3A_662 = arith.index_cast %add3A_603 : i32 to index
        %get3A_663 = arith.constant 96 : index
        %get3A_664 = tpu.vector_load %arg18[%get3A_662, %get3A_663] {strides = array<i32>} : memref<80x128xf32, #tpu.memory_space<vmem>>, vector<16xf32>,
        %mul3A_665 = arith.mulf %get3A_661, %get3A_664 : vector<16xf32>
        %add3A_666 = arith.addf %add3A_658, %mul3A_665 : vector<16xf32>
        %get3A_667 = arith.index_cast %add3A_603 : i32 to index
        %get3A_668 = arith.constant 112 : index
        %get3A_669 = tpu.vector_load %arg17[%get3A_667, %get3A_668] {strides = array<i32>} : memref<80x128xf32, #tpu.memory_space<vmem>>, vector<16xf32>,
        %get3A_670 = arith.index_cast %add3A_603 : i32 to index
        %get3A_671 = arith.constant 112 : index
        %get3A_672 = tpu.vector_load %arg18[%get3A_670, %get3A_671] {strides = array<i32>} : memref<80x128xf32, #tpu.memory_space<vmem>>, vector<16xf32>,
        %mul3A_673 = arith.mulf %get3A_669, %get3A_672 : vector<16xf32>
        %add3A_674 = arith.addf %add3A_666, %mul3A_673 : vector<16xf32>
        %swap3A_675 = arith.constant 7 : i32
        %swap3A_676 = arith.index_cast %swap3A_675 : i32 to index
        %swap3A_677 = arith.constant 0 : index
        %swap3A_678 = tpu.vector_load %arg22[%swap3A_676, %swap3A_677] {strides = array<i32>} : memref<16x17xf32, #tpu.memory_space<vmem>>, vector<16xf32>,
        tpu.vector_store %arg22[%swap3A_676, %swap3A_677], %add3A_674 {strides = array<i32>} : memref<16x17xf32, #tpu.memory_space<vmem>>, vector<16xf32>,
        %add3A_679 = arith.constant 8 : i32
        %add3A_680 = arith.addi %mul3A_64, %add3A_679 : i32
        %get3A_681 = arith.index_cast %add3A_680 : i32 to index
        %get3A_682 = arith.constant 0 : index
        %get3A_683 = tpu.vector_load %arg19[%get3A_681, %get3A_682] {strides = array<i32>} : memref<80x16xf32, #tpu.memory_space<vmem>>, vector<16xf32>,
        %get3A_684 = arith.index_cast %add3A_680 : i32 to index
        %get3A_685 = arith.constant 0 : index
        %get3A_686 = tpu.vector_load %arg20[%get3A_684, %get3A_685] {strides = array<i32>} : memref<80x16xf32, #tpu.memory_space<vmem>>, vector<16xf32>,
        %mul3A_687 = arith.mulf %get3A_683, %get3A_686 : vector<16xf32>
        %get3A_688 = arith.index_cast %add3A_680 : i32 to index
        %get3A_689 = arith.constant 0 : index
        %get3A_690 = tpu.vector_load %arg17[%get3A_688, %get3A_689] {strides = array<i32>} : memref<80x128xf32, #tpu.memory_space<vmem>>, vector<16xf32>,
        %get3A_691 = arith.index_cast %add3A_680 : i32 to index
        %get3A_692 = arith.constant 0 : index
        %get3A_693 = tpu.vector_load %arg18[%get3A_691, %get3A_692] {strides = array<i32>} : memref<80x128xf32, #tpu.memory_space<vmem>>, vector<16xf32>,
        %mul3A_694 = arith.mulf %get3A_690, %get3A_693 : vector<16xf32>
        %add3A_695 = arith.addf %mul3A_687, %mul3A_694 : vector<16xf32>
        %get3A_696 = arith.index_cast %add3A_680 : i32 to index
        %get3A_697 = arith.constant 16 : index
        %get3A_698 = tpu.vector_load %arg17[%get3A_696, %get3A_697] {strides = array<i32>} : memref<80x128xf32, #tpu.memory_space<vmem>>, vector<16xf32>,
        %get3A_699 = arith.index_cast %add3A_680 : i32 to index
        %get3A_700 = arith.constant 16 : index
        %get3A_701 = tpu.vector_load %arg18[%get3A_699, %get3A_700] {strides = array<i32>} : memref<80x128xf32, #tpu.memory_space<vmem>>, vector<16xf32>,
        %mul3A_702 = arith.mulf %get3A_698, %get3A_701 : vector<16xf32>
        %add3A_703 = arith.addf %add3A_695, %mul3A_702 : vector<16xf32>
        %get3A_704 = arith.index_cast %add3A_680 : i32 to index
        %get3A_705 = arith.constant 32 : index
        %get3A_706 = tpu.vector_load %arg17[%get3A_704, %get3A_705] {strides = array<i32>} : memref<80x128xf32, #tpu.memory_space<vmem>>, vector<16xf32>,
        %get3A_707 = arith.index_cast %add3A_680 : i32 to index
        %get3A_708 = arith.constant 32 : index
        %get3A_709 = tpu.vector_load %arg18[%get3A_707, %get3A_708] {strides = array<i32>} : memref<80x128xf32, #tpu.memory_space<vmem>>, vector<16xf32>,
        %mul3A_710 = arith.mulf %get3A_706, %get3A_709 : vector<16xf32>
        %add3A_711 = arith.addf %add3A_703, %mul3A_710 : vector<16xf32>
        %get3A_712 = arith.index_cast %add3A_680 : i32 to index
        %get3A_713 = arith.constant 48 : index
        %get3A_714 = tpu.vector_load %arg17[%get3A_712, %get3A_713] {strides = array<i32>} : memref<80x128xf32, #tpu.memory_space<vmem>>, vector<16xf32>,
        %get3A_715 = arith.index_cast %add3A_680 : i32 to index
        %get3A_716 = arith.constant 48 : index
        %get3A_717 = tpu.vector_load %arg18[%get3A_715, %get3A_716] {strides = array<i32>} : memref<80x128xf32, #tpu.memory_space<vmem>>, vector<16xf32>,
        %mul3A_718 = arith.mulf %get3A_714, %get3A_717 : vector<16xf32>
        %add3A_719 = arith.addf %add3A_711, %mul3A_718 : vector<16xf32>
        %get3A_720 = arith.index_cast %add3A_680 : i32 to index
        %get3A_721 = arith.constant 64 : index
        %get3A_722 = tpu.vector_load %arg17[%get3A_720, %get3A_721] {strides = array<i32>} : memref<80x128xf32, #tpu.memory_space<vmem>>, vector<16xf32>,
        %get3A_723 = arith.index_cast %add3A_680 : i32 to index
        %get3A_724 = arith.constant 64 : index
        %get3A_725 = tpu.vector_load %arg18[%get3A_723, %get3A_724] {strides = array<i32>} : memref<80x128xf32, #tpu.memory_space<vmem>>, vector<16xf32>,
        %mul3A_726 = arith.mulf %get3A_722, %get3A_725 : vector<16xf32>
        %add3A_727 = arith.addf %add3A_719, %mul3A_726 : vector<16xf32>
        %get3A_728 = arith.index_cast %add3A_680 : i32 to index
        %get3A_729 = arith.constant 80 : index
        %get3A_730 = tpu.vector_load %arg17[%get3A_728, %get3A_729] {strides = array<i32>} : memref<80x128xf32, #tpu.memory_space<vmem>>, vector<16xf32>,
        %get3A_731 = arith.index_cast %add3A_680 : i32 to index
        %get3A_732 = arith.constant 80 : index
        %get3A_733 = tpu.vector_load %arg18[%get3A_731, %get3A_732] {strides = array<i32>} : memref<80x128xf32, #tpu.memory_space<vmem>>, vector<16xf32>,
        %mul3A_734 = arith.mulf %get3A_730, %get3A_733 : vector<16xf32>
        %add3A_735 = arith.addf %add3A_727, %mul3A_734 : vector<16xf32>
        %get3A_736 = arith.index_cast %add3A_680 : i32 to index
        %get3A_737 = arith.constant 96 : index
        %get3A_738 = tpu.vector_load %arg17[%get3A_736, %get3A_737] {strides = array<i32>} : memref<80x128xf32, #tpu.memory_space<vmem>>, vector<16xf32>,
        %get3A_739 = arith.index_cast %add3A_680 : i32 to index
        %get3A_740 = arith.constant 96 : index
        %get3A_741 = tpu.vector_load %arg18[%get3A_739, %get3A_740] {strides = array<i32>} : memref<80x128xf32, #tpu.memory_space<vmem>>, vector<16xf32>,
        %mul3A_742 = arith.mulf %get3A_738, %get3A_741 : vector<16xf32>
        %add3A_743 = arith.addf %add3A_735, %mul3A_742 : vector<16xf32>
        %get3A_744 = arith.index_cast %add3A_680 : i32 to index
        %get3A_745 = arith.constant 112 : index
        %get3A_746 = tpu.vector_load %arg17[%get3A_744, %get3A_745] {strides = array<i32>} : memref<80x128xf32, #tpu.memory_space<vmem>>, vector<16xf32>,
        %get3A_747 = arith.index_cast %add3A_680 : i32 to index
        %get3A_748 = arith.constant 112 : index
        %get3A_749 = tpu.vector_load %arg18[%get3A_747, %get3A_748] {strides = array<i32>} : memref<80x128xf32, #tpu.memory_space<vmem>>, vector<16xf32>,
        %mul3A_750 = arith.mulf %get3A_746, %get3A_749 : vector<16xf32>
        %add3A_751 = arith.addf %add3A_743, %mul3A_750 : vector<16xf32>
        %swap3A_752 = arith.constant 8 : i32
        %swap3A_753 = arith.index_cast %swap3A_752 : i32 to index
        %swap3A_754 = arith.constant 0 : index
        %swap3A_755 = tpu.vector_load %arg22[%swap3A_753, %swap3A_754] {strides = array<i32>} : memref<16x17xf32, #tpu.memory_space<vmem>>, vector<16xf32>,
        tpu.vector_store %arg22[%swap3A_753, %swap3A_754], %add3A_751 {strides = array<i32>} : memref<16x17xf32, #tpu.memory_space<vmem>>, vector<16xf32>,
        %add3A_756 = arith.constant 9 : i32
        %add3A_757 = arith.addi %mul3A_64, %add3A_756 : i32
        %get3A_758 = arith.index_cast %add3A_757 : i32 to index
        %get3A_759 = arith.constant 0 : index
        %get3A_760 = tpu.vector_load %arg19[%get3A_758, %get3A_759] {strides = array<i32>} : memref<80x16xf32, #tpu.memory_space<vmem>>, vector<16xf32>,
        %get3A_761 = arith.index_cast %add3A_757 : i32 to index
        %get3A_762 = arith.constant 0 : index
        %get3A_763 = tpu.vector_load %arg20[%get3A_761, %get3A_762] {strides = array<i32>} : memref<80x16xf32, #tpu.memory_space<vmem>>, vector<16xf32>,
        %mul3A_764 = arith.mulf %get3A_760, %get3A_763 : vector<16xf32>
        %get3A_765 = arith.index_cast %add3A_757 : i32 to index
        %get3A_766 = arith.constant 0 : index
        %get3A_767 = tpu.vector_load %arg17[%get3A_765, %get3A_766] {strides = array<i32>} : memref<80x128xf32, #tpu.memory_space<vmem>>, vector<16xf32>,
        %get3A_768 = arith.index_cast %add3A_757 : i32 to index
        %get3A_769 = arith.constant 0 : index
        %get3A_770 = tpu.vector_load %arg18[%get3A_768, %get3A_769] {strides = array<i32>} : memref<80x128xf32, #tpu.memory_space<vmem>>, vector<16xf32>,
        %mul3A_771 = arith.mulf %get3A_767, %get3A_770 : vector<16xf32>
        %add3A_772 = arith.addf %mul3A_764, %mul3A_771 : vector<16xf32>
        %get3A_773 = arith.index_cast %add3A_757 : i32 to index
        %get3A_774 = arith.constant 16 : index
        %get3A_775 = tpu.vector_load %arg17[%get3A_773, %get3A_774] {strides = array<i32>} : memref<80x128xf32, #tpu.memory_space<vmem>>, vector<16xf32>,
        %get3A_776 = arith.index_cast %add3A_757 : i32 to index
        %get3A_777 = arith.constant 16 : index
        %get3A_778 = tpu.vector_load %arg18[%get3A_776, %get3A_777] {strides = array<i32>} : memref<80x128xf32, #tpu.memory_space<vmem>>, vector<16xf32>,
        %mul3A_779 = arith.mulf %get3A_775, %get3A_778 : vector<16xf32>
        %add3A_780 = arith.addf %add3A_772, %mul3A_779 : vector<16xf32>
        %get3A_781 = arith.index_cast %add3A_757 : i32 to index
        %get3A_782 = arith.constant 32 : index
        %get3A_783 = tpu.vector_load %arg17[%get3A_781, %get3A_782] {strides = array<i32>} : memref<80x128xf32, #tpu.memory_space<vmem>>, vector<16xf32>,
        %get3A_784 = arith.index_cast %add3A_757 : i32 to index
        %get3A_785 = arith.constant 32 : index
        %get3A_786 = tpu.vector_load %arg18[%get3A_784, %get3A_785] {strides = array<i32>} : memref<80x128xf32, #tpu.memory_space<vmem>>, vector<16xf32>,
        %mul3A_787 = arith.mulf %get3A_783, %get3A_786 : vector<16xf32>
        %add3A_788 = arith.addf %add3A_780, %mul3A_787 : vector<16xf32>
        %get3A_789 = arith.index_cast %add3A_757 : i32 to index
        %get3A_790 = arith.constant 48 : index
        %get3A_791 = tpu.vector_load %arg17[%get3A_789, %get3A_790] {strides = array<i32>} : memref<80x128xf32, #tpu.memory_space<vmem>>, vector<16xf32>,
        %get3A_792 = arith.index_cast %add3A_757 : i32 to index
        %get3A_793 = arith.constant 48 : index
        %get3A_794 = tpu.vector_load %arg18[%get3A_792, %get3A_793] {strides = array<i32>} : memref<80x128xf32, #tpu.memory_space<vmem>>, vector<16xf32>,
        %mul3A_795 = arith.mulf %get3A_791, %get3A_794 : vector<16xf32>
        %add3A_796 = arith.addf %add3A_788, %mul3A_795 : vector<16xf32>
        %get3A_797 = arith.index_cast %add3A_757 : i32 to index
        %get3A_798 = arith.constant 64 : index
        %get3A_799 = tpu.vector_load %arg17[%get3A_797, %get3A_798] {strides = array<i32>} : memref<80x128xf32, #tpu.memory_space<vmem>>, vector<16xf32>,
        %get3A_800 = arith.index_cast %add3A_757 : i32 to index
        %get3A_801 = arith.constant 64 : index
        %get3A_802 = tpu.vector_load %arg18[%get3A_800, %get3A_801] {strides = array<i32>} : memref<80x128xf32, #tpu.memory_space<vmem>>, vector<16xf32>,
        %mul3A_803 = arith.mulf %get3A_799, %get3A_802 : vector<16xf32>
        %add3A_804 = arith.addf %add3A_796, %mul3A_803 : vector<16xf32>
        %get3A_805 = arith.index_cast %add3A_757 : i32 to index
        %get3A_806 = arith.constant 80 : index
        %get3A_807 = tpu.vector_load %arg17[%get3A_805, %get3A_806] {strides = array<i32>} : memref<80x128xf32, #tpu.memory_space<vmem>>, vector<16xf32>,
        %get3A_808 = arith.index_cast %add3A_757 : i32 to index
        %get3A_809 = arith.constant 80 : index
        %get3A_810 = tpu.vector_load %arg18[%get3A_808, %get3A_809] {strides = array<i32>} : memref<80x128xf32, #tpu.memory_space<vmem>>, vector<16xf32>,
        %mul3A_811 = arith.mulf %get3A_807, %get3A_810 : vector<16xf32>
        %add3A_812 = arith.addf %add3A_804, %mul3A_811 : vector<16xf32>
        %get3A_813 = arith.index_cast %add3A_757 : i32 to index
        %get3A_814 = arith.constant 96 : index
        %get3A_815 = tpu.vector_load %arg17[%get3A_813, %get3A_814] {strides = array<i32>} : memref<80x128xf32, #tpu.memory_space<vmem>>, vector<16xf32>,
        %get3A_816 = arith.index_cast %add3A_757 : i32 to index
        %get3A_817 = arith.constant 96 : index
        %get3A_818 = tpu.vector_load %arg18[%get3A_816, %get3A_817] {strides = array<i32>} : memref<80x128xf32, #tpu.memory_space<vmem>>, vector<16xf32>,
        %mul3A_819 = arith.mulf %get3A_815, %get3A_818 : vector<16xf32>
        %add3A_820 = arith.addf %add3A_812, %mul3A_819 : vector<16xf32>
        %get3A_821 = arith.index_cast %add3A_757 : i32 to index
        %get3A_822 = arith.constant 112 : index
        %get3A_823 = tpu.vector_load %arg17[%get3A_821, %get3A_822] {strides = array<i32>} : memref<80x128xf32, #tpu.memory_space<vmem>>, vector<16xf32>,
        %get3A_824 = arith.index_cast %add3A_757 : i32 to index
        %get3A_825 = arith.constant 112 : index
        %get3A_826 = tpu.vector_load %arg18[%get3A_824, %get3A_825] {strides = array<i32>} : memref<80x128xf32, #tpu.memory_space<vmem>>, vector<16xf32>,
        %mul3A_827 = arith.mulf %get3A_823, %get3A_826 : vector<16xf32>
        %add3A_828 = arith.addf %add3A_820, %mul3A_827 : vector<16xf32>
        %swap3A_829 = arith.constant 9 : i32
        %swap3A_830 = arith.index_cast %swap3A_829 : i32 to index
        %swap3A_831 = arith.constant 0 : index
        %swap3A_832 = tpu.vector_load %arg22[%swap3A_830, %swap3A_831] {strides = array<i32>} : memref<16x17xf32, #tpu.memory_space<vmem>>, vector<16xf32>,
        tpu.vector_store %arg22[%swap3A_830, %swap3A_831], %add3A_828 {strides = array<i32>} : memref<16x17xf32, #tpu.memory_space<vmem>>, vector<16xf32>,
        %add3A_833 = arith.constant 10 : i32
        %add3A_834 = arith.addi %mul3A_64, %add3A_833 : i32
        %get3A_835 = arith.index_cast %add3A_834 : i32 to index
        %get3A_836 = arith.constant 0 : index
        %get3A_837 = tpu.vector_load %arg19[%get3A_835, %get3A_836] {strides = array<i32>} : memref<80x16xf32, #tpu.memory_space<vmem>>, vector<16xf32>,
        %get3A_838 = arith.index_cast %add3A_834 : i32 to index
        %get3A_839 = arith.constant 0 : index
        %get3A_840 = tpu.vector_load %arg20[%get3A_838, %get3A_839] {strides = array<i32>} : memref<80x16xf32, #tpu.memory_space<vmem>>, vector<16xf32>,
        %mul3A_841 = arith.mulf %get3A_837, %get3A_840 : vector<16xf32>
        %get3A_842 = arith.index_cast %add3A_834 : i32 to index
        %get3A_843 = arith.constant 0 : index
        %get3A_844 = tpu.vector_load %arg17[%get3A_842, %get3A_843] {strides = array<i32>} : memref<80x128xf32, #tpu.memory_space<vmem>>, vector<16xf32>,
        %get3A_845 = arith.index_cast %add3A_834 : i32 to index
        %get3A_846 = arith.constant 0 : index
        %get3A_847 = tpu.vector_load %arg18[%get3A_845, %get3A_846] {strides = array<i32>} : memref<80x128xf32, #tpu.memory_space<vmem>>, vector<16xf32>,
        %mul3A_848 = arith.mulf %get3A_844, %get3A_847 : vector<16xf32>
        %add3A_849 = arith.addf %mul3A_841, %mul3A_848 : vector<16xf32>
        %get3A_850 = arith.index_cast %add3A_834 : i32 to index
        %get3A_851 = arith.constant 16 : index
        %get3A_852 = tpu.vector_load %arg17[%get3A_850, %get3A_851] {strides = array<i32>} : memref<80x128xf32, #tpu.memory_space<vmem>>, vector<16xf32>,
        %get3A_853 = arith.index_cast %add3A_834 : i32 to index
        %get3A_854 = arith.constant 16 : index
        %get3A_855 = tpu.vector_load %arg18[%get3A_853, %get3A_854] {strides = array<i32>} : memref<80x128xf32, #tpu.memory_space<vmem>>, vector<16xf32>,
        %mul3A_856 = arith.mulf %get3A_852, %get3A_855 : vector<16xf32>
        %add3A_857 = arith.addf %add3A_849, %mul3A_856 : vector<16xf32>
        %get3A_858 = arith.index_cast %add3A_834 : i32 to index
        %get3A_859 = arith.constant 32 : index
        %get3A_860 = tpu.vector_load %arg17[%get3A_858, %get3A_859] {strides = array<i32>} : memref<80x128xf32, #tpu.memory_space<vmem>>, vector<16xf32>,
        %get3A_861 = arith.index_cast %add3A_834 : i32 to index
        %get3A_862 = arith.constant 32 : index
        %get3A_863 = tpu.vector_load %arg18[%get3A_861, %get3A_862] {strides = array<i32>} : memref<80x128xf32, #tpu.memory_space<vmem>>, vector<16xf32>,
        %mul3A_864 = arith.mulf %get3A_860, %get3A_863 : vector<16xf32>
        %add3A_865 = arith.addf %add3A_857, %mul3A_864 : vector<16xf32>
        %get3A_866 = arith.index_cast %add3A_834 : i32 to index
        %get3A_867 = arith.constant 48 : index
        %get3A_868 = tpu.vector_load %arg17[%get3A_866, %get3A_867] {strides = array<i32>} : memref<80x128xf32, #tpu.memory_space<vmem>>, vector<16xf32>,
        %get3A_869 = arith.index_cast %add3A_834 : i32 to index
        %get3A_870 = arith.constant 48 : index
        %get3A_871 = tpu.vector_load %arg18[%get3A_869, %get3A_870] {strides = array<i32>} : memref<80x128xf32, #tpu.memory_space<vmem>>, vector<16xf32>,
        %mul3A_872 = arith.mulf %get3A_868, %get3A_871 : vector<16xf32>
        %add3A_873 = arith.addf %add3A_865, %mul3A_872 : vector<16xf32>
        %get3A_874 = arith.index_cast %add3A_834 : i32 to index
        %get3A_875 = arith.constant 64 : index
        %get3A_876 = tpu.vector_load %arg17[%get3A_874, %get3A_875] {strides = array<i32>} : memref<80x128xf32, #tpu.memory_space<vmem>>, vector<16xf32>,
        %get3A_877 = arith.index_cast %add3A_834 : i32 to index
        %get3A_878 = arith.constant 64 : index
        %get3A_879 = tpu.vector_load %arg18[%get3A_877, %get3A_878] {strides = array<i32>} : memref<80x128xf32, #tpu.memory_space<vmem>>, vector<16xf32>,
        %mul3A_880 = arith.mulf %get3A_876, %get3A_879 : vector<16xf32>
        %add3A_881 = arith.addf %add3A_873, %mul3A_880 : vector<16xf32>
        %get3A_882 = arith.index_cast %add3A_834 : i32 to index
        %get3A_883 = arith.constant 80 : index
        %get3A_884 = tpu.vector_load %arg17[%get3A_882, %get3A_883] {strides = array<i32>} : memref<80x128xf32, #tpu.memory_space<vmem>>, vector<16xf32>,
        %get3A_885 = arith.index_cast %add3A_834 : i32 to index
        %get3A_886 = arith.constant 80 : index
        %get3A_887 = tpu.vector_load %arg18[%get3A_885, %get3A_886] {strides = array<i32>} : memref<80x128xf32, #tpu.memory_space<vmem>>, vector<16xf32>,
        %mul3A_888 = arith.mulf %get3A_884, %get3A_887 : vector<16xf32>
        %add3A_889 = arith.addf %add3A_881, %mul3A_888 : vector<16xf32>
        %get3A_890 = arith.index_cast %add3A_834 : i32 to index
        %get3A_891 = arith.constant 96 : index
        %get3A_892 = tpu.vector_load %arg17[%get3A_890, %get3A_891] {strides = array<i32>} : memref<80x128xf32, #tpu.memory_space<vmem>>, vector<16xf32>,
        %get3A_893 = arith.index_cast %add3A_834 : i32 to index
        %get3A_894 = arith.constant 96 : index
        %get3A_895 = tpu.vector_load %arg18[%get3A_893, %get3A_894] {strides = array<i32>} : memref<80x128xf32, #tpu.memory_space<vmem>>, vector<16xf32>,
        %mul3A_896 = arith.mulf %get3A_892, %get3A_895 : vector<16xf32>
        %add3A_897 = arith.addf %add3A_889, %mul3A_896 : vector<16xf32>
        %get3A_898 = arith.index_cast %add3A_834 : i32 to index
        %get3A_899 = arith.constant 112 : index
        %get3A_900 = tpu.vector_load %arg17[%get3A_898, %get3A_899] {strides = array<i32>} : memref<80x128xf32, #tpu.memory_space<vmem>>, vector<16xf32>,
        %get3A_901 = arith.index_cast %add3A_834 : i32 to index
        %get3A_902 = arith.constant 112 : index
        %get3A_903 = tpu.vector_load %arg18[%get3A_901, %get3A_902] {strides = array<i32>} : memref<80x128xf32, #tpu.memory_space<vmem>>, vector<16xf32>,
        %mul3A_904 = arith.mulf %get3A_900, %get3A_903 : vector<16xf32>
        %add3A_905 = arith.addf %add3A_897, %mul3A_904 : vector<16xf32>
        %swap3A_906 = arith.constant 10 : i32
        %swap3A_907 = arith.index_cast %swap3A_906 : i32 to index
        %swap3A_908 = arith.constant 0 : index
        %swap3A_909 = tpu.vector_load %arg22[%swap3A_907, %swap3A_908] {strides = array<i32>} : memref<16x17xf32, #tpu.memory_space<vmem>>, vector<16xf32>,
        tpu.vector_store %arg22[%swap3A_907, %swap3A_908], %add3A_905 {strides = array<i32>} : memref<16x17xf32, #tpu.memory_space<vmem>>, vector<16xf32>,
        %add3A_910 = arith.constant 11 : i32
        %add3A_911 = arith.addi %mul3A_64, %add3A_910 : i32
        %get3A_912 = arith.index_cast %add3A_911 : i32 to index
        %get3A_913 = arith.constant 0 : index
        %get3A_914 = tpu.vector_load %arg19[%get3A_912, %get3A_913] {strides = array<i32>} : memref<80x16xf32, #tpu.memory_space<vmem>>, vector<16xf32>,
        %get3A_915 = arith.index_cast %add3A_911 : i32 to index
        %get3A_916 = arith.constant 0 : index
        %get3A_917 = tpu.vector_load %arg20[%get3A_915, %get3A_916] {strides = array<i32>} : memref<80x16xf32, #tpu.memory_space<vmem>>, vector<16xf32>,
        %mul3A_918 = arith.mulf %get3A_914, %get3A_917 : vector<16xf32>
        %get3A_919 = arith.index_cast %add3A_911 : i32 to index
        %get3A_920 = arith.constant 0 : index
        %get3A_921 = tpu.vector_load %arg17[%get3A_919, %get3A_920] {strides = array<i32>} : memref<80x128xf32, #tpu.memory_space<vmem>>, vector<16xf32>,
        %get3A_922 = arith.index_cast %add3A_911 : i32 to index
        %get3A_923 = arith.constant 0 : index
        %get3A_924 = tpu.vector_load %arg18[%get3A_922, %get3A_923] {strides = array<i32>} : memref<80x128xf32, #tpu.memory_space<vmem>>, vector<16xf32>,
        %mul3A_925 = arith.mulf %get3A_921, %get3A_924 : vector<16xf32>
        %add3A_926 = arith.addf %mul3A_918, %mul3A_925 : vector<16xf32>
        %get3A_927 = arith.index_cast %add3A_911 : i32 to index
        %get3A_928 = arith.constant 16 : index
        %get3A_929 = tpu.vector_load %arg17[%get3A_927, %get3A_928] {strides = array<i32>} : memref<80x128xf32, #tpu.memory_space<vmem>>, vector<16xf32>,
        %get3A_930 = arith.index_cast %add3A_911 : i32 to index
        %get3A_931 = arith.constant 16 : index
        %get3A_932 = tpu.vector_load %arg18[%get3A_930, %get3A_931] {strides = array<i32>} : memref<80x128xf32, #tpu.memory_space<vmem>>, vector<16xf32>,
        %mul3A_933 = arith.mulf %get3A_929, %get3A_932 : vector<16xf32>
        %add3A_934 = arith.addf %add3A_926, %mul3A_933 : vector<16xf32>
        %get3A_935 = arith.index_cast %add3A_911 : i32 to index
        %get3A_936 = arith.constant 32 : index
        %get3A_937 = tpu.vector_load %arg17[%get3A_935, %get3A_936] {strides = array<i32>} : memref<80x128xf32, #tpu.memory_space<vmem>>, vector<16xf32>,
        %get3A_938 = arith.index_cast %add3A_911 : i32 to index
        %get3A_939 = arith.constant 32 : index
        %get3A_940 = tpu.vector_load %arg18[%get3A_938, %get3A_939] {strides = array<i32>} : memref<80x128xf32, #tpu.memory_space<vmem>>, vector<16xf32>,
        %mul3A_941 = arith.mulf %get3A_937, %get3A_940 : vector<16xf32>
        %add3A_942 = arith.addf %add3A_934, %mul3A_941 : vector<16xf32>
        %get3A_943 = arith.index_cast %add3A_911 : i32 to index
        %get3A_944 = arith.constant 48 : index
        %get3A_945 = tpu.vector_load %arg17[%get3A_943, %get3A_944] {strides = array<i32>} : memref<80x128xf32, #tpu.memory_space<vmem>>, vector<16xf32>,
        %get3A_946 = arith.index_cast %add3A_911 : i32 to index
        %get3A_947 = arith.constant 48 : index
        %get3A_948 = tpu.vector_load %arg18[%get3A_946, %get3A_947] {strides = array<i32>} : memref<80x128xf32, #tpu.memory_space<vmem>>, vector<16xf32>,
        %mul3A_949 = arith.mulf %get3A_945, %get3A_948 : vector<16xf32>
        %add3A_950 = arith.addf %add3A_942, %mul3A_949 : vector<16xf32>
        %get3A_951 = arith.index_cast %add3A_911 : i32 to index
        %get3A_952 = arith.constant 64 : index
        %get3A_953 = tpu.vector_load %arg17[%get3A_951, %get3A_952] {strides = array<i32>} : memref<80x128xf32, #tpu.memory_space<vmem>>, vector<16xf32>,
        %get3A_954 = arith.index_cast %add3A_911 : i32 to index
        %get3A_955 = arith.constant 64 : index
        %get3A_956 = tpu.vector_load %arg18[%get3A_954, %get3A_955] {strides = array<i32>} : memref<80x128xf32, #tpu.memory_space<vmem>>, vector<16xf32>,
        %mul3A_957 = arith.mulf %get3A_953, %get3A_956 : vector<16xf32>
        %add3A_958 = arith.addf %add3A_950, %mul3A_957 : vector<16xf32>
        %get3A_959 = arith.index_cast %add3A_911 : i32 to index
        %get3A_960 = arith.constant 80 : index
        %get3A_961 = tpu.vector_load %arg17[%get3A_959, %get3A_960] {strides = array<i32>} : memref<80x128xf32, #tpu.memory_space<vmem>>, vector<16xf32>,
        %get3A_962 = arith.index_cast %add3A_911 : i32 to index
        %get3A_963 = arith.constant 80 : index
        %get3A_964 = tpu.vector_load %arg18[%get3A_962, %get3A_963] {strides = array<i32>} : memref<80x128xf32, #tpu.memory_space<vmem>>, vector<16xf32>,
        %mul3A_965 = arith.mulf %get3A_961, %get3A_964 : vector<16xf32>
        %add3A_966 = arith.addf %add3A_958, %mul3A_965 : vector<16xf32>
        %get3A_967 = arith.index_cast %add3A_911 : i32 to index
        %get3A_968 = arith.constant 96 : index
        %get3A_969 = tpu.vector_load %arg17[%get3A_967, %get3A_968] {strides = array<i32>} : memref<80x128xf32, #tpu.memory_space<vmem>>, vector<16xf32>,
        %get3A_970 = arith.index_cast %add3A_911 : i32 to index
        %get3A_971 = arith.constant 96 : index
        %get3A_972 = tpu.vector_load %arg18[%get3A_970, %get3A_971] {strides = array<i32>} : memref<80x128xf32, #tpu.memory_space<vmem>>, vector<16xf32>,
        %mul3A_973 = arith.mulf %get3A_969, %get3A_972 : vector<16xf32>
        %add3A_974 = arith.addf %add3A_966, %mul3A_973 : vector<16xf32>
        %get3A_975 = arith.index_cast %add3A_911 : i32 to index
        %get3A_976 = arith.constant 112 : index
        %get3A_977 = tpu.vector_load %arg17[%get3A_975, %get3A_976] {strides = array<i32>} : memref<80x128xf32, #tpu.memory_space<vmem>>, vector<16xf32>,
        %get3A_978 = arith.index_cast %add3A_911 : i32 to index
        %get3A_979 = arith.constant 112 : index
        %get3A_980 = tpu.vector_load %arg18[%get3A_978, %get3A_979] {strides = array<i32>} : memref<80x128xf32, #tpu.memory_space<vmem>>, vector<16xf32>,
        %mul3A_981 = arith.mulf %get3A_977, %get3A_980 : vector<16xf32>
        %add3A_982 = arith.addf %add3A_974, %mul3A_981 : vector<16xf32>
        %swap3A_983 = arith.constant 11 : i32
        %swap3A_984 = arith.index_cast %swap3A_983 : i32 to index
        %swap3A_985 = arith.constant 0 : index
        %swap3A_986 = tpu.vector_load %arg22[%swap3A_984, %swap3A_985] {strides = array<i32>} : memref<16x17xf32, #tpu.memory_space<vmem>>, vector<16xf32>,
        tpu.vector_store %arg22[%swap3A_984, %swap3A_985], %add3A_982 {strides = array<i32>} : memref<16x17xf32, #tpu.memory_space<vmem>>, vector<16xf32>,
        %add3A_987 = arith.constant 12 : i32
        %add3A_988 = arith.addi %mul3A_64, %add3A_987 : i32
        %get3A_989 = arith.index_cast %add3A_988 : i32 to index
        %get3A_990 = arith.constant 0 : index
        %get3A_991 = tpu.vector_load %arg19[%get3A_989, %get3A_990] {strides = array<i32>} : memref<80x16xf32, #tpu.memory_space<vmem>>, vector<16xf32>,
        %get3A_992 = arith.index_cast %add3A_988 : i32 to index
        %get3A_993 = arith.constant 0 : index
        %get3A_994 = tpu.vector_load %arg20[%get3A_992, %get3A_993] {strides = array<i32>} : memref<80x16xf32, #tpu.memory_space<vmem>>, vector<16xf32>,
        %mul3A_995 = arith.mulf %get3A_991, %get3A_994 : vector<16xf32>
        %get3A_996 = arith.index_cast %add3A_988 : i32 to index
        %get3A_997 = arith.constant 0 : index
        %get3A_998 = tpu.vector_load %arg17[%get3A_996, %get3A_997] {strides = array<i32>} : memref<80x128xf32, #tpu.memory_space<vmem>>, vector<16xf32>,
        %get3A_999 = arith.index_cast %add3A_988 : i32 to index
        %get3A_1000 = arith.constant 0 : index
        %get3A_1001 = tpu.vector_load %arg18[%get3A_999, %get3A_1000] {strides = array<i32>} : memref<80x128xf32, #tpu.memory_space<vmem>>, vector<16xf32>,
        %mul3A_1002 = arith.mulf %get3A_998, %get3A_1001 : vector<16xf32>
        %add3A_1003 = arith.addf %mul3A_995, %mul3A_1002 : vector<16xf32>
        %get3A_1004 = arith.index_cast %add3A_988 : i32 to index
        %get3A_1005 = arith.constant 16 : index
        %get3A_1006 = tpu.vector_load %arg17[%get3A_1004, %get3A_1005] {strides = array<i32>} : memref<80x128xf32, #tpu.memory_space<vmem>>, vector<16xf32>,
        %get3A_1007 = arith.index_cast %add3A_988 : i32 to index
        %get3A_1008 = arith.constant 16 : index
        %get3A_1009 = tpu.vector_load %arg18[%get3A_1007, %get3A_1008] {strides = array<i32>} : memref<80x128xf32, #tpu.memory_space<vmem>>, vector<16xf32>,
        %mul3A_1010 = arith.mulf %get3A_1006, %get3A_1009 : vector<16xf32>
        %add3A_1011 = arith.addf %add3A_1003, %mul3A_1010 : vector<16xf32>
        %get3A_1012 = arith.index_cast %add3A_988 : i32 to index
        %get3A_1013 = arith.constant 32 : index
        %get3A_1014 = tpu.vector_load %arg17[%get3A_1012, %get3A_1013] {strides = array<i32>} : memref<80x128xf32, #tpu.memory_space<vmem>>, vector<16xf32>,
        %get3A_1015 = arith.index_cast %add3A_988 : i32 to index
        %get3A_1016 = arith.constant 32 : index
        %get3A_1017 = tpu.vector_load %arg18[%get3A_1015, %get3A_1016] {strides = array<i32>} : memref<80x128xf32, #tpu.memory_space<vmem>>, vector<16xf32>,
        %mul3A_1018 = arith.mulf %get3A_1014, %get3A_1017 : vector<16xf32>
        %add3A_1019 = arith.addf %add3A_1011, %mul3A_1018 : vector<16xf32>
        %get3A_1020 = arith.index_cast %add3A_988 : i32 to index
        %get3A_1021 = arith.constant 48 : index
        %get3A_1022 = tpu.vector_load %arg17[%get3A_1020, %get3A_1021] {strides = array<i32>} : memref<80x128xf32, #tpu.memory_space<vmem>>, vector<16xf32>,
        %get3A_1023 = arith.index_cast %add3A_988 : i32 to index
        %get3A_1024 = arith.constant 48 : index
        %get3A_1025 = tpu.vector_load %arg18[%get3A_1023, %get3A_1024] {strides = array<i32>} : memref<80x128xf32, #tpu.memory_space<vmem>>, vector<16xf32>,
        %mul3A_1026 = arith.mulf %get3A_1022, %get3A_1025 : vector<16xf32>
        %add3A_1027 = arith.addf %add3A_1019, %mul3A_1026 : vector<16xf32>
        %get3A_1028 = arith.index_cast %add3A_988 : i32 to index
        %get3A_1029 = arith.constant 64 : index
        %get3A_1030 = tpu.vector_load %arg17[%get3A_1028, %get3A_1029] {strides = array<i32>} : memref<80x128xf32, #tpu.memory_space<vmem>>, vector<16xf32>,
        %get3A_1031 = arith.index_cast %add3A_988 : i32 to index
        %get3A_1032 = arith.constant 64 : index
        %get3A_1033 = tpu.vector_load %arg18[%get3A_1031, %get3A_1032] {strides = array<i32>} : memref<80x128xf32, #tpu.memory_space<vmem>>, vector<16xf32>,
        %mul3A_1034 = arith.mulf %get3A_1030, %get3A_1033 : vector<16xf32>
        %add3A_1035 = arith.addf %add3A_1027, %mul3A_1034 : vector<16xf32>
        %get3A_1036 = arith.index_cast %add3A_988 : i32 to index
        %get3A_1037 = arith.constant 80 : index
        %get3A_1038 = tpu.vector_load %arg17[%get3A_1036, %get3A_1037] {strides = array<i32>} : memref<80x128xf32, #tpu.memory_space<vmem>>, vector<16xf32>,
        %get3A_1039 = arith.index_cast %add3A_988 : i32 to index
        %get3A_1040 = arith.constant 80 : index
        %get3A_1041 = tpu.vector_load %arg18[%get3A_1039, %get3A_1040] {strides = array<i32>} : memref<80x128xf32, #tpu.memory_space<vmem>>, vector<16xf32>,
        %mul3A_1042 = arith.mulf %get3A_1038, %get3A_1041 : vector<16xf32>
        %add3A_1043 = arith.addf %add3A_1035, %mul3A_1042 : vector<16xf32>
        %get3A_1044 = arith.index_cast %add3A_988 : i32 to index
        %get3A_1045 = arith.constant 96 : index
        %get3A_1046 = tpu.vector_load %arg17[%get3A_1044, %get3A_1045] {strides = array<i32>} : memref<80x128xf32, #tpu.memory_space<vmem>>, vector<16xf32>,
        %get3A_1047 = arith.index_cast %add3A_988 : i32 to index
        %get3A_1048 = arith.constant 96 : index
        %get3A_1049 = tpu.vector_load %arg18[%get3A_1047, %get3A_1048] {strides = array<i32>} : memref<80x128xf32, #tpu.memory_space<vmem>>, vector<16xf32>,
        %mul3A_1050 = arith.mulf %get3A_1046, %get3A_1049 : vector<16xf32>
        %add3A_1051 = arith.addf %add3A_1043, %mul3A_1050 : vector<16xf32>
        %get3A_1052 = arith.index_cast %add3A_988 : i32 to index
        %get3A_1053 = arith.constant 112 : index
        %get3A_1054 = tpu.vector_load %arg17[%get3A_1052, %get3A_1053] {strides = array<i32>} : memref<80x128xf32, #tpu.memory_space<vmem>>, vector<16xf32>,
        %get3A_1055 = arith.index_cast %add3A_988 : i32 to index
        %get3A_1056 = arith.constant 112 : index
        %get3A_1057 = tpu.vector_load %arg18[%get3A_1055, %get3A_1056] {strides = array<i32>} : memref<80x128xf32, #tpu.memory_space<vmem>>, vector<16xf32>,
        %mul3A_1058 = arith.mulf %get3A_1054, %get3A_1057 : vector<16xf32>
        %add3A_1059 = arith.addf %add3A_1051, %mul3A_1058 : vector<16xf32>
        %swap3A_1060 = arith.constant 12 : i32
        %swap3A_1061 = arith.index_cast %swap3A_1060 : i32 to index
        %swap3A_1062 = arith.constant 0 : index
        %swap3A_1063 = tpu.vector_load %arg22[%swap3A_1061, %swap3A_1062] {strides = array<i32>} : memref<16x17xf32, #tpu.memory_space<vmem>>, vector<16xf32>,
        tpu.vector_store %arg22[%swap3A_1061, %swap3A_1062], %add3A_1059 {strides = array<i32>} : memref<16x17xf32, #tpu.memory_space<vmem>>, vector<16xf32>,
        %add3A_1064 = arith.constant 13 : i32
        %add3A_1065 = arith.addi %mul3A_64, %add3A_1064 : i32
        %get3A_1066 = arith.index_cast %add3A_1065 : i32 to index
        %get3A_1067 = arith.constant 0 : index
        %get3A_1068 = tpu.vector_load %arg19[%get3A_1066, %get3A_1067] {strides = array<i32>} : memref<80x16xf32, #tpu.memory_space<vmem>>, vector<16xf32>,
        %get3A_1069 = arith.index_cast %add3A_1065 : i32 to index
        %get3A_1070 = arith.constant 0 : index
        %get3A_1071 = tpu.vector_load %arg20[%get3A_1069, %get3A_1070] {strides = array<i32>} : memref<80x16xf32, #tpu.memory_space<vmem>>, vector<16xf32>,
        %mul3A_1072 = arith.mulf %get3A_1068, %get3A_1071 : vector<16xf32>
        %get3A_1073 = arith.index_cast %add3A_1065 : i32 to index
        %get3A_1074 = arith.constant 0 : index
        %get3A_1075 = tpu.vector_load %arg17[%get3A_1073, %get3A_1074] {strides = array<i32>} : memref<80x128xf32, #tpu.memory_space<vmem>>, vector<16xf32>,
        %get3A_1076 = arith.index_cast %add3A_1065 : i32 to index
        %get3A_1077 = arith.constant 0 : index
        %get3A_1078 = tpu.vector_load %arg18[%get3A_1076, %get3A_1077] {strides = array<i32>} : memref<80x128xf32, #tpu.memory_space<vmem>>, vector<16xf32>,
        %mul3A_1079 = arith.mulf %get3A_1075, %get3A_1078 : vector<16xf32>
        %add3A_1080 = arith.addf %mul3A_1072, %mul3A_1079 : vector<16xf32>
        %get3A_1081 = arith.index_cast %add3A_1065 : i32 to index
        %get3A_1082 = arith.constant 16 : index
        %get3A_1083 = tpu.vector_load %arg17[%get3A_1081, %get3A_1082] {strides = array<i32>} : memref<80x128xf32, #tpu.memory_space<vmem>>, vector<16xf32>,
        %get3A_1084 = arith.index_cast %add3A_1065 : i32 to index
        %get3A_1085 = arith.constant 16 : index
        %get3A_1086 = tpu.vector_load %arg18[%get3A_1084, %get3A_1085] {strides = array<i32>} : memref<80x128xf32, #tpu.memory_space<vmem>>, vector<16xf32>,
        %mul3A_1087 = arith.mulf %get3A_1083, %get3A_1086 : vector<16xf32>
        %add3A_1088 = arith.addf %add3A_1080, %mul3A_1087 : vector<16xf32>
        %get3A_1089 = arith.index_cast %add3A_1065 : i32 to index
        %get3A_1090 = arith.constant 32 : index
        %get3A_1091 = tpu.vector_load %arg17[%get3A_1089, %get3A_1090] {strides = array<i32>} : memref<80x128xf32, #tpu.memory_space<vmem>>, vector<16xf32>,
        %get3A_1092 = arith.index_cast %add3A_1065 : i32 to index
        %get3A_1093 = arith.constant 32 : index
        %get3A_1094 = tpu.vector_load %arg18[%get3A_1092, %get3A_1093] {strides = array<i32>} : memref<80x128xf32, #tpu.memory_space<vmem>>, vector<16xf32>,
        %mul3A_1095 = arith.mulf %get3A_1091, %get3A_1094 : vector<16xf32>
        %add3A_1096 = arith.addf %add3A_1088, %mul3A_1095 : vector<16xf32>
        %get3A_1097 = arith.index_cast %add3A_1065 : i32 to index
        %get3A_1098 = arith.constant 48 : index
        %get3A_1099 = tpu.vector_load %arg17[%get3A_1097, %get3A_1098] {strides = array<i32>} : memref<80x128xf32, #tpu.memory_space<vmem>>, vector<16xf32>,
        %get3A_1100 = arith.index_cast %add3A_1065 : i32 to index
        %get3A_1101 = arith.constant 48 : index
        %get3A_1102 = tpu.vector_load %arg18[%get3A_1100, %get3A_1101] {strides = array<i32>} : memref<80x128xf32, #tpu.memory_space<vmem>>, vector<16xf32>,
        %mul3A_1103 = arith.mulf %get3A_1099, %get3A_1102 : vector<16xf32>
        %add3A_1104 = arith.addf %add3A_1096, %mul3A_1103 : vector<16xf32>
        %get3A_1105 = arith.index_cast %add3A_1065 : i32 to index
        %get3A_1106 = arith.constant 64 : index
        %get3A_1107 = tpu.vector_load %arg17[%get3A_1105, %get3A_1106] {strides = array<i32>} : memref<80x128xf32, #tpu.memory_space<vmem>>, vector<16xf32>,
        %get3A_1108 = arith.index_cast %add3A_1065 : i32 to index
        %get3A_1109 = arith.constant 64 : index
        %get3A_1110 = tpu.vector_load %arg18[%get3A_1108, %get3A_1109] {strides = array<i32>} : memref<80x128xf32, #tpu.memory_space<vmem>>, vector<16xf32>,
        %mul3A_1111 = arith.mulf %get3A_1107, %get3A_1110 : vector<16xf32>
        %add3A_1112 = arith.addf %add3A_1104, %mul3A_1111 : vector<16xf32>
        %get3A_1113 = arith.index_cast %add3A_1065 : i32 to index
        %get3A_1114 = arith.constant 80 : index
        %get3A_1115 = tpu.vector_load %arg17[%get3A_1113, %get3A_1114] {strides = array<i32>} : memref<80x128xf32, #tpu.memory_space<vmem>>, vector<16xf32>,
        %get3A_1116 = arith.index_cast %add3A_1065 : i32 to index
        %get3A_1117 = arith.constant 80 : index
        %get3A_1118 = tpu.vector_load %arg18[%get3A_1116, %get3A_1117] {strides = array<i32>} : memref<80x128xf32, #tpu.memory_space<vmem>>, vector<16xf32>,
        %mul3A_1119 = arith.mulf %get3A_1115, %get3A_1118 : vector<16xf32>
        %add3A_1120 = arith.addf %add3A_1112, %mul3A_1119 : vector<16xf32>
        %get3A_1121 = arith.index_cast %add3A_1065 : i32 to index
        %get3A_1122 = arith.constant 96 : index
        %get3A_1123 = tpu.vector_load %arg17[%get3A_1121, %get3A_1122] {strides = array<i32>} : memref<80x128xf32, #tpu.memory_space<vmem>>, vector<16xf32>,
        %get3A_1124 = arith.index_cast %add3A_1065 : i32 to index
        %get3A_1125 = arith.constant 96 : index
        %get3A_1126 = tpu.vector_load %arg18[%get3A_1124, %get3A_1125] {strides = array<i32>} : memref<80x128xf32, #tpu.memory_space<vmem>>, vector<16xf32>,
        %mul3A_1127 = arith.mulf %get3A_1123, %get3A_1126 : vector<16xf32>
        %add3A_1128 = arith.addf %add3A_1120, %mul3A_1127 : vector<16xf32>
        %get3A_1129 = arith.index_cast %add3A_1065 : i32 to index
        %get3A_1130 = arith.constant 112 : index
        %get3A_1131 = tpu.vector_load %arg17[%get3A_1129, %get3A_1130] {strides = array<i32>} : memref<80x128xf32, #tpu.memory_space<vmem>>, vector<16xf32>,
        %get3A_1132 = arith.index_cast %add3A_1065 : i32 to index
        %get3A_1133 = arith.constant 112 : index
        %get3A_1134 = tpu.vector_load %arg18[%get3A_1132, %get3A_1133] {strides = array<i32>} : memref<80x128xf32, #tpu.memory_space<vmem>>, vector<16xf32>,
        %mul3A_1135 = arith.mulf %get3A_1131, %get3A_1134 : vector<16xf32>
        %add3A_1136 = arith.addf %add3A_1128, %mul3A_1135 : vector<16xf32>
        %swap3A_1137 = arith.constant 13 : i32
        %swap3A_1138 = arith.index_cast %swap3A_1137 : i32 to index
        %swap3A_1139 = arith.constant 0 : index
        %swap3A_1140 = tpu.vector_load %arg22[%swap3A_1138, %swap3A_1139] {strides = array<i32>} : memref<16x17xf32, #tpu.memory_space<vmem>>, vector<16xf32>,
        tpu.vector_store %arg22[%swap3A_1138, %swap3A_1139], %add3A_1136 {strides = array<i32>} : memref<16x17xf32, #tpu.memory_space<vmem>>, vector<16xf32>,
        %add3A_1141 = arith.constant 14 : i32
        %add3A_1142 = arith.addi %mul3A_64, %add3A_1141 : i32
        %get3A_1143 = arith.index_cast %add3A_1142 : i32 to index
        %get3A_1144 = arith.constant 0 : index
        %get3A_1145 = tpu.vector_load %arg19[%get3A_1143, %get3A_1144] {strides = array<i32>} : memref<80x16xf32, #tpu.memory_space<vmem>>, vector<16xf32>,
        %get3A_1146 = arith.index_cast %add3A_1142 : i32 to index
        %get3A_1147 = arith.constant 0 : index
        %get3A_1148 = tpu.vector_load %arg20[%get3A_1146, %get3A_1147] {strides = array<i32>} : memref<80x16xf32, #tpu.memory_space<vmem>>, vector<16xf32>,
        %mul3A_1149 = arith.mulf %get3A_1145, %get3A_1148 : vector<16xf32>
        %get3A_1150 = arith.index_cast %add3A_1142 : i32 to index
        %get3A_1151 = arith.constant 0 : index
        %get3A_1152 = tpu.vector_load %arg17[%get3A_1150, %get3A_1151] {strides = array<i32>} : memref<80x128xf32, #tpu.memory_space<vmem>>, vector<16xf32>,
        %get3A_1153 = arith.index_cast %add3A_1142 : i32 to index
        %get3A_1154 = arith.constant 0 : index
        %get3A_1155 = tpu.vector_load %arg18[%get3A_1153, %get3A_1154] {strides = array<i32>} : memref<80x128xf32, #tpu.memory_space<vmem>>, vector<16xf32>,
        %mul3A_1156 = arith.mulf %get3A_1152, %get3A_1155 : vector<16xf32>
        %add3A_1157 = arith.addf %mul3A_1149, %mul3A_1156 : vector<16xf32>
        %get3A_1158 = arith.index_cast %add3A_1142 : i32 to index
        %get3A_1159 = arith.constant 16 : index
        %get3A_1160 = tpu.vector_load %arg17[%get3A_1158, %get3A_1159] {strides = array<i32>} : memref<80x128xf32, #tpu.memory_space<vmem>>, vector<16xf32>,
        %get3A_1161 = arith.index_cast %add3A_1142 : i32 to index
        %get3A_1162 = arith.constant 16 : index
        %get3A_1163 = tpu.vector_load %arg18[%get3A_1161, %get3A_1162] {strides = array<i32>} : memref<80x128xf32, #tpu.memory_space<vmem>>, vector<16xf32>,
        %mul3A_1164 = arith.mulf %get3A_1160, %get3A_1163 : vector<16xf32>
        %add3A_1165 = arith.addf %add3A_1157, %mul3A_1164 : vector<16xf32>
        %get3A_1166 = arith.index_cast %add3A_1142 : i32 to index
        %get3A_1167 = arith.constant 32 : index
        %get3A_1168 = tpu.vector_load %arg17[%get3A_1166, %get3A_1167] {strides = array<i32>} : memref<80x128xf32, #tpu.memory_space<vmem>>, vector<16xf32>,
        %get3A_1169 = arith.index_cast %add3A_1142 : i32 to index
        %get3A_1170 = arith.constant 32 : index
        %get3A_1171 = tpu.vector_load %arg18[%get3A_1169, %get3A_1170] {strides = array<i32>} : memref<80x128xf32, #tpu.memory_space<vmem>>, vector<16xf32>,
        %mul3A_1172 = arith.mulf %get3A_1168, %get3A_1171 : vector<16xf32>
        %add3A_1173 = arith.addf %add3A_1165, %mul3A_1172 : vector<16xf32>
        %get3A_1174 = arith.index_cast %add3A_1142 : i32 to index
        %get3A_1175 = arith.constant 48 : index
        %get3A_1176 = tpu.vector_load %arg17[%get3A_1174, %get3A_1175] {strides = array<i32>} : memref<80x128xf32, #tpu.memory_space<vmem>>, vector<16xf32>,
        %get3A_1177 = arith.index_cast %add3A_1142 : i32 to index
        %get3A_1178 = arith.constant 48 : index
        %get3A_1179 = tpu.vector_load %arg18[%get3A_1177, %get3A_1178] {strides = array<i32>} : memref<80x128xf32, #tpu.memory_space<vmem>>, vector<16xf32>,
        %mul3A_1180 = arith.mulf %get3A_1176, %get3A_1179 : vector<16xf32>
        %add3A_1181 = arith.addf %add3A_1173, %mul3A_1180 : vector<16xf32>
        %get3A_1182 = arith.index_cast %add3A_1142 : i32 to index
        %get3A_1183 = arith.constant 64 : index
        %get3A_1184 = tpu.vector_load %arg17[%get3A_1182, %get3A_1183] {strides = array<i32>} : memref<80x128xf32, #tpu.memory_space<vmem>>, vector<16xf32>,
        %get3A_1185 = arith.index_cast %add3A_1142 : i32 to index
        %get3A_1186 = arith.constant 64 : index
        %get3A_1187 = tpu.vector_load %arg18[%get3A_1185, %get3A_1186] {strides = array<i32>} : memref<80x128xf32, #tpu.memory_space<vmem>>, vector<16xf32>,
        %mul3A_1188 = arith.mulf %get3A_1184, %get3A_1187 : vector<16xf32>
        %add3A_1189 = arith.addf %add3A_1181, %mul3A_1188 : vector<16xf32>
        %get3A_1190 = arith.index_cast %add3A_1142 : i32 to index
        %get3A_1191 = arith.constant 80 : index
        %get3A_1192 = tpu.vector_load %arg17[%get3A_1190, %get3A_1191] {strides = array<i32>} : memref<80x128xf32, #tpu.memory_space<vmem>>, vector<16xf32>,
        %get3A_1193 = arith.index_cast %add3A_1142 : i32 to index
        %get3A_1194 = arith.constant 80 : index
        %get3A_1195 = tpu.vector_load %arg18[%get3A_1193, %get3A_1194] {strides = array<i32>} : memref<80x128xf32, #tpu.memory_space<vmem>>, vector<16xf32>,
        %mul3A_1196 = arith.mulf %get3A_1192, %get3A_1195 : vector<16xf32>
        %add3A_1197 = arith.addf %add3A_1189, %mul3A_1196 : vector<16xf32>
        %get3A_1198 = arith.index_cast %add3A_1142 : i32 to index
        %get3A_1199 = arith.constant 96 : index
        %get3A_1200 = tpu.vector_load %arg17[%get3A_1198, %get3A_1199] {strides = array<i32>} : memref<80x128xf32, #tpu.memory_space<vmem>>, vector<16xf32>,
        %get3A_1201 = arith.index_cast %add3A_1142 : i32 to index
        %get3A_1202 = arith.constant 96 : index
        %get3A_1203 = tpu.vector_load %arg18[%get3A_1201, %get3A_1202] {strides = array<i32>} : memref<80x128xf32, #tpu.memory_space<vmem>>, vector<16xf32>,
        %mul3A_1204 = arith.mulf %get3A_1200, %get3A_1203 : vector<16xf32>
        %add3A_1205 = arith.addf %add3A_1197, %mul3A_1204 : vector<16xf32>
        %get3A_1206 = arith.index_cast %add3A_1142 : i32 to index
        %get3A_1207 = arith.constant 112 : index
        %get3A_1208 = tpu.vector_load %arg17[%get3A_1206, %get3A_1207] {strides = array<i32>} : memref<80x128xf32, #tpu.memory_space<vmem>>, vector<16xf32>,
        %get3A_1209 = arith.index_cast %add3A_1142 : i32 to index
        %get3A_1210 = arith.constant 112 : index
        %get3A_1211 = tpu.vector_load %arg18[%get3A_1209, %get3A_1210] {strides = array<i32>} : memref<80x128xf32, #tpu.memory_space<vmem>>, vector<16xf32>,
        %mul3A_1212 = arith.mulf %get3A_1208, %get3A_1211 : vector<16xf32>
        %add3A_1213 = arith.addf %add3A_1205, %mul3A_1212 : vector<16xf32>
        %swap3A_1214 = arith.constant 14 : i32
        %swap3A_1215 = arith.index_cast %swap3A_1214 : i32 to index
        %swap3A_1216 = arith.constant 0 : index
        %swap3A_1217 = tpu.vector_load %arg22[%swap3A_1215, %swap3A_1216] {strides = array<i32>} : memref<16x17xf32, #tpu.memory_space<vmem>>, vector<16xf32>,
        tpu.vector_store %arg22[%swap3A_1215, %swap3A_1216], %add3A_1213 {strides = array<i32>} : memref<16x17xf32, #tpu.memory_space<vmem>>, vector<16xf32>,
        %add3A_1218 = arith.constant 15 : i32
        %add3A_1219 = arith.addi %mul3A_64, %add3A_1218 : i32
        %get3A_1220 = arith.index_cast %add3A_1219 : i32 to index
        %get3A_1221 = arith.constant 0 : index
        %get3A_1222 = tpu.vector_load %arg19[%get3A_1220, %get3A_1221] {strides = array<i32>} : memref<80x16xf32, #tpu.memory_space<vmem>>, vector<16xf32>,
        %get3A_1223 = arith.index_cast %add3A_1219 : i32 to index
        %get3A_1224 = arith.constant 0 : index
        %get3A_1225 = tpu.vector_load %arg20[%get3A_1223, %get3A_1224] {strides = array<i32>} : memref<80x16xf32, #tpu.memory_space<vmem>>, vector<16xf32>,
        %mul3A_1226 = arith.mulf %get3A_1222, %get3A_1225 : vector<16xf32>
        %get3A_1227 = arith.index_cast %add3A_1219 : i32 to index
        %get3A_1228 = arith.constant 0 : index
        %get3A_1229 = tpu.vector_load %arg17[%get3A_1227, %get3A_1228] {strides = array<i32>} : memref<80x128xf32, #tpu.memory_space<vmem>>, vector<16xf32>,
        %get3A_1230 = arith.index_cast %add3A_1219 : i32 to index
        %get3A_1231 = arith.constant 0 : index
        %get3A_1232 = tpu.vector_load %arg18[%get3A_1230, %get3A_1231] {strides = array<i32>} : memref<80x128xf32, #tpu.memory_space<vmem>>, vector<16xf32>,
        %mul3A_1233 = arith.mulf %get3A_1229, %get3A_1232 : vector<16xf32>
        %add3A_1234 = arith.addf %mul3A_1226, %mul3A_1233 : vector<16xf32>
        %get3A_1235 = arith.index_cast %add3A_1219 : i32 to index
        %get3A_1236 = arith.constant 16 : index
        %get3A_1237 = tpu.vector_load %arg17[%get3A_1235, %get3A_1236] {strides = array<i32>} : memref<80x128xf32, #tpu.memory_space<vmem>>, vector<16xf32>,
        %get3A_1238 = arith.index_cast %add3A_1219 : i32 to index
        %get3A_1239 = arith.constant 16 : index
        %get3A_1240 = tpu.vector_load %arg18[%get3A_1238, %get3A_1239] {strides = array<i32>} : memref<80x128xf32, #tpu.memory_space<vmem>>, vector<16xf32>,
        %mul3A_1241 = arith.mulf %get3A_1237, %get3A_1240 : vector<16xf32>
        %add3A_1242 = arith.addf %add3A_1234, %mul3A_1241 : vector<16xf32>
        %get3A_1243 = arith.index_cast %add3A_1219 : i32 to index
        %get3A_1244 = arith.constant 32 : index
        %get3A_1245 = tpu.vector_load %arg17[%get3A_1243, %get3A_1244] {strides = array<i32>} : memref<80x128xf32, #tpu.memory_space<vmem>>, vector<16xf32>,
        %get3A_1246 = arith.index_cast %add3A_1219 : i32 to index
        %get3A_1247 = arith.constant 32 : index
        %get3A_1248 = tpu.vector_load %arg18[%get3A_1246, %get3A_1247] {strides = array<i32>} : memref<80x128xf32, #tpu.memory_space<vmem>>, vector<16xf32>,
        %mul3A_1249 = arith.mulf %get3A_1245, %get3A_1248 : vector<16xf32>
        %add3A_1250 = arith.addf %add3A_1242, %mul3A_1249 : vector<16xf32>
        %get3A_1251 = arith.index_cast %add3A_1219 : i32 to index
        %get3A_1252 = arith.constant 48 : index
        %get3A_1253 = tpu.vector_load %arg17[%get3A_1251, %get3A_1252] {strides = array<i32>} : memref<80x128xf32, #tpu.memory_space<vmem>>, vector<16xf32>,
        %get3A_1254 = arith.index_cast %add3A_1219 : i32 to index
        %get3A_1255 = arith.constant 48 : index
        %get3A_1256 = tpu.vector_load %arg18[%get3A_1254, %get3A_1255] {strides = array<i32>} : memref<80x128xf32, #tpu.memory_space<vmem>>, vector<16xf32>,
        %mul3A_1257 = arith.mulf %get3A_1253, %get3A_1256 : vector<16xf32>
        %add3A_1258 = arith.addf %add3A_1250, %mul3A_1257 : vector<16xf32>
        %get3A_1259 = arith.index_cast %add3A_1219 : i32 to index
        %get3A_1260 = arith.constant 64 : index
        %get3A_1261 = tpu.vector_load %arg17[%get3A_1259, %get3A_1260] {strides = array<i32>} : memref<80x128xf32, #tpu.memory_space<vmem>>, vector<16xf32>,
        %get3A_1262 = arith.index_cast %add3A_1219 : i32 to index
        %get3A_1263 = arith.constant 64 : index
        %get3A_1264 = tpu.vector_load %arg18[%get3A_1262, %get3A_1263] {strides = array<i32>} : memref<80x128xf32, #tpu.memory_space<vmem>>, vector<16xf32>,
        %mul3A_1265 = arith.mulf %get3A_1261, %get3A_1264 : vector<16xf32>
        %add3A_1266 = arith.addf %add3A_1258, %mul3A_1265 : vector<16xf32>
        %get3A_1267 = arith.index_cast %add3A_1219 : i32 to index
        %get3A_1268 = arith.constant 80 : index
        %get3A_1269 = tpu.vector_load %arg17[%get3A_1267, %get3A_1268] {strides = array<i32>} : memref<80x128xf32, #tpu.memory_space<vmem>>, vector<16xf32>,
        %get3A_1270 = arith.index_cast %add3A_1219 : i32 to index
        %get3A_1271 = arith.constant 80 : index
        %get3A_1272 = tpu.vector_load %arg18[%get3A_1270, %get3A_1271] {strides = array<i32>} : memref<80x128xf32, #tpu.memory_space<vmem>>, vector<16xf32>,
        %mul3A_1273 = arith.mulf %get3A_1269, %get3A_1272 : vector<16xf32>
        %add3A_1274 = arith.addf %add3A_1266, %mul3A_1273 : vector<16xf32>
        %get3A_1275 = arith.index_cast %add3A_1219 : i32 to index
        %get3A_1276 = arith.constant 96 : index
        %get3A_1277 = tpu.vector_load %arg17[%get3A_1275, %get3A_1276] {strides = array<i32>} : memref<80x128xf32, #tpu.memory_space<vmem>>, vector<16xf32>,
        %get3A_1278 = arith.index_cast %add3A_1219 : i32 to index
        %get3A_1279 = arith.constant 96 : index
        %get3A_1280 = tpu.vector_load %arg18[%get3A_1278, %get3A_1279] {strides = array<i32>} : memref<80x128xf32, #tpu.memory_space<vmem>>, vector<16xf32>,
        %mul3A_1281 = arith.mulf %get3A_1277, %get3A_1280 : vector<16xf32>
        %add3A_1282 = arith.addf %add3A_1274, %mul3A_1281 : vector<16xf32>
        %get3A_1283 = arith.index_cast %add3A_1219 : i32 to index
        %get3A_1284 = arith.constant 112 : index
        %get3A_1285 = tpu.vector_load %arg17[%get3A_1283, %get3A_1284] {strides = array<i32>} : memref<80x128xf32, #tpu.memory_space<vmem>>, vector<16xf32>,
        %get3A_1286 = arith.index_cast %add3A_1219 : i32 to index
        %get3A_1287 = arith.constant 112 : index
        %get3A_1288 = tpu.vector_load %arg18[%get3A_1286, %get3A_1287] {strides = array<i32>} : memref<80x128xf32, #tpu.memory_space<vmem>>, vector<16xf32>,
        %mul3A_1289 = arith.mulf %get3A_1285, %get3A_1288 : vector<16xf32>
        %add3A_1290 = arith.addf %add3A_1282, %mul3A_1289 : vector<16xf32>
        %swap3A_1291 = arith.constant 15 : i32
        %swap3A_1292 = arith.index_cast %swap3A_1291 : i32 to index
        %swap3A_1293 = arith.constant 0 : index
        %swap3A_1294 = tpu.vector_load %arg22[%swap3A_1292, %swap3A_1293] {strides = array<i32>} : memref<16x17xf32, #tpu.memory_space<vmem>>, vector<16xf32>,
        tpu.vector_store %arg22[%swap3A_1292, %swap3A_1293], %add3A_1290 {strides = array<i32>} : memref<16x17xf32, #tpu.memory_space<vmem>>, vector<16xf32>,
        %broadcast_in_dim3A = arith.constant 0 : i32
        %broadcast_in_dim3A_1295 = vector.broadcast %broadcast_in_dim3A : i32 to vector<16xi32>
        %gather3A = tpu.vector_load_idx %arg22[%iota3A, %broadcast_in_dim3A_1295] : memref<16x17xf32, #tpu.memory_space<vmem>>[vector<16xi32>, vector<16xi32>], vector<16xf32>,
        %broadcast_in_dim3A_1296 = arith.constant 1 : i32
        %broadcast_in_dim3A_1297 = vector.broadcast %broadcast_in_dim3A_1296 : i32 to vector<16xi32>
        %gather3A_1298 = tpu.vector_load_idx %arg22[%iota3A, %broadcast_in_dim3A_1297] : memref<16x17xf32, #tpu.memory_space<vmem>>[vector<16xi32>, vector<16xi32>], vector<16xf32>,
        %add3A_1299 = arith.addf %gather3A, %gather3A_1298 : vector<16xf32>
        %broadcast_in_dim3A_1300 = arith.constant 2 : i32
        %broadcast_in_dim3A_1301 = vector.broadcast %broadcast_in_dim3A_1300 : i32 to vector<16xi32>
        %gather3A_1302 = tpu.vector_load_idx %arg22[%iota3A, %broadcast_in_dim3A_1301] : memref<16x17xf32, #tpu.memory_space<vmem>>[vector<16xi32>, vector<16xi32>], vector<16xf32>,
        %add3A_1303 = arith.addf %add3A_1299, %gather3A_1302 : vector<16xf32>
        %broadcast_in_dim3A_1304 = arith.constant 3 : i32
        %broadcast_in_dim3A_1305 = vector.broadcast %broadcast_in_dim3A_1304 : i32 to vector<16xi32>
        %gather3A_1306 = tpu.vector_load_idx %arg22[%iota3A, %broadcast_in_dim3A_1305] : memref<16x17xf32, #tpu.memory_space<vmem>>[vector<16xi32>, vector<16xi32>], vector<16xf32>,
        %add3A_1307 = arith.addf %add3A_1303, %gather3A_1306 : vector<16xf32>
        %broadcast_in_dim3A_1308 = arith.constant 4 : i32
        %broadcast_in_dim3A_1309 = vector.broadcast %broadcast_in_dim3A_1308 : i32 to vector<16xi32>
        %gather3A_1310 = tpu.vector_load_idx %arg22[%iota3A, %broadcast_in_dim3A_1309] : memref<16x17xf32, #tpu.memory_space<vmem>>[vector<16xi32>, vector<16xi32>], vector<16xf32>,
        %add3A_1311 = arith.addf %add3A_1307, %gather3A_1310 : vector<16xf32>
        %broadcast_in_dim3A_1312 = arith.constant 5 : i32
        %broadcast_in_dim3A_1313 = vector.broadcast %broadcast_in_dim3A_1312 : i32 to vector<16xi32>
        %gather3A_1314 = tpu.vector_load_idx %arg22[%iota3A, %broadcast_in_dim3A_1313] : memref<16x17xf32, #tpu.memory_space<vmem>>[vector<16xi32>, vector<16xi32>], vector<16xf32>,
        %add3A_1315 = arith.addf %add3A_1311, %gather3A_1314 : vector<16xf32>
        %broadcast_in_dim3A_1316 = arith.constant 6 : i32
        %broadcast_in_dim3A_1317 = vector.broadcast %broadcast_in_dim3A_1316 : i32 to vector<16xi32>
        %gather3A_1318 = tpu.vector_load_idx %arg22[%iota3A, %broadcast_in_dim3A_1317] : memref<16x17xf32, #tpu.memory_space<vmem>>[vector<16xi32>, vector<16xi32>], vector<16xf32>,
        %add3A_1319 = arith.addf %add3A_1315, %gather3A_1318 : vector<16xf32>
        %broadcast_in_dim3A_1320 = arith.constant 7 : i32
        %broadcast_in_dim3A_1321 = vector.broadcast %broadcast_in_dim3A_1320 : i32 to vector<16xi32>
        %gather3A_1322 = tpu.vector_load_idx %arg22[%iota3A, %broadcast_in_dim3A_1321] : memref<16x17xf32, #tpu.memory_space<vmem>>[vector<16xi32>, vector<16xi32>], vector<16xf32>,
        %add3A_1323 = arith.addf %add3A_1319, %gather3A_1322 : vector<16xf32>
        %broadcast_in_dim3A_1324 = arith.constant 8 : i32
        %broadcast_in_dim3A_1325 = vector.broadcast %broadcast_in_dim3A_1324 : i32 to vector<16xi32>
        %gather3A_1326 = tpu.vector_load_idx %arg22[%iota3A, %broadcast_in_dim3A_1325] : memref<16x17xf32, #tpu.memory_space<vmem>>[vector<16xi32>, vector<16xi32>], vector<16xf32>,
        %add3A_1327 = arith.addf %add3A_1323, %gather3A_1326 : vector<16xf32>
        %broadcast_in_dim3A_1328 = arith.constant 9 : i32
        %broadcast_in_dim3A_1329 = vector.broadcast %broadcast_in_dim3A_1328 : i32 to vector<16xi32>
        %gather3A_1330 = tpu.vector_load_idx %arg22[%iota3A, %broadcast_in_dim3A_1329] : memref<16x17xf32, #tpu.memory_space<vmem>>[vector<16xi32>, vector<16xi32>], vector<16xf32>,
        %add3A_1331 = arith.addf %add3A_1327, %gather3A_1330 : vector<16xf32>
        %broadcast_in_dim3A_1332 = arith.constant 10 : i32
        %broadcast_in_dim3A_1333 = vector.broadcast %broadcast_in_dim3A_1332 : i32 to vector<16xi32>
        %gather3A_1334 = tpu.vector_load_idx %arg22[%iota3A, %broadcast_in_dim3A_1333] : memref<16x17xf32, #tpu.memory_space<vmem>>[vector<16xi32>, vector<16xi32>], vector<16xf32>,
        %add3A_1335 = arith.addf %add3A_1331, %gather3A_1334 : vector<16xf32>
        %broadcast_in_dim3A_1336 = arith.constant 11 : i32
        %broadcast_in_dim3A_1337 = vector.broadcast %broadcast_in_dim3A_1336 : i32 to vector<16xi32>
        %gather3A_1338 = tpu.vector_load_idx %arg22[%iota3A, %broadcast_in_dim3A_1337] : memref<16x17xf32, #tpu.memory_space<vmem>>[vector<16xi32>, vector<16xi32>], vector<16xf32>,
        %add3A_1339 = arith.addf %add3A_1335, %gather3A_1338 : vector<16xf32>
        %broadcast_in_dim3A_1340 = arith.constant 12 : i32
        %broadcast_in_dim3A_1341 = vector.broadcast %broadcast_in_dim3A_1340 : i32 to vector<16xi32>
        %gather3A_1342 = tpu.vector_load_idx %arg22[%iota3A, %broadcast_in_dim3A_1341] : memref<16x17xf32, #tpu.memory_space<vmem>>[vector<16xi32>, vector<16xi32>], vector<16xf32>,
        %add3A_1343 = arith.addf %add3A_1339, %gather3A_1342 : vector<16xf32>
        %broadcast_in_dim3A_1344 = arith.constant 13 : i32
        %broadcast_in_dim3A_1345 = vector.broadcast %broadcast_in_dim3A_1344 : i32 to vector<16xi32>
        %gather3A_1346 = tpu.vector_load_idx %arg22[%iota3A, %broadcast_in_dim3A_1345] : memref<16x17xf32, #tpu.memory_space<vmem>>[vector<16xi32>, vector<16xi32>], vector<16xf32>,
        %add3A_1347 = arith.addf %add3A_1343, %gather3A_1346 : vector<16xf32>
        %broadcast_in_dim3A_1348 = arith.constant 14 : i32
        %broadcast_in_dim3A_1349 = vector.broadcast %broadcast_in_dim3A_1348 : i32 to vector<16xi32>
        %gather3A_1350 = tpu.vector_load_idx %arg22[%iota3A, %broadcast_in_dim3A_1349] : memref<16x17xf32, #tpu.memory_space<vmem>>[vector<16xi32>, vector<16xi32>], vector<16xf32>,
        %add3A_1351 = arith.addf %add3A_1347, %gather3A_1350 : vector<16xf32>
        %broadcast_in_dim3A_1352 = arith.constant 15 : i32
        %broadcast_in_dim3A_1353 = vector.broadcast %broadcast_in_dim3A_1352 : i32 to vector<16xi32>
        %gather3A_1354 = tpu.vector_load_idx %arg22[%iota3A, %broadcast_in_dim3A_1353] : memref<16x17xf32, #tpu.memory_space<vmem>>[vector<16xi32>, vector<16xi32>], vector<16xf32>,
        %add3A_1355 = arith.addf %add3A_1351, %gather3A_1354 : vector<16xf32>
        %mul3A_1356 = arith.constant 0.0883883461 : f32
        %mul3A_1357 = vector.broadcast %mul3A_1356 : f32 to vector<16xf32>
        %mul3A_1358 = arith.mulf %add3A_1355, %mul3A_1357 : vector<16xf32>
        %exp3A = math.exp %mul3A_1358 : vector<16xf32>
        %swap3A_1359 = arith.index_cast %mul3A_64 : i32 to index
        %swap3A_1360 = tpu.vector_load %arg23[%swap3A_1359] {strides = array<i32>} : memref<80xf32, #tpu.memory_space<vmem>>, vector<16xf32>,
        tpu.vector_store %arg23[%swap3A_1359], %exp3A {strides = array<i32>} : memref<80xf32, #tpu.memory_space<vmem>>, vector<16xf32>,
        %get3A_1361 = arith.index_cast %mul3A_64 : i32 to index
        %get3A_1362 = tpu.vector_load %arg16[%get3A_1361] {strides = array<i32>} : memref<80xi32, #tpu.memory_space<vmem>>, vector<16xi32>,
        tpu.vector_store_idx %arg24[%get3A_1362], %exp3A {add = true} : memref<10000xf32, #tpu.memory_space<vmem>>[vector<16xi32>], vector<16xf32>,
        %scan3A_1363 = arith.constant 0 : i32
        scf.yield %scan3A_1363 : i32
      }
      %scan3A_39 = arith.constant 5 : i32
      %dma_start3A_40 = arith.constant 0 : i32
      %dma_start3A_41 = arith.constant 0 : i32
      %dma_start3A_42 = tpu.memref_slice %arg7[%dma_start3A_40, %dma_start3A_41] : memref<10112x128xf32, #tpu.memory_space<hbm>> -> memref<10112x128xf32, #tpu.memory_space<hbm>>
      tpu.enqueue_indirect_dma source(%dma_start3A_42 : memref<10112x128xf32, #tpu.memory_space<hbm>>) target(%arg17 : memref<80x128xf32, #tpu.memory_space<vmem>>) offsets(%arg15 : memref<80xi32, #tpu.memory_space<vmem>>) semaphore(%arg29 : memref<!tpu.dma_semaphore, #tpu.memory_space<semaphore_mem>>)
      %scan3A_43 = arith.constant 0 : i32
      %scan3A_44 = arith.constant 0 : i32
      %scan3A_45 = arith.constant 80 : i32
      %scan3A_46 = arith.addi %scan3A_44, %scan3A_45 : i32
      %scan3A_47 = arith.constant 1 : i32
      %scan3A_48 = scf.for %scan3A_61 = %scan3A_44 to %scan3A_46 step %scan3A_47 iter_args(%scan3A_62 = %scan3A_43) -> (i32)  : i32 {
        %broadcast_in_dim3A = vector.broadcast %scan3A_61 : i32 to vector<16xi32>
        %gather3A = tpu.vector_load_idx %arg23[%broadcast_in_dim3A] : memref<80xf32, #tpu.memory_space<vmem>>[vector<16xi32>], vector<16xf32>,
        %get3A = arith.index_cast %scan3A_61 : i32 to index
        %get3A_63 = arith.constant 0 : index
        %get3A_64 = tpu.vector_load %arg20[%get3A, %get3A_63] {strides = array<i32>} : memref<80x16xf32, #tpu.memory_space<vmem>>, vector<16xf32>,
        %mul3A_65 = arith.mulf %get3A_64, %gather3A : vector<16xf32>
        %swap3A = arith.index_cast %scan3A_61 : i32 to index
        %swap3A_66 = arith.constant 0 : index
        %swap3A_67 = tpu.vector_load %arg21[%swap3A, %swap3A_66] {strides = array<i32>} : memref<80x16xf32, #tpu.memory_space<vmem>>, vector<16xf32>,
        tpu.vector_store %arg21[%swap3A, %swap3A_66], %mul3A_65 {strides = array<i32>} : memref<80x16xf32, #tpu.memory_space<vmem>>, vector<16xf32>,
        %scan3A_68 = arith.constant 0 : i32
        scf.yield %scan3A_68 : i32
      }
      %scan3A_49 = arith.constant 80 : i32
      %dma_wait3A_50 = arith.constant 0 : i32
      %dma_wait3A_51 = arith.constant 0 : i32
      %dma_wait3A_52 = tpu.memref_slice %arg7[%dma_wait3A_50, %dma_wait3A_51] : memref<10112x128xf32, #tpu.memory_space<hbm>> -> memref<10112x128xf32, #tpu.memory_space<hbm>>
      tpu.wait_indirect_dma semaphore(%arg29 : memref<!tpu.dma_semaphore, #tpu.memory_space<semaphore_mem>>) src(%dma_wait3A_52 : memref<10112x128xf32, #tpu.memory_space<hbm>>) dst(%arg17 : memref<80x128xf32, #tpu.memory_space<vmem>>)
      %scan3A_53 = arith.constant 0 : i32
      %scan3A_54 = arith.constant 0 : i32
      %scan3A_55 = arith.constant 80 : i32
      %scan3A_56 = arith.addi %scan3A_54, %scan3A_55 : i32
      %scan3A_57 = arith.constant 1 : i32
      %scan3A_58 = scf.for %scan3A_61 = %scan3A_54 to %scan3A_56 step %scan3A_57 iter_args(%scan3A_62 = %scan3A_53) -> (i32)  : i32 {
        %broadcast_in_dim3A = vector.broadcast %scan3A_61 : i32 to vector<16xi32>
        %gather3A = tpu.vector_load_idx %arg23[%broadcast_in_dim3A] : memref<80xf32, #tpu.memory_space<vmem>>[vector<16xi32>], vector<16xf32>,
        %get3A = arith.index_cast %scan3A_61 : i32 to index
        %get3A_63 = arith.constant 0 : index
        %get3A_64 = tpu.vector_load %arg17[%get3A, %get3A_63] {strides = array<i32>} : memref<80x128xf32, #tpu.memory_space<vmem>>, vector<16xf32>,
        %mul3A_65 = arith.mulf %get3A_64, %gather3A : vector<16xf32>
        %swap3A = arith.index_cast %scan3A_61 : i32 to index
        %swap3A_66 = arith.constant 0 : index
        %swap3A_67 = tpu.vector_load %arg17[%swap3A, %swap3A_66] {strides = array<i32>} : memref<80x128xf32, #tpu.memory_space<vmem>>, vector<16xf32>,
        tpu.vector_store %arg17[%swap3A, %swap3A_66], %mul3A_65 {strides = array<i32>} : memref<80x128xf32, #tpu.memory_space<vmem>>, vector<16xf32>,
        %get3A_68 = arith.index_cast %scan3A_61 : i32 to index
        %get3A_69 = arith.constant 16 : index
        %get3A_70 = tpu.vector_load %arg17[%get3A_68, %get3A_69] {strides = array<i32>} : memref<80x128xf32, #tpu.memory_space<vmem>>, vector<16xf32>,
        %mul3A_71 = arith.mulf %get3A_70, %gather3A : vector<16xf32>
        %swap3A_72 = arith.index_cast %scan3A_61 : i32 to index
        %swap3A_73 = arith.constant 16 : index
        %swap3A_74 = tpu.vector_load %arg17[%swap3A_72, %swap3A_73] {strides = array<i32>} : memref<80x128xf32, #tpu.memory_space<vmem>>, vector<16xf32>,
        tpu.vector_store %arg17[%swap3A_72, %swap3A_73], %mul3A_71 {strides = array<i32>} : memref<80x128xf32, #tpu.memory_space<vmem>>, vector<16xf32>,
        %get3A_75 = arith.index_cast %scan3A_61 : i32 to index
        %get3A_76 = arith.constant 32 : index
        %get3A_77 = tpu.vector_load %arg17[%get3A_75, %get3A_76] {strides = array<i32>} : memref<80x128xf32, #tpu.memory_space<vmem>>, vector<16xf32>,
        %mul3A_78 = arith.mulf %get3A_77, %gather3A : vector<16xf32>
        %swap3A_79 = arith.index_cast %scan3A_61 : i32 to index
        %swap3A_80 = arith.constant 32 : index
        %swap3A_81 = tpu.vector_load %arg17[%swap3A_79, %swap3A_80] {strides = array<i32>} : memref<80x128xf32, #tpu.memory_space<vmem>>, vector<16xf32>,
        tpu.vector_store %arg17[%swap3A_79, %swap3A_80], %mul3A_78 {strides = array<i32>} : memref<80x128xf32, #tpu.memory_space<vmem>>, vector<16xf32>,
        %get3A_82 = arith.index_cast %scan3A_61 : i32 to index
        %get3A_83 = arith.constant 48 : index
        %get3A_84 = tpu.vector_load %arg17[%get3A_82, %get3A_83] {strides = array<i32>} : memref<80x128xf32, #tpu.memory_space<vmem>>, vector<16xf32>,
        %mul3A_85 = arith.mulf %get3A_84, %gather3A : vector<16xf32>
        %swap3A_86 = arith.index_cast %scan3A_61 : i32 to index
        %swap3A_87 = arith.constant 48 : index
        %swap3A_88 = tpu.vector_load %arg17[%swap3A_86, %swap3A_87] {strides = array<i32>} : memref<80x128xf32, #tpu.memory_space<vmem>>, vector<16xf32>,
        tpu.vector_store %arg17[%swap3A_86, %swap3A_87], %mul3A_85 {strides = array<i32>} : memref<80x128xf32, #tpu.memory_space<vmem>>, vector<16xf32>,
        %get3A_89 = arith.index_cast %scan3A_61 : i32 to index
        %get3A_90 = arith.constant 64 : index
        %get3A_91 = tpu.vector_load %arg17[%get3A_89, %get3A_90] {strides = array<i32>} : memref<80x128xf32, #tpu.memory_space<vmem>>, vector<16xf32>,
        %mul3A_92 = arith.mulf %get3A_91, %gather3A : vector<16xf32>
        %swap3A_93 = arith.index_cast %scan3A_61 : i32 to index
        %swap3A_94 = arith.constant 64 : index
        %swap3A_95 = tpu.vector_load %arg17[%swap3A_93, %swap3A_94] {strides = array<i32>} : memref<80x128xf32, #tpu.memory_space<vmem>>, vector<16xf32>,
        tpu.vector_store %arg17[%swap3A_93, %swap3A_94], %mul3A_92 {strides = array<i32>} : memref<80x128xf32, #tpu.memory_space<vmem>>, vector<16xf32>,
        %get3A_96 = arith.index_cast %scan3A_61 : i32 to index
        %get3A_97 = arith.constant 80 : index
        %get3A_98 = tpu.vector_load %arg17[%get3A_96, %get3A_97] {strides = array<i32>} : memref<80x128xf32, #tpu.memory_space<vmem>>, vector<16xf32>,
        %mul3A_99 = arith.mulf %get3A_98, %gather3A : vector<16xf32>
        %swap3A_100 = arith.index_cast %scan3A_61 : i32 to index
        %swap3A_101 = arith.constant 80 : index
        %swap3A_102 = tpu.vector_load %arg17[%swap3A_100, %swap3A_101] {strides = array<i32>} : memref<80x128xf32, #tpu.memory_space<vmem>>, vector<16xf32>,
        tpu.vector_store %arg17[%swap3A_100, %swap3A_101], %mul3A_99 {strides = array<i32>} : memref<80x128xf32, #tpu.memory_space<vmem>>, vector<16xf32>,
        %get3A_103 = arith.index_cast %scan3A_61 : i32 to index
        %get3A_104 = arith.constant 96 : index
        %get3A_105 = tpu.vector_load %arg17[%get3A_103, %get3A_104] {strides = array<i32>} : memref<80x128xf32, #tpu.memory_space<vmem>>, vector<16xf32>,
        %mul3A_106 = arith.mulf %get3A_105, %gather3A : vector<16xf32>
        %swap3A_107 = arith.index_cast %scan3A_61 : i32 to index
        %swap3A_108 = arith.constant 96 : index
        %swap3A_109 = tpu.vector_load %arg17[%swap3A_107, %swap3A_108] {strides = array<i32>} : memref<80x128xf32, #tpu.memory_space<vmem>>, vector<16xf32>,
        tpu.vector_store %arg17[%swap3A_107, %swap3A_108], %mul3A_106 {strides = array<i32>} : memref<80x128xf32, #tpu.memory_space<vmem>>, vector<16xf32>,
        %get3A_110 = arith.index_cast %scan3A_61 : i32 to index
        %get3A_111 = arith.constant 112 : index
        %get3A_112 = tpu.vector_load %arg17[%get3A_110, %get3A_111] {strides = array<i32>} : memref<80x128xf32, #tpu.memory_space<vmem>>, vector<16xf32>,
        %mul3A_113 = arith.mulf %get3A_112, %gather3A : vector<16xf32>
        %swap3A_114 = arith.index_cast %scan3A_61 : i32 to index
        %swap3A_115 = arith.constant 112 : index
        %swap3A_116 = tpu.vector_load %arg17[%swap3A_114, %swap3A_115] {strides = array<i32>} : memref<80x128xf32, #tpu.memory_space<vmem>>, vector<16xf32>,
        tpu.vector_store %arg17[%swap3A_114, %swap3A_115], %mul3A_113 {strides = array<i32>} : memref<80x128xf32, #tpu.memory_space<vmem>>, vector<16xf32>,
        %scan3A_117 = arith.constant 0 : i32
        scf.yield %scan3A_117 : i32
      }
      %scan3A_59 = arith.constant 80 : i32
      "tpu.region"() ({
        %run_scoped3A = tpu.sem_alloc : memref<!tpu.dma_semaphore, #tpu.memory_space<semaphore_mem>>
        %dma_start3A_61 = arith.constant 0 : i32
        %dma_start3A_62 = arith.constant 0 : i32
        %dma_start3A_63 = tpu.memref_slice %arg25[%dma_start3A_61, %dma_start3A_62] : memref<10000x128xf32, #tpu.memory_space<vmem_shared>> -> memref<10000x128xf32, #tpu.memory_space<vmem_shared>>
        tpu.enqueue_indirect_dma source(%arg17 : memref<80x128xf32, #tpu.memory_space<vmem>>) target(%dma_start3A_63 : memref<10000x128xf32, #tpu.memory_space<vmem_shared>>) offsets(%arg16 : memref<80xi32, #tpu.memory_space<vmem>>) semaphore(%run_scoped3A : memref<!tpu.dma_semaphore, #tpu.memory_space<semaphore_mem>>) {add = true}
        %dma_wait3A_64 = arith.constant 0 : i32
        %dma_wait3A_65 = arith.constant 0 : i32
        %dma_wait3A_66 = tpu.memref_slice %arg25[%dma_wait3A_64, %dma_wait3A_65] : memref<10000x128xf32, #tpu.memory_space<vmem_shared>> -> memref<10000x128xf32, #tpu.memory_space<vmem_shared>>
        tpu.wait_indirect_dma semaphore(%run_scoped3A : memref<!tpu.dma_semaphore, #tpu.memory_space<semaphore_mem>>) src(%arg17 : memref<80x128xf32, #tpu.memory_space<vmem>>) dst(%dma_wait3A_66 : memref<10000x128xf32, #tpu.memory_space<vmem_shared>>)
        tpu.yield
      }) : () -> ()
      "tpu.region"() ({
        %run_scoped3A = tpu.sem_alloc : memref<!tpu.dma_semaphore, #tpu.memory_space<semaphore_mem>>
        %dma_start3A_61 = arith.constant 0 : i32
        %dma_start3A_62 = arith.constant 0 : i32
        %dma_start3A_63 = tpu.memref_slice %arg26[%dma_start3A_61, %dma_start3A_62] : memref<10000x16xf32, #tpu.memory_space<vmem_shared>> -> memref<10000x16xf32, #tpu.memory_space<vmem_shared>>
        tpu.enqueue_indirect_dma source(%arg21 : memref<80x16xf32, #tpu.memory_space<vmem>>) target(%dma_start3A_63 : memref<10000x16xf32, #tpu.memory_space<vmem_shared>>) offsets(%arg16 : memref<80xi32, #tpu.memory_space<vmem>>) semaphore(%run_scoped3A : memref<!tpu.dma_semaphore, #tpu.memory_space<semaphore_mem>>) {add = true}
        %dma_wait3A_64 = arith.constant 0 : i32
        %dma_wait3A_65 = arith.constant 0 : i32
        %dma_wait3A_66 = tpu.memref_slice %arg26[%dma_wait3A_64, %dma_wait3A_65] : memref<10000x16xf32, #tpu.memory_space<vmem_shared>> -> memref<10000x16xf32, #tpu.memory_space<vmem_shared>>
        tpu.wait_indirect_dma semaphore(%run_scoped3A : memref<!tpu.dma_semaphore, #tpu.memory_space<semaphore_mem>>) src(%arg21 : memref<80x16xf32, #tpu.memory_space<vmem>>) dst(%dma_wait3A_66 : memref<10000x16xf32, #tpu.memory_space<vmem_shared>>)
        tpu.yield
      }) : () -> ()
      %scan3A_60 = arith.constant 0 : i32
      scf.yield %scan3A_60 : i32
    }
    %scan3A_10 = arith.constant 125 : i32
    "tpu.region"() ({
      %run_scoped3A = tpu.sem_alloc : memref<!tpu.dma_semaphore, #tpu.memory_space<semaphore_mem>>
      %dma_start3A = arith.constant 0 : i32
      %dma_start3A_12 = tpu.memref_slice %arg14[%add3A, %dma_start3A] : memref<32x10112xf32, #tpu.memory_space<hbm>> -> memref<1x10000xf32, #tpu.memory_space<hbm>>
      %dma_start3A_13 = tpu.memref_squeeze %dma_start3A_12 : memref<1x10000xf32, #tpu.memory_space<hbm>> -> memref<10000xf32, #tpu.memory_space<hbm>>
      %dma_start3A_14 = arith.constant 0 : i32
      %dma_start3A_15 = tpu.memref_slice %arg14[%add3A, %dma_start3A_14] : memref<32x10112xf32, #tpu.memory_space<hbm>> -> memref<1x10000xf32, #tpu.memory_space<hbm>>
      %dma_start3A_16 = tpu.memref_squeeze %dma_start3A_15 : memref<1x10000xf32, #tpu.memory_space<hbm>> -> memref<10000xf32, #tpu.memory_space<hbm>>
      tpu.enqueue_dma source(%arg24 : memref<10000xf32, #tpu.memory_space<vmem>>) target(%dma_start3A_16 : memref<10000xf32, #tpu.memory_space<hbm>>) target_semaphore(%run_scoped3A : memref<!tpu.dma_semaphore, #tpu.memory_space<semaphore_mem>>)
      %dma_wait3A = arith.constant 0 : i32
      %dma_wait3A_17 = tpu.memref_slice %arg14[%add3A, %dma_wait3A] : memref<32x10112xf32, #tpu.memory_space<hbm>> -> memref<1x10000xf32, #tpu.memory_space<hbm>>
      %dma_wait3A_18 = tpu.memref_squeeze %dma_wait3A_17 : memref<1x10000xf32, #tpu.memory_space<hbm>> -> memref<10000xf32, #tpu.memory_space<hbm>>
      %dma_wait3A_19 = arith.constant 0 : i32
      %dma_wait3A_20 = tpu.memref_slice %arg14[%add3A, %dma_wait3A_19] : memref<32x10112xf32, #tpu.memory_space<hbm>> -> memref<1x10000xf32, #tpu.memory_space<hbm>>
      %dma_wait3A_21 = tpu.memref_squeeze %dma_wait3A_20 : memref<1x10000xf32, #tpu.memory_space<hbm>> -> memref<10000xf32, #tpu.memory_space<hbm>>
      tpu.wait_dma2 semaphore(%run_scoped3A : memref<!tpu.dma_semaphore, #tpu.memory_space<semaphore_mem>>) src(%arg24 : memref<10000xf32, #tpu.memory_space<vmem>>) dst(%dma_wait3A_21 : memref<10000xf32, #tpu.memory_space<hbm>>)
      tpu.yield
    }) : () -> ()
    %barrier3A_11 = arith.constant 0 : index
    tpu.barrier barrier_id(%barrier3A_11)
    "tpu.region"() ({
      %run_scoped3A = tpu.sem_alloc : memref<!tpu.dma_semaphore, #tpu.memory_space<semaphore_mem>>
      %dma_start3A = arith.constant 0 : i32
      %dma_start3A_12 = tpu.memref_slice %arg12[%arg0, %mul3A_4, %dma_start3A] : memref<2x10112x128xf32, #tpu.memory_space<hbm>> -> memref<1x625x128xf32, #tpu.memory_space<hbm>>
      %dma_start3A_13 = tpu.memref_squeeze %dma_start3A_12 : memref<1x625x128xf32, #tpu.memory_space<hbm>> -> memref<625x128xf32, #tpu.memory_space<hbm>>
      %dma_start3A_14 = arith.constant 0 : i32
      %dma_start3A_15 = tpu.memref_slice %arg25[%mul3A_4, %dma_start3A_14] : memref<10000x128xf32, #tpu.memory_space<vmem_shared>> -> memref<625x128xf32, #tpu.memory_space<vmem_shared>>
      tpu.enqueue_dma source(%dma_start3A_15 : memref<625x128xf32, #tpu.memory_space<vmem_shared>>) target(%dma_start3A_13 : memref<625x128xf32, #tpu.memory_space<hbm>>) target_semaphore(%run_scoped3A : memref<!tpu.dma_semaphore, #tpu.memory_space<semaphore_mem>>)
      %dma_wait3A = arith.constant 0 : i32
      %dma_wait3A_16 = tpu.memref_slice %arg12[%arg0, %mul3A_4, %dma_wait3A] : memref<2x10112x128xf32, #tpu.memory_space<hbm>> -> memref<1x625x128xf32, #tpu.memory_space<hbm>>
      %dma_wait3A_17 = tpu.memref_squeeze %dma_wait3A_16 : memref<1x625x128xf32, #tpu.memory_space<hbm>> -> memref<625x128xf32, #tpu.memory_space<hbm>>
      %dma_wait3A_18 = arith.constant 0 : i32
      %dma_wait3A_19 = tpu.memref_slice %arg25[%mul3A_4, %dma_wait3A_18] : memref<10000x128xf32, #tpu.memory_space<vmem_shared>> -> memref<625x128xf32, #tpu.memory_space<vmem_shared>>
      tpu.wait_dma2 semaphore(%run_scoped3A : memref<!tpu.dma_semaphore, #tpu.memory_space<semaphore_mem>>) src(%dma_wait3A_19 : memref<625x128xf32, #tpu.memory_space<vmem_shared>>) dst(%dma_wait3A_17 : memref<625x128xf32, #tpu.memory_space<hbm>>)
      tpu.yield
    }) : () -> ()
    "tpu.region"() ({
      %run_scoped3A = tpu.sem_alloc : memref<!tpu.dma_semaphore, #tpu.memory_space<semaphore_mem>>
      %dma_start3A = arith.constant 0 : i32
      %dma_start3A_12 = tpu.memref_slice %arg13[%arg0, %mul3A_4, %dma_start3A] : memref<2x10112x16xf32, #tpu.memory_space<hbm>> -> memref<1x625x16xf32, #tpu.memory_space<hbm>>
      %dma_start3A_13 = tpu.memref_squeeze %dma_start3A_12 : memref<1x625x16xf32, #tpu.memory_space<hbm>> -> memref<625x16xf32, #tpu.memory_space<hbm>>
      %dma_start3A_14 = arith.constant 0 : i32
      %dma_start3A_15 = tpu.memref_slice %arg26[%mul3A_4, %dma_start3A_14] : memref<10000x16xf32, #tpu.memory_space<vmem_shared>> -> memref<625x16xf32, #tpu.memory_space<vmem_shared>>
      tpu.enqueue_dma source(%dma_start3A_15 : memref<625x16xf32, #tpu.memory_space<vmem_shared>>) target(%dma_start3A_13 : memref<625x16xf32, #tpu.memory_space<hbm>>) target_semaphore(%run_scoped3A : memref<!tpu.dma_semaphore, #tpu.memory_space<semaphore_mem>>)
      %dma_wait3A = arith.constant 0 : i32
      %dma_wait3A_16 = tpu.memref_slice %arg13[%arg0, %mul3A_4, %dma_wait3A] : memref<2x10112x16xf32, #tpu.memory_space<hbm>> -> memref<1x625x16xf32, #tpu.memory_space<hbm>>
      %dma_wait3A_17 = tpu.memref_squeeze %dma_wait3A_16 : memref<1x625x16xf32, #tpu.memory_space<hbm>> -> memref<625x16xf32, #tpu.memory_space<hbm>>
      %dma_wait3A_18 = arith.constant 0 : i32
      %dma_wait3A_19 = tpu.memref_slice %arg26[%mul3A_4, %dma_wait3A_18] : memref<10000x16xf32, #tpu.memory_space<vmem_shared>> -> memref<625x16xf32, #tpu.memory_space<vmem_shared>>
      tpu.wait_dma2 semaphore(%run_scoped3A : memref<!tpu.dma_semaphore, #tpu.memory_space<semaphore_mem>>) src(%dma_wait3A_19 : memref<625x16xf32, #tpu.memory_space<vmem_shared>>) dst(%dma_wait3A_17 : memref<625x16xf32, #tpu.memory_space<hbm>>)
      tpu.yield
    }) : () -> ()
    return
  }
}

#map = affine_map<(d0, d1) -> (0)>
#map1 = affine_map<(d0, d1) -> (0, 0)>
#map2 = affine_map<(d0, d1) -> (0, 0, 0)>
module attributes {stable_mosaic.version = 14 : i64} {
  func.func @_edge_body(%arg0: i32, %arg1: i32, %arg2: memref<320000xi32, #tpu.memory_space<hbm>>, %arg3: memref<320000xi32, #tpu.memory_space<hbm>>, %arg4: memref<320000x16xf32, #tpu.memory_space<hbm>>, %arg5: memref<10112x128xf32, #tpu.memory_space<hbm>>, %arg6: memref<10112x128xf32, #tpu.memory_space<hbm>>, %arg7: memref<10112x128xf32, #tpu.memory_space<hbm>>, %arg8: memref<10112x16xf32, #tpu.memory_space<hbm>>, %arg9: memref<10000x128xf32, #tpu.memory_space<hbm>>, %arg10: memref<10000x16xf32, #tpu.memory_space<hbm>>, %arg11: memref<10000xf32, #tpu.memory_space<hbm>>, %arg12: memref<2x10112x128xf32, #tpu.memory_space<hbm>>, %arg13: memref<2x10112x16xf32, #tpu.memory_space<hbm>>, %arg14: memref<32x10112xf32, #tpu.memory_space<hbm>>, %arg15: memref<80xi32, #tpu.memory_space<vmem>>, %arg16: memref<80xi32, #tpu.memory_space<vmem>>, %arg17: memref<80x128xf32, #tpu.memory_space<vmem>>, %arg18: memref<80x128xf32, #tpu.memory_space<vmem>>, %arg19: memref<80x16xf32, #tpu.memory_space<vmem>>, %arg20: memref<80x16xf32, #tpu.memory_space<vmem>>, %arg21: memref<80x16xf32, #tpu.memory_space<vmem>>, %arg22: memref<16x17xf32, #tpu.memory_space<vmem>>, %arg23: memref<80xf32, #tpu.memory_space<vmem>>, %arg24: memref<10000xf32, #tpu.memory_space<vmem>>, %arg25: memref<10000x128xf32, #tpu.memory_space<vmem_shared>>, %arg26: memref<10000x16xf32, #tpu.memory_space<vmem_shared>>, %arg27: memref<!tpu.dma_semaphore, #tpu.memory_space<semaphore_mem>>, %arg28: memref<!tpu.dma_semaphore, #tpu.memory_space<semaphore_mem>>, %arg29: memref<!tpu.dma_semaphore, #tpu.memory_space<semaphore_mem>>, %arg30: memref<!tpu.dma_semaphore, #tpu.memory_space<semaphore_mem>>) attributes {dimension_semantics = [#tpu.dimension_semantics<core_parallel>, #tpu.dimension_semantics<subcore_parallel>], iteration_bounds = array<i64: 2, 16>, scalar_prefetch = 0 : i64, scratch_operands = 16 : i64, tpu.core_type = #tpu.core_type<sc_vector_subcore>, window_params = [{transform_indices = #map}, {transform_indices = #map}, {transform_indices = #map1}, {transform_indices = #map1}, {transform_indices = #map1}, {transform_indices = #map1}, {transform_indices = #map1}, {transform_indices = #map1}, {transform_indices = #map1}, {transform_indices = #map}, {transform_indices = #map2}, {transform_indices = #map2}, {transform_indices = #map1}]} {
    %mul3A = arith.constant 2 : i32
    %mul3A_0 = arith.muli %arg1, %mul3A : i32
    %add3A = arith.addi %mul3A_0, %arg0 : i32
    %mul3A_1 = arith.constant 10000 : i32
    %mul3A_2 = arith.muli %add3A, %mul3A_1 : i32
    %mul3A_3 = arith.constant 625 : i32
    %mul3A_4 = arith.muli %arg1, %mul3A_3 : i32
    "tpu.region"() ({
      %run_scoped3A = tpu.sem_alloc : memref<!tpu.dma_semaphore, #tpu.memory_space<semaphore_mem>>
      %dma_start3A = arith.constant 0 : i32
      %dma_start3A_12 = tpu.memref_slice %arg25[%mul3A_4, %dma_start3A] : memref<10000x128xf32, #tpu.memory_space<vmem_shared>> -> memref<625x128xf32, #tpu.memory_space<vmem_shared>>
      %dma_start3A_13 = arith.constant 0 : i32
      %dma_start3A_14 = tpu.memref_slice %arg9[%mul3A_4, %dma_start3A_13] : memref<10000x128xf32, #tpu.memory_space<hbm>> -> memref<625x128xf32, #tpu.memory_space<hbm>>
      tpu.enqueue_dma source(%dma_start3A_14 : memref<625x128xf32, #tpu.memory_space<hbm>>) target(%dma_start3A_12 : memref<625x128xf32, #tpu.memory_space<vmem_shared>>) target_semaphore(%run_scoped3A : memref<!tpu.dma_semaphore, #tpu.memory_space<semaphore_mem>>)
      %dma_wait3A = arith.constant 0 : i32
      %dma_wait3A_15 = tpu.memref_slice %arg25[%mul3A_4, %dma_wait3A] : memref<10000x128xf32, #tpu.memory_space<vmem_shared>> -> memref<625x128xf32, #tpu.memory_space<vmem_shared>>
      %dma_wait3A_16 = arith.constant 0 : i32
      %dma_wait3A_17 = tpu.memref_slice %arg9[%mul3A_4, %dma_wait3A_16] : memref<10000x128xf32, #tpu.memory_space<hbm>> -> memref<625x128xf32, #tpu.memory_space<hbm>>
      tpu.wait_dma2 semaphore(%run_scoped3A : memref<!tpu.dma_semaphore, #tpu.memory_space<semaphore_mem>>) src(%dma_wait3A_17 : memref<625x128xf32, #tpu.memory_space<hbm>>) dst(%dma_wait3A_15 : memref<625x128xf32, #tpu.memory_space<vmem_shared>>)
      tpu.yield
    }) : () -> ()
    "tpu.region"() ({
      %run_scoped3A = tpu.sem_alloc : memref<!tpu.dma_semaphore, #tpu.memory_space<semaphore_mem>>
      %dma_start3A = arith.constant 0 : i32
      %dma_start3A_12 = tpu.memref_slice %arg26[%mul3A_4, %dma_start3A] : memref<10000x16xf32, #tpu.memory_space<vmem_shared>> -> memref<625x16xf32, #tpu.memory_space<vmem_shared>>
      %dma_start3A_13 = arith.constant 0 : i32
      %dma_start3A_14 = tpu.memref_slice %arg10[%mul3A_4, %dma_start3A_13] : memref<10000x16xf32, #tpu.memory_space<hbm>> -> memref<625x16xf32, #tpu.memory_space<hbm>>
      tpu.enqueue_dma source(%dma_start3A_14 : memref<625x16xf32, #tpu.memory_space<hbm>>) target(%dma_start3A_12 : memref<625x16xf32, #tpu.memory_space<vmem_shared>>) target_semaphore(%run_scoped3A : memref<!tpu.dma_semaphore, #tpu.memory_space<semaphore_mem>>)
      %dma_wait3A = arith.constant 0 : i32
      %dma_wait3A_15 = tpu.memref_slice %arg26[%mul3A_4, %dma_wait3A] : memref<10000x16xf32, #tpu.memory_space<vmem_shared>> -> memref<625x16xf32, #tpu.memory_space<vmem_shared>>
      %dma_wait3A_16 = arith.constant 0 : i32
      %dma_wait3A_17 = tpu.memref_slice %arg10[%mul3A_4, %dma_wait3A_16] : memref<10000x16xf32, #tpu.memory_space<hbm>> -> memref<625x16xf32, #tpu.memory_space<hbm>>
      tpu.wait_dma2 semaphore(%run_scoped3A : memref<!tpu.dma_semaphore, #tpu.memory_space<semaphore_mem>>) src(%dma_wait3A_17 : memref<625x16xf32, #tpu.memory_space<hbm>>) dst(%dma_wait3A_15 : memref<625x16xf32, #tpu.memory_space<vmem_shared>>)
      tpu.yield
    }) : () -> ()
    "tpu.region"() ({
      %run_scoped3A = tpu.sem_alloc : memref<!tpu.dma_semaphore, #tpu.memory_space<semaphore_mem>>
      tpu.enqueue_dma source(%arg11 : memref<10000xf32, #tpu.memory_space<hbm>>) target(%arg24 : memref<10000xf32, #tpu.memory_space<vmem>>) target_semaphore(%run_scoped3A : memref<!tpu.dma_semaphore, #tpu.memory_space<semaphore_mem>>)
      tpu.wait_dma2 semaphore(%run_scoped3A : memref<!tpu.dma_semaphore, #tpu.memory_space<semaphore_mem>>) src(%arg11 : memref<10000xf32, #tpu.memory_space<hbm>>) dst(%arg24 : memref<10000xf32, #tpu.memory_space<vmem>>)
      tpu.yield
    }) : () -> ()
    %barrier3A = arith.constant 0 : index
    tpu.barrier barrier_id(%barrier3A)
    %iota3A = tpu.iota {dimensions = array<i32: 0>} : vector<16xi32>
    %scan3A = arith.constant 0 : i32
    %scan3A_5 = arith.constant 0 : i32
    %scan3A_6 = arith.constant 125 : i32
    %scan3A_7 = arith.addi %scan3A_5, %scan3A_6 : i32
    %scan3A_8 = arith.constant 1 : i32
    %scan3A_9 = scf.for %scan3A_12 = %scan3A_5 to %scan3A_7 step %scan3A_8 iter_args(%scan3A_13 = %scan3A) -> (i32)  : i32 {
      %mul3A_14 = arith.constant 80 : i32
      %mul3A_15 = arith.muli %scan3A_12, %mul3A_14 : i32
      %add3A_16 = arith.addi %mul3A_2, %mul3A_15 : i32
      "tpu.region"() ({
        %run_scoped3A = tpu.sem_alloc : memref<!tpu.dma_semaphore, #tpu.memory_space<semaphore_mem>>
        %dma_start3A_61 = tpu.memref_slice %arg2[%add3A_16] : memref<320000xi32, #tpu.memory_space<hbm>> -> memref<80xi32, #tpu.memory_space<hbm>>
        %dma_start3A_62 = tpu.memref_slice %arg2[%add3A_16] : memref<320000xi32, #tpu.memory_space<hbm>> -> memref<80xi32, #tpu.memory_space<hbm>>
        tpu.enqueue_dma source(%dma_start3A_62 : memref<80xi32, #tpu.memory_space<hbm>>) target(%arg15 : memref<80xi32, #tpu.memory_space<vmem>>) target_semaphore(%run_scoped3A : memref<!tpu.dma_semaphore, #tpu.memory_space<semaphore_mem>>)
        %dma_wait3A_63 = tpu.memref_slice %arg2[%add3A_16] : memref<320000xi32, #tpu.memory_space<hbm>> -> memref<80xi32, #tpu.memory_space<hbm>>
        %dma_wait3A_64 = tpu.memref_slice %arg2[%add3A_16] : memref<320000xi32, #tpu.memory_space<hbm>> -> memref<80xi32, #tpu.memory_space<hbm>>
        tpu.wait_dma2 semaphore(%run_scoped3A : memref<!tpu.dma_semaphore, #tpu.memory_space<semaphore_mem>>) src(%dma_wait3A_64 : memref<80xi32, #tpu.memory_space<hbm>>) dst(%arg15 : memref<80xi32, #tpu.memory_space<vmem>>)
        tpu.yield
      }) : () -> ()
      "tpu.region"() ({
        %run_scoped3A = tpu.sem_alloc : memref<!tpu.dma_semaphore, #tpu.memory_space<semaphore_mem>>
        %dma_start3A_61 = tpu.memref_slice %arg3[%add3A_16] : memref<320000xi32, #tpu.memory_space<hbm>> -> memref<80xi32, #tpu.memory_space<hbm>>
        %dma_start3A_62 = tpu.memref_slice %arg3[%add3A_16] : memref<320000xi32, #tpu.memory_space<hbm>> -> memref<80xi32, #tpu.memory_space<hbm>>
        tpu.enqueue_dma source(%dma_start3A_62 : memref<80xi32, #tpu.memory_space<hbm>>) target(%arg16 : memref<80xi32, #tpu.memory_space<vmem>>) target_semaphore(%run_scoped3A : memref<!tpu.dma_semaphore, #tpu.memory_space<semaphore_mem>>)
        %dma_wait3A_63 = tpu.memref_slice %arg3[%add3A_16] : memref<320000xi32, #tpu.memory_space<hbm>> -> memref<80xi32, #tpu.memory_space<hbm>>
        %dma_wait3A_64 = tpu.memref_slice %arg3[%add3A_16] : memref<320000xi32, #tpu.memory_space<hbm>> -> memref<80xi32, #tpu.memory_space<hbm>>
        tpu.wait_dma2 semaphore(%run_scoped3A : memref<!tpu.dma_semaphore, #tpu.memory_space<semaphore_mem>>) src(%dma_wait3A_64 : memref<80xi32, #tpu.memory_space<hbm>>) dst(%arg16 : memref<80xi32, #tpu.memory_space<vmem>>)
        tpu.yield
      }) : () -> ()
      %dma_start3A = arith.constant 0 : i32
      %dma_start3A_17 = arith.constant 0 : i32
      %dma_start3A_18 = tpu.memref_slice %arg5[%dma_start3A, %dma_start3A_17] : memref<10112x128xf32, #tpu.memory_space<hbm>> -> memref<10112x128xf32, #tpu.memory_space<hbm>>
      tpu.enqueue_indirect_dma source(%dma_start3A_18 : memref<10112x128xf32, #tpu.memory_space<hbm>>) target(%arg17 : memref<80x128xf32, #tpu.memory_space<vmem>>) offsets(%arg16 : memref<80xi32, #tpu.memory_space<vmem>>) semaphore(%arg27 : memref<!tpu.dma_semaphore, #tpu.memory_space<semaphore_mem>>)
      %dma_start3A_19 = arith.constant 0 : i32
      %dma_start3A_20 = arith.constant 0 : i32
      %dma_start3A_21 = tpu.memref_slice %arg6[%dma_start3A_19, %dma_start3A_20] : memref<10112x128xf32, #tpu.memory_space<hbm>> -> memref<10112x128xf32, #tpu.memory_space<hbm>>
      tpu.enqueue_indirect_dma source(%dma_start3A_21 : memref<10112x128xf32, #tpu.memory_space<hbm>>) target(%arg18 : memref<80x128xf32, #tpu.memory_space<vmem>>) offsets(%arg15 : memref<80xi32, #tpu.memory_space<vmem>>) semaphore(%arg28 : memref<!tpu.dma_semaphore, #tpu.memory_space<semaphore_mem>>)
      %dma_start3A_22 = arith.constant 0 : i32
      %dma_start3A_23 = arith.constant 0 : i32
      %dma_start3A_24 = tpu.memref_slice %arg8[%dma_start3A_22, %dma_start3A_23] : memref<10112x16xf32, #tpu.memory_space<hbm>> -> memref<10112x16xf32, #tpu.memory_space<hbm>>
      tpu.enqueue_indirect_dma source(%dma_start3A_24 : memref<10112x16xf32, #tpu.memory_space<hbm>>) target(%arg19 : memref<80x16xf32, #tpu.memory_space<vmem>>) offsets(%arg16 : memref<80xi32, #tpu.memory_space<vmem>>) semaphore(%arg30 : memref<!tpu.dma_semaphore, #tpu.memory_space<semaphore_mem>>)
      "tpu.region"() ({
        %run_scoped3A = tpu.sem_alloc : memref<!tpu.dma_semaphore, #tpu.memory_space<semaphore_mem>>
        %dma_start3A_61 = arith.constant 0 : i32
        %dma_start3A_62 = tpu.memref_slice %arg4[%add3A_16, %dma_start3A_61] : memref<320000x16xf32, #tpu.memory_space<hbm>> -> memref<80x16xf32, #tpu.memory_space<hbm>>
        %dma_start3A_63 = arith.constant 0 : i32
        %dma_start3A_64 = tpu.memref_slice %arg4[%add3A_16, %dma_start3A_63] : memref<320000x16xf32, #tpu.memory_space<hbm>> -> memref<80x16xf32, #tpu.memory_space<hbm>>
        tpu.enqueue_dma source(%dma_start3A_64 : memref<80x16xf32, #tpu.memory_space<hbm>>) target(%arg20 : memref<80x16xf32, #tpu.memory_space<vmem>>) target_semaphore(%run_scoped3A : memref<!tpu.dma_semaphore, #tpu.memory_space<semaphore_mem>>)
        %dma_wait3A_65 = arith.constant 0 : i32
        %dma_wait3A_66 = tpu.memref_slice %arg4[%add3A_16, %dma_wait3A_65] : memref<320000x16xf32, #tpu.memory_space<hbm>> -> memref<80x16xf32, #tpu.memory_space<hbm>>
        %dma_wait3A_67 = arith.constant 0 : i32
        %dma_wait3A_68 = tpu.memref_slice %arg4[%add3A_16, %dma_wait3A_67] : memref<320000x16xf32, #tpu.memory_space<hbm>> -> memref<80x16xf32, #tpu.memory_space<hbm>>
        tpu.wait_dma2 semaphore(%run_scoped3A : memref<!tpu.dma_semaphore, #tpu.memory_space<semaphore_mem>>) src(%dma_wait3A_68 : memref<80x16xf32, #tpu.memory_space<hbm>>) dst(%arg20 : memref<80x16xf32, #tpu.memory_space<vmem>>)
        tpu.yield
      }) : () -> ()
      %dma_wait3A = arith.constant 0 : i32
      %dma_wait3A_25 = arith.constant 0 : i32
      %dma_wait3A_26 = tpu.memref_slice %arg5[%dma_wait3A, %dma_wait3A_25] : memref<10112x128xf32, #tpu.memory_space<hbm>> -> memref<10112x128xf32, #tpu.memory_space<hbm>>
      tpu.wait_indirect_dma semaphore(%arg27 : memref<!tpu.dma_semaphore, #tpu.memory_space<semaphore_mem>>) src(%dma_wait3A_26 : memref<10112x128xf32, #tpu.memory_space<hbm>>) dst(%arg17 : memref<80x128xf32, #tpu.memory_space<vmem>>)
      %dma_wait3A_27 = arith.constant 0 : i32
      %dma_wait3A_28 = arith.constant 0 : i32
      %dma_wait3A_29 = tpu.memref_slice %arg6[%dma_wait3A_27, %dma_wait3A_28] : memref<10112x128xf32, #tpu.memory_space<hbm>> -> memref<10112x128xf32, #tpu.memory_space<hbm>>
      tpu.wait_indirect_dma semaphore(%arg28 : memref<!tpu.dma_semaphore, #tpu.memory_space<semaphore_mem>>) src(%dma_wait3A_29 : memref<10112x128xf32, #tpu.memory_space<hbm>>) dst(%arg18 : memref<80x128xf32, #tpu.memory_space<vmem>>)
      %dma_wait3A_30 = arith.constant 0 : i32
      %dma_wait3A_31 = arith.constant 0 : i32
      %dma_wait3A_32 = tpu.memref_slice %arg8[%dma_wait3A_30, %dma_wait3A_31] : memref<10112x16xf32, #tpu.memory_space<hbm>> -> memref<10112x16xf32, #tpu.memory_space<hbm>>
      tpu.wait_indirect_dma semaphore(%arg30 : memref<!tpu.dma_semaphore, #tpu.memory_space<semaphore_mem>>) src(%dma_wait3A_32 : memref<10112x16xf32, #tpu.memory_space<hbm>>) dst(%arg19 : memref<80x16xf32, #tpu.memory_space<vmem>>)
      %scan3A_33 = arith.constant 0 : i32
      %scan3A_34 = arith.constant 0 : i32
      %scan3A_35 = arith.constant 5 : i32
      %scan3A_36 = arith.addi %scan3A_34, %scan3A_35 : i32
      %scan3A_37 = arith.constant 1 : i32
      %scan3A_38 = scf.for %scan3A_61 = %scan3A_34 to %scan3A_36 step %scan3A_37 iter_args(%scan3A_62 = %scan3A_33) -> (i32)  : i32 {
        %mul3A_63 = arith.constant 16 : i32
        %mul3A_64 = arith.muli %scan3A_61, %mul3A_63 : i32
        %add3A_65 = arith.constant 0 : i32
        %add3A_66 = arith.addi %mul3A_64, %add3A_65 : i32
        %get3A = arith.index_cast %add3A_66 : i32 to index
        %get3A_67 = arith.constant 0 : index
        %get3A_68 = tpu.vector_load %arg19[%get3A, %get3A_67] {strides = array<i32>} : memref<80x16xf32, #tpu.memory_space<vmem>>, vector<16xf32>,
        %get3A_69 = arith.index_cast %add3A_66 : i32 to index
        %get3A_70 = arith.constant 0 : index
        %get3A_71 = tpu.vector_load %arg20[%get3A_69, %get3A_70] {strides = array<i32>} : memref<80x16xf32, #tpu.memory_space<vmem>>, vector<16xf32>,
        %mul3A_72 = arith.mulf %get3A_68, %get3A_71 : vector<16xf32>
        %get3A_73 = arith.index_cast %add3A_66 : i32 to index
        %get3A_74 = arith.constant 0 : index
        %get3A_75 = tpu.vector_load %arg17[%get3A_73, %get3A_74] {strides = array<i32>} : memref<80x128xf32, #tpu.memory_space<vmem>>, vector<16xf32>,
        %get3A_76 = arith.index_cast %add3A_66 : i32 to index
        %get3A_77 = arith.constant 0 : index
        %get3A_78 = tpu.vector_load %arg18[%get3A_76, %get3A_77] {strides = array<i32>} : memref<80x128xf32, #tpu.memory_space<vmem>>, vector<16xf32>,
        %mul3A_79 = arith.mulf %get3A_75, %get3A_78 : vector<16xf32>
        %add3A_80 = arith.addf %mul3A_72, %mul3A_79 : vector<16xf32>
        %get3A_81 = arith.index_cast %add3A_66 : i32 to index
        %get3A_82 = arith.constant 16 : index
        %get3A_83 = tpu.vector_load %arg17[%get3A_81, %get3A_82] {strides = array<i32>} : memref<80x128xf32, #tpu.memory_space<vmem>>, vector<16xf32>,
        %get3A_84 = arith.index_cast %add3A_66 : i32 to index
        %get3A_85 = arith.constant 16 : index
        %get3A_86 = tpu.vector_load %arg18[%get3A_84, %get3A_85] {strides = array<i32>} : memref<80x128xf32, #tpu.memory_space<vmem>>, vector<16xf32>,
        %mul3A_87 = arith.mulf %get3A_83, %get3A_86 : vector<16xf32>
        %add3A_88 = arith.addf %add3A_80, %mul3A_87 : vector<16xf32>
        %get3A_89 = arith.index_cast %add3A_66 : i32 to index
        %get3A_90 = arith.constant 32 : index
        %get3A_91 = tpu.vector_load %arg17[%get3A_89, %get3A_90] {strides = array<i32>} : memref<80x128xf32, #tpu.memory_space<vmem>>, vector<16xf32>,
        %get3A_92 = arith.index_cast %add3A_66 : i32 to index
        %get3A_93 = arith.constant 32 : index
        %get3A_94 = tpu.vector_load %arg18[%get3A_92, %get3A_93] {strides = array<i32>} : memref<80x128xf32, #tpu.memory_space<vmem>>, vector<16xf32>,
        %mul3A_95 = arith.mulf %get3A_91, %get3A_94 : vector<16xf32>
        %add3A_96 = arith.addf %add3A_88, %mul3A_95 : vector<16xf32>
        %get3A_97 = arith.index_cast %add3A_66 : i32 to index
        %get3A_98 = arith.constant 48 : index
        %get3A_99 = tpu.vector_load %arg17[%get3A_97, %get3A_98] {strides = array<i32>} : memref<80x128xf32, #tpu.memory_space<vmem>>, vector<16xf32>,
        %get3A_100 = arith.index_cast %add3A_66 : i32 to index
        %get3A_101 = arith.constant 48 : index
        %get3A_102 = tpu.vector_load %arg18[%get3A_100, %get3A_101] {strides = array<i32>} : memref<80x128xf32, #tpu.memory_space<vmem>>, vector<16xf32>,
        %mul3A_103 = arith.mulf %get3A_99, %get3A_102 : vector<16xf32>
        %add3A_104 = arith.addf %add3A_96, %mul3A_103 : vector<16xf32>
        %get3A_105 = arith.index_cast %add3A_66 : i32 to index
        %get3A_106 = arith.constant 64 : index
        %get3A_107 = tpu.vector_load %arg17[%get3A_105, %get3A_106] {strides = array<i32>} : memref<80x128xf32, #tpu.memory_space<vmem>>, vector<16xf32>,
        %get3A_108 = arith.index_cast %add3A_66 : i32 to index
        %get3A_109 = arith.constant 64 : index
        %get3A_110 = tpu.vector_load %arg18[%get3A_108, %get3A_109] {strides = array<i32>} : memref<80x128xf32, #tpu.memory_space<vmem>>, vector<16xf32>,
        %mul3A_111 = arith.mulf %get3A_107, %get3A_110 : vector<16xf32>
        %add3A_112 = arith.addf %add3A_104, %mul3A_111 : vector<16xf32>
        %get3A_113 = arith.index_cast %add3A_66 : i32 to index
        %get3A_114 = arith.constant 80 : index
        %get3A_115 = tpu.vector_load %arg17[%get3A_113, %get3A_114] {strides = array<i32>} : memref<80x128xf32, #tpu.memory_space<vmem>>, vector<16xf32>,
        %get3A_116 = arith.index_cast %add3A_66 : i32 to index
        %get3A_117 = arith.constant 80 : index
        %get3A_118 = tpu.vector_load %arg18[%get3A_116, %get3A_117] {strides = array<i32>} : memref<80x128xf32, #tpu.memory_space<vmem>>, vector<16xf32>,
        %mul3A_119 = arith.mulf %get3A_115, %get3A_118 : vector<16xf32>
        %add3A_120 = arith.addf %add3A_112, %mul3A_119 : vector<16xf32>
        %get3A_121 = arith.index_cast %add3A_66 : i32 to index
        %get3A_122 = arith.constant 96 : index
        %get3A_123 = tpu.vector_load %arg17[%get3A_121, %get3A_122] {strides = array<i32>} : memref<80x128xf32, #tpu.memory_space<vmem>>, vector<16xf32>,
        %get3A_124 = arith.index_cast %add3A_66 : i32 to index
        %get3A_125 = arith.constant 96 : index
        %get3A_126 = tpu.vector_load %arg18[%get3A_124, %get3A_125] {strides = array<i32>} : memref<80x128xf32, #tpu.memory_space<vmem>>, vector<16xf32>,
        %mul3A_127 = arith.mulf %get3A_123, %get3A_126 : vector<16xf32>
        %add3A_128 = arith.addf %add3A_120, %mul3A_127 : vector<16xf32>
        %get3A_129 = arith.index_cast %add3A_66 : i32 to index
        %get3A_130 = arith.constant 112 : index
        %get3A_131 = tpu.vector_load %arg17[%get3A_129, %get3A_130] {strides = array<i32>} : memref<80x128xf32, #tpu.memory_space<vmem>>, vector<16xf32>,
        %get3A_132 = arith.index_cast %add3A_66 : i32 to index
        %get3A_133 = arith.constant 112 : index
        %get3A_134 = tpu.vector_load %arg18[%get3A_132, %get3A_133] {strides = array<i32>} : memref<80x128xf32, #tpu.memory_space<vmem>>, vector<16xf32>,
        %mul3A_135 = arith.mulf %get3A_131, %get3A_134 : vector<16xf32>
        %add3A_136 = arith.addf %add3A_128, %mul3A_135 : vector<16xf32>
        %swap3A = arith.constant 0 : i32
        %swap3A_137 = arith.index_cast %swap3A : i32 to index
        %swap3A_138 = arith.constant 0 : index
        %swap3A_139 = tpu.vector_load %arg22[%swap3A_137, %swap3A_138] {strides = array<i32>} : memref<16x17xf32, #tpu.memory_space<vmem>>, vector<16xf32>,
        tpu.vector_store %arg22[%swap3A_137, %swap3A_138], %add3A_136 {strides = array<i32>} : memref<16x17xf32, #tpu.memory_space<vmem>>, vector<16xf32>,
        %add3A_140 = arith.constant 1 : i32
        %add3A_141 = arith.addi %mul3A_64, %add3A_140 : i32
        %get3A_142 = arith.index_cast %add3A_141 : i32 to index
        %get3A_143 = arith.constant 0 : index
        %get3A_144 = tpu.vector_load %arg19[%get3A_142, %get3A_143] {strides = array<i32>} : memref<80x16xf32, #tpu.memory_space<vmem>>, vector<16xf32>,
        %get3A_145 = arith.index_cast %add3A_141 : i32 to index
        %get3A_146 = arith.constant 0 : index
        %get3A_147 = tpu.vector_load %arg20[%get3A_145, %get3A_146] {strides = array<i32>} : memref<80x16xf32, #tpu.memory_space<vmem>>, vector<16xf32>,
        %mul3A_148 = arith.mulf %get3A_144, %get3A_147 : vector<16xf32>
        %get3A_149 = arith.index_cast %add3A_141 : i32 to index
        %get3A_150 = arith.constant 0 : index
        %get3A_151 = tpu.vector_load %arg17[%get3A_149, %get3A_150] {strides = array<i32>} : memref<80x128xf32, #tpu.memory_space<vmem>>, vector<16xf32>,
        %get3A_152 = arith.index_cast %add3A_141 : i32 to index
        %get3A_153 = arith.constant 0 : index
        %get3A_154 = tpu.vector_load %arg18[%get3A_152, %get3A_153] {strides = array<i32>} : memref<80x128xf32, #tpu.memory_space<vmem>>, vector<16xf32>,
        %mul3A_155 = arith.mulf %get3A_151, %get3A_154 : vector<16xf32>
        %add3A_156 = arith.addf %mul3A_148, %mul3A_155 : vector<16xf32>
        %get3A_157 = arith.index_cast %add3A_141 : i32 to index
        %get3A_158 = arith.constant 16 : index
        %get3A_159 = tpu.vector_load %arg17[%get3A_157, %get3A_158] {strides = array<i32>} : memref<80x128xf32, #tpu.memory_space<vmem>>, vector<16xf32>,
        %get3A_160 = arith.index_cast %add3A_141 : i32 to index
        %get3A_161 = arith.constant 16 : index
        %get3A_162 = tpu.vector_load %arg18[%get3A_160, %get3A_161] {strides = array<i32>} : memref<80x128xf32, #tpu.memory_space<vmem>>, vector<16xf32>,
        %mul3A_163 = arith.mulf %get3A_159, %get3A_162 : vector<16xf32>
        %add3A_164 = arith.addf %add3A_156, %mul3A_163 : vector<16xf32>
        %get3A_165 = arith.index_cast %add3A_141 : i32 to index
        %get3A_166 = arith.constant 32 : index
        %get3A_167 = tpu.vector_load %arg17[%get3A_165, %get3A_166] {strides = array<i32>} : memref<80x128xf32, #tpu.memory_space<vmem>>, vector<16xf32>,
        %get3A_168 = arith.index_cast %add3A_141 : i32 to index
        %get3A_169 = arith.constant 32 : index
        %get3A_170 = tpu.vector_load %arg18[%get3A_168, %get3A_169] {strides = array<i32>} : memref<80x128xf32, #tpu.memory_space<vmem>>, vector<16xf32>,
        %mul3A_171 = arith.mulf %get3A_167, %get3A_170 : vector<16xf32>
        %add3A_172 = arith.addf %add3A_164, %mul3A_171 : vector<16xf32>
        %get3A_173 = arith.index_cast %add3A_141 : i32 to index
        %get3A_174 = arith.constant 48 : index
        %get3A_175 = tpu.vector_load %arg17[%get3A_173, %get3A_174] {strides = array<i32>} : memref<80x128xf32, #tpu.memory_space<vmem>>, vector<16xf32>,
        %get3A_176 = arith.index_cast %add3A_141 : i32 to index
        %get3A_177 = arith.constant 48 : index
        %get3A_178 = tpu.vector_load %arg18[%get3A_176, %get3A_177] {strides = array<i32>} : memref<80x128xf32, #tpu.memory_space<vmem>>, vector<16xf32>,
        %mul3A_179 = arith.mulf %get3A_175, %get3A_178 : vector<16xf32>
        %add3A_180 = arith.addf %add3A_172, %mul3A_179 : vector<16xf32>
        %get3A_181 = arith.index_cast %add3A_141 : i32 to index
        %get3A_182 = arith.constant 64 : index
        %get3A_183 = tpu.vector_load %arg17[%get3A_181, %get3A_182] {strides = array<i32>} : memref<80x128xf32, #tpu.memory_space<vmem>>, vector<16xf32>,
        %get3A_184 = arith.index_cast %add3A_141 : i32 to index
        %get3A_185 = arith.constant 64 : index
        %get3A_186 = tpu.vector_load %arg18[%get3A_184, %get3A_185] {strides = array<i32>} : memref<80x128xf32, #tpu.memory_space<vmem>>, vector<16xf32>,
        %mul3A_187 = arith.mulf %get3A_183, %get3A_186 : vector<16xf32>
        %add3A_188 = arith.addf %add3A_180, %mul3A_187 : vector<16xf32>
        %get3A_189 = arith.index_cast %add3A_141 : i32 to index
        %get3A_190 = arith.constant 80 : index
        %get3A_191 = tpu.vector_load %arg17[%get3A_189, %get3A_190] {strides = array<i32>} : memref<80x128xf32, #tpu.memory_space<vmem>>, vector<16xf32>,
        %get3A_192 = arith.index_cast %add3A_141 : i32 to index
        %get3A_193 = arith.constant 80 : index
        %get3A_194 = tpu.vector_load %arg18[%get3A_192, %get3A_193] {strides = array<i32>} : memref<80x128xf32, #tpu.memory_space<vmem>>, vector<16xf32>,
        %mul3A_195 = arith.mulf %get3A_191, %get3A_194 : vector<16xf32>
        %add3A_196 = arith.addf %add3A_188, %mul3A_195 : vector<16xf32>
        %get3A_197 = arith.index_cast %add3A_141 : i32 to index
        %get3A_198 = arith.constant 96 : index
        %get3A_199 = tpu.vector_load %arg17[%get3A_197, %get3A_198] {strides = array<i32>} : memref<80x128xf32, #tpu.memory_space<vmem>>, vector<16xf32>,
        %get3A_200 = arith.index_cast %add3A_141 : i32 to index
        %get3A_201 = arith.constant 96 : index
        %get3A_202 = tpu.vector_load %arg18[%get3A_200, %get3A_201] {strides = array<i32>} : memref<80x128xf32, #tpu.memory_space<vmem>>, vector<16xf32>,
        %mul3A_203 = arith.mulf %get3A_199, %get3A_202 : vector<16xf32>
        %add3A_204 = arith.addf %add3A_196, %mul3A_203 : vector<16xf32>
        %get3A_205 = arith.index_cast %add3A_141 : i32 to index
        %get3A_206 = arith.constant 112 : index
        %get3A_207 = tpu.vector_load %arg17[%get3A_205, %get3A_206] {strides = array<i32>} : memref<80x128xf32, #tpu.memory_space<vmem>>, vector<16xf32>,
        %get3A_208 = arith.index_cast %add3A_141 : i32 to index
        %get3A_209 = arith.constant 112 : index
        %get3A_210 = tpu.vector_load %arg18[%get3A_208, %get3A_209] {strides = array<i32>} : memref<80x128xf32, #tpu.memory_space<vmem>>, vector<16xf32>,
        %mul3A_211 = arith.mulf %get3A_207, %get3A_210 : vector<16xf32>
        %add3A_212 = arith.addf %add3A_204, %mul3A_211 : vector<16xf32>
        %swap3A_213 = arith.constant 1 : i32
        %swap3A_214 = arith.index_cast %swap3A_213 : i32 to index
        %swap3A_215 = arith.constant 0 : index
        %swap3A_216 = tpu.vector_load %arg22[%swap3A_214, %swap3A_215] {strides = array<i32>} : memref<16x17xf32, #tpu.memory_space<vmem>>, vector<16xf32>,
        tpu.vector_store %arg22[%swap3A_214, %swap3A_215], %add3A_212 {strides = array<i32>} : memref<16x17xf32, #tpu.memory_space<vmem>>, vector<16xf32>,
        %add3A_217 = arith.constant 2 : i32
        %add3A_218 = arith.addi %mul3A_64, %add3A_217 : i32
        %get3A_219 = arith.index_cast %add3A_218 : i32 to index
        %get3A_220 = arith.constant 0 : index
        %get3A_221 = tpu.vector_load %arg19[%get3A_219, %get3A_220] {strides = array<i32>} : memref<80x16xf32, #tpu.memory_space<vmem>>, vector<16xf32>,
        %get3A_222 = arith.index_cast %add3A_218 : i32 to index
        %get3A_223 = arith.constant 0 : index
        %get3A_224 = tpu.vector_load %arg20[%get3A_222, %get3A_223] {strides = array<i32>} : memref<80x16xf32, #tpu.memory_space<vmem>>, vector<16xf32>,
        %mul3A_225 = arith.mulf %get3A_221, %get3A_224 : vector<16xf32>
        %get3A_226 = arith.index_cast %add3A_218 : i32 to index
        %get3A_227 = arith.constant 0 : index
        %get3A_228 = tpu.vector_load %arg17[%get3A_226, %get3A_227] {strides = array<i32>} : memref<80x128xf32, #tpu.memory_space<vmem>>, vector<16xf32>,
        %get3A_229 = arith.index_cast %add3A_218 : i32 to index
        %get3A_230 = arith.constant 0 : index
        %get3A_231 = tpu.vector_load %arg18[%get3A_229, %get3A_230] {strides = array<i32>} : memref<80x128xf32, #tpu.memory_space<vmem>>, vector<16xf32>,
        %mul3A_232 = arith.mulf %get3A_228, %get3A_231 : vector<16xf32>
        %add3A_233 = arith.addf %mul3A_225, %mul3A_232 : vector<16xf32>
        %get3A_234 = arith.index_cast %add3A_218 : i32 to index
        %get3A_235 = arith.constant 16 : index
        %get3A_236 = tpu.vector_load %arg17[%get3A_234, %get3A_235] {strides = array<i32>} : memref<80x128xf32, #tpu.memory_space<vmem>>, vector<16xf32>,
        %get3A_237 = arith.index_cast %add3A_218 : i32 to index
        %get3A_238 = arith.constant 16 : index
        %get3A_239 = tpu.vector_load %arg18[%get3A_237, %get3A_238] {strides = array<i32>} : memref<80x128xf32, #tpu.memory_space<vmem>>, vector<16xf32>,
        %mul3A_240 = arith.mulf %get3A_236, %get3A_239 : vector<16xf32>
        %add3A_241 = arith.addf %add3A_233, %mul3A_240 : vector<16xf32>
        %get3A_242 = arith.index_cast %add3A_218 : i32 to index
        %get3A_243 = arith.constant 32 : index
        %get3A_244 = tpu.vector_load %arg17[%get3A_242, %get3A_243] {strides = array<i32>} : memref<80x128xf32, #tpu.memory_space<vmem>>, vector<16xf32>,
        %get3A_245 = arith.index_cast %add3A_218 : i32 to index
        %get3A_246 = arith.constant 32 : index
        %get3A_247 = tpu.vector_load %arg18[%get3A_245, %get3A_246] {strides = array<i32>} : memref<80x128xf32, #tpu.memory_space<vmem>>, vector<16xf32>,
        %mul3A_248 = arith.mulf %get3A_244, %get3A_247 : vector<16xf32>
        %add3A_249 = arith.addf %add3A_241, %mul3A_248 : vector<16xf32>
        %get3A_250 = arith.index_cast %add3A_218 : i32 to index
        %get3A_251 = arith.constant 48 : index
        %get3A_252 = tpu.vector_load %arg17[%get3A_250, %get3A_251] {strides = array<i32>} : memref<80x128xf32, #tpu.memory_space<vmem>>, vector<16xf32>,
        %get3A_253 = arith.index_cast %add3A_218 : i32 to index
        %get3A_254 = arith.constant 48 : index
        %get3A_255 = tpu.vector_load %arg18[%get3A_253, %get3A_254] {strides = array<i32>} : memref<80x128xf32, #tpu.memory_space<vmem>>, vector<16xf32>,
        %mul3A_256 = arith.mulf %get3A_252, %get3A_255 : vector<16xf32>
        %add3A_257 = arith.addf %add3A_249, %mul3A_256 : vector<16xf32>
        %get3A_258 = arith.index_cast %add3A_218 : i32 to index
        %get3A_259 = arith.constant 64 : index
        %get3A_260 = tpu.vector_load %arg17[%get3A_258, %get3A_259] {strides = array<i32>} : memref<80x128xf32, #tpu.memory_space<vmem>>, vector<16xf32>,
        %get3A_261 = arith.index_cast %add3A_218 : i32 to index
        %get3A_262 = arith.constant 64 : index
        %get3A_263 = tpu.vector_load %arg18[%get3A_261, %get3A_262] {strides = array<i32>} : memref<80x128xf32, #tpu.memory_space<vmem>>, vector<16xf32>,
        %mul3A_264 = arith.mulf %get3A_260, %get3A_263 : vector<16xf32>
        %add3A_265 = arith.addf %add3A_257, %mul3A_264 : vector<16xf32>
        %get3A_266 = arith.index_cast %add3A_218 : i32 to index
        %get3A_267 = arith.constant 80 : index
        %get3A_268 = tpu.vector_load %arg17[%get3A_266, %get3A_267] {strides = array<i32>} : memref<80x128xf32, #tpu.memory_space<vmem>>, vector<16xf32>,
        %get3A_269 = arith.index_cast %add3A_218 : i32 to index
        %get3A_270 = arith.constant 80 : index
        %get3A_271 = tpu.vector_load %arg18[%get3A_269, %get3A_270] {strides = array<i32>} : memref<80x128xf32, #tpu.memory_space<vmem>>, vector<16xf32>,
        %mul3A_272 = arith.mulf %get3A_268, %get3A_271 : vector<16xf32>
        %add3A_273 = arith.addf %add3A_265, %mul3A_272 : vector<16xf32>
        %get3A_274 = arith.index_cast %add3A_218 : i32 to index
        %get3A_275 = arith.constant 96 : index
        %get3A_276 = tpu.vector_load %arg17[%get3A_274, %get3A_275] {strides = array<i32>} : memref<80x128xf32, #tpu.memory_space<vmem>>, vector<16xf32>,
        %get3A_277 = arith.index_cast %add3A_218 : i32 to index
        %get3A_278 = arith.constant 96 : index
        %get3A_279 = tpu.vector_load %arg18[%get3A_277, %get3A_278] {strides = array<i32>} : memref<80x128xf32, #tpu.memory_space<vmem>>, vector<16xf32>,
        %mul3A_280 = arith.mulf %get3A_276, %get3A_279 : vector<16xf32>
        %add3A_281 = arith.addf %add3A_273, %mul3A_280 : vector<16xf32>
        %get3A_282 = arith.index_cast %add3A_218 : i32 to index
        %get3A_283 = arith.constant 112 : index
        %get3A_284 = tpu.vector_load %arg17[%get3A_282, %get3A_283] {strides = array<i32>} : memref<80x128xf32, #tpu.memory_space<vmem>>, vector<16xf32>,
        %get3A_285 = arith.index_cast %add3A_218 : i32 to index
        %get3A_286 = arith.constant 112 : index
        %get3A_287 = tpu.vector_load %arg18[%get3A_285, %get3A_286] {strides = array<i32>} : memref<80x128xf32, #tpu.memory_space<vmem>>, vector<16xf32>,
        %mul3A_288 = arith.mulf %get3A_284, %get3A_287 : vector<16xf32>
        %add3A_289 = arith.addf %add3A_281, %mul3A_288 : vector<16xf32>
        %swap3A_290 = arith.constant 2 : i32
        %swap3A_291 = arith.index_cast %swap3A_290 : i32 to index
        %swap3A_292 = arith.constant 0 : index
        %swap3A_293 = tpu.vector_load %arg22[%swap3A_291, %swap3A_292] {strides = array<i32>} : memref<16x17xf32, #tpu.memory_space<vmem>>, vector<16xf32>,
        tpu.vector_store %arg22[%swap3A_291, %swap3A_292], %add3A_289 {strides = array<i32>} : memref<16x17xf32, #tpu.memory_space<vmem>>, vector<16xf32>,
        %add3A_294 = arith.constant 3 : i32
        %add3A_295 = arith.addi %mul3A_64, %add3A_294 : i32
        %get3A_296 = arith.index_cast %add3A_295 : i32 to index
        %get3A_297 = arith.constant 0 : index
        %get3A_298 = tpu.vector_load %arg19[%get3A_296, %get3A_297] {strides = array<i32>} : memref<80x16xf32, #tpu.memory_space<vmem>>, vector<16xf32>,
        %get3A_299 = arith.index_cast %add3A_295 : i32 to index
        %get3A_300 = arith.constant 0 : index
        %get3A_301 = tpu.vector_load %arg20[%get3A_299, %get3A_300] {strides = array<i32>} : memref<80x16xf32, #tpu.memory_space<vmem>>, vector<16xf32>,
        %mul3A_302 = arith.mulf %get3A_298, %get3A_301 : vector<16xf32>
        %get3A_303 = arith.index_cast %add3A_295 : i32 to index
        %get3A_304 = arith.constant 0 : index
        %get3A_305 = tpu.vector_load %arg17[%get3A_303, %get3A_304] {strides = array<i32>} : memref<80x128xf32, #tpu.memory_space<vmem>>, vector<16xf32>,
        %get3A_306 = arith.index_cast %add3A_295 : i32 to index
        %get3A_307 = arith.constant 0 : index
        %get3A_308 = tpu.vector_load %arg18[%get3A_306, %get3A_307] {strides = array<i32>} : memref<80x128xf32, #tpu.memory_space<vmem>>, vector<16xf32>,
        %mul3A_309 = arith.mulf %get3A_305, %get3A_308 : vector<16xf32>
        %add3A_310 = arith.addf %mul3A_302, %mul3A_309 : vector<16xf32>
        %get3A_311 = arith.index_cast %add3A_295 : i32 to index
        %get3A_312 = arith.constant 16 : index
        %get3A_313 = tpu.vector_load %arg17[%get3A_311, %get3A_312] {strides = array<i32>} : memref<80x128xf32, #tpu.memory_space<vmem>>, vector<16xf32>,
        %get3A_314 = arith.index_cast %add3A_295 : i32 to index
        %get3A_315 = arith.constant 16 : index
        %get3A_316 = tpu.vector_load %arg18[%get3A_314, %get3A_315] {strides = array<i32>} : memref<80x128xf32, #tpu.memory_space<vmem>>, vector<16xf32>,
        %mul3A_317 = arith.mulf %get3A_313, %get3A_316 : vector<16xf32>
        %add3A_318 = arith.addf %add3A_310, %mul3A_317 : vector<16xf32>
        %get3A_319 = arith.index_cast %add3A_295 : i32 to index
        %get3A_320 = arith.constant 32 : index
        %get3A_321 = tpu.vector_load %arg17[%get3A_319, %get3A_320] {strides = array<i32>} : memref<80x128xf32, #tpu.memory_space<vmem>>, vector<16xf32>,
        %get3A_322 = arith.index_cast %add3A_295 : i32 to index
        %get3A_323 = arith.constant 32 : index
        %get3A_324 = tpu.vector_load %arg18[%get3A_322, %get3A_323] {strides = array<i32>} : memref<80x128xf32, #tpu.memory_space<vmem>>, vector<16xf32>,
        %mul3A_325 = arith.mulf %get3A_321, %get3A_324 : vector<16xf32>
        %add3A_326 = arith.addf %add3A_318, %mul3A_325 : vector<16xf32>
        %get3A_327 = arith.index_cast %add3A_295 : i32 to index
        %get3A_328 = arith.constant 48 : index
        %get3A_329 = tpu.vector_load %arg17[%get3A_327, %get3A_328] {strides = array<i32>} : memref<80x128xf32, #tpu.memory_space<vmem>>, vector<16xf32>,
        %get3A_330 = arith.index_cast %add3A_295 : i32 to index
        %get3A_331 = arith.constant 48 : index
        %get3A_332 = tpu.vector_load %arg18[%get3A_330, %get3A_331] {strides = array<i32>} : memref<80x128xf32, #tpu.memory_space<vmem>>, vector<16xf32>,
        %mul3A_333 = arith.mulf %get3A_329, %get3A_332 : vector<16xf32>
        %add3A_334 = arith.addf %add3A_326, %mul3A_333 : vector<16xf32>
        %get3A_335 = arith.index_cast %add3A_295 : i32 to index
        %get3A_336 = arith.constant 64 : index
        %get3A_337 = tpu.vector_load %arg17[%get3A_335, %get3A_336] {strides = array<i32>} : memref<80x128xf32, #tpu.memory_space<vmem>>, vector<16xf32>,
        %get3A_338 = arith.index_cast %add3A_295 : i32 to index
        %get3A_339 = arith.constant 64 : index
        %get3A_340 = tpu.vector_load %arg18[%get3A_338, %get3A_339] {strides = array<i32>} : memref<80x128xf32, #tpu.memory_space<vmem>>, vector<16xf32>,
        %mul3A_341 = arith.mulf %get3A_337, %get3A_340 : vector<16xf32>
        %add3A_342 = arith.addf %add3A_334, %mul3A_341 : vector<16xf32>
        %get3A_343 = arith.index_cast %add3A_295 : i32 to index
        %get3A_344 = arith.constant 80 : index
        %get3A_345 = tpu.vector_load %arg17[%get3A_343, %get3A_344] {strides = array<i32>} : memref<80x128xf32, #tpu.memory_space<vmem>>, vector<16xf32>,
        %get3A_346 = arith.index_cast %add3A_295 : i32 to index
        %get3A_347 = arith.constant 80 : index
        %get3A_348 = tpu.vector_load %arg18[%get3A_346, %get3A_347] {strides = array<i32>} : memref<80x128xf32, #tpu.memory_space<vmem>>, vector<16xf32>,
        %mul3A_349 = arith.mulf %get3A_345, %get3A_348 : vector<16xf32>
        %add3A_350 = arith.addf %add3A_342, %mul3A_349 : vector<16xf32>
        %get3A_351 = arith.index_cast %add3A_295 : i32 to index
        %get3A_352 = arith.constant 96 : index
        %get3A_353 = tpu.vector_load %arg17[%get3A_351, %get3A_352] {strides = array<i32>} : memref<80x128xf32, #tpu.memory_space<vmem>>, vector<16xf32>,
        %get3A_354 = arith.index_cast %add3A_295 : i32 to index
        %get3A_355 = arith.constant 96 : index
        %get3A_356 = tpu.vector_load %arg18[%get3A_354, %get3A_355] {strides = array<i32>} : memref<80x128xf32, #tpu.memory_space<vmem>>, vector<16xf32>,
        %mul3A_357 = arith.mulf %get3A_353, %get3A_356 : vector<16xf32>
        %add3A_358 = arith.addf %add3A_350, %mul3A_357 : vector<16xf32>
        %get3A_359 = arith.index_cast %add3A_295 : i32 to index
        %get3A_360 = arith.constant 112 : index
        %get3A_361 = tpu.vector_load %arg17[%get3A_359, %get3A_360] {strides = array<i32>} : memref<80x128xf32, #tpu.memory_space<vmem>>, vector<16xf32>,
        %get3A_362 = arith.index_cast %add3A_295 : i32 to index
        %get3A_363 = arith.constant 112 : index
        %get3A_364 = tpu.vector_load %arg18[%get3A_362, %get3A_363] {strides = array<i32>} : memref<80x128xf32, #tpu.memory_space<vmem>>, vector<16xf32>,
        %mul3A_365 = arith.mulf %get3A_361, %get3A_364 : vector<16xf32>
        %add3A_366 = arith.addf %add3A_358, %mul3A_365 : vector<16xf32>
        %swap3A_367 = arith.constant 3 : i32
        %swap3A_368 = arith.index_cast %swap3A_367 : i32 to index
        %swap3A_369 = arith.constant 0 : index
        %swap3A_370 = tpu.vector_load %arg22[%swap3A_368, %swap3A_369] {strides = array<i32>} : memref<16x17xf32, #tpu.memory_space<vmem>>, vector<16xf32>,
        tpu.vector_store %arg22[%swap3A_368, %swap3A_369], %add3A_366 {strides = array<i32>} : memref<16x17xf32, #tpu.memory_space<vmem>>, vector<16xf32>,
        %add3A_371 = arith.constant 4 : i32
        %add3A_372 = arith.addi %mul3A_64, %add3A_371 : i32
        %get3A_373 = arith.index_cast %add3A_372 : i32 to index
        %get3A_374 = arith.constant 0 : index
        %get3A_375 = tpu.vector_load %arg19[%get3A_373, %get3A_374] {strides = array<i32>} : memref<80x16xf32, #tpu.memory_space<vmem>>, vector<16xf32>,
        %get3A_376 = arith.index_cast %add3A_372 : i32 to index
        %get3A_377 = arith.constant 0 : index
        %get3A_378 = tpu.vector_load %arg20[%get3A_376, %get3A_377] {strides = array<i32>} : memref<80x16xf32, #tpu.memory_space<vmem>>, vector<16xf32>,
        %mul3A_379 = arith.mulf %get3A_375, %get3A_378 : vector<16xf32>
        %get3A_380 = arith.index_cast %add3A_372 : i32 to index
        %get3A_381 = arith.constant 0 : index
        %get3A_382 = tpu.vector_load %arg17[%get3A_380, %get3A_381] {strides = array<i32>} : memref<80x128xf32, #tpu.memory_space<vmem>>, vector<16xf32>,
        %get3A_383 = arith.index_cast %add3A_372 : i32 to index
        %get3A_384 = arith.constant 0 : index
        %get3A_385 = tpu.vector_load %arg18[%get3A_383, %get3A_384] {strides = array<i32>} : memref<80x128xf32, #tpu.memory_space<vmem>>, vector<16xf32>,
        %mul3A_386 = arith.mulf %get3A_382, %get3A_385 : vector<16xf32>
        %add3A_387 = arith.addf %mul3A_379, %mul3A_386 : vector<16xf32>
        %get3A_388 = arith.index_cast %add3A_372 : i32 to index
        %get3A_389 = arith.constant 16 : index
        %get3A_390 = tpu.vector_load %arg17[%get3A_388, %get3A_389] {strides = array<i32>} : memref<80x128xf32, #tpu.memory_space<vmem>>, vector<16xf32>,
        %get3A_391 = arith.index_cast %add3A_372 : i32 to index
        %get3A_392 = arith.constant 16 : index
        %get3A_393 = tpu.vector_load %arg18[%get3A_391, %get3A_392] {strides = array<i32>} : memref<80x128xf32, #tpu.memory_space<vmem>>, vector<16xf32>,
        %mul3A_394 = arith.mulf %get3A_390, %get3A_393 : vector<16xf32>
        %add3A_395 = arith.addf %add3A_387, %mul3A_394 : vector<16xf32>
        %get3A_396 = arith.index_cast %add3A_372 : i32 to index
        %get3A_397 = arith.constant 32 : index
        %get3A_398 = tpu.vector_load %arg17[%get3A_396, %get3A_397] {strides = array<i32>} : memref<80x128xf32, #tpu.memory_space<vmem>>, vector<16xf32>,
        %get3A_399 = arith.index_cast %add3A_372 : i32 to index
        %get3A_400 = arith.constant 32 : index
        %get3A_401 = tpu.vector_load %arg18[%get3A_399, %get3A_400] {strides = array<i32>} : memref<80x128xf32, #tpu.memory_space<vmem>>, vector<16xf32>,
        %mul3A_402 = arith.mulf %get3A_398, %get3A_401 : vector<16xf32>
        %add3A_403 = arith.addf %add3A_395, %mul3A_402 : vector<16xf32>
        %get3A_404 = arith.index_cast %add3A_372 : i32 to index
        %get3A_405 = arith.constant 48 : index
        %get3A_406 = tpu.vector_load %arg17[%get3A_404, %get3A_405] {strides = array<i32>} : memref<80x128xf32, #tpu.memory_space<vmem>>, vector<16xf32>,
        %get3A_407 = arith.index_cast %add3A_372 : i32 to index
        %get3A_408 = arith.constant 48 : index
        %get3A_409 = tpu.vector_load %arg18[%get3A_407, %get3A_408] {strides = array<i32>} : memref<80x128xf32, #tpu.memory_space<vmem>>, vector<16xf32>,
        %mul3A_410 = arith.mulf %get3A_406, %get3A_409 : vector<16xf32>
        %add3A_411 = arith.addf %add3A_403, %mul3A_410 : vector<16xf32>
        %get3A_412 = arith.index_cast %add3A_372 : i32 to index
        %get3A_413 = arith.constant 64 : index
        %get3A_414 = tpu.vector_load %arg17[%get3A_412, %get3A_413] {strides = array<i32>} : memref<80x128xf32, #tpu.memory_space<vmem>>, vector<16xf32>,
        %get3A_415 = arith.index_cast %add3A_372 : i32 to index
        %get3A_416 = arith.constant 64 : index
        %get3A_417 = tpu.vector_load %arg18[%get3A_415, %get3A_416] {strides = array<i32>} : memref<80x128xf32, #tpu.memory_space<vmem>>, vector<16xf32>,
        %mul3A_418 = arith.mulf %get3A_414, %get3A_417 : vector<16xf32>
        %add3A_419 = arith.addf %add3A_411, %mul3A_418 : vector<16xf32>
        %get3A_420 = arith.index_cast %add3A_372 : i32 to index
        %get3A_421 = arith.constant 80 : index
        %get3A_422 = tpu.vector_load %arg17[%get3A_420, %get3A_421] {strides = array<i32>} : memref<80x128xf32, #tpu.memory_space<vmem>>, vector<16xf32>,
        %get3A_423 = arith.index_cast %add3A_372 : i32 to index
        %get3A_424 = arith.constant 80 : index
        %get3A_425 = tpu.vector_load %arg18[%get3A_423, %get3A_424] {strides = array<i32>} : memref<80x128xf32, #tpu.memory_space<vmem>>, vector<16xf32>,
        %mul3A_426 = arith.mulf %get3A_422, %get3A_425 : vector<16xf32>
        %add3A_427 = arith.addf %add3A_419, %mul3A_426 : vector<16xf32>
        %get3A_428 = arith.index_cast %add3A_372 : i32 to index
        %get3A_429 = arith.constant 96 : index
        %get3A_430 = tpu.vector_load %arg17[%get3A_428, %get3A_429] {strides = array<i32>} : memref<80x128xf32, #tpu.memory_space<vmem>>, vector<16xf32>,
        %get3A_431 = arith.index_cast %add3A_372 : i32 to index
        %get3A_432 = arith.constant 96 : index
        %get3A_433 = tpu.vector_load %arg18[%get3A_431, %get3A_432] {strides = array<i32>} : memref<80x128xf32, #tpu.memory_space<vmem>>, vector<16xf32>,
        %mul3A_434 = arith.mulf %get3A_430, %get3A_433 : vector<16xf32>
        %add3A_435 = arith.addf %add3A_427, %mul3A_434 : vector<16xf32>
        %get3A_436 = arith.index_cast %add3A_372 : i32 to index
        %get3A_437 = arith.constant 112 : index
        %get3A_438 = tpu.vector_load %arg17[%get3A_436, %get3A_437] {strides = array<i32>} : memref<80x128xf32, #tpu.memory_space<vmem>>, vector<16xf32>,
        %get3A_439 = arith.index_cast %add3A_372 : i32 to index
        %get3A_440 = arith.constant 112 : index
        %get3A_441 = tpu.vector_load %arg18[%get3A_439, %get3A_440] {strides = array<i32>} : memref<80x128xf32, #tpu.memory_space<vmem>>, vector<16xf32>,
        %mul3A_442 = arith.mulf %get3A_438, %get3A_441 : vector<16xf32>
        %add3A_443 = arith.addf %add3A_435, %mul3A_442 : vector<16xf32>
        %swap3A_444 = arith.constant 4 : i32
        %swap3A_445 = arith.index_cast %swap3A_444 : i32 to index
        %swap3A_446 = arith.constant 0 : index
        %swap3A_447 = tpu.vector_load %arg22[%swap3A_445, %swap3A_446] {strides = array<i32>} : memref<16x17xf32, #tpu.memory_space<vmem>>, vector<16xf32>,
        tpu.vector_store %arg22[%swap3A_445, %swap3A_446], %add3A_443 {strides = array<i32>} : memref<16x17xf32, #tpu.memory_space<vmem>>, vector<16xf32>,
        %add3A_448 = arith.constant 5 : i32
        %add3A_449 = arith.addi %mul3A_64, %add3A_448 : i32
        %get3A_450 = arith.index_cast %add3A_449 : i32 to index
        %get3A_451 = arith.constant 0 : index
        %get3A_452 = tpu.vector_load %arg19[%get3A_450, %get3A_451] {strides = array<i32>} : memref<80x16xf32, #tpu.memory_space<vmem>>, vector<16xf32>,
        %get3A_453 = arith.index_cast %add3A_449 : i32 to index
        %get3A_454 = arith.constant 0 : index
        %get3A_455 = tpu.vector_load %arg20[%get3A_453, %get3A_454] {strides = array<i32>} : memref<80x16xf32, #tpu.memory_space<vmem>>, vector<16xf32>,
        %mul3A_456 = arith.mulf %get3A_452, %get3A_455 : vector<16xf32>
        %get3A_457 = arith.index_cast %add3A_449 : i32 to index
        %get3A_458 = arith.constant 0 : index
        %get3A_459 = tpu.vector_load %arg17[%get3A_457, %get3A_458] {strides = array<i32>} : memref<80x128xf32, #tpu.memory_space<vmem>>, vector<16xf32>,
        %get3A_460 = arith.index_cast %add3A_449 : i32 to index
        %get3A_461 = arith.constant 0 : index
        %get3A_462 = tpu.vector_load %arg18[%get3A_460, %get3A_461] {strides = array<i32>} : memref<80x128xf32, #tpu.memory_space<vmem>>, vector<16xf32>,
        %mul3A_463 = arith.mulf %get3A_459, %get3A_462 : vector<16xf32>
        %add3A_464 = arith.addf %mul3A_456, %mul3A_463 : vector<16xf32>
        %get3A_465 = arith.index_cast %add3A_449 : i32 to index
        %get3A_466 = arith.constant 16 : index
        %get3A_467 = tpu.vector_load %arg17[%get3A_465, %get3A_466] {strides = array<i32>} : memref<80x128xf32, #tpu.memory_space<vmem>>, vector<16xf32>,
        %get3A_468 = arith.index_cast %add3A_449 : i32 to index
        %get3A_469 = arith.constant 16 : index
        %get3A_470 = tpu.vector_load %arg18[%get3A_468, %get3A_469] {strides = array<i32>} : memref<80x128xf32, #tpu.memory_space<vmem>>, vector<16xf32>,
        %mul3A_471 = arith.mulf %get3A_467, %get3A_470 : vector<16xf32>
        %add3A_472 = arith.addf %add3A_464, %mul3A_471 : vector<16xf32>
        %get3A_473 = arith.index_cast %add3A_449 : i32 to index
        %get3A_474 = arith.constant 32 : index
        %get3A_475 = tpu.vector_load %arg17[%get3A_473, %get3A_474] {strides = array<i32>} : memref<80x128xf32, #tpu.memory_space<vmem>>, vector<16xf32>,
        %get3A_476 = arith.index_cast %add3A_449 : i32 to index
        %get3A_477 = arith.constant 32 : index
        %get3A_478 = tpu.vector_load %arg18[%get3A_476, %get3A_477] {strides = array<i32>} : memref<80x128xf32, #tpu.memory_space<vmem>>, vector<16xf32>,
        %mul3A_479 = arith.mulf %get3A_475, %get3A_478 : vector<16xf32>
        %add3A_480 = arith.addf %add3A_472, %mul3A_479 : vector<16xf32>
        %get3A_481 = arith.index_cast %add3A_449 : i32 to index
        %get3A_482 = arith.constant 48 : index
        %get3A_483 = tpu.vector_load %arg17[%get3A_481, %get3A_482] {strides = array<i32>} : memref<80x128xf32, #tpu.memory_space<vmem>>, vector<16xf32>,
        %get3A_484 = arith.index_cast %add3A_449 : i32 to index
        %get3A_485 = arith.constant 48 : index
        %get3A_486 = tpu.vector_load %arg18[%get3A_484, %get3A_485] {strides = array<i32>} : memref<80x128xf32, #tpu.memory_space<vmem>>, vector<16xf32>,
        %mul3A_487 = arith.mulf %get3A_483, %get3A_486 : vector<16xf32>
        %add3A_488 = arith.addf %add3A_480, %mul3A_487 : vector<16xf32>
        %get3A_489 = arith.index_cast %add3A_449 : i32 to index
        %get3A_490 = arith.constant 64 : index
        %get3A_491 = tpu.vector_load %arg17[%get3A_489, %get3A_490] {strides = array<i32>} : memref<80x128xf32, #tpu.memory_space<vmem>>, vector<16xf32>,
        %get3A_492 = arith.index_cast %add3A_449 : i32 to index
        %get3A_493 = arith.constant 64 : index
        %get3A_494 = tpu.vector_load %arg18[%get3A_492, %get3A_493] {strides = array<i32>} : memref<80x128xf32, #tpu.memory_space<vmem>>, vector<16xf32>,
        %mul3A_495 = arith.mulf %get3A_491, %get3A_494 : vector<16xf32>
        %add3A_496 = arith.addf %add3A_488, %mul3A_495 : vector<16xf32>
        %get3A_497 = arith.index_cast %add3A_449 : i32 to index
        %get3A_498 = arith.constant 80 : index
        %get3A_499 = tpu.vector_load %arg17[%get3A_497, %get3A_498] {strides = array<i32>} : memref<80x128xf32, #tpu.memory_space<vmem>>, vector<16xf32>,
        %get3A_500 = arith.index_cast %add3A_449 : i32 to index
        %get3A_501 = arith.constant 80 : index
        %get3A_502 = tpu.vector_load %arg18[%get3A_500, %get3A_501] {strides = array<i32>} : memref<80x128xf32, #tpu.memory_space<vmem>>, vector<16xf32>,
        %mul3A_503 = arith.mulf %get3A_499, %get3A_502 : vector<16xf32>
        %add3A_504 = arith.addf %add3A_496, %mul3A_503 : vector<16xf32>
        %get3A_505 = arith.index_cast %add3A_449 : i32 to index
        %get3A_506 = arith.constant 96 : index
        %get3A_507 = tpu.vector_load %arg17[%get3A_505, %get3A_506] {strides = array<i32>} : memref<80x128xf32, #tpu.memory_space<vmem>>, vector<16xf32>,
        %get3A_508 = arith.index_cast %add3A_449 : i32 to index
        %get3A_509 = arith.constant 96 : index
        %get3A_510 = tpu.vector_load %arg18[%get3A_508, %get3A_509] {strides = array<i32>} : memref<80x128xf32, #tpu.memory_space<vmem>>, vector<16xf32>,
        %mul3A_511 = arith.mulf %get3A_507, %get3A_510 : vector<16xf32>
        %add3A_512 = arith.addf %add3A_504, %mul3A_511 : vector<16xf32>
        %get3A_513 = arith.index_cast %add3A_449 : i32 to index
        %get3A_514 = arith.constant 112 : index
        %get3A_515 = tpu.vector_load %arg17[%get3A_513, %get3A_514] {strides = array<i32>} : memref<80x128xf32, #tpu.memory_space<vmem>>, vector<16xf32>,
        %get3A_516 = arith.index_cast %add3A_449 : i32 to index
        %get3A_517 = arith.constant 112 : index
        %get3A_518 = tpu.vector_load %arg18[%get3A_516, %get3A_517] {strides = array<i32>} : memref<80x128xf32, #tpu.memory_space<vmem>>, vector<16xf32>,
        %mul3A_519 = arith.mulf %get3A_515, %get3A_518 : vector<16xf32>
        %add3A_520 = arith.addf %add3A_512, %mul3A_519 : vector<16xf32>
        %swap3A_521 = arith.constant 5 : i32
        %swap3A_522 = arith.index_cast %swap3A_521 : i32 to index
        %swap3A_523 = arith.constant 0 : index
        %swap3A_524 = tpu.vector_load %arg22[%swap3A_522, %swap3A_523] {strides = array<i32>} : memref<16x17xf32, #tpu.memory_space<vmem>>, vector<16xf32>,
        tpu.vector_store %arg22[%swap3A_522, %swap3A_523], %add3A_520 {strides = array<i32>} : memref<16x17xf32, #tpu.memory_space<vmem>>, vector<16xf32>,
        %add3A_525 = arith.constant 6 : i32
        %add3A_526 = arith.addi %mul3A_64, %add3A_525 : i32
        %get3A_527 = arith.index_cast %add3A_526 : i32 to index
        %get3A_528 = arith.constant 0 : index
        %get3A_529 = tpu.vector_load %arg19[%get3A_527, %get3A_528] {strides = array<i32>} : memref<80x16xf32, #tpu.memory_space<vmem>>, vector<16xf32>,
        %get3A_530 = arith.index_cast %add3A_526 : i32 to index
        %get3A_531 = arith.constant 0 : index
        %get3A_532 = tpu.vector_load %arg20[%get3A_530, %get3A_531] {strides = array<i32>} : memref<80x16xf32, #tpu.memory_space<vmem>>, vector<16xf32>,
        %mul3A_533 = arith.mulf %get3A_529, %get3A_532 : vector<16xf32>
        %get3A_534 = arith.index_cast %add3A_526 : i32 to index
        %get3A_535 = arith.constant 0 : index
        %get3A_536 = tpu.vector_load %arg17[%get3A_534, %get3A_535] {strides = array<i32>} : memref<80x128xf32, #tpu.memory_space<vmem>>, vector<16xf32>,
        %get3A_537 = arith.index_cast %add3A_526 : i32 to index
        %get3A_538 = arith.constant 0 : index
        %get3A_539 = tpu.vector_load %arg18[%get3A_537, %get3A_538] {strides = array<i32>} : memref<80x128xf32, #tpu.memory_space<vmem>>, vector<16xf32>,
        %mul3A_540 = arith.mulf %get3A_536, %get3A_539 : vector<16xf32>
        %add3A_541 = arith.addf %mul3A_533, %mul3A_540 : vector<16xf32>
        %get3A_542 = arith.index_cast %add3A_526 : i32 to index
        %get3A_543 = arith.constant 16 : index
        %get3A_544 = tpu.vector_load %arg17[%get3A_542, %get3A_543] {strides = array<i32>} : memref<80x128xf32, #tpu.memory_space<vmem>>, vector<16xf32>,
        %get3A_545 = arith.index_cast %add3A_526 : i32 to index
        %get3A_546 = arith.constant 16 : index
        %get3A_547 = tpu.vector_load %arg18[%get3A_545, %get3A_546] {strides = array<i32>} : memref<80x128xf32, #tpu.memory_space<vmem>>, vector<16xf32>,
        %mul3A_548 = arith.mulf %get3A_544, %get3A_547 : vector<16xf32>
        %add3A_549 = arith.addf %add3A_541, %mul3A_548 : vector<16xf32>
        %get3A_550 = arith.index_cast %add3A_526 : i32 to index
        %get3A_551 = arith.constant 32 : index
        %get3A_552 = tpu.vector_load %arg17[%get3A_550, %get3A_551] {strides = array<i32>} : memref<80x128xf32, #tpu.memory_space<vmem>>, vector<16xf32>,
        %get3A_553 = arith.index_cast %add3A_526 : i32 to index
        %get3A_554 = arith.constant 32 : index
        %get3A_555 = tpu.vector_load %arg18[%get3A_553, %get3A_554] {strides = array<i32>} : memref<80x128xf32, #tpu.memory_space<vmem>>, vector<16xf32>,
        %mul3A_556 = arith.mulf %get3A_552, %get3A_555 : vector<16xf32>
        %add3A_557 = arith.addf %add3A_549, %mul3A_556 : vector<16xf32>
        %get3A_558 = arith.index_cast %add3A_526 : i32 to index
        %get3A_559 = arith.constant 48 : index
        %get3A_560 = tpu.vector_load %arg17[%get3A_558, %get3A_559] {strides = array<i32>} : memref<80x128xf32, #tpu.memory_space<vmem>>, vector<16xf32>,
        %get3A_561 = arith.index_cast %add3A_526 : i32 to index
        %get3A_562 = arith.constant 48 : index
        %get3A_563 = tpu.vector_load %arg18[%get3A_561, %get3A_562] {strides = array<i32>} : memref<80x128xf32, #tpu.memory_space<vmem>>, vector<16xf32>,
        %mul3A_564 = arith.mulf %get3A_560, %get3A_563 : vector<16xf32>
        %add3A_565 = arith.addf %add3A_557, %mul3A_564 : vector<16xf32>
        %get3A_566 = arith.index_cast %add3A_526 : i32 to index
        %get3A_567 = arith.constant 64 : index
        %get3A_568 = tpu.vector_load %arg17[%get3A_566, %get3A_567] {strides = array<i32>} : memref<80x128xf32, #tpu.memory_space<vmem>>, vector<16xf32>,
        %get3A_569 = arith.index_cast %add3A_526 : i32 to index
        %get3A_570 = arith.constant 64 : index
        %get3A_571 = tpu.vector_load %arg18[%get3A_569, %get3A_570] {strides = array<i32>} : memref<80x128xf32, #tpu.memory_space<vmem>>, vector<16xf32>,
        %mul3A_572 = arith.mulf %get3A_568, %get3A_571 : vector<16xf32>
        %add3A_573 = arith.addf %add3A_565, %mul3A_572 : vector<16xf32>
        %get3A_574 = arith.index_cast %add3A_526 : i32 to index
        %get3A_575 = arith.constant 80 : index
        %get3A_576 = tpu.vector_load %arg17[%get3A_574, %get3A_575] {strides = array<i32>} : memref<80x128xf32, #tpu.memory_space<vmem>>, vector<16xf32>,
        %get3A_577 = arith.index_cast %add3A_526 : i32 to index
        %get3A_578 = arith.constant 80 : index
        %get3A_579 = tpu.vector_load %arg18[%get3A_577, %get3A_578] {strides = array<i32>} : memref<80x128xf32, #tpu.memory_space<vmem>>, vector<16xf32>,
        %mul3A_580 = arith.mulf %get3A_576, %get3A_579 : vector<16xf32>
        %add3A_581 = arith.addf %add3A_573, %mul3A_580 : vector<16xf32>
        %get3A_582 = arith.index_cast %add3A_526 : i32 to index
        %get3A_583 = arith.constant 96 : index
        %get3A_584 = tpu.vector_load %arg17[%get3A_582, %get3A_583] {strides = array<i32>} : memref<80x128xf32, #tpu.memory_space<vmem>>, vector<16xf32>,
        %get3A_585 = arith.index_cast %add3A_526 : i32 to index
        %get3A_586 = arith.constant 96 : index
        %get3A_587 = tpu.vector_load %arg18[%get3A_585, %get3A_586] {strides = array<i32>} : memref<80x128xf32, #tpu.memory_space<vmem>>, vector<16xf32>,
        %mul3A_588 = arith.mulf %get3A_584, %get3A_587 : vector<16xf32>
        %add3A_589 = arith.addf %add3A_581, %mul3A_588 : vector<16xf32>
        %get3A_590 = arith.index_cast %add3A_526 : i32 to index
        %get3A_591 = arith.constant 112 : index
        %get3A_592 = tpu.vector_load %arg17[%get3A_590, %get3A_591] {strides = array<i32>} : memref<80x128xf32, #tpu.memory_space<vmem>>, vector<16xf32>,
        %get3A_593 = arith.index_cast %add3A_526 : i32 to index
        %get3A_594 = arith.constant 112 : index
        %get3A_595 = tpu.vector_load %arg18[%get3A_593, %get3A_594] {strides = array<i32>} : memref<80x128xf32, #tpu.memory_space<vmem>>, vector<16xf32>,
        %mul3A_596 = arith.mulf %get3A_592, %get3A_595 : vector<16xf32>
        %add3A_597 = arith.addf %add3A_589, %mul3A_596 : vector<16xf32>
        %swap3A_598 = arith.constant 6 : i32
        %swap3A_599 = arith.index_cast %swap3A_598 : i32 to index
        %swap3A_600 = arith.constant 0 : index
        %swap3A_601 = tpu.vector_load %arg22[%swap3A_599, %swap3A_600] {strides = array<i32>} : memref<16x17xf32, #tpu.memory_space<vmem>>, vector<16xf32>,
        tpu.vector_store %arg22[%swap3A_599, %swap3A_600], %add3A_597 {strides = array<i32>} : memref<16x17xf32, #tpu.memory_space<vmem>>, vector<16xf32>,
        %add3A_602 = arith.constant 7 : i32
        %add3A_603 = arith.addi %mul3A_64, %add3A_602 : i32
        %get3A_604 = arith.index_cast %add3A_603 : i32 to index
        %get3A_605 = arith.constant 0 : index
        %get3A_606 = tpu.vector_load %arg19[%get3A_604, %get3A_605] {strides = array<i32>} : memref<80x16xf32, #tpu.memory_space<vmem>>, vector<16xf32>,
        %get3A_607 = arith.index_cast %add3A_603 : i32 to index
        %get3A_608 = arith.constant 0 : index
        %get3A_609 = tpu.vector_load %arg20[%get3A_607, %get3A_608] {strides = array<i32>} : memref<80x16xf32, #tpu.memory_space<vmem>>, vector<16xf32>,
        %mul3A_610 = arith.mulf %get3A_606, %get3A_609 : vector<16xf32>
        %get3A_611 = arith.index_cast %add3A_603 : i32 to index
        %get3A_612 = arith.constant 0 : index
        %get3A_613 = tpu.vector_load %arg17[%get3A_611, %get3A_612] {strides = array<i32>} : memref<80x128xf32, #tpu.memory_space<vmem>>, vector<16xf32>,
        %get3A_614 = arith.index_cast %add3A_603 : i32 to index
        %get3A_615 = arith.constant 0 : index
        %get3A_616 = tpu.vector_load %arg18[%get3A_614, %get3A_615] {strides = array<i32>} : memref<80x128xf32, #tpu.memory_space<vmem>>, vector<16xf32>,
        %mul3A_617 = arith.mulf %get3A_613, %get3A_616 : vector<16xf32>
        %add3A_618 = arith.addf %mul3A_610, %mul3A_617 : vector<16xf32>
        %get3A_619 = arith.index_cast %add3A_603 : i32 to index
        %get3A_620 = arith.constant 16 : index
        %get3A_621 = tpu.vector_load %arg17[%get3A_619, %get3A_620] {strides = array<i32>} : memref<80x128xf32, #tpu.memory_space<vmem>>, vector<16xf32>,
        %get3A_622 = arith.index_cast %add3A_603 : i32 to index
        %get3A_623 = arith.constant 16 : index
        %get3A_624 = tpu.vector_load %arg18[%get3A_622, %get3A_623] {strides = array<i32>} : memref<80x128xf32, #tpu.memory_space<vmem>>, vector<16xf32>,
        %mul3A_625 = arith.mulf %get3A_621, %get3A_624 : vector<16xf32>
        %add3A_626 = arith.addf %add3A_618, %mul3A_625 : vector<16xf32>
        %get3A_627 = arith.index_cast %add3A_603 : i32 to index
        %get3A_628 = arith.constant 32 : index
        %get3A_629 = tpu.vector_load %arg17[%get3A_627, %get3A_628] {strides = array<i32>} : memref<80x128xf32, #tpu.memory_space<vmem>>, vector<16xf32>,
        %get3A_630 = arith.index_cast %add3A_603 : i32 to index
        %get3A_631 = arith.constant 32 : index
        %get3A_632 = tpu.vector_load %arg18[%get3A_630, %get3A_631] {strides = array<i32>} : memref<80x128xf32, #tpu.memory_space<vmem>>, vector<16xf32>,
        %mul3A_633 = arith.mulf %get3A_629, %get3A_632 : vector<16xf32>
        %add3A_634 = arith.addf %add3A_626, %mul3A_633 : vector<16xf32>
        %get3A_635 = arith.index_cast %add3A_603 : i32 to index
        %get3A_636 = arith.constant 48 : index
        %get3A_637 = tpu.vector_load %arg17[%get3A_635, %get3A_636] {strides = array<i32>} : memref<80x128xf32, #tpu.memory_space<vmem>>, vector<16xf32>,
        %get3A_638 = arith.index_cast %add3A_603 : i32 to index
        %get3A_639 = arith.constant 48 : index
        %get3A_640 = tpu.vector_load %arg18[%get3A_638, %get3A_639] {strides = array<i32>} : memref<80x128xf32, #tpu.memory_space<vmem>>, vector<16xf32>,
        %mul3A_641 = arith.mulf %get3A_637, %get3A_640 : vector<16xf32>
        %add3A_642 = arith.addf %add3A_634, %mul3A_641 : vector<16xf32>
        %get3A_643 = arith.index_cast %add3A_603 : i32 to index
        %get3A_644 = arith.constant 64 : index
        %get3A_645 = tpu.vector_load %arg17[%get3A_643, %get3A_644] {strides = array<i32>} : memref<80x128xf32, #tpu.memory_space<vmem>>, vector<16xf32>,
        %get3A_646 = arith.index_cast %add3A_603 : i32 to index
        %get3A_647 = arith.constant 64 : index
        %get3A_648 = tpu.vector_load %arg18[%get3A_646, %get3A_647] {strides = array<i32>} : memref<80x128xf32, #tpu.memory_space<vmem>>, vector<16xf32>,
        %mul3A_649 = arith.mulf %get3A_645, %get3A_648 : vector<16xf32>
        %add3A_650 = arith.addf %add3A_642, %mul3A_649 : vector<16xf32>
        %get3A_651 = arith.index_cast %add3A_603 : i32 to index
        %get3A_652 = arith.constant 80 : index
        %get3A_653 = tpu.vector_load %arg17[%get3A_651, %get3A_652] {strides = array<i32>} : memref<80x128xf32, #tpu.memory_space<vmem>>, vector<16xf32>,
        %get3A_654 = arith.index_cast %add3A_603 : i32 to index
        %get3A_655 = arith.constant 80 : index
        %get3A_656 = tpu.vector_load %arg18[%get3A_654, %get3A_655] {strides = array<i32>} : memref<80x128xf32, #tpu.memory_space<vmem>>, vector<16xf32>,
        %mul3A_657 = arith.mulf %get3A_653, %get3A_656 : vector<16xf32>
        %add3A_658 = arith.addf %add3A_650, %mul3A_657 : vector<16xf32>
        %get3A_659 = arith.index_cast %add3A_603 : i32 to index
        %get3A_660 = arith.constant 96 : index
        %get3A_661 = tpu.vector_load %arg17[%get3A_659, %get3A_660] {strides = array<i32>} : memref<80x128xf32, #tpu.memory_space<vmem>>, vector<16xf32>,
        %get3A_662 = arith.index_cast %add3A_603 : i32 to index
        %get3A_663 = arith.constant 96 : index
        %get3A_664 = tpu.vector_load %arg18[%get3A_662, %get3A_663] {strides = array<i32>} : memref<80x128xf32, #tpu.memory_space<vmem>>, vector<16xf32>,
        %mul3A_665 = arith.mulf %get3A_661, %get3A_664 : vector<16xf32>
        %add3A_666 = arith.addf %add3A_658, %mul3A_665 : vector<16xf32>
        %get3A_667 = arith.index_cast %add3A_603 : i32 to index
        %get3A_668 = arith.constant 112 : index
        %get3A_669 = tpu.vector_load %arg17[%get3A_667, %get3A_668] {strides = array<i32>} : memref<80x128xf32, #tpu.memory_space<vmem>>, vector<16xf32>,
        %get3A_670 = arith.index_cast %add3A_603 : i32 to index
        %get3A_671 = arith.constant 112 : index
        %get3A_672 = tpu.vector_load %arg18[%get3A_670, %get3A_671] {strides = array<i32>} : memref<80x128xf32, #tpu.memory_space<vmem>>, vector<16xf32>,
        %mul3A_673 = arith.mulf %get3A_669, %get3A_672 : vector<16xf32>
        %add3A_674 = arith.addf %add3A_666, %mul3A_673 : vector<16xf32>
        %swap3A_675 = arith.constant 7 : i32
        %swap3A_676 = arith.index_cast %swap3A_675 : i32 to index
        %swap3A_677 = arith.constant 0 : index
        %swap3A_678 = tpu.vector_load %arg22[%swap3A_676, %swap3A_677] {strides = array<i32>} : memref<16x17xf32, #tpu.memory_space<vmem>>, vector<16xf32>,
        tpu.vector_store %arg22[%swap3A_676, %swap3A_677], %add3A_674 {strides = array<i32>} : memref<16x17xf32, #tpu.memory_space<vmem>>, vector<16xf32>,
        %add3A_679 = arith.constant 8 : i32
        %add3A_680 = arith.addi %mul3A_64, %add3A_679 : i32
        %get3A_681 = arith.index_cast %add3A_680 : i32 to index
        %get3A_682 = arith.constant 0 : index
        %get3A_683 = tpu.vector_load %arg19[%get3A_681, %get3A_682] {strides = array<i32>} : memref<80x16xf32, #tpu.memory_space<vmem>>, vector<16xf32>,
        %get3A_684 = arith.index_cast %add3A_680 : i32 to index
        %get3A_685 = arith.constant 0 : index
        %get3A_686 = tpu.vector_load %arg20[%get3A_684, %get3A_685] {strides = array<i32>} : memref<80x16xf32, #tpu.memory_space<vmem>>, vector<16xf32>,
        %mul3A_687 = arith.mulf %get3A_683, %get3A_686 : vector<16xf32>
        %get3A_688 = arith.index_cast %add3A_680 : i32 to index
        %get3A_689 = arith.constant 0 : index
        %get3A_690 = tpu.vector_load %arg17[%get3A_688, %get3A_689] {strides = array<i32>} : memref<80x128xf32, #tpu.memory_space<vmem>>, vector<16xf32>,
        %get3A_691 = arith.index_cast %add3A_680 : i32 to index
        %get3A_692 = arith.constant 0 : index
        %get3A_693 = tpu.vector_load %arg18[%get3A_691, %get3A_692] {strides = array<i32>} : memref<80x128xf32, #tpu.memory_space<vmem>>, vector<16xf32>,
        %mul3A_694 = arith.mulf %get3A_690, %get3A_693 : vector<16xf32>
        %add3A_695 = arith.addf %mul3A_687, %mul3A_694 : vector<16xf32>
        %get3A_696 = arith.index_cast %add3A_680 : i32 to index
        %get3A_697 = arith.constant 16 : index
        %get3A_698 = tpu.vector_load %arg17[%get3A_696, %get3A_697] {strides = array<i32>} : memref<80x128xf32, #tpu.memory_space<vmem>>, vector<16xf32>,
        %get3A_699 = arith.index_cast %add3A_680 : i32 to index
        %get3A_700 = arith.constant 16 : index
        %get3A_701 = tpu.vector_load %arg18[%get3A_699, %get3A_700] {strides = array<i32>} : memref<80x128xf32, #tpu.memory_space<vmem>>, vector<16xf32>,
        %mul3A_702 = arith.mulf %get3A_698, %get3A_701 : vector<16xf32>
        %add3A_703 = arith.addf %add3A_695, %mul3A_702 : vector<16xf32>
        %get3A_704 = arith.index_cast %add3A_680 : i32 to index
        %get3A_705 = arith.constant 32 : index
        %get3A_706 = tpu.vector_load %arg17[%get3A_704, %get3A_705] {strides = array<i32>} : memref<80x128xf32, #tpu.memory_space<vmem>>, vector<16xf32>,
        %get3A_707 = arith.index_cast %add3A_680 : i32 to index
        %get3A_708 = arith.constant 32 : index
        %get3A_709 = tpu.vector_load %arg18[%get3A_707, %get3A_708] {strides = array<i32>} : memref<80x128xf32, #tpu.memory_space<vmem>>, vector<16xf32>,
        %mul3A_710 = arith.mulf %get3A_706, %get3A_709 : vector<16xf32>
        %add3A_711 = arith.addf %add3A_703, %mul3A_710 : vector<16xf32>
        %get3A_712 = arith.index_cast %add3A_680 : i32 to index
        %get3A_713 = arith.constant 48 : index
        %get3A_714 = tpu.vector_load %arg17[%get3A_712, %get3A_713] {strides = array<i32>} : memref<80x128xf32, #tpu.memory_space<vmem>>, vector<16xf32>,
        %get3A_715 = arith.index_cast %add3A_680 : i32 to index
        %get3A_716 = arith.constant 48 : index
        %get3A_717 = tpu.vector_load %arg18[%get3A_715, %get3A_716] {strides = array<i32>} : memref<80x128xf32, #tpu.memory_space<vmem>>, vector<16xf32>,
        %mul3A_718 = arith.mulf %get3A_714, %get3A_717 : vector<16xf32>
        %add3A_719 = arith.addf %add3A_711, %mul3A_718 : vector<16xf32>
        %get3A_720 = arith.index_cast %add3A_680 : i32 to index
        %get3A_721 = arith.constant 64 : index
        %get3A_722 = tpu.vector_load %arg17[%get3A_720, %get3A_721] {strides = array<i32>} : memref<80x128xf32, #tpu.memory_space<vmem>>, vector<16xf32>,
        %get3A_723 = arith.index_cast %add3A_680 : i32 to index
        %get3A_724 = arith.constant 64 : index
        %get3A_725 = tpu.vector_load %arg18[%get3A_723, %get3A_724] {strides = array<i32>} : memref<80x128xf32, #tpu.memory_space<vmem>>, vector<16xf32>,
        %mul3A_726 = arith.mulf %get3A_722, %get3A_725 : vector<16xf32>
        %add3A_727 = arith.addf %add3A_719, %mul3A_726 : vector<16xf32>
        %get3A_728 = arith.index_cast %add3A_680 : i32 to index
        %get3A_729 = arith.constant 80 : index
        %get3A_730 = tpu.vector_load %arg17[%get3A_728, %get3A_729] {strides = array<i32>} : memref<80x128xf32, #tpu.memory_space<vmem>>, vector<16xf32>,
        %get3A_731 = arith.index_cast %add3A_680 : i32 to index
        %get3A_732 = arith.constant 80 : index
        %get3A_733 = tpu.vector_load %arg18[%get3A_731, %get3A_732] {strides = array<i32>} : memref<80x128xf32, #tpu.memory_space<vmem>>, vector<16xf32>,
        %mul3A_734 = arith.mulf %get3A_730, %get3A_733 : vector<16xf32>
        %add3A_735 = arith.addf %add3A_727, %mul3A_734 : vector<16xf32>
        %get3A_736 = arith.index_cast %add3A_680 : i32 to index
        %get3A_737 = arith.constant 96 : index
        %get3A_738 = tpu.vector_load %arg17[%get3A_736, %get3A_737] {strides = array<i32>} : memref<80x128xf32, #tpu.memory_space<vmem>>, vector<16xf32>,
        %get3A_739 = arith.index_cast %add3A_680 : i32 to index
        %get3A_740 = arith.constant 96 : index
        %get3A_741 = tpu.vector_load %arg18[%get3A_739, %get3A_740] {strides = array<i32>} : memref<80x128xf32, #tpu.memory_space<vmem>>, vector<16xf32>,
        %mul3A_742 = arith.mulf %get3A_738, %get3A_741 : vector<16xf32>
        %add3A_743 = arith.addf %add3A_735, %mul3A_742 : vector<16xf32>
        %get3A_744 = arith.index_cast %add3A_680 : i32 to index
        %get3A_745 = arith.constant 112 : index
        %get3A_746 = tpu.vector_load %arg17[%get3A_744, %get3A_745] {strides = array<i32>} : memref<80x128xf32, #tpu.memory_space<vmem>>, vector<16xf32>,
        %get3A_747 = arith.index_cast %add3A_680 : i32 to index
        %get3A_748 = arith.constant 112 : index
        %get3A_749 = tpu.vector_load %arg18[%get3A_747, %get3A_748] {strides = array<i32>} : memref<80x128xf32, #tpu.memory_space<vmem>>, vector<16xf32>,
        %mul3A_750 = arith.mulf %get3A_746, %get3A_749 : vector<16xf32>
        %add3A_751 = arith.addf %add3A_743, %mul3A_750 : vector<16xf32>
        %swap3A_752 = arith.constant 8 : i32
        %swap3A_753 = arith.index_cast %swap3A_752 : i32 to index
        %swap3A_754 = arith.constant 0 : index
        %swap3A_755 = tpu.vector_load %arg22[%swap3A_753, %swap3A_754] {strides = array<i32>} : memref<16x17xf32, #tpu.memory_space<vmem>>, vector<16xf32>,
        tpu.vector_store %arg22[%swap3A_753, %swap3A_754], %add3A_751 {strides = array<i32>} : memref<16x17xf32, #tpu.memory_space<vmem>>, vector<16xf32>,
        %add3A_756 = arith.constant 9 : i32
        %add3A_757 = arith.addi %mul3A_64, %add3A_756 : i32
        %get3A_758 = arith.index_cast %add3A_757 : i32 to index
        %get3A_759 = arith.constant 0 : index
        %get3A_760 = tpu.vector_load %arg19[%get3A_758, %get3A_759] {strides = array<i32>} : memref<80x16xf32, #tpu.memory_space<vmem>>, vector<16xf32>,
        %get3A_761 = arith.index_cast %add3A_757 : i32 to index
        %get3A_762 = arith.constant 0 : index
        %get3A_763 = tpu.vector_load %arg20[%get3A_761, %get3A_762] {strides = array<i32>} : memref<80x16xf32, #tpu.memory_space<vmem>>, vector<16xf32>,
        %mul3A_764 = arith.mulf %get3A_760, %get3A_763 : vector<16xf32>
        %get3A_765 = arith.index_cast %add3A_757 : i32 to index
        %get3A_766 = arith.constant 0 : index
        %get3A_767 = tpu.vector_load %arg17[%get3A_765, %get3A_766] {strides = array<i32>} : memref<80x128xf32, #tpu.memory_space<vmem>>, vector<16xf32>,
        %get3A_768 = arith.index_cast %add3A_757 : i32 to index
        %get3A_769 = arith.constant 0 : index
        %get3A_770 = tpu.vector_load %arg18[%get3A_768, %get3A_769] {strides = array<i32>} : memref<80x128xf32, #tpu.memory_space<vmem>>, vector<16xf32>,
        %mul3A_771 = arith.mulf %get3A_767, %get3A_770 : vector<16xf32>
        %add3A_772 = arith.addf %mul3A_764, %mul3A_771 : vector<16xf32>
        %get3A_773 = arith.index_cast %add3A_757 : i32 to index
        %get3A_774 = arith.constant 16 : index
        %get3A_775 = tpu.vector_load %arg17[%get3A_773, %get3A_774] {strides = array<i32>} : memref<80x128xf32, #tpu.memory_space<vmem>>, vector<16xf32>,
        %get3A_776 = arith.index_cast %add3A_757 : i32 to index
        %get3A_777 = arith.constant 16 : index
        %get3A_778 = tpu.vector_load %arg18[%get3A_776, %get3A_777] {strides = array<i32>} : memref<80x128xf32, #tpu.memory_space<vmem>>, vector<16xf32>,
        %mul3A_779 = arith.mulf %get3A_775, %get3A_778 : vector<16xf32>
        %add3A_780 = arith.addf %add3A_772, %mul3A_779 : vector<16xf32>
        %get3A_781 = arith.index_cast %add3A_757 : i32 to index
        %get3A_782 = arith.constant 32 : index
        %get3A_783 = tpu.vector_load %arg17[%get3A_781, %get3A_782] {strides = array<i32>} : memref<80x128xf32, #tpu.memory_space<vmem>>, vector<16xf32>,
        %get3A_784 = arith.index_cast %add3A_757 : i32 to index
        %get3A_785 = arith.constant 32 : index
        %get3A_786 = tpu.vector_load %arg18[%get3A_784, %get3A_785] {strides = array<i32>} : memref<80x128xf32, #tpu.memory_space<vmem>>, vector<16xf32>,
        %mul3A_787 = arith.mulf %get3A_783, %get3A_786 : vector<16xf32>
        %add3A_788 = arith.addf %add3A_780, %mul3A_787 : vector<16xf32>
        %get3A_789 = arith.index_cast %add3A_757 : i32 to index
        %get3A_790 = arith.constant 48 : index
        %get3A_791 = tpu.vector_load %arg17[%get3A_789, %get3A_790] {strides = array<i32>} : memref<80x128xf32, #tpu.memory_space<vmem>>, vector<16xf32>,
        %get3A_792 = arith.index_cast %add3A_757 : i32 to index
        %get3A_793 = arith.constant 48 : index
        %get3A_794 = tpu.vector_load %arg18[%get3A_792, %get3A_793] {strides = array<i32>} : memref<80x128xf32, #tpu.memory_space<vmem>>, vector<16xf32>,
        %mul3A_795 = arith.mulf %get3A_791, %get3A_794 : vector<16xf32>
        %add3A_796 = arith.addf %add3A_788, %mul3A_795 : vector<16xf32>
        %get3A_797 = arith.index_cast %add3A_757 : i32 to index
        %get3A_798 = arith.constant 64 : index
        %get3A_799 = tpu.vector_load %arg17[%get3A_797, %get3A_798] {strides = array<i32>} : memref<80x128xf32, #tpu.memory_space<vmem>>, vector<16xf32>,
        %get3A_800 = arith.index_cast %add3A_757 : i32 to index
        %get3A_801 = arith.constant 64 : index
        %get3A_802 = tpu.vector_load %arg18[%get3A_800, %get3A_801] {strides = array<i32>} : memref<80x128xf32, #tpu.memory_space<vmem>>, vector<16xf32>,
        %mul3A_803 = arith.mulf %get3A_799, %get3A_802 : vector<16xf32>
        %add3A_804 = arith.addf %add3A_796, %mul3A_803 : vector<16xf32>
        %get3A_805 = arith.index_cast %add3A_757 : i32 to index
        %get3A_806 = arith.constant 80 : index
        %get3A_807 = tpu.vector_load %arg17[%get3A_805, %get3A_806] {strides = array<i32>} : memref<80x128xf32, #tpu.memory_space<vmem>>, vector<16xf32>,
        %get3A_808 = arith.index_cast %add3A_757 : i32 to index
        %get3A_809 = arith.constant 80 : index
        %get3A_810 = tpu.vector_load %arg18[%get3A_808, %get3A_809] {strides = array<i32>} : memref<80x128xf32, #tpu.memory_space<vmem>>, vector<16xf32>,
        %mul3A_811 = arith.mulf %get3A_807, %get3A_810 : vector<16xf32>
        %add3A_812 = arith.addf %add3A_804, %mul3A_811 : vector<16xf32>
        %get3A_813 = arith.index_cast %add3A_757 : i32 to index
        %get3A_814 = arith.constant 96 : index
        %get3A_815 = tpu.vector_load %arg17[%get3A_813, %get3A_814] {strides = array<i32>} : memref<80x128xf32, #tpu.memory_space<vmem>>, vector<16xf32>,
        %get3A_816 = arith.index_cast %add3A_757 : i32 to index
        %get3A_817 = arith.constant 96 : index
        %get3A_818 = tpu.vector_load %arg18[%get3A_816, %get3A_817] {strides = array<i32>} : memref<80x128xf32, #tpu.memory_space<vmem>>, vector<16xf32>,
        %mul3A_819 = arith.mulf %get3A_815, %get3A_818 : vector<16xf32>
        %add3A_820 = arith.addf %add3A_812, %mul3A_819 : vector<16xf32>
        %get3A_821 = arith.index_cast %add3A_757 : i32 to index
        %get3A_822 = arith.constant 112 : index
        %get3A_823 = tpu.vector_load %arg17[%get3A_821, %get3A_822] {strides = array<i32>} : memref<80x128xf32, #tpu.memory_space<vmem>>, vector<16xf32>,
        %get3A_824 = arith.index_cast %add3A_757 : i32 to index
        %get3A_825 = arith.constant 112 : index
        %get3A_826 = tpu.vector_load %arg18[%get3A_824, %get3A_825] {strides = array<i32>} : memref<80x128xf32, #tpu.memory_space<vmem>>, vector<16xf32>,
        %mul3A_827 = arith.mulf %get3A_823, %get3A_826 : vector<16xf32>
        %add3A_828 = arith.addf %add3A_820, %mul3A_827 : vector<16xf32>
        %swap3A_829 = arith.constant 9 : i32
        %swap3A_830 = arith.index_cast %swap3A_829 : i32 to index
        %swap3A_831 = arith.constant 0 : index
        %swap3A_832 = tpu.vector_load %arg22[%swap3A_830, %swap3A_831] {strides = array<i32>} : memref<16x17xf32, #tpu.memory_space<vmem>>, vector<16xf32>,
        tpu.vector_store %arg22[%swap3A_830, %swap3A_831], %add3A_828 {strides = array<i32>} : memref<16x17xf32, #tpu.memory_space<vmem>>, vector<16xf32>,
        %add3A_833 = arith.constant 10 : i32
        %add3A_834 = arith.addi %mul3A_64, %add3A_833 : i32
        %get3A_835 = arith.index_cast %add3A_834 : i32 to index
        %get3A_836 = arith.constant 0 : index
        %get3A_837 = tpu.vector_load %arg19[%get3A_835, %get3A_836] {strides = array<i32>} : memref<80x16xf32, #tpu.memory_space<vmem>>, vector<16xf32>,
        %get3A_838 = arith.index_cast %add3A_834 : i32 to index
        %get3A_839 = arith.constant 0 : index
        %get3A_840 = tpu.vector_load %arg20[%get3A_838, %get3A_839] {strides = array<i32>} : memref<80x16xf32, #tpu.memory_space<vmem>>, vector<16xf32>,
        %mul3A_841 = arith.mulf %get3A_837, %get3A_840 : vector<16xf32>
        %get3A_842 = arith.index_cast %add3A_834 : i32 to index
        %get3A_843 = arith.constant 0 : index
        %get3A_844 = tpu.vector_load %arg17[%get3A_842, %get3A_843] {strides = array<i32>} : memref<80x128xf32, #tpu.memory_space<vmem>>, vector<16xf32>,
        %get3A_845 = arith.index_cast %add3A_834 : i32 to index
        %get3A_846 = arith.constant 0 : index
        %get3A_847 = tpu.vector_load %arg18[%get3A_845, %get3A_846] {strides = array<i32>} : memref<80x128xf32, #tpu.memory_space<vmem>>, vector<16xf32>,
        %mul3A_848 = arith.mulf %get3A_844, %get3A_847 : vector<16xf32>
        %add3A_849 = arith.addf %mul3A_841, %mul3A_848 : vector<16xf32>
        %get3A_850 = arith.index_cast %add3A_834 : i32 to index
        %get3A_851 = arith.constant 16 : index
        %get3A_852 = tpu.vector_load %arg17[%get3A_850, %get3A_851] {strides = array<i32>} : memref<80x128xf32, #tpu.memory_space<vmem>>, vector<16xf32>,
        %get3A_853 = arith.index_cast %add3A_834 : i32 to index
        %get3A_854 = arith.constant 16 : index
        %get3A_855 = tpu.vector_load %arg18[%get3A_853, %get3A_854] {strides = array<i32>} : memref<80x128xf32, #tpu.memory_space<vmem>>, vector<16xf32>,
        %mul3A_856 = arith.mulf %get3A_852, %get3A_855 : vector<16xf32>
        %add3A_857 = arith.addf %add3A_849, %mul3A_856 : vector<16xf32>
        %get3A_858 = arith.index_cast %add3A_834 : i32 to index
        %get3A_859 = arith.constant 32 : index
        %get3A_860 = tpu.vector_load %arg17[%get3A_858, %get3A_859] {strides = array<i32>} : memref<80x128xf32, #tpu.memory_space<vmem>>, vector<16xf32>,
        %get3A_861 = arith.index_cast %add3A_834 : i32 to index
        %get3A_862 = arith.constant 32 : index
        %get3A_863 = tpu.vector_load %arg18[%get3A_861, %get3A_862] {strides = array<i32>} : memref<80x128xf32, #tpu.memory_space<vmem>>, vector<16xf32>,
        %mul3A_864 = arith.mulf %get3A_860, %get3A_863 : vector<16xf32>
        %add3A_865 = arith.addf %add3A_857, %mul3A_864 : vector<16xf32>
        %get3A_866 = arith.index_cast %add3A_834 : i32 to index
        %get3A_867 = arith.constant 48 : index
        %get3A_868 = tpu.vector_load %arg17[%get3A_866, %get3A_867] {strides = array<i32>} : memref<80x128xf32, #tpu.memory_space<vmem>>, vector<16xf32>,
        %get3A_869 = arith.index_cast %add3A_834 : i32 to index
        %get3A_870 = arith.constant 48 : index
        %get3A_871 = tpu.vector_load %arg18[%get3A_869, %get3A_870] {strides = array<i32>} : memref<80x128xf32, #tpu.memory_space<vmem>>, vector<16xf32>,
        %mul3A_872 = arith.mulf %get3A_868, %get3A_871 : vector<16xf32>
        %add3A_873 = arith.addf %add3A_865, %mul3A_872 : vector<16xf32>
        %get3A_874 = arith.index_cast %add3A_834 : i32 to index
        %get3A_875 = arith.constant 64 : index
        %get3A_876 = tpu.vector_load %arg17[%get3A_874, %get3A_875] {strides = array<i32>} : memref<80x128xf32, #tpu.memory_space<vmem>>, vector<16xf32>,
        %get3A_877 = arith.index_cast %add3A_834 : i32 to index
        %get3A_878 = arith.constant 64 : index
        %get3A_879 = tpu.vector_load %arg18[%get3A_877, %get3A_878] {strides = array<i32>} : memref<80x128xf32, #tpu.memory_space<vmem>>, vector<16xf32>,
        %mul3A_880 = arith.mulf %get3A_876, %get3A_879 : vector<16xf32>
        %add3A_881 = arith.addf %add3A_873, %mul3A_880 : vector<16xf32>
        %get3A_882 = arith.index_cast %add3A_834 : i32 to index
        %get3A_883 = arith.constant 80 : index
        %get3A_884 = tpu.vector_load %arg17[%get3A_882, %get3A_883] {strides = array<i32>} : memref<80x128xf32, #tpu.memory_space<vmem>>, vector<16xf32>,
        %get3A_885 = arith.index_cast %add3A_834 : i32 to index
        %get3A_886 = arith.constant 80 : index
        %get3A_887 = tpu.vector_load %arg18[%get3A_885, %get3A_886] {strides = array<i32>} : memref<80x128xf32, #tpu.memory_space<vmem>>, vector<16xf32>,
        %mul3A_888 = arith.mulf %get3A_884, %get3A_887 : vector<16xf32>
        %add3A_889 = arith.addf %add3A_881, %mul3A_888 : vector<16xf32>
        %get3A_890 = arith.index_cast %add3A_834 : i32 to index
        %get3A_891 = arith.constant 96 : index
        %get3A_892 = tpu.vector_load %arg17[%get3A_890, %get3A_891] {strides = array<i32>} : memref<80x128xf32, #tpu.memory_space<vmem>>, vector<16xf32>,
        %get3A_893 = arith.index_cast %add3A_834 : i32 to index
        %get3A_894 = arith.constant 96 : index
        %get3A_895 = tpu.vector_load %arg18[%get3A_893, %get3A_894] {strides = array<i32>} : memref<80x128xf32, #tpu.memory_space<vmem>>, vector<16xf32>,
        %mul3A_896 = arith.mulf %get3A_892, %get3A_895 : vector<16xf32>
        %add3A_897 = arith.addf %add3A_889, %mul3A_896 : vector<16xf32>
        %get3A_898 = arith.index_cast %add3A_834 : i32 to index
        %get3A_899 = arith.constant 112 : index
        %get3A_900 = tpu.vector_load %arg17[%get3A_898, %get3A_899] {strides = array<i32>} : memref<80x128xf32, #tpu.memory_space<vmem>>, vector<16xf32>,
        %get3A_901 = arith.index_cast %add3A_834 : i32 to index
        %get3A_902 = arith.constant 112 : index
        %get3A_903 = tpu.vector_load %arg18[%get3A_901, %get3A_902] {strides = array<i32>} : memref<80x128xf32, #tpu.memory_space<vmem>>, vector<16xf32>,
        %mul3A_904 = arith.mulf %get3A_900, %get3A_903 : vector<16xf32>
        %add3A_905 = arith.addf %add3A_897, %mul3A_904 : vector<16xf32>
        %swap3A_906 = arith.constant 10 : i32
        %swap3A_907 = arith.index_cast %swap3A_906 : i32 to index
        %swap3A_908 = arith.constant 0 : index
        %swap3A_909 = tpu.vector_load %arg22[%swap3A_907, %swap3A_908] {strides = array<i32>} : memref<16x17xf32, #tpu.memory_space<vmem>>, vector<16xf32>,
        tpu.vector_store %arg22[%swap3A_907, %swap3A_908], %add3A_905 {strides = array<i32>} : memref<16x17xf32, #tpu.memory_space<vmem>>, vector<16xf32>,
        %add3A_910 = arith.constant 11 : i32
        %add3A_911 = arith.addi %mul3A_64, %add3A_910 : i32
        %get3A_912 = arith.index_cast %add3A_911 : i32 to index
        %get3A_913 = arith.constant 0 : index
        %get3A_914 = tpu.vector_load %arg19[%get3A_912, %get3A_913] {strides = array<i32>} : memref<80x16xf32, #tpu.memory_space<vmem>>, vector<16xf32>,
        %get3A_915 = arith.index_cast %add3A_911 : i32 to index
        %get3A_916 = arith.constant 0 : index
        %get3A_917 = tpu.vector_load %arg20[%get3A_915, %get3A_916] {strides = array<i32>} : memref<80x16xf32, #tpu.memory_space<vmem>>, vector<16xf32>,
        %mul3A_918 = arith.mulf %get3A_914, %get3A_917 : vector<16xf32>
        %get3A_919 = arith.index_cast %add3A_911 : i32 to index
        %get3A_920 = arith.constant 0 : index
        %get3A_921 = tpu.vector_load %arg17[%get3A_919, %get3A_920] {strides = array<i32>} : memref<80x128xf32, #tpu.memory_space<vmem>>, vector<16xf32>,
        %get3A_922 = arith.index_cast %add3A_911 : i32 to index
        %get3A_923 = arith.constant 0 : index
        %get3A_924 = tpu.vector_load %arg18[%get3A_922, %get3A_923] {strides = array<i32>} : memref<80x128xf32, #tpu.memory_space<vmem>>, vector<16xf32>,
        %mul3A_925 = arith.mulf %get3A_921, %get3A_924 : vector<16xf32>
        %add3A_926 = arith.addf %mul3A_918, %mul3A_925 : vector<16xf32>
        %get3A_927 = arith.index_cast %add3A_911 : i32 to index
        %get3A_928 = arith.constant 16 : index
        %get3A_929 = tpu.vector_load %arg17[%get3A_927, %get3A_928] {strides = array<i32>} : memref<80x128xf32, #tpu.memory_space<vmem>>, vector<16xf32>,
        %get3A_930 = arith.index_cast %add3A_911 : i32 to index
        %get3A_931 = arith.constant 16 : index
        %get3A_932 = tpu.vector_load %arg18[%get3A_930, %get3A_931] {strides = array<i32>} : memref<80x128xf32, #tpu.memory_space<vmem>>, vector<16xf32>,
        %mul3A_933 = arith.mulf %get3A_929, %get3A_932 : vector<16xf32>
        %add3A_934 = arith.addf %add3A_926, %mul3A_933 : vector<16xf32>
        %get3A_935 = arith.index_cast %add3A_911 : i32 to index
        %get3A_936 = arith.constant 32 : index
        %get3A_937 = tpu.vector_load %arg17[%get3A_935, %get3A_936] {strides = array<i32>} : memref<80x128xf32, #tpu.memory_space<vmem>>, vector<16xf32>,
        %get3A_938 = arith.index_cast %add3A_911 : i32 to index
        %get3A_939 = arith.constant 32 : index
        %get3A_940 = tpu.vector_load %arg18[%get3A_938, %get3A_939] {strides = array<i32>} : memref<80x128xf32, #tpu.memory_space<vmem>>, vector<16xf32>,
        %mul3A_941 = arith.mulf %get3A_937, %get3A_940 : vector<16xf32>
        %add3A_942 = arith.addf %add3A_934, %mul3A_941 : vector<16xf32>
        %get3A_943 = arith.index_cast %add3A_911 : i32 to index
        %get3A_944 = arith.constant 48 : index
        %get3A_945 = tpu.vector_load %arg17[%get3A_943, %get3A_944] {strides = array<i32>} : memref<80x128xf32, #tpu.memory_space<vmem>>, vector<16xf32>,
        %get3A_946 = arith.index_cast %add3A_911 : i32 to index
        %get3A_947 = arith.constant 48 : index
        %get3A_948 = tpu.vector_load %arg18[%get3A_946, %get3A_947] {strides = array<i32>} : memref<80x128xf32, #tpu.memory_space<vmem>>, vector<16xf32>,
        %mul3A_949 = arith.mulf %get3A_945, %get3A_948 : vector<16xf32>
        %add3A_950 = arith.addf %add3A_942, %mul3A_949 : vector<16xf32>
        %get3A_951 = arith.index_cast %add3A_911 : i32 to index
        %get3A_952 = arith.constant 64 : index
        %get3A_953 = tpu.vector_load %arg17[%get3A_951, %get3A_952] {strides = array<i32>} : memref<80x128xf32, #tpu.memory_space<vmem>>, vector<16xf32>,
        %get3A_954 = arith.index_cast %add3A_911 : i32 to index
        %get3A_955 = arith.constant 64 : index
        %get3A_956 = tpu.vector_load %arg18[%get3A_954, %get3A_955] {strides = array<i32>} : memref<80x128xf32, #tpu.memory_space<vmem>>, vector<16xf32>,
        %mul3A_957 = arith.mulf %get3A_953, %get3A_956 : vector<16xf32>
        %add3A_958 = arith.addf %add3A_950, %mul3A_957 : vector<16xf32>
        %get3A_959 = arith.index_cast %add3A_911 : i32 to index
        %get3A_960 = arith.constant 80 : index
        %get3A_961 = tpu.vector_load %arg17[%get3A_959, %get3A_960] {strides = array<i32>} : memref<80x128xf32, #tpu.memory_space<vmem>>, vector<16xf32>,
        %get3A_962 = arith.index_cast %add3A_911 : i32 to index
        %get3A_963 = arith.constant 80 : index
        %get3A_964 = tpu.vector_load %arg18[%get3A_962, %get3A_963] {strides = array<i32>} : memref<80x128xf32, #tpu.memory_space<vmem>>, vector<16xf32>,
        %mul3A_965 = arith.mulf %get3A_961, %get3A_964 : vector<16xf32>
        %add3A_966 = arith.addf %add3A_958, %mul3A_965 : vector<16xf32>
        %get3A_967 = arith.index_cast %add3A_911 : i32 to index
        %get3A_968 = arith.constant 96 : index
        %get3A_969 = tpu.vector_load %arg17[%get3A_967, %get3A_968] {strides = array<i32>} : memref<80x128xf32, #tpu.memory_space<vmem>>, vector<16xf32>,
        %get3A_970 = arith.index_cast %add3A_911 : i32 to index
        %get3A_971 = arith.constant 96 : index
        %get3A_972 = tpu.vector_load %arg18[%get3A_970, %get3A_971] {strides = array<i32>} : memref<80x128xf32, #tpu.memory_space<vmem>>, vector<16xf32>,
        %mul3A_973 = arith.mulf %get3A_969, %get3A_972 : vector<16xf32>
        %add3A_974 = arith.addf %add3A_966, %mul3A_973 : vector<16xf32>
        %get3A_975 = arith.index_cast %add3A_911 : i32 to index
        %get3A_976 = arith.constant 112 : index
        %get3A_977 = tpu.vector_load %arg17[%get3A_975, %get3A_976] {strides = array<i32>} : memref<80x128xf32, #tpu.memory_space<vmem>>, vector<16xf32>,
        %get3A_978 = arith.index_cast %add3A_911 : i32 to index
        %get3A_979 = arith.constant 112 : index
        %get3A_980 = tpu.vector_load %arg18[%get3A_978, %get3A_979] {strides = array<i32>} : memref<80x128xf32, #tpu.memory_space<vmem>>, vector<16xf32>,
        %mul3A_981 = arith.mulf %get3A_977, %get3A_980 : vector<16xf32>
        %add3A_982 = arith.addf %add3A_974, %mul3A_981 : vector<16xf32>
        %swap3A_983 = arith.constant 11 : i32
        %swap3A_984 = arith.index_cast %swap3A_983 : i32 to index
        %swap3A_985 = arith.constant 0 : index
        %swap3A_986 = tpu.vector_load %arg22[%swap3A_984, %swap3A_985] {strides = array<i32>} : memref<16x17xf32, #tpu.memory_space<vmem>>, vector<16xf32>,
        tpu.vector_store %arg22[%swap3A_984, %swap3A_985], %add3A_982 {strides = array<i32>} : memref<16x17xf32, #tpu.memory_space<vmem>>, vector<16xf32>,
        %add3A_987 = arith.constant 12 : i32
        %add3A_988 = arith.addi %mul3A_64, %add3A_987 : i32
        %get3A_989 = arith.index_cast %add3A_988 : i32 to index
        %get3A_990 = arith.constant 0 : index
        %get3A_991 = tpu.vector_load %arg19[%get3A_989, %get3A_990] {strides = array<i32>} : memref<80x16xf32, #tpu.memory_space<vmem>>, vector<16xf32>,
        %get3A_992 = arith.index_cast %add3A_988 : i32 to index
        %get3A_993 = arith.constant 0 : index
        %get3A_994 = tpu.vector_load %arg20[%get3A_992, %get3A_993] {strides = array<i32>} : memref<80x16xf32, #tpu.memory_space<vmem>>, vector<16xf32>,
        %mul3A_995 = arith.mulf %get3A_991, %get3A_994 : vector<16xf32>
        %get3A_996 = arith.index_cast %add3A_988 : i32 to index
        %get3A_997 = arith.constant 0 : index
        %get3A_998 = tpu.vector_load %arg17[%get3A_996, %get3A_997] {strides = array<i32>} : memref<80x128xf32, #tpu.memory_space<vmem>>, vector<16xf32>,
        %get3A_999 = arith.index_cast %add3A_988 : i32 to index
        %get3A_1000 = arith.constant 0 : index
        %get3A_1001 = tpu.vector_load %arg18[%get3A_999, %get3A_1000] {strides = array<i32>} : memref<80x128xf32, #tpu.memory_space<vmem>>, vector<16xf32>,
        %mul3A_1002 = arith.mulf %get3A_998, %get3A_1001 : vector<16xf32>
        %add3A_1003 = arith.addf %mul3A_995, %mul3A_1002 : vector<16xf32>
        %get3A_1004 = arith.index_cast %add3A_988 : i32 to index
        %get3A_1005 = arith.constant 16 : index
        %get3A_1006 = tpu.vector_load %arg17[%get3A_1004, %get3A_1005] {strides = array<i32>} : memref<80x128xf32, #tpu.memory_space<vmem>>, vector<16xf32>,
        %get3A_1007 = arith.index_cast %add3A_988 : i32 to index
        %get3A_1008 = arith.constant 16 : index
        %get3A_1009 = tpu.vector_load %arg18[%get3A_1007, %get3A_1008] {strides = array<i32>} : memref<80x128xf32, #tpu.memory_space<vmem>>, vector<16xf32>,
        %mul3A_1010 = arith.mulf %get3A_1006, %get3A_1009 : vector<16xf32>
        %add3A_1011 = arith.addf %add3A_1003, %mul3A_1010 : vector<16xf32>
        %get3A_1012 = arith.index_cast %add3A_988 : i32 to index
        %get3A_1013 = arith.constant 32 : index
        %get3A_1014 = tpu.vector_load %arg17[%get3A_1012, %get3A_1013] {strides = array<i32>} : memref<80x128xf32, #tpu.memory_space<vmem>>, vector<16xf32>,
        %get3A_1015 = arith.index_cast %add3A_988 : i32 to index
        %get3A_1016 = arith.constant 32 : index
        %get3A_1017 = tpu.vector_load %arg18[%get3A_1015, %get3A_1016] {strides = array<i32>} : memref<80x128xf32, #tpu.memory_space<vmem>>, vector<16xf32>,
        %mul3A_1018 = arith.mulf %get3A_1014, %get3A_1017 : vector<16xf32>
        %add3A_1019 = arith.addf %add3A_1011, %mul3A_1018 : vector<16xf32>
        %get3A_1020 = arith.index_cast %add3A_988 : i32 to index
        %get3A_1021 = arith.constant 48 : index
        %get3A_1022 = tpu.vector_load %arg17[%get3A_1020, %get3A_1021] {strides = array<i32>} : memref<80x128xf32, #tpu.memory_space<vmem>>, vector<16xf32>,
        %get3A_1023 = arith.index_cast %add3A_988 : i32 to index
        %get3A_1024 = arith.constant 48 : index
        %get3A_1025 = tpu.vector_load %arg18[%get3A_1023, %get3A_1024] {strides = array<i32>} : memref<80x128xf32, #tpu.memory_space<vmem>>, vector<16xf32>,
        %mul3A_1026 = arith.mulf %get3A_1022, %get3A_1025 : vector<16xf32>
        %add3A_1027 = arith.addf %add3A_1019, %mul3A_1026 : vector<16xf32>
        %get3A_1028 = arith.index_cast %add3A_988 : i32 to index
        %get3A_1029 = arith.constant 64 : index
        %get3A_1030 = tpu.vector_load %arg17[%get3A_1028, %get3A_1029] {strides = array<i32>} : memref<80x128xf32, #tpu.memory_space<vmem>>, vector<16xf32>,
        %get3A_1031 = arith.index_cast %add3A_988 : i32 to index
        %get3A_1032 = arith.constant 64 : index
        %get3A_1033 = tpu.vector_load %arg18[%get3A_1031, %get3A_1032] {strides = array<i32>} : memref<80x128xf32, #tpu.memory_space<vmem>>, vector<16xf32>,
        %mul3A_1034 = arith.mulf %get3A_1030, %get3A_1033 : vector<16xf32>
        %add3A_1035 = arith.addf %add3A_1027, %mul3A_1034 : vector<16xf32>
        %get3A_1036 = arith.index_cast %add3A_988 : i32 to index
        %get3A_1037 = arith.constant 80 : index
        %get3A_1038 = tpu.vector_load %arg17[%get3A_1036, %get3A_1037] {strides = array<i32>} : memref<80x128xf32, #tpu.memory_space<vmem>>, vector<16xf32>,
        %get3A_1039 = arith.index_cast %add3A_988 : i32 to index
        %get3A_1040 = arith.constant 80 : index
        %get3A_1041 = tpu.vector_load %arg18[%get3A_1039, %get3A_1040] {strides = array<i32>} : memref<80x128xf32, #tpu.memory_space<vmem>>, vector<16xf32>,
        %mul3A_1042 = arith.mulf %get3A_1038, %get3A_1041 : vector<16xf32>
        %add3A_1043 = arith.addf %add3A_1035, %mul3A_1042 : vector<16xf32>
        %get3A_1044 = arith.index_cast %add3A_988 : i32 to index
        %get3A_1045 = arith.constant 96 : index
        %get3A_1046 = tpu.vector_load %arg17[%get3A_1044, %get3A_1045] {strides = array<i32>} : memref<80x128xf32, #tpu.memory_space<vmem>>, vector<16xf32>,
        %get3A_1047 = arith.index_cast %add3A_988 : i32 to index
        %get3A_1048 = arith.constant 96 : index
        %get3A_1049 = tpu.vector_load %arg18[%get3A_1047, %get3A_1048] {strides = array<i32>} : memref<80x128xf32, #tpu.memory_space<vmem>>, vector<16xf32>,
        %mul3A_1050 = arith.mulf %get3A_1046, %get3A_1049 : vector<16xf32>
        %add3A_1051 = arith.addf %add3A_1043, %mul3A_1050 : vector<16xf32>
        %get3A_1052 = arith.index_cast %add3A_988 : i32 to index
        %get3A_1053 = arith.constant 112 : index
        %get3A_1054 = tpu.vector_load %arg17[%get3A_1052, %get3A_1053] {strides = array<i32>} : memref<80x128xf32, #tpu.memory_space<vmem>>, vector<16xf32>,
        %get3A_1055 = arith.index_cast %add3A_988 : i32 to index
        %get3A_1056 = arith.constant 112 : index
        %get3A_1057 = tpu.vector_load %arg18[%get3A_1055, %get3A_1056] {strides = array<i32>} : memref<80x128xf32, #tpu.memory_space<vmem>>, vector<16xf32>,
        %mul3A_1058 = arith.mulf %get3A_1054, %get3A_1057 : vector<16xf32>
        %add3A_1059 = arith.addf %add3A_1051, %mul3A_1058 : vector<16xf32>
        %swap3A_1060 = arith.constant 12 : i32
        %swap3A_1061 = arith.index_cast %swap3A_1060 : i32 to index
        %swap3A_1062 = arith.constant 0 : index
        %swap3A_1063 = tpu.vector_load %arg22[%swap3A_1061, %swap3A_1062] {strides = array<i32>} : memref<16x17xf32, #tpu.memory_space<vmem>>, vector<16xf32>,
        tpu.vector_store %arg22[%swap3A_1061, %swap3A_1062], %add3A_1059 {strides = array<i32>} : memref<16x17xf32, #tpu.memory_space<vmem>>, vector<16xf32>,
        %add3A_1064 = arith.constant 13 : i32
        %add3A_1065 = arith.addi %mul3A_64, %add3A_1064 : i32
        %get3A_1066 = arith.index_cast %add3A_1065 : i32 to index
        %get3A_1067 = arith.constant 0 : index
        %get3A_1068 = tpu.vector_load %arg19[%get3A_1066, %get3A_1067] {strides = array<i32>} : memref<80x16xf32, #tpu.memory_space<vmem>>, vector<16xf32>,
        %get3A_1069 = arith.index_cast %add3A_1065 : i32 to index
        %get3A_1070 = arith.constant 0 : index
        %get3A_1071 = tpu.vector_load %arg20[%get3A_1069, %get3A_1070] {strides = array<i32>} : memref<80x16xf32, #tpu.memory_space<vmem>>, vector<16xf32>,
        %mul3A_1072 = arith.mulf %get3A_1068, %get3A_1071 : vector<16xf32>
        %get3A_1073 = arith.index_cast %add3A_1065 : i32 to index
        %get3A_1074 = arith.constant 0 : index
        %get3A_1075 = tpu.vector_load %arg17[%get3A_1073, %get3A_1074] {strides = array<i32>} : memref<80x128xf32, #tpu.memory_space<vmem>>, vector<16xf32>,
        %get3A_1076 = arith.index_cast %add3A_1065 : i32 to index
        %get3A_1077 = arith.constant 0 : index
        %get3A_1078 = tpu.vector_load %arg18[%get3A_1076, %get3A_1077] {strides = array<i32>} : memref<80x128xf32, #tpu.memory_space<vmem>>, vector<16xf32>,
        %mul3A_1079 = arith.mulf %get3A_1075, %get3A_1078 : vector<16xf32>
        %add3A_1080 = arith.addf %mul3A_1072, %mul3A_1079 : vector<16xf32>
        %get3A_1081 = arith.index_cast %add3A_1065 : i32 to index
        %get3A_1082 = arith.constant 16 : index
        %get3A_1083 = tpu.vector_load %arg17[%get3A_1081, %get3A_1082] {strides = array<i32>} : memref<80x128xf32, #tpu.memory_space<vmem>>, vector<16xf32>,
        %get3A_1084 = arith.index_cast %add3A_1065 : i32 to index
        %get3A_1085 = arith.constant 16 : index
        %get3A_1086 = tpu.vector_load %arg18[%get3A_1084, %get3A_1085] {strides = array<i32>} : memref<80x128xf32, #tpu.memory_space<vmem>>, vector<16xf32>,
        %mul3A_1087 = arith.mulf %get3A_1083, %get3A_1086 : vector<16xf32>
        %add3A_1088 = arith.addf %add3A_1080, %mul3A_1087 : vector<16xf32>
        %get3A_1089 = arith.index_cast %add3A_1065 : i32 to index
        %get3A_1090 = arith.constant 32 : index
        %get3A_1091 = tpu.vector_load %arg17[%get3A_1089, %get3A_1090] {strides = array<i32>} : memref<80x128xf32, #tpu.memory_space<vmem>>, vector<16xf32>,
        %get3A_1092 = arith.index_cast %add3A_1065 : i32 to index
        %get3A_1093 = arith.constant 32 : index
        %get3A_1094 = tpu.vector_load %arg18[%get3A_1092, %get3A_1093] {strides = array<i32>} : memref<80x128xf32, #tpu.memory_space<vmem>>, vector<16xf32>,
        %mul3A_1095 = arith.mulf %get3A_1091, %get3A_1094 : vector<16xf32>
        %add3A_1096 = arith.addf %add3A_1088, %mul3A_1095 : vector<16xf32>
        %get3A_1097 = arith.index_cast %add3A_1065 : i32 to index
        %get3A_1098 = arith.constant 48 : index
        %get3A_1099 = tpu.vector_load %arg17[%get3A_1097, %get3A_1098] {strides = array<i32>} : memref<80x128xf32, #tpu.memory_space<vmem>>, vector<16xf32>,
        %get3A_1100 = arith.index_cast %add3A_1065 : i32 to index
        %get3A_1101 = arith.constant 48 : index
        %get3A_1102 = tpu.vector_load %arg18[%get3A_1100, %get3A_1101] {strides = array<i32>} : memref<80x128xf32, #tpu.memory_space<vmem>>, vector<16xf32>,
        %mul3A_1103 = arith.mulf %get3A_1099, %get3A_1102 : vector<16xf32>
        %add3A_1104 = arith.addf %add3A_1096, %mul3A_1103 : vector<16xf32>
        %get3A_1105 = arith.index_cast %add3A_1065 : i32 to index
        %get3A_1106 = arith.constant 64 : index
        %get3A_1107 = tpu.vector_load %arg17[%get3A_1105, %get3A_1106] {strides = array<i32>} : memref<80x128xf32, #tpu.memory_space<vmem>>, vector<16xf32>,
        %get3A_1108 = arith.index_cast %add3A_1065 : i32 to index
        %get3A_1109 = arith.constant 64 : index
        %get3A_1110 = tpu.vector_load %arg18[%get3A_1108, %get3A_1109] {strides = array<i32>} : memref<80x128xf32, #tpu.memory_space<vmem>>, vector<16xf32>,
        %mul3A_1111 = arith.mulf %get3A_1107, %get3A_1110 : vector<16xf32>
        %add3A_1112 = arith.addf %add3A_1104, %mul3A_1111 : vector<16xf32>
        %get3A_1113 = arith.index_cast %add3A_1065 : i32 to index
        %get3A_1114 = arith.constant 80 : index
        %get3A_1115 = tpu.vector_load %arg17[%get3A_1113, %get3A_1114] {strides = array<i32>} : memref<80x128xf32, #tpu.memory_space<vmem>>, vector<16xf32>,
        %get3A_1116 = arith.index_cast %add3A_1065 : i32 to index
        %get3A_1117 = arith.constant 80 : index
        %get3A_1118 = tpu.vector_load %arg18[%get3A_1116, %get3A_1117] {strides = array<i32>} : memref<80x128xf32, #tpu.memory_space<vmem>>, vector<16xf32>,
        %mul3A_1119 = arith.mulf %get3A_1115, %get3A_1118 : vector<16xf32>
        %add3A_1120 = arith.addf %add3A_1112, %mul3A_1119 : vector<16xf32>
        %get3A_1121 = arith.index_cast %add3A_1065 : i32 to index
        %get3A_1122 = arith.constant 96 : index
        %get3A_1123 = tpu.vector_load %arg17[%get3A_1121, %get3A_1122] {strides = array<i32>} : memref<80x128xf32, #tpu.memory_space<vmem>>, vector<16xf32>,
        %get3A_1124 = arith.index_cast %add3A_1065 : i32 to index
        %get3A_1125 = arith.constant 96 : index
        %get3A_1126 = tpu.vector_load %arg18[%get3A_1124, %get3A_1125] {strides = array<i32>} : memref<80x128xf32, #tpu.memory_space<vmem>>, vector<16xf32>,
        %mul3A_1127 = arith.mulf %get3A_1123, %get3A_1126 : vector<16xf32>
        %add3A_1128 = arith.addf %add3A_1120, %mul3A_1127 : vector<16xf32>
        %get3A_1129 = arith.index_cast %add3A_1065 : i32 to index
        %get3A_1130 = arith.constant 112 : index
        %get3A_1131 = tpu.vector_load %arg17[%get3A_1129, %get3A_1130] {strides = array<i32>} : memref<80x128xf32, #tpu.memory_space<vmem>>, vector<16xf32>,
        %get3A_1132 = arith.index_cast %add3A_1065 : i32 to index
        %get3A_1133 = arith.constant 112 : index
        %get3A_1134 = tpu.vector_load %arg18[%get3A_1132, %get3A_1133] {strides = array<i32>} : memref<80x128xf32, #tpu.memory_space<vmem>>, vector<16xf32>,
        %mul3A_1135 = arith.mulf %get3A_1131, %get3A_1134 : vector<16xf32>
        %add3A_1136 = arith.addf %add3A_1128, %mul3A_1135 : vector<16xf32>
        %swap3A_1137 = arith.constant 13 : i32
        %swap3A_1138 = arith.index_cast %swap3A_1137 : i32 to index
        %swap3A_1139 = arith.constant 0 : index
        %swap3A_1140 = tpu.vector_load %arg22[%swap3A_1138, %swap3A_1139] {strides = array<i32>} : memref<16x17xf32, #tpu.memory_space<vmem>>, vector<16xf32>,
        tpu.vector_store %arg22[%swap3A_1138, %swap3A_1139], %add3A_1136 {strides = array<i32>} : memref<16x17xf32, #tpu.memory_space<vmem>>, vector<16xf32>,
        %add3A_1141 = arith.constant 14 : i32
        %add3A_1142 = arith.addi %mul3A_64, %add3A_1141 : i32
        %get3A_1143 = arith.index_cast %add3A_1142 : i32 to index
        %get3A_1144 = arith.constant 0 : index
        %get3A_1145 = tpu.vector_load %arg19[%get3A_1143, %get3A_1144] {strides = array<i32>} : memref<80x16xf32, #tpu.memory_space<vmem>>, vector<16xf32>,
        %get3A_1146 = arith.index_cast %add3A_1142 : i32 to index
        %get3A_1147 = arith.constant 0 : index
        %get3A_1148 = tpu.vector_load %arg20[%get3A_1146, %get3A_1147] {strides = array<i32>} : memref<80x16xf32, #tpu.memory_space<vmem>>, vector<16xf32>,
        %mul3A_1149 = arith.mulf %get3A_1145, %get3A_1148 : vector<16xf32>
        %get3A_1150 = arith.index_cast %add3A_1142 : i32 to index
        %get3A_1151 = arith.constant 0 : index
        %get3A_1152 = tpu.vector_load %arg17[%get3A_1150, %get3A_1151] {strides = array<i32>} : memref<80x128xf32, #tpu.memory_space<vmem>>, vector<16xf32>,
        %get3A_1153 = arith.index_cast %add3A_1142 : i32 to index
        %get3A_1154 = arith.constant 0 : index
        %get3A_1155 = tpu.vector_load %arg18[%get3A_1153, %get3A_1154] {strides = array<i32>} : memref<80x128xf32, #tpu.memory_space<vmem>>, vector<16xf32>,
        %mul3A_1156 = arith.mulf %get3A_1152, %get3A_1155 : vector<16xf32>
        %add3A_1157 = arith.addf %mul3A_1149, %mul3A_1156 : vector<16xf32>
        %get3A_1158 = arith.index_cast %add3A_1142 : i32 to index
        %get3A_1159 = arith.constant 16 : index
        %get3A_1160 = tpu.vector_load %arg17[%get3A_1158, %get3A_1159] {strides = array<i32>} : memref<80x128xf32, #tpu.memory_space<vmem>>, vector<16xf32>,
        %get3A_1161 = arith.index_cast %add3A_1142 : i32 to index
        %get3A_1162 = arith.constant 16 : index
        %get3A_1163 = tpu.vector_load %arg18[%get3A_1161, %get3A_1162] {strides = array<i32>} : memref<80x128xf32, #tpu.memory_space<vmem>>, vector<16xf32>,
        %mul3A_1164 = arith.mulf %get3A_1160, %get3A_1163 : vector<16xf32>
        %add3A_1165 = arith.addf %add3A_1157, %mul3A_1164 : vector<16xf32>
        %get3A_1166 = arith.index_cast %add3A_1142 : i32 to index
        %get3A_1167 = arith.constant 32 : index
        %get3A_1168 = tpu.vector_load %arg17[%get3A_1166, %get3A_1167] {strides = array<i32>} : memref<80x128xf32, #tpu.memory_space<vmem>>, vector<16xf32>,
        %get3A_1169 = arith.index_cast %add3A_1142 : i32 to index
        %get3A_1170 = arith.constant 32 : index
        %get3A_1171 = tpu.vector_load %arg18[%get3A_1169, %get3A_1170] {strides = array<i32>} : memref<80x128xf32, #tpu.memory_space<vmem>>, vector<16xf32>,
        %mul3A_1172 = arith.mulf %get3A_1168, %get3A_1171 : vector<16xf32>
        %add3A_1173 = arith.addf %add3A_1165, %mul3A_1172 : vector<16xf32>
        %get3A_1174 = arith.index_cast %add3A_1142 : i32 to index
        %get3A_1175 = arith.constant 48 : index
        %get3A_1176 = tpu.vector_load %arg17[%get3A_1174, %get3A_1175] {strides = array<i32>} : memref<80x128xf32, #tpu.memory_space<vmem>>, vector<16xf32>,
        %get3A_1177 = arith.index_cast %add3A_1142 : i32 to index
        %get3A_1178 = arith.constant 48 : index
        %get3A_1179 = tpu.vector_load %arg18[%get3A_1177, %get3A_1178] {strides = array<i32>} : memref<80x128xf32, #tpu.memory_space<vmem>>, vector<16xf32>,
        %mul3A_1180 = arith.mulf %get3A_1176, %get3A_1179 : vector<16xf32>
        %add3A_1181 = arith.addf %add3A_1173, %mul3A_1180 : vector<16xf32>
        %get3A_1182 = arith.index_cast %add3A_1142 : i32 to index
        %get3A_1183 = arith.constant 64 : index
        %get3A_1184 = tpu.vector_load %arg17[%get3A_1182, %get3A_1183] {strides = array<i32>} : memref<80x128xf32, #tpu.memory_space<vmem>>, vector<16xf32>,
        %get3A_1185 = arith.index_cast %add3A_1142 : i32 to index
        %get3A_1186 = arith.constant 64 : index
        %get3A_1187 = tpu.vector_load %arg18[%get3A_1185, %get3A_1186] {strides = array<i32>} : memref<80x128xf32, #tpu.memory_space<vmem>>, vector<16xf32>,
        %mul3A_1188 = arith.mulf %get3A_1184, %get3A_1187 : vector<16xf32>
        %add3A_1189 = arith.addf %add3A_1181, %mul3A_1188 : vector<16xf32>
        %get3A_1190 = arith.index_cast %add3A_1142 : i32 to index
        %get3A_1191 = arith.constant 80 : index
        %get3A_1192 = tpu.vector_load %arg17[%get3A_1190, %get3A_1191] {strides = array<i32>} : memref<80x128xf32, #tpu.memory_space<vmem>>, vector<16xf32>,
        %get3A_1193 = arith.index_cast %add3A_1142 : i32 to index
        %get3A_1194 = arith.constant 80 : index
        %get3A_1195 = tpu.vector_load %arg18[%get3A_1193, %get3A_1194] {strides = array<i32>} : memref<80x128xf32, #tpu.memory_space<vmem>>, vector<16xf32>,
        %mul3A_1196 = arith.mulf %get3A_1192, %get3A_1195 : vector<16xf32>
        %add3A_1197 = arith.addf %add3A_1189, %mul3A_1196 : vector<16xf32>
        %get3A_1198 = arith.index_cast %add3A_1142 : i32 to index
        %get3A_1199 = arith.constant 96 : index
        %get3A_1200 = tpu.vector_load %arg17[%get3A_1198, %get3A_1199] {strides = array<i32>} : memref<80x128xf32, #tpu.memory_space<vmem>>, vector<16xf32>,
        %get3A_1201 = arith.index_cast %add3A_1142 : i32 to index
        %get3A_1202 = arith.constant 96 : index
        %get3A_1203 = tpu.vector_load %arg18[%get3A_1201, %get3A_1202] {strides = array<i32>} : memref<80x128xf32, #tpu.memory_space<vmem>>, vector<16xf32>,
        %mul3A_1204 = arith.mulf %get3A_1200, %get3A_1203 : vector<16xf32>
        %add3A_1205 = arith.addf %add3A_1197, %mul3A_1204 : vector<16xf32>
        %get3A_1206 = arith.index_cast %add3A_1142 : i32 to index
        %get3A_1207 = arith.constant 112 : index
        %get3A_1208 = tpu.vector_load %arg17[%get3A_1206, %get3A_1207] {strides = array<i32>} : memref<80x128xf32, #tpu.memory_space<vmem>>, vector<16xf32>,
        %get3A_1209 = arith.index_cast %add3A_1142 : i32 to index
        %get3A_1210 = arith.constant 112 : index
        %get3A_1211 = tpu.vector_load %arg18[%get3A_1209, %get3A_1210] {strides = array<i32>} : memref<80x128xf32, #tpu.memory_space<vmem>>, vector<16xf32>,
        %mul3A_1212 = arith.mulf %get3A_1208, %get3A_1211 : vector<16xf32>
        %add3A_1213 = arith.addf %add3A_1205, %mul3A_1212 : vector<16xf32>
        %swap3A_1214 = arith.constant 14 : i32
        %swap3A_1215 = arith.index_cast %swap3A_1214 : i32 to index
        %swap3A_1216 = arith.constant 0 : index
        %swap3A_1217 = tpu.vector_load %arg22[%swap3A_1215, %swap3A_1216] {strides = array<i32>} : memref<16x17xf32, #tpu.memory_space<vmem>>, vector<16xf32>,
        tpu.vector_store %arg22[%swap3A_1215, %swap3A_1216], %add3A_1213 {strides = array<i32>} : memref<16x17xf32, #tpu.memory_space<vmem>>, vector<16xf32>,
        %add3A_1218 = arith.constant 15 : i32
        %add3A_1219 = arith.addi %mul3A_64, %add3A_1218 : i32
        %get3A_1220 = arith.index_cast %add3A_1219 : i32 to index
        %get3A_1221 = arith.constant 0 : index
        %get3A_1222 = tpu.vector_load %arg19[%get3A_1220, %get3A_1221] {strides = array<i32>} : memref<80x16xf32, #tpu.memory_space<vmem>>, vector<16xf32>,
        %get3A_1223 = arith.index_cast %add3A_1219 : i32 to index
        %get3A_1224 = arith.constant 0 : index
        %get3A_1225 = tpu.vector_load %arg20[%get3A_1223, %get3A_1224] {strides = array<i32>} : memref<80x16xf32, #tpu.memory_space<vmem>>, vector<16xf32>,
        %mul3A_1226 = arith.mulf %get3A_1222, %get3A_1225 : vector<16xf32>
        %get3A_1227 = arith.index_cast %add3A_1219 : i32 to index
        %get3A_1228 = arith.constant 0 : index
        %get3A_1229 = tpu.vector_load %arg17[%get3A_1227, %get3A_1228] {strides = array<i32>} : memref<80x128xf32, #tpu.memory_space<vmem>>, vector<16xf32>,
        %get3A_1230 = arith.index_cast %add3A_1219 : i32 to index
        %get3A_1231 = arith.constant 0 : index
        %get3A_1232 = tpu.vector_load %arg18[%get3A_1230, %get3A_1231] {strides = array<i32>} : memref<80x128xf32, #tpu.memory_space<vmem>>, vector<16xf32>,
        %mul3A_1233 = arith.mulf %get3A_1229, %get3A_1232 : vector<16xf32>
        %add3A_1234 = arith.addf %mul3A_1226, %mul3A_1233 : vector<16xf32>
        %get3A_1235 = arith.index_cast %add3A_1219 : i32 to index
        %get3A_1236 = arith.constant 16 : index
        %get3A_1237 = tpu.vector_load %arg17[%get3A_1235, %get3A_1236] {strides = array<i32>} : memref<80x128xf32, #tpu.memory_space<vmem>>, vector<16xf32>,
        %get3A_1238 = arith.index_cast %add3A_1219 : i32 to index
        %get3A_1239 = arith.constant 16 : index
        %get3A_1240 = tpu.vector_load %arg18[%get3A_1238, %get3A_1239] {strides = array<i32>} : memref<80x128xf32, #tpu.memory_space<vmem>>, vector<16xf32>,
        %mul3A_1241 = arith.mulf %get3A_1237, %get3A_1240 : vector<16xf32>
        %add3A_1242 = arith.addf %add3A_1234, %mul3A_1241 : vector<16xf32>
        %get3A_1243 = arith.index_cast %add3A_1219 : i32 to index
        %get3A_1244 = arith.constant 32 : index
        %get3A_1245 = tpu.vector_load %arg17[%get3A_1243, %get3A_1244] {strides = array<i32>} : memref<80x128xf32, #tpu.memory_space<vmem>>, vector<16xf32>,
        %get3A_1246 = arith.index_cast %add3A_1219 : i32 to index
        %get3A_1247 = arith.constant 32 : index
        %get3A_1248 = tpu.vector_load %arg18[%get3A_1246, %get3A_1247] {strides = array<i32>} : memref<80x128xf32, #tpu.memory_space<vmem>>, vector<16xf32>,
        %mul3A_1249 = arith.mulf %get3A_1245, %get3A_1248 : vector<16xf32>
        %add3A_1250 = arith.addf %add3A_1242, %mul3A_1249 : vector<16xf32>
        %get3A_1251 = arith.index_cast %add3A_1219 : i32 to index
        %get3A_1252 = arith.constant 48 : index
        %get3A_1253 = tpu.vector_load %arg17[%get3A_1251, %get3A_1252] {strides = array<i32>} : memref<80x128xf32, #tpu.memory_space<vmem>>, vector<16xf32>,
        %get3A_1254 = arith.index_cast %add3A_1219 : i32 to index
        %get3A_1255 = arith.constant 48 : index
        %get3A_1256 = tpu.vector_load %arg18[%get3A_1254, %get3A_1255] {strides = array<i32>} : memref<80x128xf32, #tpu.memory_space<vmem>>, vector<16xf32>,
        %mul3A_1257 = arith.mulf %get3A_1253, %get3A_1256 : vector<16xf32>
        %add3A_1258 = arith.addf %add3A_1250, %mul3A_1257 : vector<16xf32>
        %get3A_1259 = arith.index_cast %add3A_1219 : i32 to index
        %get3A_1260 = arith.constant 64 : index
        %get3A_1261 = tpu.vector_load %arg17[%get3A_1259, %get3A_1260] {strides = array<i32>} : memref<80x128xf32, #tpu.memory_space<vmem>>, vector<16xf32>,
        %get3A_1262 = arith.index_cast %add3A_1219 : i32 to index
        %get3A_1263 = arith.constant 64 : index
        %get3A_1264 = tpu.vector_load %arg18[%get3A_1262, %get3A_1263] {strides = array<i32>} : memref<80x128xf32, #tpu.memory_space<vmem>>, vector<16xf32>,
        %mul3A_1265 = arith.mulf %get3A_1261, %get3A_1264 : vector<16xf32>
        %add3A_1266 = arith.addf %add3A_1258, %mul3A_1265 : vector<16xf32>
        %get3A_1267 = arith.index_cast %add3A_1219 : i32 to index
        %get3A_1268 = arith.constant 80 : index
        %get3A_1269 = tpu.vector_load %arg17[%get3A_1267, %get3A_1268] {strides = array<i32>} : memref<80x128xf32, #tpu.memory_space<vmem>>, vector<16xf32>,
        %get3A_1270 = arith.index_cast %add3A_1219 : i32 to index
        %get3A_1271 = arith.constant 80 : index
        %get3A_1272 = tpu.vector_load %arg18[%get3A_1270, %get3A_1271] {strides = array<i32>} : memref<80x128xf32, #tpu.memory_space<vmem>>, vector<16xf32>,
        %mul3A_1273 = arith.mulf %get3A_1269, %get3A_1272 : vector<16xf32>
        %add3A_1274 = arith.addf %add3A_1266, %mul3A_1273 : vector<16xf32>
        %get3A_1275 = arith.index_cast %add3A_1219 : i32 to index
        %get3A_1276 = arith.constant 96 : index
        %get3A_1277 = tpu.vector_load %arg17[%get3A_1275, %get3A_1276] {strides = array<i32>} : memref<80x128xf32, #tpu.memory_space<vmem>>, vector<16xf32>,
        %get3A_1278 = arith.index_cast %add3A_1219 : i32 to index
        %get3A_1279 = arith.constant 96 : index
        %get3A_1280 = tpu.vector_load %arg18[%get3A_1278, %get3A_1279] {strides = array<i32>} : memref<80x128xf32, #tpu.memory_space<vmem>>, vector<16xf32>,
        %mul3A_1281 = arith.mulf %get3A_1277, %get3A_1280 : vector<16xf32>
        %add3A_1282 = arith.addf %add3A_1274, %mul3A_1281 : vector<16xf32>
        %get3A_1283 = arith.index_cast %add3A_1219 : i32 to index
        %get3A_1284 = arith.constant 112 : index
        %get3A_1285 = tpu.vector_load %arg17[%get3A_1283, %get3A_1284] {strides = array<i32>} : memref<80x128xf32, #tpu.memory_space<vmem>>, vector<16xf32>,
        %get3A_1286 = arith.index_cast %add3A_1219 : i32 to index
        %get3A_1287 = arith.constant 112 : index
        %get3A_1288 = tpu.vector_load %arg18[%get3A_1286, %get3A_1287] {strides = array<i32>} : memref<80x128xf32, #tpu.memory_space<vmem>>, vector<16xf32>,
        %mul3A_1289 = arith.mulf %get3A_1285, %get3A_1288 : vector<16xf32>
        %add3A_1290 = arith.addf %add3A_1282, %mul3A_1289 : vector<16xf32>
        %swap3A_1291 = arith.constant 15 : i32
        %swap3A_1292 = arith.index_cast %swap3A_1291 : i32 to index
        %swap3A_1293 = arith.constant 0 : index
        %swap3A_1294 = tpu.vector_load %arg22[%swap3A_1292, %swap3A_1293] {strides = array<i32>} : memref<16x17xf32, #tpu.memory_space<vmem>>, vector<16xf32>,
        tpu.vector_store %arg22[%swap3A_1292, %swap3A_1293], %add3A_1290 {strides = array<i32>} : memref<16x17xf32, #tpu.memory_space<vmem>>, vector<16xf32>,
        %broadcast_in_dim3A = arith.constant 0 : i32
        %broadcast_in_dim3A_1295 = vector.broadcast %broadcast_in_dim3A : i32 to vector<16xi32>
        %gather3A = tpu.vector_load_idx %arg22[%iota3A, %broadcast_in_dim3A_1295] : memref<16x17xf32, #tpu.memory_space<vmem>>[vector<16xi32>, vector<16xi32>], vector<16xf32>,
        %broadcast_in_dim3A_1296 = arith.constant 1 : i32
        %broadcast_in_dim3A_1297 = vector.broadcast %broadcast_in_dim3A_1296 : i32 to vector<16xi32>
        %gather3A_1298 = tpu.vector_load_idx %arg22[%iota3A, %broadcast_in_dim3A_1297] : memref<16x17xf32, #tpu.memory_space<vmem>>[vector<16xi32>, vector<16xi32>], vector<16xf32>,
        %add3A_1299 = arith.addf %gather3A, %gather3A_1298 : vector<16xf32>
        %broadcast_in_dim3A_1300 = arith.constant 2 : i32
        %broadcast_in_dim3A_1301 = vector.broadcast %broadcast_in_dim3A_1300 : i32 to vector<16xi32>
        %gather3A_1302 = tpu.vector_load_idx %arg22[%iota3A, %broadcast_in_dim3A_1301] : memref<16x17xf32, #tpu.memory_space<vmem>>[vector<16xi32>, vector<16xi32>], vector<16xf32>,
        %add3A_1303 = arith.addf %add3A_1299, %gather3A_1302 : vector<16xf32>
        %broadcast_in_dim3A_1304 = arith.constant 3 : i32
        %broadcast_in_dim3A_1305 = vector.broadcast %broadcast_in_dim3A_1304 : i32 to vector<16xi32>
        %gather3A_1306 = tpu.vector_load_idx %arg22[%iota3A, %broadcast_in_dim3A_1305] : memref<16x17xf32, #tpu.memory_space<vmem>>[vector<16xi32>, vector<16xi32>], vector<16xf32>,
        %add3A_1307 = arith.addf %add3A_1303, %gather3A_1306 : vector<16xf32>
        %broadcast_in_dim3A_1308 = arith.constant 4 : i32
        %broadcast_in_dim3A_1309 = vector.broadcast %broadcast_in_dim3A_1308 : i32 to vector<16xi32>
        %gather3A_1310 = tpu.vector_load_idx %arg22[%iota3A, %broadcast_in_dim3A_1309] : memref<16x17xf32, #tpu.memory_space<vmem>>[vector<16xi32>, vector<16xi32>], vector<16xf32>,
        %add3A_1311 = arith.addf %add3A_1307, %gather3A_1310 : vector<16xf32>
        %broadcast_in_dim3A_1312 = arith.constant 5 : i32
        %broadcast_in_dim3A_1313 = vector.broadcast %broadcast_in_dim3A_1312 : i32 to vector<16xi32>
        %gather3A_1314 = tpu.vector_load_idx %arg22[%iota3A, %broadcast_in_dim3A_1313] : memref<16x17xf32, #tpu.memory_space<vmem>>[vector<16xi32>, vector<16xi32>], vector<16xf32>,
        %add3A_1315 = arith.addf %add3A_1311, %gather3A_1314 : vector<16xf32>
        %broadcast_in_dim3A_1316 = arith.constant 6 : i32
        %broadcast_in_dim3A_1317 = vector.broadcast %broadcast_in_dim3A_1316 : i32 to vector<16xi32>
        %gather3A_1318 = tpu.vector_load_idx %arg22[%iota3A, %broadcast_in_dim3A_1317] : memref<16x17xf32, #tpu.memory_space<vmem>>[vector<16xi32>, vector<16xi32>], vector<16xf32>,
        %add3A_1319 = arith.addf %add3A_1315, %gather3A_1318 : vector<16xf32>
        %broadcast_in_dim3A_1320 = arith.constant 7 : i32
        %broadcast_in_dim3A_1321 = vector.broadcast %broadcast_in_dim3A_1320 : i32 to vector<16xi32>
        %gather3A_1322 = tpu.vector_load_idx %arg22[%iota3A, %broadcast_in_dim3A_1321] : memref<16x17xf32, #tpu.memory_space<vmem>>[vector<16xi32>, vector<16xi32>], vector<16xf32>,
        %add3A_1323 = arith.addf %add3A_1319, %gather3A_1322 : vector<16xf32>
        %broadcast_in_dim3A_1324 = arith.constant 8 : i32
        %broadcast_in_dim3A_1325 = vector.broadcast %broadcast_in_dim3A_1324 : i32 to vector<16xi32>
        %gather3A_1326 = tpu.vector_load_idx %arg22[%iota3A, %broadcast_in_dim3A_1325] : memref<16x17xf32, #tpu.memory_space<vmem>>[vector<16xi32>, vector<16xi32>], vector<16xf32>,
        %add3A_1327 = arith.addf %add3A_1323, %gather3A_1326 : vector<16xf32>
        %broadcast_in_dim3A_1328 = arith.constant 9 : i32
        %broadcast_in_dim3A_1329 = vector.broadcast %broadcast_in_dim3A_1328 : i32 to vector<16xi32>
        %gather3A_1330 = tpu.vector_load_idx %arg22[%iota3A, %broadcast_in_dim3A_1329] : memref<16x17xf32, #tpu.memory_space<vmem>>[vector<16xi32>, vector<16xi32>], vector<16xf32>,
        %add3A_1331 = arith.addf %add3A_1327, %gather3A_1330 : vector<16xf32>
        %broadcast_in_dim3A_1332 = arith.constant 10 : i32
        %broadcast_in_dim3A_1333 = vector.broadcast %broadcast_in_dim3A_1332 : i32 to vector<16xi32>
        %gather3A_1334 = tpu.vector_load_idx %arg22[%iota3A, %broadcast_in_dim3A_1333] : memref<16x17xf32, #tpu.memory_space<vmem>>[vector<16xi32>, vector<16xi32>], vector<16xf32>,
        %add3A_1335 = arith.addf %add3A_1331, %gather3A_1334 : vector<16xf32>
        %broadcast_in_dim3A_1336 = arith.constant 11 : i32
        %broadcast_in_dim3A_1337 = vector.broadcast %broadcast_in_dim3A_1336 : i32 to vector<16xi32>
        %gather3A_1338 = tpu.vector_load_idx %arg22[%iota3A, %broadcast_in_dim3A_1337] : memref<16x17xf32, #tpu.memory_space<vmem>>[vector<16xi32>, vector<16xi32>], vector<16xf32>,
        %add3A_1339 = arith.addf %add3A_1335, %gather3A_1338 : vector<16xf32>
        %broadcast_in_dim3A_1340 = arith.constant 12 : i32
        %broadcast_in_dim3A_1341 = vector.broadcast %broadcast_in_dim3A_1340 : i32 to vector<16xi32>
        %gather3A_1342 = tpu.vector_load_idx %arg22[%iota3A, %broadcast_in_dim3A_1341] : memref<16x17xf32, #tpu.memory_space<vmem>>[vector<16xi32>, vector<16xi32>], vector<16xf32>,
        %add3A_1343 = arith.addf %add3A_1339, %gather3A_1342 : vector<16xf32>
        %broadcast_in_dim3A_1344 = arith.constant 13 : i32
        %broadcast_in_dim3A_1345 = vector.broadcast %broadcast_in_dim3A_1344 : i32 to vector<16xi32>
        %gather3A_1346 = tpu.vector_load_idx %arg22[%iota3A, %broadcast_in_dim3A_1345] : memref<16x17xf32, #tpu.memory_space<vmem>>[vector<16xi32>, vector<16xi32>], vector<16xf32>,
        %add3A_1347 = arith.addf %add3A_1343, %gather3A_1346 : vector<16xf32>
        %broadcast_in_dim3A_1348 = arith.constant 14 : i32
        %broadcast_in_dim3A_1349 = vector.broadcast %broadcast_in_dim3A_1348 : i32 to vector<16xi32>
        %gather3A_1350 = tpu.vector_load_idx %arg22[%iota3A, %broadcast_in_dim3A_1349] : memref<16x17xf32, #tpu.memory_space<vmem>>[vector<16xi32>, vector<16xi32>], vector<16xf32>,
        %add3A_1351 = arith.addf %add3A_1347, %gather3A_1350 : vector<16xf32>
        %broadcast_in_dim3A_1352 = arith.constant 15 : i32
        %broadcast_in_dim3A_1353 = vector.broadcast %broadcast_in_dim3A_1352 : i32 to vector<16xi32>
        %gather3A_1354 = tpu.vector_load_idx %arg22[%iota3A, %broadcast_in_dim3A_1353] : memref<16x17xf32, #tpu.memory_space<vmem>>[vector<16xi32>, vector<16xi32>], vector<16xf32>,
        %add3A_1355 = arith.addf %add3A_1351, %gather3A_1354 : vector<16xf32>
        %mul3A_1356 = arith.constant 0.0883883461 : f32
        %mul3A_1357 = vector.broadcast %mul3A_1356 : f32 to vector<16xf32>
        %mul3A_1358 = arith.mulf %add3A_1355, %mul3A_1357 : vector<16xf32>
        %exp3A = math.exp %mul3A_1358 : vector<16xf32>
        %swap3A_1359 = arith.index_cast %mul3A_64 : i32 to index
        %swap3A_1360 = tpu.vector_load %arg23[%swap3A_1359] {strides = array<i32>} : memref<80xf32, #tpu.memory_space<vmem>>, vector<16xf32>,
        tpu.vector_store %arg23[%swap3A_1359], %exp3A {strides = array<i32>} : memref<80xf32, #tpu.memory_space<vmem>>, vector<16xf32>,
        %get3A_1361 = arith.index_cast %mul3A_64 : i32 to index
        %get3A_1362 = tpu.vector_load %arg16[%get3A_1361] {strides = array<i32>} : memref<80xi32, #tpu.memory_space<vmem>>, vector<16xi32>,
        tpu.vector_store_idx %arg24[%get3A_1362], %exp3A {add = true} : memref<10000xf32, #tpu.memory_space<vmem>>[vector<16xi32>], vector<16xf32>,
        %scan3A_1363 = arith.constant 0 : i32
        scf.yield %scan3A_1363 : i32
      }
      %scan3A_39 = arith.constant 5 : i32
      %dma_start3A_40 = arith.constant 0 : i32
      %dma_start3A_41 = arith.constant 0 : i32
      %dma_start3A_42 = tpu.memref_slice %arg7[%dma_start3A_40, %dma_start3A_41] : memref<10112x128xf32, #tpu.memory_space<hbm>> -> memref<10112x128xf32, #tpu.memory_space<hbm>>
      tpu.enqueue_indirect_dma source(%dma_start3A_42 : memref<10112x128xf32, #tpu.memory_space<hbm>>) target(%arg17 : memref<80x128xf32, #tpu.memory_space<vmem>>) offsets(%arg15 : memref<80xi32, #tpu.memory_space<vmem>>) semaphore(%arg29 : memref<!tpu.dma_semaphore, #tpu.memory_space<semaphore_mem>>)
      %scan3A_43 = arith.constant 0 : i32
      %scan3A_44 = arith.constant 0 : i32
      %scan3A_45 = arith.constant 80 : i32
      %scan3A_46 = arith.addi %scan3A_44, %scan3A_45 : i32
      %scan3A_47 = arith.constant 1 : i32
      %scan3A_48 = scf.for %scan3A_61 = %scan3A_44 to %scan3A_46 step %scan3A_47 iter_args(%scan3A_62 = %scan3A_43) -> (i32)  : i32 {
        %broadcast_in_dim3A = vector.broadcast %scan3A_61 : i32 to vector<16xi32>
        %gather3A = tpu.vector_load_idx %arg23[%broadcast_in_dim3A] : memref<80xf32, #tpu.memory_space<vmem>>[vector<16xi32>], vector<16xf32>,
        %get3A = arith.index_cast %scan3A_61 : i32 to index
        %get3A_63 = arith.constant 0 : index
        %get3A_64 = tpu.vector_load %arg20[%get3A, %get3A_63] {strides = array<i32>} : memref<80x16xf32, #tpu.memory_space<vmem>>, vector<16xf32>,
        %mul3A_65 = arith.mulf %get3A_64, %gather3A : vector<16xf32>
        %swap3A = arith.index_cast %scan3A_61 : i32 to index
        %swap3A_66 = arith.constant 0 : index
        %swap3A_67 = tpu.vector_load %arg21[%swap3A, %swap3A_66] {strides = array<i32>} : memref<80x16xf32, #tpu.memory_space<vmem>>, vector<16xf32>,
        tpu.vector_store %arg21[%swap3A, %swap3A_66], %mul3A_65 {strides = array<i32>} : memref<80x16xf32, #tpu.memory_space<vmem>>, vector<16xf32>,
        %scan3A_68 = arith.constant 0 : i32
        scf.yield %scan3A_68 : i32
      }
      %scan3A_49 = arith.constant 80 : i32
      %dma_wait3A_50 = arith.constant 0 : i32
      %dma_wait3A_51 = arith.constant 0 : i32
      %dma_wait3A_52 = tpu.memref_slice %arg7[%dma_wait3A_50, %dma_wait3A_51] : memref<10112x128xf32, #tpu.memory_space<hbm>> -> memref<10112x128xf32, #tpu.memory_space<hbm>>
      tpu.wait_indirect_dma semaphore(%arg29 : memref<!tpu.dma_semaphore, #tpu.memory_space<semaphore_mem>>) src(%dma_wait3A_52 : memref<10112x128xf32, #tpu.memory_space<hbm>>) dst(%arg17 : memref<80x128xf32, #tpu.memory_space<vmem>>)
      %scan3A_53 = arith.constant 0 : i32
      %scan3A_54 = arith.constant 0 : i32
      %scan3A_55 = arith.constant 80 : i32
      %scan3A_56 = arith.addi %scan3A_54, %scan3A_55 : i32
      %scan3A_57 = arith.constant 1 : i32
      %scan3A_58 = scf.for %scan3A_61 = %scan3A_54 to %scan3A_56 step %scan3A_57 iter_args(%scan3A_62 = %scan3A_53) -> (i32)  : i32 {
        %broadcast_in_dim3A = vector.broadcast %scan3A_61 : i32 to vector<16xi32>
        %gather3A = tpu.vector_load_idx %arg23[%broadcast_in_dim3A] : memref<80xf32, #tpu.memory_space<vmem>>[vector<16xi32>], vector<16xf32>,
        %get3A = arith.index_cast %scan3A_61 : i32 to index
        %get3A_63 = arith.constant 0 : index
        %get3A_64 = tpu.vector_load %arg17[%get3A, %get3A_63] {strides = array<i32>} : memref<80x128xf32, #tpu.memory_space<vmem>>, vector<16xf32>,
        %mul3A_65 = arith.mulf %get3A_64, %gather3A : vector<16xf32>
        %swap3A = arith.index_cast %scan3A_61 : i32 to index
        %swap3A_66 = arith.constant 0 : index
        %swap3A_67 = tpu.vector_load %arg17[%swap3A, %swap3A_66] {strides = array<i32>} : memref<80x128xf32, #tpu.memory_space<vmem>>, vector<16xf32>,
        tpu.vector_store %arg17[%swap3A, %swap3A_66], %mul3A_65 {strides = array<i32>} : memref<80x128xf32, #tpu.memory_space<vmem>>, vector<16xf32>,
        %get3A_68 = arith.index_cast %scan3A_61 : i32 to index
        %get3A_69 = arith.constant 16 : index
        %get3A_70 = tpu.vector_load %arg17[%get3A_68, %get3A_69] {strides = array<i32>} : memref<80x128xf32, #tpu.memory_space<vmem>>, vector<16xf32>,
        %mul3A_71 = arith.mulf %get3A_70, %gather3A : vector<16xf32>
        %swap3A_72 = arith.index_cast %scan3A_61 : i32 to index
        %swap3A_73 = arith.constant 16 : index
        %swap3A_74 = tpu.vector_load %arg17[%swap3A_72, %swap3A_73] {strides = array<i32>} : memref<80x128xf32, #tpu.memory_space<vmem>>, vector<16xf32>,
        tpu.vector_store %arg17[%swap3A_72, %swap3A_73], %mul3A_71 {strides = array<i32>} : memref<80x128xf32, #tpu.memory_space<vmem>>, vector<16xf32>,
        %get3A_75 = arith.index_cast %scan3A_61 : i32 to index
        %get3A_76 = arith.constant 32 : index
        %get3A_77 = tpu.vector_load %arg17[%get3A_75, %get3A_76] {strides = array<i32>} : memref<80x128xf32, #tpu.memory_space<vmem>>, vector<16xf32>,
        %mul3A_78 = arith.mulf %get3A_77, %gather3A : vector<16xf32>
        %swap3A_79 = arith.index_cast %scan3A_61 : i32 to index
        %swap3A_80 = arith.constant 32 : index
        %swap3A_81 = tpu.vector_load %arg17[%swap3A_79, %swap3A_80] {strides = array<i32>} : memref<80x128xf32, #tpu.memory_space<vmem>>, vector<16xf32>,
        tpu.vector_store %arg17[%swap3A_79, %swap3A_80], %mul3A_78 {strides = array<i32>} : memref<80x128xf32, #tpu.memory_space<vmem>>, vector<16xf32>,
        %get3A_82 = arith.index_cast %scan3A_61 : i32 to index
        %get3A_83 = arith.constant 48 : index
        %get3A_84 = tpu.vector_load %arg17[%get3A_82, %get3A_83] {strides = array<i32>} : memref<80x128xf32, #tpu.memory_space<vmem>>, vector<16xf32>,
        %mul3A_85 = arith.mulf %get3A_84, %gather3A : vector<16xf32>
        %swap3A_86 = arith.index_cast %scan3A_61 : i32 to index
        %swap3A_87 = arith.constant 48 : index
        %swap3A_88 = tpu.vector_load %arg17[%swap3A_86, %swap3A_87] {strides = array<i32>} : memref<80x128xf32, #tpu.memory_space<vmem>>, vector<16xf32>,
        tpu.vector_store %arg17[%swap3A_86, %swap3A_87], %mul3A_85 {strides = array<i32>} : memref<80x128xf32, #tpu.memory_space<vmem>>, vector<16xf32>,
        %get3A_89 = arith.index_cast %scan3A_61 : i32 to index
        %get3A_90 = arith.constant 64 : index
        %get3A_91 = tpu.vector_load %arg17[%get3A_89, %get3A_90] {strides = array<i32>} : memref<80x128xf32, #tpu.memory_space<vmem>>, vector<16xf32>,
        %mul3A_92 = arith.mulf %get3A_91, %gather3A : vector<16xf32>
        %swap3A_93 = arith.index_cast %scan3A_61 : i32 to index
        %swap3A_94 = arith.constant 64 : index
        %swap3A_95 = tpu.vector_load %arg17[%swap3A_93, %swap3A_94] {strides = array<i32>} : memref<80x128xf32, #tpu.memory_space<vmem>>, vector<16xf32>,
        tpu.vector_store %arg17[%swap3A_93, %swap3A_94], %mul3A_92 {strides = array<i32>} : memref<80x128xf32, #tpu.memory_space<vmem>>, vector<16xf32>,
        %get3A_96 = arith.index_cast %scan3A_61 : i32 to index
        %get3A_97 = arith.constant 80 : index
        %get3A_98 = tpu.vector_load %arg17[%get3A_96, %get3A_97] {strides = array<i32>} : memref<80x128xf32, #tpu.memory_space<vmem>>, vector<16xf32>,
        %mul3A_99 = arith.mulf %get3A_98, %gather3A : vector<16xf32>
        %swap3A_100 = arith.index_cast %scan3A_61 : i32 to index
        %swap3A_101 = arith.constant 80 : index
        %swap3A_102 = tpu.vector_load %arg17[%swap3A_100, %swap3A_101] {strides = array<i32>} : memref<80x128xf32, #tpu.memory_space<vmem>>, vector<16xf32>,
        tpu.vector_store %arg17[%swap3A_100, %swap3A_101], %mul3A_99 {strides = array<i32>} : memref<80x128xf32, #tpu.memory_space<vmem>>, vector<16xf32>,
        %get3A_103 = arith.index_cast %scan3A_61 : i32 to index
        %get3A_104 = arith.constant 96 : index
        %get3A_105 = tpu.vector_load %arg17[%get3A_103, %get3A_104] {strides = array<i32>} : memref<80x128xf32, #tpu.memory_space<vmem>>, vector<16xf32>,
        %mul3A_106 = arith.mulf %get3A_105, %gather3A : vector<16xf32>
        %swap3A_107 = arith.index_cast %scan3A_61 : i32 to index
        %swap3A_108 = arith.constant 96 : index
        %swap3A_109 = tpu.vector_load %arg17[%swap3A_107, %swap3A_108] {strides = array<i32>} : memref<80x128xf32, #tpu.memory_space<vmem>>, vector<16xf32>,
        tpu.vector_store %arg17[%swap3A_107, %swap3A_108], %mul3A_106 {strides = array<i32>} : memref<80x128xf32, #tpu.memory_space<vmem>>, vector<16xf32>,
        %get3A_110 = arith.index_cast %scan3A_61 : i32 to index
        %get3A_111 = arith.constant 112 : index
        %get3A_112 = tpu.vector_load %arg17[%get3A_110, %get3A_111] {strides = array<i32>} : memref<80x128xf32, #tpu.memory_space<vmem>>, vector<16xf32>,
        %mul3A_113 = arith.mulf %get3A_112, %gather3A : vector<16xf32>
        %swap3A_114 = arith.index_cast %scan3A_61 : i32 to index
        %swap3A_115 = arith.constant 112 : index
        %swap3A_116 = tpu.vector_load %arg17[%swap3A_114, %swap3A_115] {strides = array<i32>} : memref<80x128xf32, #tpu.memory_space<vmem>>, vector<16xf32>,
        tpu.vector_store %arg17[%swap3A_114, %swap3A_115], %mul3A_113 {strides = array<i32>} : memref<80x128xf32, #tpu.memory_space<vmem>>, vector<16xf32>,
        %scan3A_117 = arith.constant 0 : i32
        scf.yield %scan3A_117 : i32
      }
      %scan3A_59 = arith.constant 80 : i32
      "tpu.region"() ({
        %run_scoped3A = tpu.sem_alloc : memref<!tpu.dma_semaphore, #tpu.memory_space<semaphore_mem>>
        %dma_start3A_61 = arith.constant 0 : i32
        %dma_start3A_62 = arith.constant 0 : i32
        %dma_start3A_63 = tpu.memref_slice %arg25[%dma_start3A_61, %dma_start3A_62] : memref<10000x128xf32, #tpu.memory_space<vmem_shared>> -> memref<10000x128xf32, #tpu.memory_space<vmem_shared>>
        tpu.enqueue_indirect_dma source(%arg17 : memref<80x128xf32, #tpu.memory_space<vmem>>) target(%dma_start3A_63 : memref<10000x128xf32, #tpu.memory_space<vmem_shared>>) offsets(%arg16 : memref<80xi32, #tpu.memory_space<vmem>>) semaphore(%run_scoped3A : memref<!tpu.dma_semaphore, #tpu.memory_space<semaphore_mem>>) {add = true}
        %dma_wait3A_64 = arith.constant 0 : i32
        %dma_wait3A_65 = arith.constant 0 : i32
        %dma_wait3A_66 = tpu.memref_slice %arg25[%dma_wait3A_64, %dma_wait3A_65] : memref<10000x128xf32, #tpu.memory_space<vmem_shared>> -> memref<10000x128xf32, #tpu.memory_space<vmem_shared>>
        tpu.wait_indirect_dma semaphore(%run_scoped3A : memref<!tpu.dma_semaphore, #tpu.memory_space<semaphore_mem>>) src(%arg17 : memref<80x128xf32, #tpu.memory_space<vmem>>) dst(%dma_wait3A_66 : memref<10000x128xf32, #tpu.memory_space<vmem_shared>>)
        tpu.yield
      }) : () -> ()
      "tpu.region"() ({
        %run_scoped3A = tpu.sem_alloc : memref<!tpu.dma_semaphore, #tpu.memory_space<semaphore_mem>>
        %dma_start3A_61 = arith.constant 0 : i32
        %dma_start3A_62 = arith.constant 0 : i32
        %dma_start3A_63 = tpu.memref_slice %arg26[%dma_start3A_61, %dma_start3A_62] : memref<10000x16xf32, #tpu.memory_space<vmem_shared>> -> memref<10000x16xf32, #tpu.memory_space<vmem_shared>>
        tpu.enqueue_indirect_dma source(%arg21 : memref<80x16xf32, #tpu.memory_space<vmem>>) target(%dma_start3A_63 : memref<10000x16xf32, #tpu.memory_space<vmem_shared>>) offsets(%arg16 : memref<80xi32, #tpu.memory_space<vmem>>) semaphore(%run_scoped3A : memref<!tpu.dma_semaphore, #tpu.memory_space<semaphore_mem>>) {add = true}
        %dma_wait3A_64 = arith.constant 0 : i32
        %dma_wait3A_65 = arith.constant 0 : i32
        %dma_wait3A_66 = tpu.memref_slice %arg26[%dma_wait3A_64, %dma_wait3A_65] : memref<10000x16xf32, #tpu.memory_space<vmem_shared>> -> memref<10000x16xf32, #tpu.memory_space<vmem_shared>>
        tpu.wait_indirect_dma semaphore(%run_scoped3A : memref<!tpu.dma_semaphore, #tpu.memory_space<semaphore_mem>>) src(%arg21 : memref<80x16xf32, #tpu.memory_space<vmem>>) dst(%dma_wait3A_66 : memref<10000x16xf32, #tpu.memory_space<vmem_shared>>)
        tpu.yield
      }) : () -> ()
      %scan3A_60 = arith.constant 0 : i32
      scf.yield %scan3A_60 : i32
    }
    %scan3A_10 = arith.constant 125 : i32
    "tpu.region"() ({
      %run_scoped3A = tpu.sem_alloc : memref<!tpu.dma_semaphore, #tpu.memory_space<semaphore_mem>>
      %dma_start3A = arith.constant 0 : i32
      %dma_start3A_12 = tpu.memref_slice %arg14[%add3A, %dma_start3A] : memref<32x10112xf32, #tpu.memory_space<hbm>> -> memref<1x10000xf32, #tpu.memory_space<hbm>>
      %dma_start3A_13 = tpu.memref_squeeze %dma_start3A_12 : memref<1x10000xf32, #tpu.memory_space<hbm>> -> memref<10000xf32, #tpu.memory_space<hbm>>
      %dma_start3A_14 = arith.constant 0 : i32
      %dma_start3A_15 = tpu.memref_slice %arg14[%add3A, %dma_start3A_14] : memref<32x10112xf32, #tpu.memory_space<hbm>> -> memref<1x10000xf32, #tpu.memory_space<hbm>>
      %dma_start3A_16 = tpu.memref_squeeze %dma_start3A_15 : memref<1x10000xf32, #tpu.memory_space<hbm>> -> memref<10000xf32, #tpu.memory_space<hbm>>
      tpu.enqueue_dma source(%arg24 : memref<10000xf32, #tpu.memory_space<vmem>>) target(%dma_start3A_16 : memref<10000xf32, #tpu.memory_space<hbm>>) target_semaphore(%run_scoped3A : memref<!tpu.dma_semaphore, #tpu.memory_space<semaphore_mem>>)
      %dma_wait3A = arith.constant 0 : i32
      %dma_wait3A_17 = tpu.memref_slice %arg14[%add3A, %dma_wait3A] : memref<32x10112xf32, #tpu.memory_space<hbm>> -> memref<1x10000xf32, #tpu.memory_space<hbm>>
      %dma_wait3A_18 = tpu.memref_squeeze %dma_wait3A_17 : memref<1x10000xf32, #tpu.memory_space<hbm>> -> memref<10000xf32, #tpu.memory_space<hbm>>
      %dma_wait3A_19 = arith.constant 0 : i32
      %dma_wait3A_20 = tpu.memref_slice %arg14[%add3A, %dma_wait3A_19] : memref<32x10112xf32, #tpu.memory_space<hbm>> -> memref<1x10000xf32, #tpu.memory_space<hbm>>
      %dma_wait3A_21 = tpu.memref_squeeze %dma_wait3A_20 : memref<1x10000xf32, #tpu.memory_space<hbm>> -> memref<10000xf32, #tpu.memory_space<hbm>>
      tpu.wait_dma2 semaphore(%run_scoped3A : memref<!tpu.dma_semaphore, #tpu.memory_space<semaphore_mem>>) src(%arg24 : memref<10000xf32, #tpu.memory_space<vmem>>) dst(%dma_wait3A_21 : memref<10000xf32, #tpu.memory_space<hbm>>)
      tpu.yield
    }) : () -> ()
    %barrier3A_11 = arith.constant 0 : index
    tpu.barrier barrier_id(%barrier3A_11)
    "tpu.region"() ({
      %run_scoped3A = tpu.sem_alloc : memref<!tpu.dma_semaphore, #tpu.memory_space<semaphore_mem>>
      %dma_start3A = arith.constant 0 : i32
      %dma_start3A_12 = tpu.memref_slice %arg12[%arg0, %mul3A_4, %dma_start3A] : memref<2x10112x128xf32, #tpu.memory_space<hbm>> -> memref<1x625x128xf32, #tpu.memory_space<hbm>>
      %dma_start3A_13 = tpu.memref_squeeze %dma_start3A_12 : memref<1x625x128xf32, #tpu.memory_space<hbm>> -> memref<625x128xf32, #tpu.memory_space<hbm>>
      %dma_start3A_14 = arith.constant 0 : i32
      %dma_start3A_15 = tpu.memref_slice %arg25[%mul3A_4, %dma_start3A_14] : memref<10000x128xf32, #tpu.memory_space<vmem_shared>> -> memref<625x128xf32, #tpu.memory_space<vmem_shared>>
      tpu.enqueue_dma source(%dma_start3A_15 : memref<625x128xf32, #tpu.memory_space<vmem_shared>>) target(%dma_start3A_13 : memref<625x128xf32, #tpu.memory_space<hbm>>) target_semaphore(%run_scoped3A : memref<!tpu.dma_semaphore, #tpu.memory_space<semaphore_mem>>)
      %dma_wait3A = arith.constant 0 : i32
      %dma_wait3A_16 = tpu.memref_slice %arg12[%arg0, %mul3A_4, %dma_wait3A] : memref<2x10112x128xf32, #tpu.memory_space<hbm>> -> memref<1x625x128xf32, #tpu.memory_space<hbm>>
      %dma_wait3A_17 = tpu.memref_squeeze %dma_wait3A_16 : memref<1x625x128xf32, #tpu.memory_space<hbm>> -> memref<625x128xf32, #tpu.memory_space<hbm>>
      %dma_wait3A_18 = arith.constant 0 : i32
      %dma_wait3A_19 = tpu.memref_slice %arg25[%mul3A_4, %dma_wait3A_18] : memref<10000x128xf32, #tpu.memory_space<vmem_shared>> -> memref<625x128xf32, #tpu.memory_space<vmem_shared>>
      tpu.wait_dma2 semaphore(%run_scoped3A : memref<!tpu.dma_semaphore, #tpu.memory_space<semaphore_mem>>) src(%dma_wait3A_19 : memref<625x128xf32, #tpu.memory_space<vmem_shared>>) dst(%dma_wait3A_17 : memref<625x128xf32, #tpu.memory_space<hbm>>)
      tpu.yield
    }) : () -> ()
    "tpu.region"() ({
      %run_scoped3A = tpu.sem_alloc : memref<!tpu.dma_semaphore, #tpu.memory_space<semaphore_mem>>
      %dma_start3A = arith.constant 0 : i32
      %dma_start3A_12 = tpu.memref_slice %arg13[%arg0, %mul3A_4, %dma_start3A] : memref<2x10112x16xf32, #tpu.memory_space<hbm>> -> memref<1x625x16xf32, #tpu.memory_space<hbm>>
      %dma_start3A_13 = tpu.memref_squeeze %dma_start3A_12 : memref<1x625x16xf32, #tpu.memory_space<hbm>> -> memref<625x16xf32, #tpu.memory_space<hbm>>
      %dma_start3A_14 = arith.constant 0 : i32
      %dma_start3A_15 = tpu.memref_slice %arg26[%mul3A_4, %dma_start3A_14] : memref<10000x16xf32, #tpu.memory_space<vmem_shared>> -> memref<625x16xf32, #tpu.memory_space<vmem_shared>>
      tpu.enqueue_dma source(%dma_start3A_15 : memref<625x16xf32, #tpu.memory_space<vmem_shared>>) target(%dma_start3A_13 : memref<625x16xf32, #tpu.memory_space<hbm>>) target_semaphore(%run_scoped3A : memref<!tpu.dma_semaphore, #tpu.memory_space<semaphore_mem>>)
      %dma_wait3A = arith.constant 0 : i32
      %dma_wait3A_16 = tpu.memref_slice %arg13[%arg0, %mul3A_4, %dma_wait3A] : memref<2x10112x16xf32, #tpu.memory_space<hbm>> -> memref<1x625x16xf32, #tpu.memory_space<hbm>>
      %dma_wait3A_17 = tpu.memref_squeeze %dma_wait3A_16 : memref<1x625x16xf32, #tpu.memory_space<hbm>> -> memref<625x16xf32, #tpu.memory_space<hbm>>
      %dma_wait3A_18 = arith.constant 0 : i32
      %dma_wait3A_19 = tpu.memref_slice %arg26[%mul3A_4, %dma_wait3A_18] : memref<10000x16xf32, #tpu.memory_space<vmem_shared>> -> memref<625x16xf32, #tpu.memory_space<vmem_shared>>
      tpu.wait_dma2 semaphore(%run_scoped3A : memref<!tpu.dma_semaphore, #tpu.memory_space<semaphore_mem>>) src(%dma_wait3A_19 : memref<625x16xf32, #tpu.memory_space<vmem_shared>>) dst(%dma_wait3A_17 : memref<625x16xf32, #tpu.memory_space<hbm>>)
      tpu.yield
    }) : () -> ()
    return
  }
}

module attributes {stable_mosaic.version = 14 : i64} {
  func.func @_proj_body(%arg0: i32, %arg1: memref<128x128xf32, #tpu.memory_space<vmem>>, %arg2: memref<128x512xf32, #tpu.memory_space<vmem>>, %arg3: memref<1x512xf32, #tpu.memory_space<vmem>>, %arg4: memref<128x16xf32, #tpu.memory_space<vmem>>, %arg5: memref<128x128xf32, #tpu.memory_space<vmem>>, %arg6: memref<128x128xf32, #tpu.memory_space<vmem>>, %arg7: memref<128x128xf32, #tpu.memory_space<vmem>>, %arg8: memref<128x128xf32, #tpu.memory_space<vmem>>, %arg9: memref<128x16xf32, #tpu.memory_space<vmem>>) attributes {dimension_semantics = [#tpu.dimension_semantics<arbitrary>], iteration_bounds = array<i64: 79>, scalar_prefetch = 0 : i64, scratch_operands = 0 : i64, tpu.core_type = #tpu.core_type<tc>, window_params = [{transform_indices = @transform_0, window_bounds = array<i64: 128, 128>}, {pipeline_mode = #tpu.pipeline_mode<synchronous>, transform_indices = @transform_1, window_bounds = array<i64: 128, 512>}, {pipeline_mode = #tpu.pipeline_mode<synchronous>, transform_indices = @transform_2, window_bounds = array<i64: 1, 512>}, {pipeline_mode = #tpu.pipeline_mode<synchronous>, transform_indices = @transform_3, window_bounds = array<i64: 128, 16>}, {transform_indices = @transform_4, window_bounds = array<i64: 128, 128>}, {transform_indices = @transform_5, window_bounds = array<i64: 128, 128>}, {transform_indices = @transform_6, window_bounds = array<i64: 128, 128>}, {transform_indices = @transform_7, window_bounds = array<i64: 128, 128>}, {transform_indices = @transform_8, window_bounds = array<i64: 128, 16>}]} {
    %get3A = arith.constant 0 : index
    %get3A_0 = arith.constant 0 : index
    %get3A_1 = vector.load %arg1[%get3A, %get3A_0] : memref<128x128xf32, #tpu.memory_space<vmem>>, vector<128x128xf32>
    %get3A_2 = arith.constant 0 : index
    %get3A_3 = arith.constant 0 : index
    %get3A_4 = vector.load %arg2[%get3A_2, %get3A_3] : memref<128x512xf32, #tpu.memory_space<vmem>>, vector<128x512xf32>
    %dot_general3A = arith.constant dense<0.000000e+00> : vector<128x512xf32>
    %dot_general3A_5 = tpu.matmul %get3A_1, %get3A_4, %dot_general3A {dimension_numbers = #tpu.dot_dimension_numbers<[1], [0], [0], [1], [0, 0, 1, 1], [], []>, transpose_lhs_hint = false} : vector<128x128xf32>, vector<128x512xf32>, vector<128x512xf32> -> vector<128x512xf32>
    %get3A_6 = arith.constant 0 : index
    %get3A_7 = arith.constant 0 : index
    %get3A_8 = vector.load %arg3[%get3A_6, %get3A_7] : memref<1x512xf32, #tpu.memory_space<vmem>>, vector<1x512xf32>
    %add3A = vector.broadcast %get3A_8 : vector<1x512xf32> to vector<128x512xf32>
    %add3A_9 = arith.addf %dot_general3A_5, %add3A : vector<128x512xf32>
    %slice3A = vector.extract_strided_slice %add3A_9 {offsets = [0, 0], sizes = [128, 128], strides = [1, 1]} : vector<128x512xf32> to vector<128x128xf32>
    %swap3A = arith.constant 0 : index
    %swap3A_10 = arith.constant 0 : index
    %swap3A_11 = vector.load %arg5[%swap3A, %swap3A_10] : memref<128x128xf32, #tpu.memory_space<vmem>>, vector<128x128xf32>
    tpu.vector_store %arg5[%swap3A, %swap3A_10], %slice3A {strides = array<i32>} : memref<128x128xf32, #tpu.memory_space<vmem>>, vector<128x128xf32>,
    %slice3A_12 = vector.extract_strided_slice %add3A_9 {offsets = [0, 128], sizes = [128, 128], strides = [1, 1]} : vector<128x512xf32> to vector<128x128xf32>
    %swap3A_13 = arith.constant 0 : index
    %swap3A_14 = arith.constant 0 : index
    %swap3A_15 = vector.load %arg6[%swap3A_13, %swap3A_14] : memref<128x128xf32, #tpu.memory_space<vmem>>, vector<128x128xf32>
    tpu.vector_store %arg6[%swap3A_13, %swap3A_14], %slice3A_12 {strides = array<i32>} : memref<128x128xf32, #tpu.memory_space<vmem>>, vector<128x128xf32>,
    %slice3A_16 = vector.extract_strided_slice %add3A_9 {offsets = [0, 256], sizes = [128, 128], strides = [1, 1]} : vector<128x512xf32> to vector<128x128xf32>
    %swap3A_17 = arith.constant 0 : index
    %swap3A_18 = arith.constant 0 : index
    %swap3A_19 = vector.load %arg7[%swap3A_17, %swap3A_18] : memref<128x128xf32, #tpu.memory_space<vmem>>, vector<128x128xf32>
    tpu.vector_store %arg7[%swap3A_17, %swap3A_18], %slice3A_16 {strides = array<i32>} : memref<128x128xf32, #tpu.memory_space<vmem>>, vector<128x128xf32>,
    %slice3A_20 = vector.extract_strided_slice %add3A_9 {offsets = [0, 384], sizes = [128, 128], strides = [1, 1]} : vector<128x512xf32> to vector<128x128xf32>
    %swap3A_21 = arith.constant 0 : index
    %swap3A_22 = arith.constant 0 : index
    %swap3A_23 = vector.load %arg8[%swap3A_21, %swap3A_22] : memref<128x128xf32, #tpu.memory_space<vmem>>, vector<128x128xf32>
    tpu.vector_store %arg8[%swap3A_21, %swap3A_22], %slice3A_20 {strides = array<i32>} : memref<128x128xf32, #tpu.memory_space<vmem>>, vector<128x128xf32>,
    %get3A_24 = arith.constant 0 : index
    %get3A_25 = arith.constant 0 : index
    %get3A_26 = vector.load %arg4[%get3A_24, %get3A_25] : memref<128x16xf32, #tpu.memory_space<vmem>>, vector<128x16xf32>
    %dot_general3A_27 = arith.constant dense<0.000000e+00> : vector<128x16xf32>
    %dot_general3A_28 = tpu.matmul %slice3A, %get3A_26, %dot_general3A_27 {dimension_numbers = #tpu.dot_dimension_numbers<[1], [0], [0], [1], [0, 0, 1, 1], [], []>, transpose_lhs_hint = false} : vector<128x128xf32>, vector<128x16xf32>, vector<128x16xf32> -> vector<128x16xf32>
    %swap3A_29 = arith.constant 0 : index
    %swap3A_30 = arith.constant 0 : index
    %swap3A_31 = vector.load %arg9[%swap3A_29, %swap3A_30] : memref<128x16xf32, #tpu.memory_space<vmem>>, vector<128x16xf32>
    tpu.vector_store %arg9[%swap3A_29, %swap3A_30], %dot_general3A_28 {strides = array<i32>} : memref<128x16xf32, #tpu.memory_space<vmem>>, vector<128x16xf32>,
    return
  }
  func.func @transform_0(%arg0: i32) -> (i32, i32) {
    %c0_i32 = arith.constant 0 : i32
    %c0_i32_0 = arith.constant 0 : i32
    return %arg0, %c0_i32 : i32, i32
  }
  func.func @transform_1(%arg0: i32) -> (i32, i32) {
    %c0_i32 = arith.constant 0 : i32
    %c0_i32_0 = arith.constant 0 : i32
    %c0_i32_1 = arith.constant 0 : i32
    return %c0_i32, %c0_i32_0 : i32, i32
  }
  func.func @transform_2(%arg0: i32) -> (i32, i32) {
    %c0_i32 = arith.constant 0 : i32
    %c0_i32_0 = arith.constant 0 : i32
    %c0_i32_1 = arith.constant 0 : i32
    return %c0_i32, %c0_i32_0 : i32, i32
  }
  func.func @transform_3(%arg0: i32) -> (i32, i32) {
    %c0_i32 = arith.constant 0 : i32
    %c0_i32_0 = arith.constant 0 : i32
    %c0_i32_1 = arith.constant 0 : i32
    return %c0_i32, %c0_i32_0 : i32, i32
  }
  func.func @transform_4(%arg0: i32) -> (i32, i32) {
    %c0_i32 = arith.constant 0 : i32
    %c0_i32_0 = arith.constant 0 : i32
    return %arg0, %c0_i32 : i32, i32
  }
  func.func @transform_5(%arg0: i32) -> (i32, i32) {
    %c0_i32 = arith.constant 0 : i32
    %c0_i32_0 = arith.constant 0 : i32
    return %arg0, %c0_i32 : i32, i32
  }
  func.func @transform_6(%arg0: i32) -> (i32, i32) {
    %c0_i32 = arith.constant 0 : i32
    %c0_i32_0 = arith.constant 0 : i32
    return %arg0, %c0_i32 : i32, i32
  }
  func.func @transform_7(%arg0: i32) -> (i32, i32) {
    %c0_i32 = arith.constant 0 : i32
    %c0_i32_0 = arith.constant 0 : i32
    return %arg0, %c0_i32 : i32, i32
  }
  func.func @transform_8(%arg0: i32) -> (i32, i32) {
    %c0_i32 = arith.constant 0 : i32
    %c0_i32_0 = arith.constant 0 : i32
    return %arg0, %c0_i32 : i32, i32
  }
}

module attributes {stable_mosaic.version = 14 : i64} {
  func.func @_combine_body(%arg0: i32, %arg1: memref<2x128x128xf32, #tpu.memory_space<vmem>>, %arg2: memref<2x128x16xf32, #tpu.memory_space<vmem>>, %arg3: memref<32x128xf32, #tpu.memory_space<vmem>>, %arg4: memref<128x128xf32, #tpu.memory_space<vmem>>, %arg5: memref<16x128xf32, #tpu.memory_space<vmem>>, %arg6: memref<32x1xf32, #tpu.memory_space<vmem>>, %arg7: memref<128x128xf32, #tpu.memory_space<vmem>>) attributes {dimension_semantics = [#tpu.dimension_semantics<arbitrary>], iteration_bounds = array<i64: 79>, scalar_prefetch = 0 : i64, scratch_operands = 0 : i64, tpu.core_type = #tpu.core_type<tc>, window_params = [{transform_indices = @transform_0, window_bounds = array<i64: 2, 128, 128>}, {transform_indices = @transform_1, window_bounds = array<i64: 2, 128, 16>}, {transform_indices = @transform_2, window_bounds = array<i64: 32, 128>}, {transform_indices = @transform_3, window_bounds = array<i64: 128, 128>}, {pipeline_mode = #tpu.pipeline_mode<synchronous>, transform_indices = @transform_4, window_bounds = array<i64: 16, 128>}, {pipeline_mode = #tpu.pipeline_mode<synchronous>, transform_indices = @transform_5, window_bounds = array<i64: 32, 1>}, {transform_indices = @transform_6, window_bounds = array<i64: 128, 128>}]} {
    %get3A = arith.constant 0 : index
    %get3A_0 = arith.constant 0 : index
    %get3A_1 = arith.constant 0 : index
    %get3A_2 = vector.load %arg1[%get3A, %get3A_0, %get3A_1] : memref<2x128x128xf32, #tpu.memory_space<vmem>>, vector<1x128x128xf32>
    %get3A_3 = vector.shape_cast %get3A_2 : vector<1x128x128xf32> to vector<128x128xf32>
    %get3A_4 = arith.constant 1 : index
    %get3A_5 = arith.constant 0 : index
    %get3A_6 = arith.constant 0 : index
    %get3A_7 = vector.load %arg1[%get3A_4, %get3A_5, %get3A_6] : memref<2x128x128xf32, #tpu.memory_space<vmem>>, vector<1x128x128xf32>
    %get3A_8 = vector.shape_cast %get3A_7 : vector<1x128x128xf32> to vector<128x128xf32>
    %add3A = arith.addf %get3A_3, %get3A_8 : vector<128x128xf32>
    %get3A_9 = arith.constant 0 : index
    %get3A_10 = arith.constant 0 : index
    %get3A_11 = arith.constant 0 : index
    %get3A_12 = vector.load %arg2[%get3A_9, %get3A_10, %get3A_11] : memref<2x128x16xf32, #tpu.memory_space<vmem>>, vector<1x128x16xf32>
    %get3A_13 = vector.shape_cast %get3A_12 : vector<1x128x16xf32> to vector<128x16xf32>
    %get3A_14 = arith.constant 1 : index
    %get3A_15 = arith.constant 0 : index
    %get3A_16 = arith.constant 0 : index
    %get3A_17 = vector.load %arg2[%get3A_14, %get3A_15, %get3A_16] : memref<2x128x16xf32, #tpu.memory_space<vmem>>, vector<1x128x16xf32>
    %get3A_18 = vector.shape_cast %get3A_17 : vector<1x128x16xf32> to vector<128x16xf32>
    %add3A_19 = arith.addf %get3A_13, %get3A_18 : vector<128x16xf32>
    %get3A_20 = arith.constant 0 : index
    %get3A_21 = arith.constant 0 : index
    %get3A_22 = vector.load %arg5[%get3A_20, %get3A_21] : memref<16x128xf32, #tpu.memory_space<vmem>>, vector<16x128xf32>
    %dot_general3A = arith.constant dense<0.000000e+00> : vector<128x128xf32>
    %dot_general3A_23 = tpu.matmul %add3A_19, %get3A_22, %dot_general3A {dimension_numbers = #tpu.dot_dimension_numbers<[1], [0], [0], [1], [0, 0, 1, 1], [], []>, transpose_lhs_hint = false} : vector<128x16xf32>, vector<16x128xf32>, vector<128x128xf32> -> vector<128x128xf32>
    %add3A_24 = arith.addf %add3A, %dot_general3A_23 : vector<128x128xf32>
    %get3A_25 = arith.constant 0 : index
    %get3A_26 = arith.constant 0 : index
    %get3A_27 = vector.load %arg3[%get3A_25, %get3A_26] : memref<32x128xf32, #tpu.memory_space<vmem>>, vector<32x128xf32>
    %get3A_28 = arith.constant 0 : index
    %get3A_29 = arith.constant 0 : index
    %get3A_30 = vector.load %arg6[%get3A_28, %get3A_29] : memref<32x1xf32, #tpu.memory_space<vmem>>, vector<32x1xf32>
    %dot_general3A_31 = arith.constant dense<0.000000e+00> : vector<128x1xf32>
    %dot_general3A_32 = tpu.matmul %get3A_27, %get3A_30, %dot_general3A_31 {dimension_numbers = #tpu.dot_dimension_numbers<[0], [0], [1], [1], [0, 1, 1, 1], [], []>, transpose_lhs_hint = false} : vector<32x128xf32>, vector<32x1xf32>, vector<128x1xf32> -> vector<128x1xf32>
    %add3A_33 = arith.constant 1.000000e-16 : f32
    %add3A_34 = vector.broadcast %add3A_33 : f32 to vector<128x1xf32>
    %add3A_35 = arith.addf %dot_general3A_32, %add3A_34 : vector<128x1xf32>
    %div3A = vector.broadcast %add3A_35 : vector<128x1xf32> to vector<128x128xf32>
    %div3A_36 = arith.divf %add3A_24, %div3A : vector<128x128xf32>
    %get3A_37 = arith.constant 0 : index
    %get3A_38 = arith.constant 0 : index
    %get3A_39 = vector.load %arg4[%get3A_37, %get3A_38] : memref<128x128xf32, #tpu.memory_space<vmem>>, vector<128x128xf32>
    %add3A_40 = arith.addf %div3A_36, %get3A_39 : vector<128x128xf32>
    %gt3A = arith.constant 0.000000e+00 : f32
    %gt3A_41 = vector.broadcast %gt3A : f32 to vector<128x128xf32>
    %gt3A_42 = arith.cmpf ogt, %add3A_40, %gt3A_41 : vector<128x128xf32>
    %mul3A = arith.constant 0.00999999977 : f32
    %mul3A_43 = vector.broadcast %mul3A : f32 to vector<128x128xf32>
    %mul3A_44 = arith.mulf %mul3A_43, %add3A_40 : vector<128x128xf32>
    %select_n3A = arith.select %gt3A_42, %add3A_40, %mul3A_44 : vector<128x128xi1>, vector<128x128xf32>
    %swap3A = arith.constant 0 : index
    %swap3A_45 = arith.constant 0 : index
    %swap3A_46 = vector.load %arg7[%swap3A, %swap3A_45] : memref<128x128xf32, #tpu.memory_space<vmem>>, vector<128x128xf32>
    tpu.vector_store %arg7[%swap3A, %swap3A_45], %select_n3A {strides = array<i32>} : memref<128x128xf32, #tpu.memory_space<vmem>>, vector<128x128xf32>,
    return
  }
  func.func @transform_0(%arg0: i32) -> (i32, i32, i32) {
    %c0_i32 = arith.constant 0 : i32
    %c0_i32_0 = arith.constant 0 : i32
    %c0_i32_1 = arith.constant 0 : i32
    return %c0_i32, %arg0, %c0_i32_0 : i32, i32, i32
  }
  func.func @transform_1(%arg0: i32) -> (i32, i32, i32) {
    %c0_i32 = arith.constant 0 : i32
    %c0_i32_0 = arith.constant 0 : i32
    %c0_i32_1 = arith.constant 0 : i32
    return %c0_i32, %arg0, %c0_i32_0 : i32, i32, i32
  }
  func.func @transform_2(%arg0: i32) -> (i32, i32) {
    %c0_i32 = arith.constant 0 : i32
    %c0_i32_0 = arith.constant 0 : i32
    return %c0_i32, %arg0 : i32, i32
  }
  func.func @transform_3(%arg0: i32) -> (i32, i32) {
    %c0_i32 = arith.constant 0 : i32
    %c0_i32_0 = arith.constant 0 : i32
    return %arg0, %c0_i32 : i32, i32
  }
  func.func @transform_4(%arg0: i32) -> (i32, i32) {
    %c0_i32 = arith.constant 0 : i32
    %c0_i32_0 = arith.constant 0 : i32
    %c0_i32_1 = arith.constant 0 : i32
    return %c0_i32, %c0_i32_0 : i32, i32
  }
  func.func @transform_5(%arg0: i32) -> (i32, i32) {
    %c0_i32 = arith.constant 0 : i32
    %c0_i32_0 = arith.constant 0 : i32
    %c0_i32_1 = arith.constant 0 : i32
    return %c0_i32, %c0_i32_0 : i32, i32
  }
  func.func @transform_6(%arg0: i32) -> (i32, i32) {
    %c0_i32 = arith.constant 0 : i32
    %c0_i32_0 = arith.constant 0 : i32
    return %arg0, %c0_i32 : i32, i32
  }
}

module attributes {stable_mosaic.version = 14 : i64} {
  func.func @_mm_body(%arg0: i32, %arg1: memref<128x128xf32, #tpu.memory_space<vmem>>, %arg2: memref<128x128xf32, #tpu.memory_space<vmem>>, %arg3: memref<1x128xf32, #tpu.memory_space<vmem>>, %arg4: memref<128x128xf32, #tpu.memory_space<vmem>>) attributes {dimension_semantics = [#tpu.dimension_semantics<arbitrary>], iteration_bounds = array<i64: 79>, scalar_prefetch = 0 : i64, scratch_operands = 0 : i64, tpu.core_type = #tpu.core_type<tc>, window_params = [{transform_indices = @transform_0, window_bounds = array<i64: 128, 128>}, {pipeline_mode = #tpu.pipeline_mode<synchronous>, transform_indices = @transform_1, window_bounds = array<i64: 128, 128>}, {pipeline_mode = #tpu.pipeline_mode<synchronous>, transform_indices = @transform_2, window_bounds = array<i64: 1, 128>}, {transform_indices = @transform_3, window_bounds = array<i64: 128, 128>}]} {
    %get3A = arith.constant 0 : index
    %get3A_0 = arith.constant 0 : index
    %get3A_1 = vector.load %arg1[%get3A, %get3A_0] : memref<128x128xf32, #tpu.memory_space<vmem>>, vector<128x128xf32>
    %get3A_2 = arith.constant 0 : index
    %get3A_3 = arith.constant 0 : index
    %get3A_4 = vector.load %arg2[%get3A_2, %get3A_3] : memref<128x128xf32, #tpu.memory_space<vmem>>, vector<128x128xf32>
    %dot_general3A = arith.constant dense<0.000000e+00> : vector<128x128xf32>
    %dot_general3A_5 = tpu.matmul %get3A_1, %get3A_4, %dot_general3A {dimension_numbers = #tpu.dot_dimension_numbers<[1], [0], [0], [1], [0, 0, 1, 1], [], []>, transpose_lhs_hint = false} : vector<128x128xf32>, vector<128x128xf32>, vector<128x128xf32> -> vector<128x128xf32>
    %get3A_6 = arith.constant 0 : index
    %get3A_7 = arith.constant 0 : index
    %get3A_8 = vector.load %arg3[%get3A_6, %get3A_7] : memref<1x128xf32, #tpu.memory_space<vmem>>, vector<1x128xf32>
    %add3A = vector.broadcast %get3A_8 : vector<1x128xf32> to vector<128x128xf32>
    %add3A_9 = arith.addf %dot_general3A_5, %add3A : vector<128x128xf32>
    %gt3A = arith.constant 0.000000e+00 : f32
    %gt3A_10 = vector.broadcast %gt3A : f32 to vector<128x128xf32>
    %gt3A_11 = arith.cmpf ogt, %add3A_9, %gt3A_10 : vector<128x128xf32>
    %mul3A = arith.constant 0.00999999977 : f32
    %mul3A_12 = vector.broadcast %mul3A : f32 to vector<128x128xf32>
    %mul3A_13 = arith.mulf %mul3A_12, %add3A_9 : vector<128x128xf32>
    %select_n3A = arith.select %gt3A_11, %add3A_9, %mul3A_13 : vector<128x128xi1>, vector<128x128xf32>
    %swap3A = arith.constant 0 : index
    %swap3A_14 = arith.constant 0 : index
    %swap3A_15 = vector.load %arg4[%swap3A, %swap3A_14] : memref<128x128xf32, #tpu.memory_space<vmem>>, vector<128x128xf32>
    tpu.vector_store %arg4[%swap3A, %swap3A_14], %select_n3A {strides = array<i32>} : memref<128x128xf32, #tpu.memory_space<vmem>>, vector<128x128xf32>,
    return
  }
  func.func @transform_0(%arg0: i32) -> (i32, i32) {
    %c0_i32 = arith.constant 0 : i32
    %c0_i32_0 = arith.constant 0 : i32
    return %arg0, %c0_i32 : i32, i32
  }
  func.func @transform_1(%arg0: i32) -> (i32, i32) {
    %c0_i32 = arith.constant 0 : i32
    %c0_i32_0 = arith.constant 0 : i32
    %c0_i32_1 = arith.constant 0 : i32
    return %c0_i32, %c0_i32_0 : i32, i32
  }
  func.func @transform_2(%arg0: i32) -> (i32, i32) {
    %c0_i32 = arith.constant 0 : i32
    %c0_i32_0 = arith.constant 0 : i32
    %c0_i32_1 = arith.constant 0 : i32
    return %c0_i32, %c0_i32_0 : i32, i32
  }
  func.func @transform_3(%arg0: i32) -> (i32, i32) {
    %c0_i32 = arith.constant 0 : i32
    %c0_i32_0 = arith.constant 0 : i32
    return %arg0, %c0_i32 : i32, i32
  }
}

module attributes {stable_mosaic.version = 14 : i64} {
  func.func @_mm_body(%arg0: i32, %arg1: memref<128x128xf32, #tpu.memory_space<vmem>>, %arg2: memref<128x128xf32, #tpu.memory_space<vmem>>, %arg3: memref<1x128xf32, #tpu.memory_space<vmem>>, %arg4: memref<128x128xf32, #tpu.memory_space<vmem>>) attributes {dimension_semantics = [#tpu.dimension_semantics<arbitrary>], iteration_bounds = array<i64: 79>, scalar_prefetch = 0 : i64, scratch_operands = 0 : i64, tpu.core_type = #tpu.core_type<tc>, window_params = [{transform_indices = @transform_0, window_bounds = array<i64: 128, 128>}, {pipeline_mode = #tpu.pipeline_mode<synchronous>, transform_indices = @transform_1, window_bounds = array<i64: 128, 128>}, {pipeline_mode = #tpu.pipeline_mode<synchronous>, transform_indices = @transform_2, window_bounds = array<i64: 1, 128>}, {transform_indices = @transform_3, window_bounds = array<i64: 128, 128>}]} {
    %get3A = arith.constant 0 : index
    %get3A_0 = arith.constant 0 : index
    %get3A_1 = vector.load %arg1[%get3A, %get3A_0] : memref<128x128xf32, #tpu.memory_space<vmem>>, vector<128x128xf32>
    %get3A_2 = arith.constant 0 : index
    %get3A_3 = arith.constant 0 : index
    %get3A_4 = vector.load %arg2[%get3A_2, %get3A_3] : memref<128x128xf32, #tpu.memory_space<vmem>>, vector<128x128xf32>
    %dot_general3A = arith.constant dense<0.000000e+00> : vector<128x128xf32>
    %dot_general3A_5 = tpu.matmul %get3A_1, %get3A_4, %dot_general3A {dimension_numbers = #tpu.dot_dimension_numbers<[1], [0], [0], [1], [0, 0, 1, 1], [], []>, transpose_lhs_hint = false} : vector<128x128xf32>, vector<128x128xf32>, vector<128x128xf32> -> vector<128x128xf32>
    %get3A_6 = arith.constant 0 : index
    %get3A_7 = arith.constant 0 : index
    %get3A_8 = vector.load %arg3[%get3A_6, %get3A_7] : memref<1x128xf32, #tpu.memory_space<vmem>>, vector<1x128xf32>
    %add3A = vector.broadcast %get3A_8 : vector<1x128xf32> to vector<128x128xf32>
    %add3A_9 = arith.addf %dot_general3A_5, %add3A : vector<128x128xf32>
    %swap3A = arith.constant 0 : index
    %swap3A_10 = arith.constant 0 : index
    %swap3A_11 = vector.load %arg4[%swap3A, %swap3A_10] : memref<128x128xf32, #tpu.memory_space<vmem>>, vector<128x128xf32>
    tpu.vector_store %arg4[%swap3A, %swap3A_10], %add3A_9 {strides = array<i32>} : memref<128x128xf32, #tpu.memory_space<vmem>>, vector<128x128xf32>,
    return
  }
  func.func @transform_0(%arg0: i32) -> (i32, i32) {
    %c0_i32 = arith.constant 0 : i32
    %c0_i32_0 = arith.constant 0 : i32
    return %arg0, %c0_i32 : i32, i32
  }
  func.func @transform_1(%arg0: i32) -> (i32, i32) {
    %c0_i32 = arith.constant 0 : i32
    %c0_i32_0 = arith.constant 0 : i32
    %c0_i32_1 = arith.constant 0 : i32
    return %c0_i32, %c0_i32_0 : i32, i32
  }
  func.func @transform_2(%arg0: i32) -> (i32, i32) {
    %c0_i32 = arith.constant 0 : i32
    %c0_i32_0 = arith.constant 0 : i32
    %c0_i32_1 = arith.constant 0 : i32
    return %c0_i32, %c0_i32_0 : i32, i32
  }
  func.func @transform_3(%arg0: i32) -> (i32, i32) {
    %c0_i32 = arith.constant 0 : i32
    %c0_i32_0 = arith.constant 0 : i32
    return %arg0, %c0_i32 : i32, i32
  }
}

</mosaic_0001>

<sc_bundles>
// kernel: kernel.10.cloned.1.call-start
scs
__scs_entry_jumppad:
0x0: {  	(pc) =	sbr.rel $0x88, $3  }
0x1: {  	(tag) =	ssettag $0x0;
	lr =	simm.s32 $0x1  }
0x2: {  	[smem:$0x3F88] =	sst lr;
	_ =	strace $0xD0000000  }
0x3: {  	_ = 	snop  }
0x4: {  	_ = 	snop  }
0x5: {  	_ = 	snop  }
0x6: {  	_ = 	snop  }
0x7: {  	_ = 	snop  }
__scs_overlays_trampoline_lowered:
0x8: {  	[smem:$0x3F97] =	sst s0  }
0x9: {  	[smem:$0x3F98] =	sst s1  }
0xa: {  	[smem:$0x3F99] =	sst s2  }
0xb: {  	[smem:$0x3F9A] =	sst s3  }
0xc: {  	[smem:$0x3F9B] =	sst s4  }
0xd: {  	[smem:$0x3F9C] =	sst s5  }
0xe: {  	[smem:$0x3F9D] =	sst s6  }
0xf: {  	[smem:$0x3F9E] =	sst s7  }
0x10: {  	[smem:$0x3F9F] =	sst s8  }
0x11: {  	[smem:$0x3FA0] =	sst s9;
	s0 =	simm.s32 @!p0 $0x0  }
0x12: {  	s1 =	sld [smem:$0x3F86];
	s0 =	simm.s32 @p0 $0x1  }
0x13: {  	[smem:$0x3FA1] =	sst s0;
	s0 =	simm.s32 @!p1 $0x0  }
0x14: {  	s2 =	sld [smem:$0x3F85];
	s0 =	simm.s32 @p1 $0x1  }
0x15: {  	[smem:$0x3FA2] =	sst s0;
	s0 =	simm.s32 @!p2 $0x0  }
0x16: {  	s3 =	sld [smem:$0x3FDB];
	s0 =	simm.s32 @p2 $0x1  }
0x17: {  	s4 =	simm.s32 $0x1BF5;
	[smem:$0x3FA4] =	sst s0  }
0x18: {  	s0 =	sld [smem:$0x3F87];
	_ =	swait.ge [sflag:s4], $0x0  }
0x19: {  	s7 =	sld [smem:$0x3F88]  }
0x1a: {  	s8 =	sadd.s32 $0xFFFFE003, lr  }
0x1b: {  	s9 =	sadd.s32 $0xFFFFFEF7, lr;
	s5 =	simm.s32 $0xFFFFFFFF;
	p2 =	slt.u32 s8, $0xFFFFF086  }
0x1c: {  	p1 =	slt.u32 s9, $0xF7A;
	s5 =	simm.s32 @!p2 $0x0  }
0x1d: {  	s5 =	simm.s32 @p1 $0x1;
	p0 =	seq.s32 s7, s2  }
0x1e: {  	s7 =	smul.u32 @!p0 $0xF7A, s2;
	p2 =	seq.s32 @!p0 s5, $0x0  }
0x1f: {  	s9 =	smul.u32 $0xF7A, s1;
	s8 =	simm.s32 @!p0 $0x1BF5;
	p2 =	por !p2, p0  }
0x20: {  	[sflag:s8] =	ssyncset.s32 @!p0 $0xFFFFF086;
	s6 =	sadd.s32 @!p0 s3, s7;
	s7 =	simm.s32 @!p0 $0x108  }
0x21: {  	s3 =	sadd.s32 s3, s9;
	s6 =	sadd.s32 @!p0 $0x88, s6;
	s7 =	simm.s32 @p2 $0x1082  }
0x22: {  	[simem:s7], [sflag:s8] =	dma.local @!p0 [hbm:s6], $0xF7A  }
0x23: {  	s9 =	sor.u32 $0xD0000000, s2;
	s6 =	simm.s32 $0x108;
	_ =	swait.ge @!p0 [sflag:s8], $0x0  }
0x24: {  	s3 =	sadd.s32 $0x88, s3;
	s6 =	simm.s32 @!p1 $0x1082;
	[sflag:s4] =	ssyncset.s32 $0xFFFFF086  }
0x25: {  	[simem:s6], [sflag:s4] =	dma.local [hbm:s3], $0xF7A  }
0x26: {  	[smem:$0x3F88] =	sst s1;
	(tag) =	ssettag s2;
	_ =	strace s9  }
0x27: {  	s1 =	sld [smem:$0x3F98]  }
0x28: {  	s2 =	sld [smem:$0x3F99]  }
0x29: {  	s4 =	sld [smem:$0x3F9B]  }
0x2a: {  	p0 =	seq.s32 s5, $0x0;
	s5 =	sld [smem:$0x3F9C]  }
0x2b: {  	s6 =	sld [smem:$0x3F9D]  }
0x2c: {  	s7 =	sld [smem:$0x3F9E]  }
0x2d: {  	s3 =	simm.s32 $0x108;
	s8 =	sld [smem:$0x3F9F]  }
0x2e: {  	s3 =	simm.s32 @!p0 $0x1082;
	s9 =	sld [smem:$0x3FA0]  }
0x2f: {  	lr =	sadd.s32 s0, s3;
	s0 =	sld [smem:$0x3F97]  }
0x30: {  	s3 =	sld [smem:$0x3F9A]  }
0x31: {  	[smem:$0x3FA3] =	sst s10  }
0x32: {  	s10 =	sld [smem:$0x3FA1];
	_ =	sdelay $0x3  }
0x33: {  	p0 =	seq.s32 s10, $0x1;
	s10 =	sld [smem:$0x3FA3];
	_ =	sdelay $0x3  }
0x34: {  	[smem:$0x3FA3] =	sst s10  }
0x35: {  	s10 =	sld [smem:$0x3FA2];
	_ =	sdelay $0x3  }
0x36: {  	p1 =	seq.s32 s10, $0x1;
	s10 =	sld [smem:$0x3FA3];
	_ =	sdelay $0x3  }
0x37: {  	[smem:$0x3FA3] =	sst s10  }
0x38: {  	s10 =	sld [smem:$0x3FA4]  }
0x39: {  	_ = 	snop;
	(pc) =	sbr.ind lr, $3  }
0x3a: {  	_ = 	snop  }
0x3b: {  	_ = 	snop  }
0x3c: {  	p2 =	seq.s32 s10, $0x1;
	s10 =	sld [smem:$0x3FA3]  }
0x3d: {  	_ =	shalt  }
0x3e: {  	_ =	shalt  }
0x3f: {  	_ =	shalt  }
0x40: {  	_ =	shalt  }
0x41: {  	_ =	shalt  }
0x42: {  	_ =	shalt  }
0x43: {  	_ =	shalt  }
0x44: {  	_ =	shalt  }
0x45: {  	_ =	shalt  }
0x46: {  	_ =	shalt  }
0x47: {  	_ =	shalt  }
0x48: {  	_ =	shalt  }
0x49: {  	_ =	shalt  }
0x4a: {  	_ =	shalt  }
0x4b: {  	_ =	shalt  }
0x4c: {  	_ =	shalt  }
0x4d: {  	_ =	shalt  }
0x4e: {  	_ =	shalt  }
0x4f: {  	_ =	shalt  }
0x50: {  	_ =	shalt  }
0x51: {  	_ =	shalt  }
0x52: {  	_ =	shalt  }
0x53: {  	_ =	shalt  }
0x54: {  	_ =	shalt  }
0x55: {  	_ =	shalt  }
0x56: {  	_ =	shalt  }
0x57: {  	_ =	shalt  }
0x58: {  	_ =	shalt  }
0x59: {  	_ =	shalt  }
0x5a: {  	_ =	shalt  }
0x5b: {  	_ =	shalt  }
0x5c: {  	_ =	shalt  }
0x5d: {  	_ =	shalt  }
0x5e: {  	_ =	shalt  }
0x5f: {  	_ =	shalt  }
0x60: {  	_ =	shalt  }
0x61: {  	_ =	shalt  }
0x62: {  	_ =	shalt  }
0x63: {  	_ =	shalt  }
0x64: {  	_ =	shalt  }
0x65: {  	_ =	shalt  }
0x66: {  	_ =	shalt  }
0x67: {  	_ =	shalt  }
0x68: {  	_ =	shalt  }
0x69: {  	_ =	shalt  }
0x6a: {  	_ =	shalt  }
0x6b: {  	_ =	shalt  }
0x6c: {  	_ =	shalt  }
0x6d: {  	_ =	shalt  }
0x6e: {  	_ =	shalt  }
0x6f: {  	_ =	shalt  }
0x70: {  	_ =	shalt  }
0x71: {  	_ =	shalt  }
0x72: {  	_ =	shalt  }
0x73: {  	_ =	shalt  }
0x74: {  	_ =	shalt  }
0x75: {  	_ =	shalt  }
0x76: {  	_ =	shalt  }
0x77: {  	_ =	shalt  }
0x78: {  	_ =	shalt  }
0x79: {  	_ =	shalt  }
0x7a: {  	_ =	shalt  }
0x7b: {  	_ =	shalt  }
0x7c: {  	_ =	shalt  }
0x7d: {  	_ =	shalt  }
0x7e: {  	_ =	shalt  }
0x7f: {  	_ =	shalt  }
0x80: {  	_ =	shalt  }
0x81: {  	_ =	shalt  }
0x82: {  	_ =	shalt  }
0x83: {  	_ =	shalt  }
0x84: {  	_ =	shalt  }
0x85: {  	_ =	shalt  }
0x86: {  	_ =	shalt  }
0x87: {  	_ =	shalt  }
.Lfunc_end0:
.L_simem_size_0:
called_computation_lowered:
.L_overlay_start_0:
0x88: {  	s2 =	sld [smem:$0x3FD9]  }
0x89: {  	s3 =	sld [smem:$0x3FFE];
	_ =	sdelay $0x1  }
0x8a: {  	s1 =	srdreg.scid  }
0x8b: {  	s0 =	sand.u32 $0x1, s1  }
0x8c: {  	s17 =	sshll.u32 s0, $0xA;
	s2 =	sadd.s32 s3, s2  }
0x8d: {  	s2 =	sadd.s32 s2, s17  }
0x8e: {  	[smem:$0x3FAF] =	sst s2  }
0x8f: {  	_ = 	snop  }
0x90: {  	s2 =	sld [smem:$0x3FD0];
	(tm) =	ssettm $0x1  }
0x91: {  	s18 =	sld [smem:$0x3FFB];
	_ =	sdelay $0x3  }
0x92: {  	_ =	strace s18  }
0x93: {  	s3 =	sld [smem:$0x3FFC];
	_ =	sdelay $0x3  }
0x94: {  	_ =	strace s3  }
0x95: {  	s3 =	sld [smem:$0x3FFD];
	_ =	sdelay $0x3  }
0x96: {  	_ =	strace s3  }
0x97: {  	_ =	strace $0x8FFFFFFF  }
0x98: {  	s19 =	sld [smem:$0x3FDB];
	_ =	sdelay $0x1  }
0x99: {  	s4 =	simm.s32 $_scs_section_size  }
0x9a: {  	s5 =	simm.s32 $_size__tile_overlayer_lowered;
	s6 =	simm.s32 $_tile_overlayer_lowered  }
0x9b: {  	s22 =	simm.s32 $0x1BFF;
	s21 =	sshll.u32 s6, $0x1;
	s3 =	sadd.s32 s4, s19  }
0x9c: {  	s7 =	simm.s32 $0x0;
	s20 =	sshll.u32 s5, $0x1;
	s5 =	sadd.s32 s21, s3  }
0x9d: {  	[timem:s7], [sflag:s22] =	dma.local [hbm:s5], s20  }
0x9e: {  	_ =	swait.ge [sflag:s22], s20  }
0x9f: {  	s4 =	ssub.s32 $0x0, s20;
	[sflag:s22] =	ssyncset.done $0x0  }
0xa0: {  	[sflag:s22] =	ssyncadd.s32 s4;
	_ =	sdelay $0x1  }
0xa1: {  	s23 =	simm.s32 $0x1B8B  }
0xa2: {  	_ =	swait.ge [sflag:s23], $0x1  }
0xa3: {  	[sflag:s23] =	ssyncset.done $0x0  }
0xa4: {  	s25 =	simm.s32 $0x1B8E;
	s24 =	sld [smem:$0x3FFE];
	[sflag:s23] =	ssyncadd.s32 $0xFFFFFFFF  }
0xa5: {  	s26 =	simm.s32 $execute0_lowered;
	[smem:$0x3FD2] =	sst s25  }
0xa6: {  	s5 =	sshll.u32 s26, $0x1;
	_ =	strace $0x80000046;
	[dreg:$0x1] =	wrdreg $0xFFFFFFFF  }
0xa7: {  	s28 =	simm.s32 $_size_execute0_lowered;
	s3 =	sadd.s32 s3, s5;
	[dreg:$0x0] =	wrdreg $0x0  }
0xa8: {  	s5 =	sshll.u32 s28, $0x1;
	[dreg:$0x2] =	wrdreg s3  }
0xa9: {  	[dreg:$0x3] =	wrdreg s5  }
0xaa: {  	[dreg:$0x4] =	wrdreg $0xC0  }
0xab: {  	_ =	task [dreg:s7], $0x5FFFF  }
0xac: {  	[dreg:$0x1] =	wrdreg $0xFFFFFFFF  }
0xad: {  	[dreg:$0x0] =	wrdreg $0x60  }
0xae: {  	[dreg:$0x2] =	wrdreg s24  }
0xaf: {  	[dreg:$0x3] =	wrdreg s2  }
0xb0: {  	[dreg:$0x4] =	wrdreg $0x88800  }
0xb1: {  	[dreg:$0x5] =	wrdreg $0x1C1000  }
0xb2: {  	[dreg:$0x6] =	wrdreg $0x9  }
0xb3: {  	_ =	task.clear_ibuf [dreg:s7], $0x7FFFF;
	_ =	strace $0x90000046  }
0xb4: {  	s29 =	simm.s32 $0x9;
	_ =	strace $0x80000048  }
0xb5: {  	_ =	swait.ge [sflag:s29], $0x1  }
0xb6: {  	[sflag:s29] =	ssyncadd.s32 $0xFFFFFFFF  }
0xb7: {  	_ =	strace $0x90000048  }
0xb8: {  	_ =	sfence  }
0xb9: {  	s30 =	sld [smem:$0x0];
	_ =	sdelay $0x2  }
0xba: {  	s31 =	sshll.u32 s1, $0xD;
	s1 =	sshrl.u32 s1, $0x2  }
0xbb: {  	s3 =	sand.u32 $0x4000, s31;
	s1 =	sadd.s32 s1, s30  }
0xbc: {  	s0 =	sor.u32 s3, s0;
	s1 =	sshll.u32 s1, $0x11  }
0xbd: {  	s0 =	sor.u32 s1, s0  }
0xbe: {  	s0 =	sadd.s32 $0x8F2B, s0  }
0xbf: {  	[sflag:s0] =	ssyncadd.remote.s32 $0x1  }
0xc0: {  	_ =	sfence.sel $0xFFFF  }
0xc1: {  	[dreg:$0x0] =	wrdreg $0xFFFFFFFF;
	(pc) =	sbr.abs _section_cstart, $3  }
0xc2: {  	[dreg:$0x1] =	wrdreg $0xFFFFFFFF  }
0xc3: {  	_ =	task.clear_ibuf [dreg:s7], $0x2FFFF;
	_ =	strace $0x9FFFFFFF  }
0xc4: {  	(tm) =	ssettm $0x7FFFFFFF  }
0xc5: {  	_ =	shalt  }
tec
execute0_lowered:
.L_overlay_start_1:
0x0: {  	(tag) =	ssettag $0x1  }
0x1: {  	s0 =	rddreg [dreg:$0x0]  }
0x2: {  	s3 =	rddreg [dreg:$0x1]  }
0x3: {  	s1 =	rddreg [dreg:$0x2]  }
0x4: {  	s2 =	rddreg [dreg:$0x3];
	s21 =	simm.s32 $0x0  }
0x5: {  	s22 =	stileid.u32;
	s10 =	srdreg.scid;
	s28 =	simm.s32 $0x28A0  }
0x6: {  	s29 =	simm.s32 $0x50A0;
	s30 =	simm.s32 $0x55A0;
	s31 =	simm.s32 $0x1  }
0x7: {  	[smem:$0x7FF] =	sst s21;
	s5 =	sadd.s32 $0xF400, s0;
	s6 =	sadd.s32 $0x5600, s0  }
0x8: {  	s7 =	sadd.s32 $0x4FB200, s0;
	s8 =	sadd.s32 $0x68200, s0;
	s4 =	smul.u32 $0x2710, s22  }
0x9: {  	s9 =	sadd.s32 $0x8FA00, s0;
	s12 =	sand.u32 $0x1, s10;
	s14 =	smul.u32 $0x13880, s22  }
0xa: {  	s10 =	sadd.s32 $0x19200, s0;
	s11 =	sadd.s32 $0xB7200, s0;
	s17 =	sadd.s32 $0x45A00, s0  }
0xb: {  	s26 =	sshll.u32 s22, $0x1;
	_ =	strace $0x80000047;
	s15 =	smul.u32 $0x13C000, s12  }
0xc: {  	s25 =	smul.u32 $0x27800, s12;
	[dreg:$0x5] =	wrdreg s17;
	s17 =	sor.u32 s12, s26  }
0xd: {  	s12 =	ssub.s32 $0x2, s12;
	s13 =	sshrl.u32 s4, $0x3;
	s18 =	smul.u32 $0x4F0, s17  }
0xe: {  	s16 =	sadd.s32 s13, s0;
	s15 =	sadd.s32 s14, s15;
	s13 =	sadd.s32 s4, s25  }
0xf: {  	s15 =	sshrl.u32 s15, $0x3;
	s13 =	sshrl.u32 s13, $0x3;
	s23 =	sadd.s32 $0x40A00, s16  }
0x10: {  	s16 =	simm.s32 $0x5AA0;
	s19 =	sadd.s32 s15, s0;
	s20 =	sadd.s32 s13, s0  }
0x11: {  	s15 =	sshrl.u32 s12, $0x1;
	s0 =	sadd.s32 s18, s0;
	s13 =	smul.u32 $0x2710, s17  }
0x12: {  	s17 =	sadd.s32 s14, s1;
	s14 =	sshrl.u32 s14, $0x3;
	s18 =	sshll.u32 s22, $0x6  }
0x13: {  	s22 =	sadd.s32 s4, s2;
	[dreg:$0x8] =	wrdreg s23;
	s23 =	simm.s32 $0x5  }
0x14: {  	v0 =	vlaneseq.u32;
	s4 =	simm.s32 $0x4;
	s3 =	sadd.s32 s3, s14;
	[dreg:$0x7] =	wrdreg s22  }
0x15: {  	v0 =	vmul.u32 $0x18, v0;
	s12 =	ssub.s32 s12, s15;
	s0 =	sadd.s32 $0x4FE00, s0;
	[dreg:$0x6] =	wrdreg s3  }
0x16: {  	s15 =	sor.u32 $0x1C05, s18;
	s24 =	sadd.s32 $0xBC200, s19;
	[dreg:$0x9] =	wrdreg s0  }
0x17: {  	v1 =	vor.u32 $0x1, v0;
	v2 =	vor.u32 $0x2, v0;
	v3 =	vor.u32 $0x3, v0;
	s25 =	sadd.s32 $0x46000, s20;
	s19 =	sshrl.u32 s17, $0x3;
	[dreg:$0xa] =	wrdreg s24  }
0x18: {  	v4 =	vor.u32 $0x4, v0;
	v5 =	vor.u32 $0x5, v0;
	v6 =	vor.u32 $0x6, v0;
	s14 =	simm.s32 $0x3;
	s17 =	simm.s32 $0x0;
	[dreg:$0xb] =	wrdreg s25  }
0x19: {  	v7 =	vor.u32 $0x7, v0;
	v8 =	vadd.s32 $0x8, v0;
	v9 =	vadd.s32 $0x9, v0;
	s26 =	smax.u32 s12, $0x1;
	s24 =	simm.s32 $0x6170;
	s25 =	simm.s32 $0x50  }
0x1a: {  	v10 =	vadd.s32 $0xA, v0;
	v11 =	vadd.s32 $0xB, v0;
	v12 =	vadd.s32 $0xC, v0;
	s0 =	simm.s32 $0x2;
	s3 =	simm.s32 $0x5FA0;
	[dreg:$0xd] =	wrdreg s19  }
0x1b: {  	v13 =	vadd.s32 $0xD, v0;
	v14 =	vadd.s32 $0xE, v0;
	v15 =	vadd.s32 $0xF, v0;
	s12 =	simm.s32 $0x6120;
	[dreg:$0xc] =	wrdreg s26;
	s26 =	simm.s32 $0xA0  }
.LBB2_1:
0x1c: {  	s18 =	rddreg [dreg:$0x6]  }
0x1d: {  	[spmem:s19], [sflag:s15] =	dma.local [hbm:s18], $0x2710  }
0x1e: {  	_ =	swait.ge [sflag:s23], $0x2710  }
0x1f: {  	s22 =	rddreg [dreg:$0x7]  }
0x20: {  	[sflag:s23] =	ssyncset.done $0x0;
	s20 =	rddreg [dreg:$0x8];
	s18 =	sshrl.u32 s22, $0x3  }
0x21: {  	[sflag:s23] =	ssyncadd.s32 $0xFFFFD8F0;
	[dreg:$0xe] =	wrdreg s18  }
0x22: {  	[spmem:s18], [sflag:s15] =	dma.local [hbm:s20], $0x4E2  }
0x23: {  	_ =	swait.ge [sflag:s23], $0x4E2  }
0x24: {  	[sflag:s23] =	ssyncset.done $0x0  }
0x25: {  	s22 =	rddreg [dreg:$0x5];
	[sflag:s23] =	ssyncadd.s32 $0xFFFFFB1E  }
0x26: {  	[tilespmem:s24], [sflag:$0x5] =	stream.linear.gather [hbm4b:s22+s21], $0x2710, $0x38;
	[tilespmem:$0x1E810] =	vst v63  }
0x27: {  	_ =	swait.ge [sflag:s23], $0x2710  }
0x28: {  	[sflag:s23] =	ssyncset.done $0x0  }
0x29: {  	[sflag:s23] =	ssyncadd.s32 $0xFFFFD8F0  }
0x2a: {  	s19 =	simm.s32 $0x0;
	[bflag:$0x0] =	sbarrier.arrive $0xFFFF  }
.LBB2_2:
0x2b: {  	s20 =	smul.u32 $0x50, s19;
	_ =	sdelay $0x1  }
0x2c: {  	s21 =	sadd.s32 s13, s20  }
0x2d: {  	s22 =	sshrl.u32 s21, $0x3  }
0x2e: {  	s20 =	simm.s32 $0x0;
	s18 =	sadd.s32 s5, s22  }
0x2f: {  	[tilespmem:s20], [sflag:$0x5] =	stream.linear.gather [hbm4b:s18+s20], $0x50, $0x38;
	[tilespmem:$0x1E810] =	vst v63  }
0x30: {  	_ =	swait.ge [sflag:s23], $0x50  }
0x31: {  	[sflag:s23] =	ssyncset.done $0x0  }
0x32: {  	s22 =	sadd.s32 s6, s22;
	[sflag:s23] =	ssyncadd.s32 $0xFFFFFFB0  }
0x33: {  	[tilespmem:s25], [sflag:$0x5] =	stream.linear.gather [hbm4b:s22+s20], $0x50, $0x38;
	[tilespmem:$0x1E810] =	vst v63  }
0x34: {  	_ =	swait.ge [sflag:s23], $0x50  }
0x35: {  	[sflag:s23] =	ssyncset.done $0x0  }
0x36: {  	[sflag:s23] =	ssyncadd.s32 $0xFFFFFFB0  }
0x37: {  	[tilespmem:s26], [sflag:$0x1] =	stream.indirect.gather [hbm4b:s8+s25], $0x80, s25, s25, $0xb8;
	[tilespmem:$0x1E810] =	vst v63  }
0x38: {  	_ = 	snop  }
0x39: {  	[tilespmem:s28], [sflag:$0x2] =	stream.indirect.gather [hbm4b:s9+s25], $0x80, s20, s25, $0xb8;
	[tilespmem:$0x1E810] =	vst v63  }
0x3a: {  	s22 =	sshll.u32 s21, $0x1  }
0x3b: {  	[tilespmem:s29], [sflag:$0x4] =	stream.indirect.gather [hbm4b:s11+s25], $0x10, s25, s25, $0xb8;
	[tilespmem:$0x1E810] =	vst v63  }
0x3c: {  	s18 =	sadd.s32 s7, s22  }
0x3d: {  	[tilespmem:s30], [sflag:$0x5] =	stream.linear.gather [hbm4b:s18+s20], $0x500, $0x38;
	[tilespmem:$0x1E810] =	vst v63  }
0x3e: {  	_ =	swait.ge [sflag:s23], $0x500  }
0x3f: {  	[sflag:s23] =	ssyncset.done $0x0  }
0x40: {  	[sflag:s23] =	ssyncadd.s32 $0xFFFFFB00  }
0x41: {  	_ =	swait.ge [sflag:s31], $0x2800  }
0x42: {  	[sflag:s31] =	ssyncset.done $0x0  }
0x43: {  	[sflag:s31] =	ssyncadd.s32 $0xFFFFD800  }
0x44: {  	_ =	swait.ge [sflag:s0], $0x2800  }
0x45: {  	[sflag:s0] =	ssyncset.done $0x0  }
0x46: {  	[sflag:s0] =	ssyncadd.s32 $0xFFFFD800  }
0x47: {  	_ =	swait.ge [sflag:s4], $0x500  }
0x48: {  	[sflag:s4] =	ssyncset.done $0x0  }
0x49: {  	[sflag:s4] =	ssyncadd.s32 $0xFFFFFB00  }
.LBB2_3:
0x4a: {  	s18 =	sshll.u32 s20, $0x8  }
0x4b: {  	v16 =	vld [tilespmem:s18+$0x50A0]  }
0x4c: {  	s22 =	sshll.u32 s20, $0xB;
	v17 =	vld [tilespmem:s18+$0x55A0]  }
0x4d: {  	v18 =	vld [tilespmem:s22+$0xA0]  }
0x4e: {  	v19 =	vld [tilespmem:s22+$0x28A0]  }
0x4f: {  	v20 =	vld [tilespmem:s22+$0xB0]  }
0x50: {  	v21 =	vld [tilespmem:s22+$0x28B0]  }
0x51: {  	v22 =	vld [tilespmem:s22+$0xC0]  }
0x52: {  	v23 =	vld [tilespmem:s22+$0x28C0]  }
0x53: {  	v44 =	vld [tilespmem:s22+$0xD0];
	v16 =	vmul.f32 v17, v16;
	v17 =	vmul.f32 v19, v18  }
0x54: {  	v45 =	vld [tilespmem:s22+$0x28D0]  }
0x55: {  	v46 =	vld [tilespmem:s22+$0xE0];
	v16 =	vadd.f32 v17, v16;
	v17 =	vmul.f32 v21, v20  }
0x56: {  	v47 =	vld [tilespmem:s22+$0x28E0]  }
0x57: {  	v48 =	vld [tilespmem:s22+$0xF0];
	v16 =	vadd.f32 v17, v16;
	v17 =	vmul.f32 v23, v22  }
0x58: {  	v49 =	vld [tilespmem:s22+$0x28F0]  }
0x59: {  	v50 =	vld [tilespmem:s22+$0x100];
	v16 =	vadd.f32 v17, v16;
	v17 =	vmul.f32 v45, v44  }
0x5a: {  	v51 =	vld [tilespmem:s22+$0x2900]  }
0x5b: {  	v52 =	vld [tilespmem:s22+$0x110];
	v16 =	vadd.f32 v17, v16;
	v17 =	vmul.f32 v47, v46  }
0x5c: {  	v53 =	vld [tilespmem:s22+$0x2910]  }
0x5d: {  	v16 =	vadd.f32 v17, v16;
	v17 =	vmul.f32 v49, v48;
	_ =	sdelay $0x1  }
0x5e: {  	v16 =	vadd.f32 v17, v16;
	v17 =	vmul.f32 v51, v50;
	_ =	sdelay $0x1  }
0x5f: {  	v16 =	vadd.f32 v17, v16;
	v17 =	vmul.f32 v53, v52;
	_ =	sdelay $0x1  }
0x60: {  	s21 =	sshll.u32 s20, $0x4;
	v16 =	vadd.f32 v17, v16  }
0x61: {  	s18 =	sor.u32 $0x1, s21  }
0x62: {  	s22 =	sshll.u32 s18, $0x4;
	[tilespmem:$0x5FA0] =	vst v16  }
0x63: {  	v16 =	vld [tilespmem:s22+$0x50A0]  }
0x64: {  	s18 =	sshll.u32 s18, $0x7;
	v17 =	vld [tilespmem:s22+$0x55A0]  }
0x65: {  	v54 =	vld [tilespmem:s18+$0xA0]  }
0x66: {  	v55 =	vld [tilespmem:s18+$0x28A0]  }
0x67: {  	v56 =	vld [tilespmem:s18+$0xB0]  }
0x68: {  	v57 =	vld [tilespmem:s18+$0x28B0]  }
0x69: {  	v58 =	vld [tilespmem:s18+$0xC0]  }
0x6a: {  	v59 =	vld [tilespmem:s18+$0x28C0]  }
0x6b: {  	v60 =	vld [tilespmem:s18+$0xD0];
	v16 =	vmul.f32 v17, v16;
	v17 =	vmul.f32 v55, v54  }
0x6c: {  	v61 =	vld [tilespmem:s18+$0x28D0]  }
0x6d: {  	v62 =	vld [tilespmem:s18+$0xE0];
	v16 =	vadd.f32 v17, v16;
	v17 =	vmul.f32 v57, v56  }
0x6e: {  	v63 =	vld [tilespmem:s18+$0x28E0]  }
0x6f: {  	v24 =	vld [tilespmem:s18+$0xF0];
	v16 =	vadd.f32 v17, v16;
	v17 =	vmul.f32 v59, v58  }
0x70: {  	v25 =	vld [tilespmem:s18+$0x28F0]  }
0x71: {  	v26 =	vld [tilespmem:s18+$0x100];
	v16 =	vadd.f32 v17, v16;
	v17 =	vmul.f32 v61, v60  }
0x72: {  	v27 =	vld [tilespmem:s18+$0x2900]  }
0x73: {  	v28 =	vld [tilespmem:s18+$0x110];
	v16 =	vadd.f32 v17, v16;
	v17 =	vmul.f32 v63, v62  }
0x74: {  	v29 =	vld [tilespmem:s18+$0x2910]  }
0x75: {  	v16 =	vadd.f32 v17, v16;
	v17 =	vmul.f32 v25, v24;
	_ =	sdelay $0x1  }
0x76: {  	v16 =	vadd.f32 v17, v16;
	v17 =	vmul.f32 v27, v26;
	_ =	sdelay $0x1  }
0x77: {  	v16 =	vadd.f32 v17, v16;
	v17 =	vmul.f32 v29, v28;
	_ =	sdelay $0x1  }
0x78: {  	v16 =	vadd.f32 v17, v16  }
0x79: {  	s18 =	sor.u32 $0x2, s21  }
0x7a: {  	s22 =	sshll.u32 s18, $0x4;
	[tilespmem:$0x5FB8] =	vst v16  }
0x7b: {  	v16 =	vld [tilespmem:s22+$0x50A0]  }
0x7c: {  	s18 =	sshll.u32 s18, $0x7;
	v17 =	vld [tilespmem:s22+$0x55A0]  }
0x7d: {  	v30 =	vld [tilespmem:s18+$0xA0]  }
0x7e: {  	v31 =	vld [tilespmem:s18+$0x28A0]  }
0x7f: {  	v32 =	vld [tilespmem:s18+$0xB0]  }
0x80: {  	v33 =	vld [tilespmem:s18+$0x28B0]  }
0x81: {  	v34 =	vld [tilespmem:s18+$0xC0]  }
0x82: {  	v35 =	vld [tilespmem:s18+$0x28C0]  }
0x83: {  	v36 =	vld [tilespmem:s18+$0xD0];
	v16 =	vmul.f32 v17, v16;
	v17 =	vmul.f32 v31, v30  }
0x84: {  	v37 =	vld [tilespmem:s18+$0x28D0]  }
0x85: {  	v38 =	vld [tilespmem:s18+$0xE0];
	v16 =	vadd.f32 v17, v16;
	v17 =	vmul.f32 v33, v32  }
0x86: {  	v39 =	vld [tilespmem:s18+$0x28E0]  }
0x87: {  	v40 =	vld [tilespmem:s18+$0xF0];
	v16 =	vadd.f32 v17, v16;
	v17 =	vmul.f32 v35, v34  }
0x88: {  	v41 =	vld [tilespmem:s18+$0x28F0]  }
0x89: {  	v42 =	vld [tilespmem:s18+$0x100];
	v16 =	vadd.f32 v17, v16;
	v17 =	vmul.f32 v37, v36  }
0x8a: {  	v43 =	vld [tilespmem:s18+$0x2900]  }
0x8b: {  	v44 =	vld [tilespmem:s18+$0x110];
	v16 =	vadd.f32 v17, v16;
	v17 =	vmul.f32 v39, v38  }
0x8c: {  	v45 =	vld [tilespmem:s18+$0x2910]  }
0x8d: {  	v16 =	vadd.f32 v17, v16;
	v17 =	vmul.f32 v41, v40;
	_ =	sdelay $0x1  }
0x8e: {  	v16 =	vadd.f32 v17, v16;
	v17 =	vmul.f32 v43, v42;
	_ =	sdelay $0x1  }
0x8f: {  	v16 =	vadd.f32 v17, v16;
	v17 =	vmul.f32 v45, v44;
	_ =	sdelay $0x1  }
0x90: {  	v16 =	vadd.f32 v17, v16  }
0x91: {  	s18 =	sor.u32 $0x3, s21  }
0x92: {  	s22 =	sshll.u32 s18, $0x4;
	[tilespmem:$0x5FD0] =	vst v16  }
0x93: {  	v16 =	vld [tilespmem:s22+$0x50A0]  }
0x94: {  	s18 =	sshll.u32 s18, $0x7;
	v17 =	vld [tilespmem:s22+$0x55A0]  }
0x95: {  	v46 =	vld [tilespmem:s18+$0xA0]  }
0x96: {  	v47 =	vld [tilespmem:s18+$0x28A0]  }
0x97: {  	v48 =	vld [tilespmem:s18+$0xB0]  }
0x98: {  	v49 =	vld [tilespmem:s18+$0x28B0]  }
0x99: {  	v50 =	vld [tilespmem:s18+$0xC0]  }
0x9a: {  	v51 =	vld [tilespmem:s18+$0x28C0]  }
0x9b: {  	v52 =	vld [tilespmem:s18+$0xD0];
	v16 =	vmul.f32 v17, v16;
	v17 =	vmul.f32 v47, v46  }
0x9c: {  	v53 =	vld [tilespmem:s18+$0x28D0]  }
0x9d: {  	v54 =	vld [tilespmem:s18+$0xE0];
	v16 =	vadd.f32 v17, v16;
	v17 =	vmul.f32 v49, v48  }
0x9e: {  	v55 =	vld [tilespmem:s18+$0x28E0]  }
0x9f: {  	v56 =	vld [tilespmem:s18+$0xF0];
	v16 =	vadd.f32 v17, v16;
	v17 =	vmul.f32 v51, v50  }
0xa0: {  	v57 =	vld [tilespmem:s18+$0x28F0]  }
0xa1: {  	v58 =	vld [tilespmem:s18+$0x100];
	v16 =	vadd.f32 v17, v16;
	v17 =	vmul.f32 v53, v52  }
0xa2: {  	v59 =	vld [tilespmem:s18+$0x2900]  }
0xa3: {  	v60 =	vld [tilespmem:s18+$0x110];
	v16 =	vadd.f32 v17, v16;
	v17 =	vmul.f32 v55, v54  }
0xa4: {  	v61 =	vld [tilespmem:s18+$0x2910]  }
0xa5: {  	v16 =	vadd.f32 v17, v16;
	v17 =	vmul.f32 v57, v56;
	_ =	sdelay $0x1  }
0xa6: {  	v16 =	vadd.f32 v17, v16;
	v17 =	vmul.f32 v59, v58;
	_ =	sdelay $0x1  }
0xa7: {  	v16 =	vadd.f32 v17, v16;
	v17 =	vmul.f32 v61, v60;
	_ =	sdelay $0x1  }
0xa8: {  	v16 =	vadd.f32 v17, v16  }
0xa9: {  	s18 =	sor.u32 $0x4, s21  }
0xaa: {  	s22 =	sshll.u32 s18, $0x4;
	[tilespmem:$0x5FE8] =	vst v16  }
0xab: {  	v16 =	vld [tilespmem:s22+$0x50A0]  }
0xac: {  	s18 =	sshll.u32 s18, $0x7;
	v17 =	vld [tilespmem:s22+$0x55A0]  }
0xad: {  	v62 =	vld [tilespmem:s18+$0xA0]  }
0xae: {  	v63 =	vld [tilespmem:s18+$0x28A0]  }
0xaf: {  	v24 =	vld [tilespmem:s18+$0xB0]  }
0xb0: {  	v25 =	vld [tilespmem:s18+$0x28B0]  }
0xb1: {  	v26 =	vld [tilespmem:s18+$0xC0]  }
0xb2: {  	v27 =	vld [tilespmem:s18+$0x28C0]  }
0xb3: {  	v28 =	vld [tilespmem:s18+$0xD0];
	v16 =	vmul.f32 v17, v16;
	v17 =	vmul.f32 v63, v62  }
0xb4: {  	v29 =	vld [tilespmem:s18+$0x28D0]  }
0xb5: {  	v30 =	vld [tilespmem:s18+$0xE0];
	v16 =	vadd.f32 v17, v16;
	v17 =	vmul.f32 v25, v24  }
0xb6: {  	v31 =	vld [tilespmem:s18+$0x28E0]  }
0xb7: {  	v32 =	vld [tilespmem:s18+$0xF0];
	v16 =	vadd.f32 v17, v16;
	v17 =	vmul.f32 v27, v26  }
0xb8: {  	v33 =	vld [tilespmem:s18+$0x28F0]  }
0xb9: {  	v34 =	vld [tilespmem:s18+$0x100];
	v16 =	vadd.f32 v17, v16;
	v17 =	vmul.f32 v29, v28  }
0xba: {  	v35 =	vld [tilespmem:s18+$0x2900]  }
0xbb: {  	v36 =	vld [tilespmem:s18+$0x110];
	v16 =	vadd.f32 v17, v16;
	v17 =	vmul.f32 v31, v30  }
0xbc: {  	v37 =	vld [tilespmem:s18+$0x2910]  }
0xbd: {  	v16 =	vadd.f32 v17, v16;
	v17 =	vmul.f32 v33, v32;
	_ =	sdelay $0x1  }
0xbe: {  	v16 =	vadd.f32 v17, v16;
	v17 =	vmul.f32 v35, v34;
	_ =	sdelay $0x1  }
0xbf: {  	v16 =	vadd.f32 v17, v16;
	v17 =	vmul.f32 v37, v36;
	_ =	sdelay $0x1  }
0xc0: {  	v16 =	vadd.f32 v17, v16  }
0xc1: {  	s18 =	sor.u32 $0x5, s21  }
0xc2: {  	s22 =	sshll.u32 s18, $0x4;
	[tilespmem:$0x6000] =	vst v16  }
0xc3: {  	v16 =	vld [tilespmem:s22+$0x50A0]  }
0xc4: {  	s18 =	sshll.u32 s18, $0x7;
	v17 =	vld [tilespmem:s22+$0x55A0]  }
0xc5: {  	v38 =	vld [tilespmem:s18+$0xA0]  }
0xc6: {  	v39 =	vld [tilespmem:s18+$0x28A0]  }
0xc7: {  	v40 =	vld [tilespmem:s18+$0xB0]  }
0xc8: {  	v41 =	vld [tilespmem:s18+$0x28B0]  }
0xc9: {  	v42 =	vld [tilespmem:s18+$0xC0]  }
0xca: {  	v43 =	vld [tilespmem:s18+$0x28C0]  }
0xcb: {  	v44 =	vld [tilespmem:s18+$0xD0];
	v16 =	vmul.f32 v17, v16;
	v17 =	vmul.f32 v39, v38  }
0xcc: {  	v45 =	vld [tilespmem:s18+$0x28D0]  }
0xcd: {  	v46 =	vld [tilespmem:s18+$0xE0];
	v16 =	vadd.f32 v17, v16;
	v17 =	vmul.f32 v41, v40  }
0xce: {  	v47 =	vld [tilespmem:s18+$0x28E0]  }
0xcf: {  	v48 =	vld [tilespmem:s18+$0xF0];
	v16 =	vadd.f32 v17, v16;
	v17 =	vmul.f32 v43, v42  }
0xd0: {  	v49 =	vld [tilespmem:s18+$0x28F0]  }
0xd1: {  	v50 =	vld [tilespmem:s18+$0x100];
	v16 =	vadd.f32 v17, v16;
	v17 =	vmul.f32 v45, v44  }
0xd2: {  	v51 =	vld [tilespmem:s18+$0x2900]  }
0xd3: {  	v52 =	vld [tilespmem:s18+$0x110];
	v16 =	vadd.f32 v17, v16;
	v17 =	vmul.f32 v47, v46  }
0xd4: {  	v53 =	vld [tilespmem:s18+$0x2910]  }
0xd5: {  	v16 =	vadd.f32 v17, v16;
	v17 =	vmul.f32 v49, v48;
	_ =	sdelay $0x1  }
0xd6: {  	v16 =	vadd.f32 v17, v16;
	v17 =	vmul.f32 v51, v50;
	_ =	sdelay $0x1  }
0xd7: {  	v16 =	vadd.f32 v17, v16;
	v17 =	vmul.f32 v53, v52;
	_ =	sdelay $0x1  }
0xd8: {  	v16 =	vadd.f32 v17, v16  }
0xd9: {  	s18 =	sor.u32 $0x6, s21  }
0xda: {  	s22 =	sshll.u32 s18, $0x4;
	[tilespmem:$0x6018] =	vst v16  }
0xdb: {  	v16 =	vld [tilespmem:s22+$0x50A0]  }
0xdc: {  	s18 =	sshll.u32 s18, $0x7;
	v17 =	vld [tilespmem:s22+$0x55A0]  }
0xdd: {  	v54 =	vld [tilespmem:s18+$0xA0]  }
0xde: {  	v55 =	vld [tilespmem:s18+$0x28A0]  }
0xdf: {  	v56 =	vld [tilespmem:s18+$0xB0]  }
0xe0: {  	v57 =	vld [tilespmem:s18+$0x28B0]  }
0xe1: {  	v58 =	vld [tilespmem:s18+$0xC0]  }
0xe2: {  	v59 =	vld [tilespmem:s18+$0x28C0]  }
0xe3: {  	v60 =	vld [tilespmem:s18+$0xD0];
	v16 =	vmul.f32 v17, v16;
	v17 =	vmul.f32 v55, v54  }
0xe4: {  	v61 =	vld [tilespmem:s18+$0x28D0]  }
0xe5: {  	v62 =	vld [tilespmem:s18+$0xE0];
	v16 =	vadd.f32 v17, v16;
	v17 =	vmul.f32 v57, v56  }
0xe6: {  	v63 =	vld [tilespmem:s18+$0x28E0]  }
0xe7: {  	v24 =	vld [tilespmem:s18+$0xF0];
	v16 =	vadd.f32 v17, v16;
	v17 =	vmul.f32 v59, v58  }
0xe8: {  	v25 =	vld [tilespmem:s18+$0x28F0]  }
0xe9: {  	v26 =	vld [tilespmem:s18+$0x100];
	v16 =	vadd.f32 v17, v16;
	v17 =	vmul.f32 v61, v60  }
0xea: {  	v27 =	vld [tilespmem:s18+$0x2900]  }
0xeb: {  	v28 =	vld [tilespmem:s18+$0x110];
	v16 =	vadd.f32 v17, v16;
	v17 =	vmul.f32 v63, v62  }
0xec: {  	v29 =	vld [tilespmem:s18+$0x2910]  }
0xed: {  	v16 =	vadd.f32 v17, v16;
	v17 =	vmul.f32 v25, v24;
	_ =	sdelay $0x1  }
0xee: {  	v16 =	vadd.f32 v17, v16;
	v17 =	vmul.f32 v27, v26;
	_ =	sdelay $0x1  }
0xef: {  	v16 =	vadd.f32 v17, v16;
	v17 =	vmul.f32 v29, v28;
	_ =	sdelay $0x1  }
0xf0: {  	v16 =	vadd.f32 v17, v16  }
0xf1: {  	s18 =	sor.u32 $0x7, s21  }
0xf2: {  	s22 =	sshll.u32 s18, $0x4;
	[tilespmem:$0x6030] =	vst v16  }
0xf3: {  	v16 =	vld [tilespmem:s22+$0x50A0]  }
0xf4: {  	s18 =	sshll.u32 s18, $0x7;
	v17 =	vld [tilespmem:s22+$0x55A0]  }
0xf5: {  	v30 =	vld [tilespmem:s18+$0xA0]  }
0xf6: {  	v31 =	vld [tilespmem:s18+$0x28A0]  }
0xf7: {  	v32 =	vld [tilespmem:s18+$0xB0]  }
0xf8: {  	v33 =	vld [tilespmem:s18+$0x28B0]  }
0xf9: {  	v34 =	vld [tilespmem:s18+$0xC0]  }
0xfa: {  	v35 =	vld [tilespmem:s18+$0x28C0]  }
0xfb: {  	v36 =	vld [tilespmem:s18+$0xD0];
	v16 =	vmul.f32 v17, v16;
	v17 =	vmul.f32 v31, v30  }
0xfc: {  	v37 =	vld [tilespmem:s18+$0x28D0]  }
0xfd: {  	v38 =	vld [tilespmem:s18+$0xE0];
	v16 =	vadd.f32 v17, v16;
	v17 =	vmul.f32 v33, v32  }
0xfe: {  	v39 =	vld [tilespmem:s18+$0x28E0]  }
0xff: {  	v40 =	vld [tilespmem:s18+$0xF0];
	v16 =	vadd.f32 v17, v16;
	v17 =	vmul.f32 v35, v34  }
0x100: {  	v41 =	vld [tilespmem:s18+$0x28F0]  }
0x101: {  	v42 =	vld [tilespmem:s18+$0x100];
	v16 =	vadd.f32 v17, v16;
	v17 =	vmul.f32 v37, v36  }
0x102: {  	v43 =	vld [tilespmem:s18+$0x2900]  }
0x103: {  	v44 =	vld [tilespmem:s18+$0x110];
	v16 =	vadd.f32 v17, v16;
	v17 =	vmul.f32 v39, v38  }
0x104: {  	v45 =	vld [tilespmem:s18+$0x2910]  }
0x105: {  	v16 =	vadd.f32 v17, v16;
	v17 =	vmul.f32 v41, v40;
	_ =	sdelay $0x1  }
0x106: {  	v16 =	vadd.f32 v17, v16;
	v17 =	vmul.f32 v43, v42;
	_ =	sdelay $0x1  }
0x107: {  	v16 =	vadd.f32 v17, v16;
	v17 =	vmul.f32 v45, v44;
	_ =	sdelay $0x1  }
0x108: {  	v16 =	vadd.f32 v17, v16  }
0x109: {  	s18 =	sor.u32 $0x8, s21  }
0x10a: {  	s22 =	sshll.u32 s18, $0x4;
	[tilespmem:$0x6048] =	vst v16  }
0x10b: {  	v16 =	vld [tilespmem:s22+$0x50A0]  }
0x10c: {  	s18 =	sshll.u32 s18, $0x7;
	v17 =	vld [tilespmem:s22+$0x55A0]  }
0x10d: {  	v46 =	vld [tilespmem:s18+$0xA0]  }
0x10e: {  	v47 =	vld [tilespmem:s18+$0x28A0]  }
0x10f: {  	v48 =	vld [tilespmem:s18+$0xB0]  }
0x110: {  	v49 =	vld [tilespmem:s18+$0x28B0]  }
0x111: {  	v50 =	vld [tilespmem:s18+$0xC0]  }
0x112: {  	v51 =	vld [tilespmem:s18+$0x28C0]  }
0x113: {  	v52 =	vld [tilespmem:s18+$0xD0];
	v16 =	vmul.f32 v17, v16;
	v17 =	vmul.f32 v47, v46  }
0x114: {  	v53 =	vld [tilespmem:s18+$0x28D0]  }
0x115: {  	v54 =	vld [tilespmem:s18+$0xE0];
	v16 =	vadd.f32 v17, v16;
	v17 =	vmul.f32 v49, v48  }
0x116: {  	v55 =	vld [tilespmem:s18+$0x28E0]  }
0x117: {  	v56 =	vld [tilespmem:s18+$0xF0];
	v16 =	vadd.f32 v17, v16;
	v17 =	vmul.f32 v51, v50  }
0x118: {  	v57 =	vld [tilespmem:s18+$0x28F0]  }
0x119: {  	v58 =	vld [tilespmem:s18+$0x100];
	v16 =	vadd.f32 v17, v16;
	v17 =	vmul.f32 v53, v52  }
0x11a: {  	v59 =	vld [tilespmem:s18+$0x2900]  }
0x11b: {  	v60 =	vld [tilespmem:s18+$0x110];
	v16 =	vadd.f32 v17, v16;
	v17 =	vmul.f32 v55, v54  }
0x11c: {  	v61 =	vld [tilespmem:s18+$0x2910]  }
0x11d: {  	v16 =	vadd.f32 v17, v16;
	v17 =	vmul.f32 v57, v56;
	_ =	sdelay $0x1  }
0x11e: {  	v16 =	vadd.f32 v17, v16;
	v17 =	vmul.f32 v59, v58;
	_ =	sdelay $0x1  }
0x11f: {  	v16 =	vadd.f32 v17, v16;
	v17 =	vmul.f32 v61, v60;
	_ =	sdelay $0x1  }
0x120: {  	v16 =	vadd.f32 v17, v16  }
0x121: {  	s18 =	sor.u32 $0x9, s21  }
0x122: {  	s22 =	sshll.u32 s18, $0x4;
	[tilespmem:$0x6060] =	vst v16  }
0x123: {  	v16 =	vld [tilespmem:s22+$0x50A0]  }
0x124: {  	s18 =	sshll.u32 s18, $0x7;
	v17 =	vld [tilespmem:s22+$0x55A0]  }
0x125: {  	v62 =	vld [tilespmem:s18+$0xA0]  }
0x126: {  	v63 =	vld [tilespmem:s18+$0x28A0]  }
0x127: {  	v24 =	vld [tilespmem:s18+$0xB0]  }
0x128: {  	v25 =	vld [tilespmem:s18+$0x28B0]  }
0x129: {  	v26 =	vld [tilespmem:s18+$0xC0]  }
0x12a: {  	v27 =	vld [tilespmem:s18+$0x28C0]  }
0x12b: {  	v28 =	vld [tilespmem:s18+$0xD0];
	v16 =	vmul.f32 v17, v16;
	v17 =	vmul.f32 v63, v62  }
0x12c: {  	v29 =	vld [tilespmem:s18+$0x28D0]  }
0x12d: {  	v30 =	vld [tilespmem:s18+$0xE0];
	v16 =	vadd.f32 v17, v16;
	v17 =	vmul.f32 v25, v24  }
0x12e: {  	v31 =	vld [tilespmem:s18+$0x28E0]  }
0x12f: {  	v32 =	vld [tilespmem:s18+$0xF0];
	v16 =	vadd.f32 v17, v16;
	v17 =	vmul.f32 v27, v26  }
0x130: {  	v33 =	vld [tilespmem:s18+$0x28F0]  }
0x131: {  	v34 =	vld [tilespmem:s18+$0x100];
	v16 =	vadd.f32 v17, v16;
	v17 =	vmul.f32 v29, v28  }
0x132: {  	v35 =	vld [tilespmem:s18+$0x2900]  }
0x133: {  	v36 =	vld [tilespmem:s18+$0x110];
	v16 =	vadd.f32 v17, v16;
	v17 =	vmul.f32 v31, v30  }
0x134: {  	v37 =	vld [tilespmem:s18+$0x2910]  }
0x135: {  	v16 =	vadd.f32 v17, v16;
	v17 =	vmul.f32 v33, v32;
	_ =	sdelay $0x1  }
0x136: {  	v16 =	vadd.f32 v17, v16;
	v17 =	vmul.f32 v35, v34;
	_ =	sdelay $0x1  }
0x137: {  	v16 =	vadd.f32 v17, v16;
	v17 =	vmul.f32 v37, v36;
	_ =	sdelay $0x1  }
0x138: {  	v16 =	vadd.f32 v17, v16  }
0x139: {  	s18 =	sor.u32 $0xA, s21  }
0x13a: {  	s22 =	sshll.u32 s18, $0x4;
	[tilespmem:$0x6078] =	vst v16  }
0x13b: {  	v16 =	vld [tilespmem:s22+$0x50A0]  }
0x13c: {  	s18 =	sshll.u32 s18, $0x7;
	v17 =	vld [tilespmem:s22+$0x55A0]  }
0x13d: {  	v38 =	vld [tilespmem:s18+$0xA0]  }
0x13e: {  	v39 =	vld [tilespmem:s18+$0x28A0]  }
0x13f: {  	v40 =	vld [tilespmem:s18+$0xB0]  }
0x140: {  	v41 =	vld [tilespmem:s18+$0x28B0]  }
0x141: {  	v42 =	vld [tilespmem:s18+$0xC0]  }
0x142: {  	v43 =	vld [tilespmem:s18+$0x28C0]  }
0x143: {  	v44 =	vld [tilespmem:s18+$0xD0];
	v16 =	vmul.f32 v17, v16;
	v17 =	vmul.f32 v39, v38  }
0x144: {  	v45 =	vld [tilespmem:s18+$0x28D0]  }
0x145: {  	v46 =	vld [tilespmem:s18+$0xE0];
	v16 =	vadd.f32 v17, v16;
	v17 =	vmul.f32 v41, v40  }
0x146: {  	v47 =	vld [tilespmem:s18+$0x28E0]  }
0x147: {  	v48 =	vld [tilespmem:s18+$0xF0];
	v16 =	vadd.f32 v17, v16;
	v17 =	vmul.f32 v43, v42  }
0x148: {  	v49 =	vld [tilespmem:s18+$0x28F0]  }
0x149: {  	v50 =	vld [tilespmem:s18+$0x100];
	v16 =	vadd.f32 v17, v16;
	v17 =	vmul.f32 v45, v44  }
0x14a: {  	v51 =	vld [tilespmem:s18+$0x2900]  }
0x14b: {  	v52 =	vld [tilespmem:s18+$0x110];
	v16 =	vadd.f32 v17, v16;
	v17 =	vmul.f32 v47, v46  }
0x14c: {  	v53 =	vld [tilespmem:s18+$0x2910]  }
0x14d: {  	v16 =	vadd.f32 v17, v16;
	v17 =	vmul.f32 v49, v48;
	_ =	sdelay $0x1  }
0x14e: {  	v16 =	vadd.f32 v17, v16;
	v17 =	vmul.f32 v51, v50;
	_ =	sdelay $0x1  }
0x14f: {  	v16 =	vadd.f32 v17, v16;
	v17 =	vmul.f32 v53, v52;
	_ =	sdelay $0x1  }
0x150: {  	v16 =	vadd.f32 v17, v16  }
0x151: {  	s18 =	sor.u32 $0xB, s21  }
0x152: {  	s22 =	sshll.u32 s18, $0x4;
	[tilespmem:$0x6090] =	vst v16  }
0x153: {  	v16 =	vld [tilespmem:s22+$0x50A0]  }
0x154: {  	s18 =	sshll.u32 s18, $0x7;
	v17 =	vld [tilespmem:s22+$0x55A0]  }
0x155: {  	v54 =	vld [tilespmem:s18+$0xA0]  }
0x156: {  	v55 =	vld [tilespmem:s18+$0x28A0]  }
0x157: {  	v56 =	vld [tilespmem:s18+$0xB0]  }
0x158: {  	v57 =	vld [tilespmem:s18+$0x28B0]  }
0x159: {  	v58 =	vld [tilespmem:s18+$0xC0]  }
0x15a: {  	v59 =	vld [tilespmem:s18+$0x28C0]  }
0x15b: {  	v60 =	vld [tilespmem:s18+$0xD0];
	v16 =	vmul.f32 v17, v16;
	v17 =	vmul.f32 v55, v54  }
0x15c: {  	v61 =	vld [tilespmem:s18+$0x28D0]  }
0x15d: {  	v62 =	vld [tilespmem:s18+$0xE0];
	v16 =	vadd.f32 v17, v16;
	v17 =	vmul.f32 v57, v56  }
0x15e: {  	v63 =	vld [tilespmem:s18+$0x28E0]  }
0x15f: {  	v24 =	vld [tilespmem:s18+$0xF0];
	v16 =	vadd.f32 v17, v16;
	v17 =	vmul.f32 v59, v58  }
0x160: {  	v25 =	vld [tilespmem:s18+$0x28F0]  }
0x161: {  	v26 =	vld [tilespmem:s18+$0x100];
	v16 =	vadd.f32 v17, v16;
	v17 =	vmul.f32 v61, v60  }
0x162: {  	v27 =	vld [tilespmem:s18+$0x2900]  }
0x163: {  	v28 =	vld [tilespmem:s18+$0x110];
	v16 =	vadd.f32 v17, v16;
	v17 =	vmul.f32 v63, v62  }
0x164: {  	v29 =	vld [tilespmem:s18+$0x2910]  }
0x165: {  	v16 =	vadd.f32 v17, v16;
	v17 =	vmul.f32 v25, v24;
	_ =	sdelay $0x1  }
0x166: {  	v16 =	vadd.f32 v17, v16;
	v17 =	vmul.f32 v27, v26;
	_ =	sdelay $0x1  }
0x167: {  	v16 =	vadd.f32 v17, v16;
	v17 =	vmul.f32 v29, v28;
	_ =	sdelay $0x1  }
0x168: {  	v16 =	vadd.f32 v17, v16  }
0x169: {  	s18 =	sor.u32 $0xC, s21  }
0x16a: {  	s22 =	sshll.u32 s18, $0x4;
	[tilespmem:$0x60A8] =	vst v16  }
0x16b: {  	v16 =	vld [tilespmem:s22+$0x50A0]  }
0x16c: {  	s18 =	sshll.u32 s18, $0x7;
	v17 =	vld [tilespmem:s22+$0x55A0]  }
0x16d: {  	v30 =	vld [tilespmem:s18+$0xA0]  }
0x16e: {  	v31 =	vld [tilespmem:s18+$0x28A0]  }
0x16f: {  	v32 =	vld [tilespmem:s18+$0xB0]  }
0x170: {  	v33 =	vld [tilespmem:s18+$0x28B0]  }
0x171: {  	v34 =	vld [tilespmem:s18+$0xC0]  }
0x172: {  	v35 =	vld [tilespmem:s18+$0x28C0]  }
0x173: {  	v36 =	vld [tilespmem:s18+$0xD0];
	v16 =	vmul.f32 v17, v16;
	v17 =	vmul.f32 v31, v30  }
0x174: {  	v37 =	vld [tilespmem:s18+$0x28D0]  }
0x175: {  	v38 =	vld [tilespmem:s18+$0xE0];
	v16 =	vadd.f32 v17, v16;
	v17 =	vmul.f32 v33, v32  }
0x176: {  	v39 =	vld [tilespmem:s18+$0x28E0]  }
0x177: {  	v40 =	vld [tilespmem:s18+$0xF0];
	v16 =	vadd.f32 v17, v16;
	v17 =	vmul.f32 v35, v34  }
0x178: {  	v41 =	vld [tilespmem:s18+$0x28F0]  }
0x179: {  	v42 =	vld [tilespmem:s18+$0x100];
	v16 =	vadd.f32 v17, v16;
	v17 =	vmul.f32 v37, v36  }
0x17a: {  	v43 =	vld [tilespmem:s18+$0x2900]  }
0x17b: {  	v44 =	vld [tilespmem:s18+$0x110];
	v16 =	vadd.f32 v17, v16;
	v17 =	vmul.f32 v39, v38  }
0x17c: {  	v45 =	vld [tilespmem:s18+$0x2910]  }
0x17d: {  	v16 =	vadd.f32 v17, v16;
	v17 =	vmul.f32 v41, v40;
	_ =	sdelay $0x1  }
0x17e: {  	v16 =	vadd.f32 v17, v16;
	v17 =	vmul.f32 v43, v42;
	_ =	sdelay $0x1  }
0x17f: {  	v16 =	vadd.f32 v17, v16;
	v17 =	vmul.f32 v45, v44;
	_ =	sdelay $0x1  }
0x180: {  	v16 =	vadd.f32 v17, v16  }
0x181: {  	s18 =	sor.u32 $0xD, s21  }
0x182: {  	s22 =	sshll.u32 s18, $0x4;
	[tilespmem:$0x60C0] =	vst v16  }
0x183: {  	v16 =	vld [tilespmem:s22+$0x50A0]  }
0x184: {  	s18 =	sshll.u32 s18, $0x7;
	v17 =	vld [tilespmem:s22+$0x55A0]  }
0x185: {  	v46 =	vld [tilespmem:s18+$0xA0]  }
0x186: {  	v47 =	vld [tilespmem:s18+$0x28A0]  }
0x187: {  	v48 =	vld [tilespmem:s18+$0xB0]  }
0x188: {  	v49 =	vld [tilespmem:s18+$0x28B0]  }
0x189: {  	v50 =	vld [tilespmem:s18+$0xC0]  }
0x18a: {  	v51 =	vld [tilespmem:s18+$0x28C0]  }
0x18b: {  	v52 =	vld [tilespmem:s18+$0xD0];
	v16 =	vmul.f32 v17, v16;
	v17 =	vmul.f32 v47, v46  }
0x18c: {  	v53 =	vld [tilespmem:s18+$0x28D0]  }
0x18d: {  	v54 =	vld [tilespmem:s18+$0xE0];
	v16 =	vadd.f32 v17, v16;
	v17 =	vmul.f32 v49, v48  }
0x18e: {  	v55 =	vld [tilespmem:s18+$0x28E0]  }
0x18f: {  	v56 =	vld [tilespmem:s18+$0xF0];
	v16 =	vadd.f32 v17, v16;
	v17 =	vmul.f32 v51, v50  }
0x190: {  	v57 =	vld [tilespmem:s18+$0x28F0]  }
0x191: {  	v58 =	vld [tilespmem:s18+$0x100];
	v16 =	vadd.f32 v17, v16;
	v17 =	vmul.f32 v53, v52  }
0x192: {  	v59 =	vld [tilespmem:s18+$0x2900]  }
0x193: {  	v60 =	vld [tilespmem:s18+$0x110];
	v16 =	vadd.f32 v17, v16;
	v17 =	vmul.f32 v55, v54  }
0x194: {  	v61 =	vld [tilespmem:s18+$0x2910]  }
0x195: {  	v16 =	vadd.f32 v17, v16;
	v17 =	vmul.f32 v57, v56;
	_ =	sdelay $0x1  }
0x196: {  	v16 =	vadd.f32 v17, v16;
	v17 =	vmul.f32 v59, v58;
	_ =	sdelay $0x1  }
0x197: {  	v16 =	vadd.f32 v17, v16;
	v17 =	vmul.f32 v61, v60;
	_ =	sdelay $0x1  }
0x198: {  	v16 =	vadd.f32 v17, v16  }
0x199: {  	s18 =	sor.u32 $0xE, s21  }
0x19a: {  	s22 =	sshll.u32 s18, $0x4;
	[tilespmem:$0x60D8] =	vst v16  }
0x19b: {  	v16 =	vld [tilespmem:s22+$0x50A0]  }
0x19c: {  	s18 =	sshll.u32 s18, $0x7;
	v17 =	vld [tilespmem:s22+$0x55A0]  }
0x19d: {  	v62 =	vld [tilespmem:s18+$0xA0]  }
0x19e: {  	v63 =	vld [tilespmem:s18+$0x28A0]  }
0x19f: {  	v24 =	vld [tilespmem:s18+$0xB0]  }
0x1a0: {  	v25 =	vld [tilespmem:s18+$0x28B0]  }
0x1a1: {  	v26 =	vld [tilespmem:s18+$0xC0]  }
0x1a2: {  	v27 =	vld [tilespmem:s18+$0x28C0]  }
0x1a3: {  	v28 =	vld [tilespmem:s18+$0xD0];
	v16 =	vmul.f32 v17, v16;
	v17 =	vmul.f32 v63, v62  }
0x1a4: {  	v29 =	vld [tilespmem:s18+$0x28D0]  }
0x1a5: {  	v30 =	vld [tilespmem:s18+$0xE0];
	v16 =	vadd.f32 v17, v16;
	v17 =	vmul.f32 v25, v24  }
0x1a6: {  	v31 =	vld [tilespmem:s18+$0x28E0]  }
0x1a7: {  	v32 =	vld [tilespmem:s18+$0xF0];
	v16 =	vadd.f32 v17, v16;
	v17 =	vmul.f32 v27, v26  }
0x1a8: {  	v33 =	vld [tilespmem:s18+$0x28F0]  }
0x1a9: {  	v34 =	vld [tilespmem:s18+$0x100];
	v16 =	vadd.f32 v17, v16;
	v17 =	vmul.f32 v29, v28  }
0x1aa: {  	v35 =	vld [tilespmem:s18+$0x2900]  }
0x1ab: {  	v36 =	vld [tilespmem:s18+$0x110];
	v16 =	vadd.f32 v17, v16;
	v17 =	vmul.f32 v31, v30  }
0x1ac: {  	v37 =	vld [tilespmem:s18+$0x2910]  }
0x1ad: {  	v16 =	vadd.f32 v17, v16;
	v17 =	vmul.f32 v33, v32;
	_ =	sdelay $0x1  }
0x1ae: {  	v16 =	vadd.f32 v17, v16;
	v17 =	vmul.f32 v35, v34;
	_ =	sdelay $0x1  }
0x1af: {  	v16 =	vadd.f32 v17, v16;
	v17 =	vmul.f32 v37, v36;
	_ =	sdelay $0x1  }
0x1b0: {  	v16 =	vadd.f32 v17, v16  }
0x1b1: {  	s18 =	sshllo.u32 s20, $0x4  }
0x1b2: {  	s22 =	sshll.u32 s18, $0x4;
	[tilespmem:$0x60F0] =	vst v16  }
0x1b3: {  	v16 =	vld [tilespmem:s22+$0x50A0]  }
0x1b4: {  	s18 =	sshll.u32 s18, $0x7;
	v17 =	vld [tilespmem:s22+$0x55A0]  }
0x1b5: {  	v38 =	vld [tilespmem:s18+$0xA0]  }
0x1b6: {  	v39 =	vld [tilespmem:s18+$0x28A0]  }
0x1b7: {  	v40 =	vld [tilespmem:s18+$0xB0]  }
0x1b8: {  	v41 =	vld [tilespmem:s18+$0x28B0]  }
0x1b9: {  	v42 =	vld [tilespmem:s18+$0xC0]  }
0x1ba: {  	v43 =	vld [tilespmem:s18+$0x28C0]  }
0x1bb: {  	v44 =	vld [tilespmem:s18+$0xD0];
	v16 =	vmul.f32 v17, v16;
	v17 =	vmul.f32 v39, v38  }
0x1bc: {  	v45 =	vld [tilespmem:s18+$0x28D0]  }
0x1bd: {  	v46 =	vld [tilespmem:s18+$0xE0];
	v16 =	vadd.f32 v17, v16;
	v17 =	vmul.f32 v41, v40  }
0x1be: {  	v47 =	vld [tilespmem:s18+$0x28E0]  }
0x1bf: {  	v48 =	vld [tilespmem:s18+$0xF0];
	v16 =	vadd.f32 v17, v16;
	v17 =	vmul.f32 v43, v42  }
0x1c0: {  	v49 =	vld [tilespmem:s18+$0x28F0]  }
0x1c1: {  	v50 =	vld [tilespmem:s18+$0x100];
	v16 =	vadd.f32 v17, v16;
	v17 =	vmul.f32 v45, v44  }
0x1c2: {  	v51 =	vld [tilespmem:s18+$0x2900]  }
0x1c3: {  	v52 =	vld [tilespmem:s18+$0x110];
	v16 =	vadd.f32 v17, v16;
	v17 =	vmul.f32 v47, v46  }
0x1c4: {  	v53 =	vld [tilespmem:s18+$0x2910]  }
0x1c5: {  	v16 =	vadd.f32 v17, v16;
	v17 =	vmul.f32 v49, v48;
	_ =	sdelay $0x1  }
0x1c6: {  	v16 =	vadd.f32 v17, v16;
	v17 =	vmul.f32 v51, v50;
	_ =	sdelay $0x1  }
0x1c7: {  	v16 =	vadd.f32 v17, v16;
	v17 =	vmul.f32 v53, v52;
	_ =	sdelay $0x1  }
0x1c8: {  	v16 =	vadd.f32 v17, v16;
	_ =	sdelay $0x1  }
0x1c9: {  	[tilespmem:$0x6108] =	vst v16  }
0x1ca: {  	v16 =	vld.idx.msk [tilespmem:v0+s3+$0x0], $0xffff  }
0x1cb: {  	v17 =	vld.idx.msk [tilespmem:v1+s3+$0x0], $0xffff;
	_ =	sdelay $0x1  }
0x1cc: {  	v54 =	vld.idx.msk [tilespmem:v2+s3+$0x0], $0xffff;
	_ =	sdelay $0x1  }
0x1cd: {  	v55 =	vld.idx.msk [tilespmem:v3+s3+$0x0], $0xffff  }
0x1ce: {  	v16 =	vadd.f32 v17, v16  }
0x1cf: {  	v17 =	vld.idx.msk [tilespmem:v4+s3+$0x0], $0xffff  }
0x1d0: {  	v16 =	vadd.f32 v54, v16  }
0x1d1: {  	v56 =	vld.idx.msk [tilespmem:v5+s3+$0x0], $0xffff  }
0x1d2: {  	v16 =	vadd.f32 v55, v16  }
0x1d3: {  	v57 =	vld.idx.msk [tilespmem:v6+s3+$0x0], $0xffff  }
0x1d4: {  	v16 =	vadd.f32 v17, v16  }
0x1d5: {  	v17 =	vld.idx.msk [tilespmem:v7+s3+$0x0], $0xffff  }
0x1d6: {  	v16 =	vadd.f32 v56, v16  }
0x1d7: {  	v58 =	vld.idx.msk [tilespmem:v8+s3+$0x0], $0xffff  }
0x1d8: {  	v16 =	vadd.f32 v57, v16  }
0x1d9: {  	v59 =	vld.idx.msk [tilespmem:v9+s3+$0x0], $0xffff  }
0x1da: {  	v16 =	vadd.f32 v17, v16  }
0x1db: {  	v17 =	vld.idx.msk [tilespmem:v10+s3+$0x0], $0xffff  }
0x1dc: {  	v16 =	vadd.f32 v58, v16  }
0x1dd: {  	v60 =	vld.idx.msk [tilespmem:v11+s3+$0x0], $0xffff  }
0x1de: {  	v16 =	vadd.f32 v59, v16  }
0x1df: {  	v61 =	vld.idx.msk [tilespmem:v12+s3+$0x0], $0xffff  }
0x1e0: {  	v16 =	vadd.f32 v17, v16  }
0x1e1: {  	v17 =	vld.idx.msk [tilespmem:v13+s3+$0x0], $0xffff  }
0x1e2: {  	v16 =	vadd.f32 v60, v16  }
0x1e3: {  	v62 =	vld.idx.msk [tilespmem:v14+s3+$0x0], $0xffff  }
0x1e4: {  	v16 =	vadd.f32 v61, v16  }
0x1e5: {  	v63 =	vld.idx.msk [tilespmem:v15+s3+$0x0], $0xffff  }
0x1e6: {  	v16 =	vadd.f32 v17, v16;
	_ =	sdelay $0x1  }
0x1e7: {  	v16 =	vadd.f32 v62, v16;
	_ =	sdelay $0x1  }
0x1e8: {  	v16 =	vadd.f32 v63, v16;
	_ =	sdelay $0x1  }
0x1e9: {  	v16 =	vmul.f32 $8.838834610e-02, v16;
	_ =	sdelay $0x1  }
0x1ea: {  	v16 =	vmul.f32 $1.442695020e+00, v16;
	_ =	sdelay $0x1  }
0x1eb: {  	(erf) = vpow2.f32 v16;
	_ =	sdelay $0x2  }
0x1ec: {  	v16 =	vld [tilespmem:s21+$0x50];
	_ =	sdelay $0x2  }
0x1ed: {  	p0 =	sne.s32 s20, $0x4  }
.Ltmp0:
0x1ee: {  	_ = 	snop;
	(pc) =	sbr.rel @p0 .LBB2_3-.Ltmp0, $4  }
0x1ef: {  	_ = 	snop  }
0x1f0: {  	v17 =	vpop (erf)  }
0x1f1: {  	[tilespmem:s21+$0x6120] =	vst v17  }
0x1f2: {  	s20 =	sadd.s32 $0x1, s20;
	[tilespmem:v16+s24+$0x0] =	vst.idx.add.f32.msk $0xffff, v17  }
0x1f3: {  	s18 =	simm.s32 $0x0  }
0x1f4: {  	v16 =	vmov s18;
	_ =	sdelay $0x1  }
0x1f5: {  	s20 =	simm.s32 $0x55A0  }
0x1f6: {  	[tilespmem:s26], [sflag:$0x3] =	stream.indirect.gather [hbm4b:s10+s25], $0x80, s18, s25, $0xb8;
	[tilespmem:$0x1E810] =	vst v63  }
0x1f7: {  	v17 =	vld [tilespmem:s20+$0x0]  }
0x1f8: {  	v16 =	vld.idx.msk [tilespmem:v16+s12+$0x0], $0xffff;
	_ =	sdelay $0x1  }
0x1f9: {  	s21 =	simm.s32 $0x1  }
0x1fa: {  	v18 =	vmov s21;
	_ =	sdelay $0x1  }
0x1fb: {  	v16 =	vmul.f32 v17, v16  }
0x1fc: {  	s20 =	simm.s32 $0x5AA0  }
0x1fd: {  	[tilespmem:s20+$0x0] =	vst v16  }
0x1fe: {  	s21 =	simm.s32 $0x55B0;
	v16 =	vld.idx.msk [tilespmem:v18+s12+$0x0], $0xffff  }
0x1ff: {  	v18 =	vld [tilespmem:s21+$0x0];
	_ =	sdelay $0x1  }
0x200: {  	s22 =	simm.s32 $0x2  }
0x201: {  	v17 =	vmov s22;
	s22 =	simm.s32 $0x3  }
.LBB2_5:
0x202: {  	p0 =	sne.s32 s22, $0x4F  }
0x203: {  	v16 =	vmul.f32 v18, v16  }
0x204: {  	s20 =	sadd.s32 $0x10, s20  }
0x205: {  	[tilespmem:s20+$0x0] =	vst v16  }
.Ltmp1:
0x206: {  	s21 =	sadd.s32 $0x10, s21;
	v16 =	vld.idx.msk [tilespmem:v17+s12+$0x0], $0xffff;
	(pc) =	sbr.rel @p0 .LBB2_5-.Ltmp1, $2  }
0x207: {  	v18 =	vld [tilespmem:s21+$0x0];
	_ =	sdelay $0x2  }
0x208: {  	v17 =	vmov s22;
	s22 =	sadd.s32 $0x1, s22  }
0x209: {  	_ = 	snop  }
0x20a: {  	v16 =	vmul.f32 v18, v16  }
0x20b: {  	s18 =	sadd.s32 $0x10, s20  }
0x20c: {  	[tilespmem:s18+$0x0] =	vst v16  }
0x20d: {  	s21 =	sadd.s32 $0x10, s21;
	v16 =	vld.idx.msk [tilespmem:v17+s12+$0x0], $0xffff  }
0x20e: {  	v17 =	vld [tilespmem:s21+$0x0];
	_ =	sdelay $0x4  }
0x20f: {  	v16 =	vmul.f32 v17, v16  }
0x210: {  	s18 =	sadd.s32 $0x10, s18  }
0x211: {  	[tilespmem:s18+$0x0] =	vst v16  }
0x212: {  	s22 =	simm.s32 $0x0;
	_ =	swait.ge [sflag:s14], $0x2800  }
0x213: {  	v16 =	vmov s22;
	[sflag:s14] =	ssyncset.done $0x0  }
0x214: {  	s20 =	simm.s32 $0xE0;
	[sflag:s14] =	ssyncadd.s32 $0xFFFFD800  }
0x215: {  	v20 =	vld [tilespmem:s20+$0x30]  }
0x216: {  	v23 =	vld [tilespmem:s20+$0x10]  }
0x217: {  	v21 =	vld [tilespmem:s20+$0xFFFFFFC0]  }
0x218: {  	v17 =	vld.idx.msk [tilespmem:v16+s12+$0x0], $0xffff  }
0x219: {  	v25 =	vld [tilespmem:s20+$0xFFFFFFE0]  }
0x21a: {  	v18 =	vld [tilespmem:s20+$0x20]  }
0x21b: {  	v19 =	vld [tilespmem:s20+$0xFFFFFFD0]  }
0x21c: {  	v16 =	vld [tilespmem:s20+$0xFFFFFFF0]  }
0x21d: {  	v24 =	vmul.f32 v20, v17;
	v20 =	vld [tilespmem:s20+$0x0]  }
0x21e: {  	v22 =	vmul.f32 v21, v17  }
0x21f: {  	s21 =	simm.s32 $0x1;
	s22 =	simm.s32 $0xE0;
	v21 =	vmul.f32 v25, v17;
	v23 =	vmul.f32 v23, v17  }
.LBB2_7:
0x220: {  	p0 =	sne.s32 s21, $0x4F  }
0x221: {  	v19 =	vmul.f32 v19, v17;
	v18 =	vmul.f32 v18, v17;
	[tilespmem:s20+$0x30] =	vst v24;
	s22 =	sadd.s32 $0x80, s22;
	s18 =	smov.u32 s21;
	s21 =	sadd.s32 $0x1, s21  }
0x222: {  	[tilespmem:s20+$0xFFFFFFC0] =	vst v22;
	v22 =	vmul.f32 v16, v17;
	v17 =	vmul.f32 v20, v17  }
0x223: {  	[tilespmem:s20+$0x10] =	vst v23  }
0x224: {  	v20 =	vmov s18;
	[tilespmem:s20+$0xFFFFFFE0] =	vst v21  }
0x225: {  	v16 =	vld [tilespmem:s22+$0xFFFFFFF0];
	[tilespmem:s20+$0xFFFFFFF0] =	vst v22  }
0x226: {  	v21 =	vld [tilespmem:s22+$0x30];
	[tilespmem:s20+$0x0] =	vst v17  }
0x227: {  	v23 =	vld [tilespmem:s22+$0x10];
	[tilespmem:s20+$0x20] =	vst v18  }
0x228: {  	v22 =	vld [tilespmem:s22+$0xFFFFFFC0];
	[tilespmem:s20+$0xFFFFFFD0] =	vst v19;
	s20 =	smov.u32 s22  }
0x229: {  	v17 =	vld.idx.msk [tilespmem:v20+s12+$0x0], $0xffff  }
0x22a: {  	v25 =	vld [tilespmem:s22+$0xFFFFFFE0]  }
0x22b: {  	v18 =	vld [tilespmem:s22+$0x20]  }
.Ltmp2:
0x22c: {  	v19 =	vld [tilespmem:s22+$0xFFFFFFD0];
	(pc) =	sbr.rel @p0 .LBB2_7-.Ltmp2, $3  }
0x22d: {  	v20 =	vld [tilespmem:s22+$0x0];
	_ =	sdelay $0x1  }
0x22e: {  	v22 =	vmul.f32 v22, v17;
	v24 =	vmul.f32 v21, v17  }
0x22f: {  	v23 =	vmul.f32 v23, v17;
	v21 =	vmul.f32 v25, v17  }
0x230: {  	[tilespmem:s20+$0x30] =	vst v24  }
0x231: {  	[tilespmem:s20+$0xFFFFFFC0] =	vst v22  }
0x232: {  	v16 =	vmul.f32 v16, v17;
	[tilespmem:s20+$0x10] =	vst v23  }
0x233: {  	v18 =	vmul.f32 v18, v17;
	[tilespmem:s20+$0xFFFFFFE0] =	vst v21  }
0x234: {  	v20 =	vmul.f32 v20, v17;
	[tilespmem:s20+$0xFFFFFFF0] =	vst v16  }
0x235: {  	v16 =	vmul.f32 v19, v17;
	[tilespmem:s20+$0x20] =	vst v18  }
0x236: {  	[tilespmem:s20+$0x0] =	vst v20  }
0x237: {  	[tilespmem:s20+$0xFFFFFFD0] =	vst v16  }
0x238: {  	[spmem:s1] =	stream.indirect.scatter.add.f32 [tilespmem:s26], [sflag:$0x5], $0x80, s25, s25, $0xb8;
	[tilespmem:$0x1E810] =	vst v63  }
0x239: {  	s19 =	sadd.s32 $0x1, s19;
	_ =	swait.ge [sflag:s23], $0x2800  }
0x23a: {  	p0 =	sne.s32 s19, $0x7D;
	[sflag:s23] =	ssyncset.done $0x0  }
.Ltmp3:
0x23b: {  	[sflag:s23] =	ssyncadd.s32 $0xFFFFD800;
	(pc) =	sbr.rel @p0 .LBB2_2-.Ltmp3, $4  }
0x23c: {  	[spmem:s2] =	stream.indirect.scatter.add.f32 [tilespmem:s16], [sflag:$0x5], $0x10, s25, s25, $0xb8;
	[tilespmem:$0x1E810] =	vst v63  }
0x23d: {  	_ =	swait.ge [sflag:s23], $0x500  }
0x23e: {  	[sflag:s23] =	ssyncset.done $0x0  }
0x23f: {  	[sflag:s23] =	ssyncadd.s32 $0xFFFFFB00  }
0x240: {  	s21 =	simm.s32 $0x0;
	s18 =	rddreg [dreg:$0x9]  }
0x241: {  	[hbm4b:s18+s21] =	stream.linear.scatter [tilespmem:s24], [sflag:$0x5], $0x2710, $0x38;
	[tilespmem:$0x1E810] =	vst v63  }
0x242: {  	_ =	swait.ge [sflag:s23], $0x2710  }
0x243: {  	[sflag:s23] =	ssyncset.done $0x0  }
0x244: {  	[sflag:s23] =	ssyncadd.s32 $0xFFFFD8F0  }
0x245: {  	[bflag:$0x0] =	sbarrier.arrive $0xFFFF  }
0x246: {  	s20 =	rddreg [dreg:$0xa]  }
0x247: {  	s19 =	rddreg [dreg:$0xd]  }
0x248: {  	[hbm:s20], [sflag:s15] =	dma.local [spmem:s19], $0x2710  }
0x249: {  	_ =	swait.ge [sflag:s23], $0x2710  }
0x24a: {  	[sflag:s23] =	ssyncset.done $0x0;
	s22 =	rddreg [dreg:$0xb]  }
0x24b: {  	s20 =	rddreg [dreg:$0xe];
	[sflag:s23] =	ssyncadd.s32 $0xFFFFD8F0  }
0x24c: {  	[hbm:s22], [sflag:s15] =	dma.local [spmem:s20], $0x4E2  }
0x24d: {  	_ =	swait.ge [sflag:s23], $0x4E2  }
0x24e: {  	s17 =	sadd.s32 $0x1, s17;
	s22 =	rddreg [dreg:$0xc]  }
0x24f: {  	p0 =	sne.s32 s17, s22  }
.Ltmp4:
0x250: {  	_ = 	snop;
	(pc) =	sbr.rel @p0 .LBB2_1-.Ltmp4, $3  }
0x251: {  	_ =	sdelay $0x1  }
0x252: {  	[sflag:s23] =	ssyncset.done $0x0  }
0x253: {  	[sflag:s23] =	ssyncadd.s32 $0xFFFFFB1E  }
0x254: {  	_ =	sfence.sel $0x180000  }
0x255: {  	[bflag:$0x0] =	sbarrier.arrive $0xFFFF  }
0x256: {  	_ =	strace $0x90000047  }
0x257: {  	s0 =	stileid.u32;
	[bflag:$0x2] =	sbarrier.arrive $0xFFFF  }
0x258: {  	p0 =	sne.s32 s0, $0x0;
	s0 =	rddreg [dreg:$0x4]  }
0x259: {  	s0 =	sadd.s32 @!p0 $0x100000, s0  }
0x25a: {  	[sflag:s0] =	ssyncadd.tile.s32 @!p0 $0x1;
	_ =	shalt  }
.Lfunc_end2:
_tile_overlayer_lowered:
.L_overlay_start_2:
0x25b: {  	(tag) =	ssettag $0x2  }
0x25c: {  	s0 =	rddreg [dreg:$0x0];
	s2 =	stileid.u32  }
0x25d: {  	s1 =	rddreg [dreg:$0x1];
	p0 =	sne.s32 s2, $0x0  }
0x25e: {  	s3 =	rddreg [dreg:$0x2];
	[bflag:$0x3] =	sbarrier.arrive $0xFFFF;
	s2 =	simm.s32 @!p0 $0x1C05  }
0x25f: {  	[timem:s3], [sflag:s2] =	dma.local @!p0 [hbm:s0], s1  }
0x260: {  	s0 =	simm.s32 @!p0 $0x5  }
0x261: {  	_ =	swait.ge @!p0 [sflag:s0], s1  }
0x262: {  	s1 =	ssub.s32 @!p0 $0x0, s1;
	[sflag:s0] =	ssyncset.done @!p0 $0x0  }
0x263: {  	[sflag:s0] =	ssyncadd.s32 @!p0 s1  }
0x264: {  	[bflag:$0x3] =	sbarrier.arrive $0xFFFF  }
0x265: {  	_ =	shalt  }

// kernel: kernel.13.cloned.1.call-start
scs
__scs_entry_jumppad:
0x0: {  	(pc) =	sbr.rel $0x88, $3  }
0x1: {  	(tag) =	ssettag $0x0;
	lr =	simm.s32 $0x1  }
0x2: {  	[smem:$0x3F88] =	sst lr;
	_ =	strace $0xD0000000  }
0x3: {  	_ = 	snop  }
0x4: {  	_ = 	snop  }
0x5: {  	_ = 	snop  }
0x6: {  	_ = 	snop  }
0x7: {  	_ = 	snop  }
__scs_overlays_trampoline_lowered:
0x8: {  	[smem:$0x3F97] =	sst s0  }
0x9: {  	[smem:$0x3F98] =	sst s1  }
0xa: {  	[smem:$0x3F99] =	sst s2  }
0xb: {  	[smem:$0x3F9A] =	sst s3  }
0xc: {  	[smem:$0x3F9B] =	sst s4  }
0xd: {  	[smem:$0x3F9C] =	sst s5  }
0xe: {  	[smem:$0x3F9D] =	sst s6  }
0xf: {  	[smem:$0x3F9E] =	sst s7  }
0x10: {  	[smem:$0x3F9F] =	sst s8  }
0x11: {  	[smem:$0x3FA0] =	sst s9;
	s0 =	simm.s32 @!p0 $0x0  }
0x12: {  	s1 =	sld [smem:$0x3F86];
	s0 =	simm.s32 @p0 $0x1  }
0x13: {  	[smem:$0x3FA1] =	sst s0;
	s0 =	simm.s32 @!p1 $0x0  }
0x14: {  	s2 =	sld [smem:$0x3F85];
	s0 =	simm.s32 @p1 $0x1  }
0x15: {  	[smem:$0x3FA2] =	sst s0;
	s0 =	simm.s32 @!p2 $0x0  }
0x16: {  	s3 =	sld [smem:$0x3FDB];
	s0 =	simm.s32 @p2 $0x1  }
0x17: {  	s4 =	simm.s32 $0x1BF5;
	[smem:$0x3FA4] =	sst s0  }
0x18: {  	s0 =	sld [smem:$0x3F87];
	_ =	swait.ge [sflag:s4], $0x0  }
0x19: {  	s7 =	sld [smem:$0x3F88]  }
0x1a: {  	s8 =	sadd.s32 $0xFFFFE003, lr  }
0x1b: {  	s9 =	sadd.s32 $0xFFFFFEF7, lr;
	s5 =	simm.s32 $0xFFFFFFFF;
	p2 =	slt.u32 s8, $0xFFFFF086  }
0x1c: {  	p1 =	slt.u32 s9, $0xF7A;
	s5 =	simm.s32 @!p2 $0x0  }
0x1d: {  	s5 =	simm.s32 @p1 $0x1;
	p0 =	seq.s32 s7, s2  }
0x1e: {  	s7 =	smul.u32 @!p0 $0xF7A, s2;
	p2 =	seq.s32 @!p0 s5, $0x0  }
0x1f: {  	s9 =	smul.u32 $0xF7A, s1;
	s8 =	simm.s32 @!p0 $0x1BF5;
	p2 =	por !p2, p0  }
0x20: {  	[sflag:s8] =	ssyncset.s32 @!p0 $0xFFFFF086;
	s6 =	sadd.s32 @!p0 s3, s7;
	s7 =	simm.s32 @!p0 $0x108  }
0x21: {  	s3 =	sadd.s32 s3, s9;
	s6 =	sadd.s32 @!p0 $0x88, s6;
	s7 =	simm.s32 @p2 $0x1082  }
0x22: {  	[simem:s7], [sflag:s8] =	dma.local @!p0 [hbm:s6], $0xF7A  }
0x23: {  	s9 =	sor.u32 $0xD0000000, s2;
	s6 =	simm.s32 $0x108;
	_ =	swait.ge @!p0 [sflag:s8], $0x0  }
0x24: {  	s3 =	sadd.s32 $0x88, s3;
	s6 =	simm.s32 @!p1 $0x1082;
	[sflag:s4] =	ssyncset.s32 $0xFFFFF086  }
0x25: {  	[simem:s6], [sflag:s4] =	dma.local [hbm:s3], $0xF7A  }
0x26: {  	[smem:$0x3F88] =	sst s1;
	(tag) =	ssettag s2;
	_ =	strace s9  }
0x27: {  	s1 =	sld [smem:$0x3F98]  }
0x28: {  	s2 =	sld [smem:$0x3F99]  }
0x29: {  	s4 =	sld [smem:$0x3F9B]  }
0x2a: {  	p0 =	seq.s32 s5, $0x0;
	s5 =	sld [smem:$0x3F9C]  }
0x2b: {  	s6 =	sld [smem:$0x3F9D]  }
0x2c: {  	s7 =	sld [smem:$0x3F9E]  }
0x2d: {  	s3 =	simm.s32 $0x108;
	s8 =	sld [smem:$0x3F9F]  }
0x2e: {  	s3 =	simm.s32 @!p0 $0x1082;
	s9 =	sld [smem:$0x3FA0]  }
0x2f: {  	lr =	sadd.s32 s0, s3;
	s0 =	sld [smem:$0x3F97]  }
0x30: {  	s3 =	sld [smem:$0x3F9A]  }
0x31: {  	[smem:$0x3FA3] =	sst s10  }
0x32: {  	s10 =	sld [smem:$0x3FA1];
	_ =	sdelay $0x3  }
0x33: {  	p0 =	seq.s32 s10, $0x1;
	s10 =	sld [smem:$0x3FA3];
	_ =	sdelay $0x3  }
0x34: {  	[smem:$0x3FA3] =	sst s10  }
0x35: {  	s10 =	sld [smem:$0x3FA2];
	_ =	sdelay $0x3  }
0x36: {  	p1 =	seq.s32 s10, $0x1;
	s10 =	sld [smem:$0x3FA3];
	_ =	sdelay $0x3  }
0x37: {  	[smem:$0x3FA3] =	sst s10  }
0x38: {  	s10 =	sld [smem:$0x3FA4]  }
0x39: {  	_ = 	snop;
	(pc) =	sbr.ind lr, $3  }
0x3a: {  	_ = 	snop  }
0x3b: {  	_ = 	snop  }
0x3c: {  	p2 =	seq.s32 s10, $0x1;
	s10 =	sld [smem:$0x3FA3]  }
0x3d: {  	_ =	shalt  }
0x3e: {  	_ =	shalt  }
0x3f: {  	_ =	shalt  }
0x40: {  	_ =	shalt  }
0x41: {  	_ =	shalt  }
0x42: {  	_ =	shalt  }
0x43: {  	_ =	shalt  }
0x44: {  	_ =	shalt  }
0x45: {  	_ =	shalt  }
0x46: {  	_ =	shalt  }
0x47: {  	_ =	shalt  }
0x48: {  	_ =	shalt  }
0x49: {  	_ =	shalt  }
0x4a: {  	_ =	shalt  }
0x4b: {  	_ =	shalt  }
0x4c: {  	_ =	shalt  }
0x4d: {  	_ =	shalt  }
0x4e: {  	_ =	shalt  }
0x4f: {  	_ =	shalt  }
0x50: {  	_ =	shalt  }
0x51: {  	_ =	shalt  }
0x52: {  	_ =	shalt  }
0x53: {  	_ =	shalt  }
0x54: {  	_ =	shalt  }
0x55: {  	_ =	shalt  }
0x56: {  	_ =	shalt  }
0x57: {  	_ =	shalt  }
0x58: {  	_ =	shalt  }
0x59: {  	_ =	shalt  }
0x5a: {  	_ =	shalt  }
0x5b: {  	_ =	shalt  }
0x5c: {  	_ =	shalt  }
0x5d: {  	_ =	shalt  }
0x5e: {  	_ =	shalt  }
0x5f: {  	_ =	shalt  }
0x60: {  	_ =	shalt  }
0x61: {  	_ =	shalt  }
0x62: {  	_ =	shalt  }
0x63: {  	_ =	shalt  }
0x64: {  	_ =	shalt  }
0x65: {  	_ =	shalt  }
0x66: {  	_ =	shalt  }
0x67: {  	_ =	shalt  }
0x68: {  	_ =	shalt  }
0x69: {  	_ =	shalt  }
0x6a: {  	_ =	shalt  }
0x6b: {  	_ =	shalt  }
0x6c: {  	_ =	shalt  }
0x6d: {  	_ =	shalt  }
0x6e: {  	_ =	shalt  }
0x6f: {  	_ =	shalt  }
0x70: {  	_ =	shalt  }
0x71: {  	_ =	shalt  }
0x72: {  	_ =	shalt  }
0x73: {  	_ =	shalt  }
0x74: {  	_ =	shalt  }
0x75: {  	_ =	shalt  }
0x76: {  	_ =	shalt  }
0x77: {  	_ =	shalt  }
0x78: {  	_ =	shalt  }
0x79: {  	_ =	shalt  }
0x7a: {  	_ =	shalt  }
0x7b: {  	_ =	shalt  }
0x7c: {  	_ =	shalt  }
0x7d: {  	_ =	shalt  }
0x7e: {  	_ =	shalt  }
0x7f: {  	_ =	shalt  }
0x80: {  	_ =	shalt  }
0x81: {  	_ =	shalt  }
0x82: {  	_ =	shalt  }
0x83: {  	_ =	shalt  }
0x84: {  	_ =	shalt  }
0x85: {  	_ =	shalt  }
0x86: {  	_ =	shalt  }
0x87: {  	_ =	shalt  }
.Lfunc_end0:
.L_simem_size_0:
called_computation.1_lowered:
.L_overlay_start_0:
0x88: {  	s2 =	sld [smem:$0x3FD9]  }
0x89: {  	s3 =	sld [smem:$0x3FFE];
	_ =	sdelay $0x1  }
0x8a: {  	s1 =	srdreg.scid  }
0x8b: {  	s0 =	sand.u32 $0x1, s1  }
0x8c: {  	s17 =	sshll.u32 s0, $0xA;
	s2 =	sadd.s32 s3, s2  }
0x8d: {  	s2 =	sadd.s32 s2, s17  }
0x8e: {  	[smem:$0x3FAF] =	sst s2  }
0x8f: {  	_ = 	snop  }
0x90: {  	s2 =	sld [smem:$0x3FD0];
	(tm) =	ssettm $0x1  }
0x91: {  	s18 =	sld [smem:$0x3FFB];
	_ =	sdelay $0x3  }
0x92: {  	_ =	strace s18  }
0x93: {  	s3 =	sld [smem:$0x3FFC];
	_ =	sdelay $0x3  }
0x94: {  	_ =	strace s3  }
0x95: {  	s3 =	sld [smem:$0x3FFD];
	_ =	sdelay $0x3  }
0x96: {  	_ =	strace s3  }
0x97: {  	_ =	strace $0x8FFFFFFF  }
0x98: {  	s19 =	sld [smem:$0x3FDB];
	_ =	sdelay $0x1  }
0x99: {  	s4 =	simm.s32 $_scs_section_size  }
0x9a: {  	s5 =	simm.s32 $_size__tile_overlayer_lowered;
	s6 =	simm.s32 $_tile_overlayer_lowered  }
0x9b: {  	s22 =	simm.s32 $0x1BFF;
	s21 =	sshll.u32 s6, $0x1;
	s3 =	sadd.s32 s4, s19  }
0x9c: {  	s7 =	simm.s32 $0x0;
	s20 =	sshll.u32 s5, $0x1;
	s5 =	sadd.s32 s21, s3  }
0x9d: {  	[timem:s7], [sflag:s22] =	dma.local [hbm:s5], s20  }
0x9e: {  	_ =	swait.ge [sflag:s22], s20  }
0x9f: {  	s4 =	ssub.s32 $0x0, s20;
	[sflag:s22] =	ssyncset.done $0x0  }
0xa0: {  	[sflag:s22] =	ssyncadd.s32 s4;
	_ =	sdelay $0x1  }
0xa1: {  	s23 =	simm.s32 $0x1B8B  }
0xa2: {  	_ =	swait.ge [sflag:s23], $0x1  }
0xa3: {  	[sflag:s23] =	ssyncset.done $0x0  }
0xa4: {  	s25 =	simm.s32 $0x1B8E;
	s24 =	sld [smem:$0x3FFE];
	[sflag:s23] =	ssyncadd.s32 $0xFFFFFFFF  }
0xa5: {  	s26 =	simm.s32 $execute0_lowered;
	[smem:$0x3FD2] =	sst s25  }
0xa6: {  	s5 =	sshll.u32 s26, $0x1;
	_ =	strace $0x80000049;
	[dreg:$0x1] =	wrdreg $0xFFFFFFFF  }
0xa7: {  	s28 =	simm.s32 $_size_execute0_lowered;
	s3 =	sadd.s32 s3, s5;
	[dreg:$0x0] =	wrdreg $0x0  }
0xa8: {  	s5 =	sshll.u32 s28, $0x1;
	[dreg:$0x2] =	wrdreg s3  }
0xa9: {  	[dreg:$0x3] =	wrdreg s5  }
0xaa: {  	[dreg:$0x4] =	wrdreg $0xC0  }
0xab: {  	_ =	task [dreg:s7], $0x5FFFF  }
0xac: {  	[dreg:$0x1] =	wrdreg $0xFFFFFFFF  }
0xad: {  	[dreg:$0x0] =	wrdreg $0x60  }
0xae: {  	[dreg:$0x2] =	wrdreg s24  }
0xaf: {  	[dreg:$0x3] =	wrdreg s2  }
0xb0: {  	[dreg:$0x4] =	wrdreg $0x88800  }
0xb1: {  	[dreg:$0x5] =	wrdreg $0x1C1000  }
0xb2: {  	[dreg:$0x6] =	wrdreg $0x9  }
0xb3: {  	_ =	task.clear_ibuf [dreg:s7], $0x7FFFF;
	_ =	strace $0x90000049  }
0xb4: {  	s29 =	simm.s32 $0x9;
	_ =	strace $0x8000004B  }
0xb5: {  	_ =	swait.ge [sflag:s29], $0x1  }
0xb6: {  	[sflag:s29] =	ssyncadd.s32 $0xFFFFFFFF  }
0xb7: {  	_ =	strace $0x9000004B  }
0xb8: {  	_ =	sfence  }
0xb9: {  	s30 =	sld [smem:$0x0];
	_ =	sdelay $0x2  }
0xba: {  	s31 =	sshll.u32 s1, $0xD;
	s1 =	sshrl.u32 s1, $0x2  }
0xbb: {  	s3 =	sand.u32 $0x4000, s31;
	s1 =	sadd.s32 s1, s30  }
0xbc: {  	s0 =	sor.u32 s3, s0;
	s1 =	sshll.u32 s1, $0x11  }
0xbd: {  	s0 =	sor.u32 s1, s0  }
0xbe: {  	s0 =	sadd.s32 $0x8F2B, s0  }
0xbf: {  	[sflag:s0] =	ssyncadd.remote.s32 $0x1  }
0xc0: {  	_ =	sfence.sel $0xFFFF  }
0xc1: {  	[dreg:$0x0] =	wrdreg $0xFFFFFFFF;
	(pc) =	sbr.abs _section_cstart, $3  }
0xc2: {  	[dreg:$0x1] =	wrdreg $0xFFFFFFFF  }
0xc3: {  	_ =	task.clear_ibuf [dreg:s7], $0x2FFFF;
	_ =	strace $0x9FFFFFFF  }
0xc4: {  	(tm) =	ssettm $0x7FFFFFFF  }
0xc5: {  	_ =	shalt  }
tec
execute0_lowered:
.L_overlay_start_1:
0x0: {  	(tag) =	ssettag $0x1  }
0x1: {  	s0 =	rddreg [dreg:$0x0]  }
0x2: {  	s3 =	rddreg [dreg:$0x1]  }
0x3: {  	s1 =	rddreg [dreg:$0x2]  }
0x4: {  	s2 =	rddreg [dreg:$0x3];
	s21 =	simm.s32 $0x0  }
0x5: {  	s22 =	stileid.u32;
	s10 =	srdreg.scid;
	s28 =	simm.s32 $0x28A0  }
0x6: {  	s29 =	simm.s32 $0x50A0;
	s30 =	simm.s32 $0x55A0;
	s31 =	simm.s32 $0x1  }
0x7: {  	[smem:$0x7FF] =	sst s21;
	s5 =	sadd.s32 $0xF400, s0;
	s6 =	sadd.s32 $0x5600, s0  }
0x8: {  	s7 =	sadd.s32 $0x4FB200, s0;
	s8 =	sadd.s32 $0x95000, s0;
	s4 =	smul.u32 $0x2710, s22  }
0x9: {  	s9 =	sadd.s32 $0x19200, s0;
	s12 =	sand.u32 $0x1, s10;
	s14 =	smul.u32 $0x13880, s22  }
0xa: {  	s10 =	sadd.s32 $0x6D800, s0;
	s11 =	sadd.s32 $0xBC800, s0;
	s17 =	sadd.s32 $0x45A00, s0  }
0xb: {  	s26 =	sshll.u32 s22, $0x1;
	_ =	strace $0x8000004A;
	s15 =	smul.u32 $0x13C000, s12  }
0xc: {  	s25 =	smul.u32 $0x27800, s12;
	[dreg:$0x5] =	wrdreg s17;
	s17 =	sor.u32 s12, s26  }
0xd: {  	s12 =	ssub.s32 $0x2, s12;
	s13 =	sshrl.u32 s4, $0x3;
	s18 =	smul.u32 $0x4F0, s17  }
0xe: {  	s16 =	sadd.s32 s13, s0;
	s15 =	sadd.s32 s14, s15;
	s13 =	sadd.s32 s4, s25  }
0xf: {  	s15 =	sshrl.u32 s15, $0x3;
	s13 =	sshrl.u32 s13, $0x3;
	s23 =	sadd.s32 $0x40A00, s16  }
0x10: {  	s16 =	simm.s32 $0x5AA0;
	s19 =	sadd.s32 s15, s0;
	s20 =	sadd.s32 s13, s0  }
0x11: {  	s15 =	sshrl.u32 s12, $0x1;
	s0 =	sadd.s32 s18, s0;
	s13 =	smul.u32 $0x2710, s17  }
0x12: {  	s17 =	sadd.s32 s14, s1;
	s14 =	sshrl.u32 s14, $0x3;
	s18 =	sshll.u32 s22, $0x6  }
0x13: {  	s22 =	sadd.s32 s4, s2;
	[dreg:$0x8] =	wrdreg s23;
	s23 =	simm.s32 $0x5  }
0x14: {  	v0 =	vlaneseq.u32;
	s4 =	simm.s32 $0x4;
	s3 =	sadd.s32 s3, s14;
	[dreg:$0x7] =	wrdreg s22  }
0x15: {  	v0 =	vmul.u32 $0x18, v0;
	s12 =	ssub.s32 s12, s15;
	s0 =	sadd.s32 $0x4FE00, s0;
	[dreg:$0x6] =	wrdreg s3  }
0x16: {  	s15 =	sor.u32 $0x1C05, s18;
	s24 =	sadd.s32 $0xC1800, s19;
	[dreg:$0x9] =	wrdreg s0  }
0x17: {  	v1 =	vor.u32 $0x1, v0;
	v2 =	vor.u32 $0x2, v0;
	v3 =	vor.u32 $0x3, v0;
	s25 =	sadd.s32 $0x46000, s20;
	s19 =	sshrl.u32 s17, $0x3;
	[dreg:$0xa] =	wrdreg s24  }
0x18: {  	v4 =	vor.u32 $0x4, v0;
	v5 =	vor.u32 $0x5, v0;
	v6 =	vor.u32 $0x6, v0;
	s14 =	simm.s32 $0x3;
	s17 =	simm.s32 $0x0;
	[dreg:$0xb] =	wrdreg s25  }
0x19: {  	v7 =	vor.u32 $0x7, v0;
	v8 =	vadd.s32 $0x8, v0;
	v9 =	vadd.s32 $0x9, v0;
	s26 =	smax.u32 s12, $0x1;
	s24 =	simm.s32 $0x6170;
	s25 =	simm.s32 $0x50  }
0x1a: {  	v10 =	vadd.s32 $0xA, v0;
	v11 =	vadd.s32 $0xB, v0;
	v12 =	vadd.s32 $0xC, v0;
	s0 =	simm.s32 $0x2;
	s3 =	simm.s32 $0x5FA0;
	[dreg:$0xd] =	wrdreg s19  }
0x1b: {  	v13 =	vadd.s32 $0xD, v0;
	v14 =	vadd.s32 $0xE, v0;
	v15 =	vadd.s32 $0xF, v0;
	s12 =	simm.s32 $0x6120;
	[dreg:$0xc] =	wrdreg s26;
	s26 =	simm.s32 $0xA0  }
.LBB2_1:
0x1c: {  	s18 =	rddreg [dreg:$0x6]  }
0x1d: {  	[spmem:s19], [sflag:s15] =	dma.local [hbm:s18], $0x2710  }
0x1e: {  	_ =	swait.ge [sflag:s23], $0x2710  }
0x1f: {  	s22 =	rddreg [dreg:$0x7]  }
0x20: {  	[sflag:s23] =	ssyncset.done $0x0;
	s20 =	rddreg [dreg:$0x8];
	s18 =	sshrl.u32 s22, $0x3  }
0x21: {  	[sflag:s23] =	ssyncadd.s32 $0xFFFFD8F0;
	[dreg:$0xe] =	wrdreg s18  }
0x22: {  	[spmem:s18], [sflag:s15] =	dma.local [hbm:s20], $0x4E2  }
0x23: {  	_ =	swait.ge [sflag:s23], $0x4E2  }
0x24: {  	[sflag:s23] =	ssyncset.done $0x0  }
0x25: {  	s22 =	rddreg [dreg:$0x5];
	[sflag:s23] =	ssyncadd.s32 $0xFFFFFB1E  }
0x26: {  	[tilespmem:s24], [sflag:$0x5] =	stream.linear.gather [hbm4b:s22+s21], $0x2710, $0x38;
	[tilespmem:$0x1E810] =	vst v63  }
0x27: {  	_ =	swait.ge [sflag:s23], $0x2710  }
0x28: {  	[sflag:s23] =	ssyncset.done $0x0  }
0x29: {  	[sflag:s23] =	ssyncadd.s32 $0xFFFFD8F0  }
0x2a: {  	s19 =	simm.s32 $0x0;
	[bflag:$0x0] =	sbarrier.arrive $0xFFFF  }
.LBB2_2:
0x2b: {  	s20 =	smul.u32 $0x50, s19;
	_ =	sdelay $0x1  }
0x2c: {  	s21 =	sadd.s32 s13, s20  }
0x2d: {  	s22 =	sshrl.u32 s21, $0x3  }
0x2e: {  	s20 =	simm.s32 $0x0;
	s18 =	sadd.s32 s5, s22  }
0x2f: {  	[tilespmem:s20], [sflag:$0x5] =	stream.linear.gather [hbm4b:s18+s20], $0x50, $0x38;
	[tilespmem:$0x1E810] =	vst v63  }
0x30: {  	_ =	swait.ge [sflag:s23], $0x50  }
0x31: {  	[sflag:s23] =	ssyncset.done $0x0  }
0x32: {  	s22 =	sadd.s32 s6, s22;
	[sflag:s23] =	ssyncadd.s32 $0xFFFFFFB0  }
0x33: {  	[tilespmem:s25], [sflag:$0x5] =	stream.linear.gather [hbm4b:s22+s20], $0x50, $0x38;
	[tilespmem:$0x1E810] =	vst v63  }
0x34: {  	_ =	swait.ge [sflag:s23], $0x50  }
0x35: {  	[sflag:s23] =	ssyncset.done $0x0  }
0x36: {  	[sflag:s23] =	ssyncadd.s32 $0xFFFFFFB0  }
0x37: {  	[tilespmem:s26], [sflag:$0x1] =	stream.indirect.gather [hbm4b:s8+s25], $0x80, s25, s25, $0xb8;
	[tilespmem:$0x1E810] =	vst v63  }
0x38: {  	_ = 	snop  }
0x39: {  	[tilespmem:s28], [sflag:$0x2] =	stream.indirect.gather [hbm4b:s9+s25], $0x80, s20, s25, $0xb8;
	[tilespmem:$0x1E810] =	vst v63  }
0x3a: {  	s22 =	sshll.u32 s21, $0x1  }
0x3b: {  	[tilespmem:s29], [sflag:$0x4] =	stream.indirect.gather [hbm4b:s11+s25], $0x10, s25, s25, $0xb8;
	[tilespmem:$0x1E810] =	vst v63  }
0x3c: {  	s18 =	sadd.s32 s7, s22  }
0x3d: {  	[tilespmem:s30], [sflag:$0x5] =	stream.linear.gather [hbm4b:s18+s20], $0x500, $0x38;
	[tilespmem:$0x1E810] =	vst v63  }
0x3e: {  	_ =	swait.ge [sflag:s23], $0x500  }
0x3f: {  	[sflag:s23] =	ssyncset.done $0x0  }
0x40: {  	[sflag:s23] =	ssyncadd.s32 $0xFFFFFB00  }
0x41: {  	_ =	swait.ge [sflag:s31], $0x2800  }
0x42: {  	[sflag:s31] =	ssyncset.done $0x0  }
0x43: {  	[sflag:s31] =	ssyncadd.s32 $0xFFFFD800  }
0x44: {  	_ =	swait.ge [sflag:s0], $0x2800  }
0x45: {  	[sflag:s0] =	ssyncset.done $0x0  }
0x46: {  	[sflag:s0] =	ssyncadd.s32 $0xFFFFD800  }
0x47: {  	_ =	swait.ge [sflag:s4], $0x500  }
0x48: {  	[sflag:s4] =	ssyncset.done $0x0  }
0x49: {  	[sflag:s4] =	ssyncadd.s32 $0xFFFFFB00  }
.LBB2_3:
0x4a: {  	s18 =	sshll.u32 s20, $0x8  }
0x4b: {  	v16 =	vld [tilespmem:s18+$0x50A0]  }
0x4c: {  	s22 =	sshll.u32 s20, $0xB;
	v17 =	vld [tilespmem:s18+$0x55A0]  }
0x4d: {  	v18 =	vld [tilespmem:s22+$0xA0]  }
0x4e: {  	v19 =	vld [tilespmem:s22+$0x28A0]  }
0x4f: {  	v20 =	vld [tilespmem:s22+$0xB0]  }
0x50: {  	v21 =	vld [tilespmem:s22+$0x28B0]  }
0x51: {  	v22 =	vld [tilespmem:s22+$0xC0]  }
0x52: {  	v23 =	vld [tilespmem:s22+$0x28C0]  }
0x53: {  	v44 =	vld [tilespmem:s22+$0xD0];
	v16 =	vmul.f32 v17, v16;
	v17 =	vmul.f32 v19, v18  }
0x54: {  	v45 =	vld [tilespmem:s22+$0x28D0]  }
0x55: {  	v46 =	vld [tilespmem:s22+$0xE0];
	v16 =	vadd.f32 v17, v16;
	v17 =	vmul.f32 v21, v20  }
0x56: {  	v47 =	vld [tilespmem:s22+$0x28E0]  }
0x57: {  	v48 =	vld [tilespmem:s22+$0xF0];
	v16 =	vadd.f32 v17, v16;
	v17 =	vmul.f32 v23, v22  }
0x58: {  	v49 =	vld [tilespmem:s22+$0x28F0]  }
0x59: {  	v50 =	vld [tilespmem:s22+$0x100];
	v16 =	vadd.f32 v17, v16;
	v17 =	vmul.f32 v45, v44  }
0x5a: {  	v51 =	vld [tilespmem:s22+$0x2900]  }
0x5b: {  	v52 =	vld [tilespmem:s22+$0x110];
	v16 =	vadd.f32 v17, v16;
	v17 =	vmul.f32 v47, v46  }
0x5c: {  	v53 =	vld [tilespmem:s22+$0x2910]  }
0x5d: {  	v16 =	vadd.f32 v17, v16;
	v17 =	vmul.f32 v49, v48;
	_ =	sdelay $0x1  }
0x5e: {  	v16 =	vadd.f32 v17, v16;
	v17 =	vmul.f32 v51, v50;
	_ =	sdelay $0x1  }
0x5f: {  	v16 =	vadd.f32 v17, v16;
	v17 =	vmul.f32 v53, v52;
	_ =	sdelay $0x1  }
0x60: {  	s21 =	sshll.u32 s20, $0x4;
	v16 =	vadd.f32 v17, v16  }
0x61: {  	s18 =	sor.u32 $0x1, s21  }
0x62: {  	s22 =	sshll.u32 s18, $0x4;
	[tilespmem:$0x5FA0] =	vst v16  }
0x63: {  	v16 =	vld [tilespmem:s22+$0x50A0]  }
0x64: {  	s18 =	sshll.u32 s18, $0x7;
	v17 =	vld [tilespmem:s22+$0x55A0]  }
0x65: {  	v54 =	vld [tilespmem:s18+$0xA0]  }
0x66: {  	v55 =	vld [tilespmem:s18+$0x28A0]  }
0x67: {  	v56 =	vld [tilespmem:s18+$0xB0]  }
0x68: {  	v57 =	vld [tilespmem:s18+$0x28B0]  }
0x69: {  	v58 =	vld [tilespmem:s18+$0xC0]  }
0x6a: {  	v59 =	vld [tilespmem:s18+$0x28C0]  }
0x6b: {  	v60 =	vld [tilespmem:s18+$0xD0];
	v16 =	vmul.f32 v17, v16;
	v17 =	vmul.f32 v55, v54  }
0x6c: {  	v61 =	vld [tilespmem:s18+$0x28D0]  }
0x6d: {  	v62 =	vld [tilespmem:s18+$0xE0];
	v16 =	vadd.f32 v17, v16;
	v17 =	vmul.f32 v57, v56  }
0x6e: {  	v63 =	vld [tilespmem:s18+$0x28E0]  }
0x6f: {  	v24 =	vld [tilespmem:s18+$0xF0];
	v16 =	vadd.f32 v17, v16;
	v17 =	vmul.f32 v59, v58  }
0x70: {  	v25 =	vld [tilespmem:s18+$0x28F0]  }
0x71: {  	v26 =	vld [tilespmem:s18+$0x100];
	v16 =	vadd.f32 v17, v16;
	v17 =	vmul.f32 v61, v60  }
0x72: {  	v27 =	vld [tilespmem:s18+$0x2900]  }
0x73: {  	v28 =	vld [tilespmem:s18+$0x110];
	v16 =	vadd.f32 v17, v16;
	v17 =	vmul.f32 v63, v62  }
0x74: {  	v29 =	vld [tilespmem:s18+$0x2910]  }
0x75: {  	v16 =	vadd.f32 v17, v16;
	v17 =	vmul.f32 v25, v24;
	_ =	sdelay $0x1  }
0x76: {  	v16 =	vadd.f32 v17, v16;
	v17 =	vmul.f32 v27, v26;
	_ =	sdelay $0x1  }
0x77: {  	v16 =	vadd.f32 v17, v16;
	v17 =	vmul.f32 v29, v28;
	_ =	sdelay $0x1  }
0x78: {  	v16 =	vadd.f32 v17, v16  }
0x79: {  	s18 =	sor.u32 $0x2, s21  }
0x7a: {  	s22 =	sshll.u32 s18, $0x4;
	[tilespmem:$0x5FB8] =	vst v16  }
0x7b: {  	v16 =	vld [tilespmem:s22+$0x50A0]  }
0x7c: {  	s18 =	sshll.u32 s18, $0x7;
	v17 =	vld [tilespmem:s22+$0x55A0]  }
0x7d: {  	v30 =	vld [tilespmem:s18+$0xA0]  }
0x7e: {  	v31 =	vld [tilespmem:s18+$0x28A0]  }
0x7f: {  	v32 =	vld [tilespmem:s18+$0xB0]  }
0x80: {  	v33 =	vld [tilespmem:s18+$0x28B0]  }
0x81: {  	v34 =	vld [tilespmem:s18+$0xC0]  }
0x82: {  	v35 =	vld [tilespmem:s18+$0x28C0]  }
0x83: {  	v36 =	vld [tilespmem:s18+$0xD0];
	v16 =	vmul.f32 v17, v16;
	v17 =	vmul.f32 v31, v30  }
0x84: {  	v37 =	vld [tilespmem:s18+$0x28D0]  }
0x85: {  	v38 =	vld [tilespmem:s18+$0xE0];
	v16 =	vadd.f32 v17, v16;
	v17 =	vmul.f32 v33, v32  }
0x86: {  	v39 =	vld [tilespmem:s18+$0x28E0]  }
0x87: {  	v40 =	vld [tilespmem:s18+$0xF0];
	v16 =	vadd.f32 v17, v16;
	v17 =	vmul.f32 v35, v34  }
0x88: {  	v41 =	vld [tilespmem:s18+$0x28F0]  }
0x89: {  	v42 =	vld [tilespmem:s18+$0x100];
	v16 =	vadd.f32 v17, v16;
	v17 =	vmul.f32 v37, v36  }
0x8a: {  	v43 =	vld [tilespmem:s18+$0x2900]  }
0x8b: {  	v44 =	vld [tilespmem:s18+$0x110];
	v16 =	vadd.f32 v17, v16;
	v17 =	vmul.f32 v39, v38  }
0x8c: {  	v45 =	vld [tilespmem:s18+$0x2910]  }
0x8d: {  	v16 =	vadd.f32 v17, v16;
	v17 =	vmul.f32 v41, v40;
	_ =	sdelay $0x1  }
0x8e: {  	v16 =	vadd.f32 v17, v16;
	v17 =	vmul.f32 v43, v42;
	_ =	sdelay $0x1  }
0x8f: {  	v16 =	vadd.f32 v17, v16;
	v17 =	vmul.f32 v45, v44;
	_ =	sdelay $0x1  }
0x90: {  	v16 =	vadd.f32 v17, v16  }
0x91: {  	s18 =	sor.u32 $0x3, s21  }
0x92: {  	s22 =	sshll.u32 s18, $0x4;
	[tilespmem:$0x5FD0] =	vst v16  }
0x93: {  	v16 =	vld [tilespmem:s22+$0x50A0]  }
0x94: {  	s18 =	sshll.u32 s18, $0x7;
	v17 =	vld [tilespmem:s22+$0x55A0]  }
0x95: {  	v46 =	vld [tilespmem:s18+$0xA0]  }
0x96: {  	v47 =	vld [tilespmem:s18+$0x28A0]  }
0x97: {  	v48 =	vld [tilespmem:s18+$0xB0]  }
0x98: {  	v49 =	vld [tilespmem:s18+$0x28B0]  }
0x99: {  	v50 =	vld [tilespmem:s18+$0xC0]  }
0x9a: {  	v51 =	vld [tilespmem:s18+$0x28C0]  }
0x9b: {  	v52 =	vld [tilespmem:s18+$0xD0];
	v16 =	vmul.f32 v17, v16;
	v17 =	vmul.f32 v47, v46  }
0x9c: {  	v53 =	vld [tilespmem:s18+$0x28D0]  }
0x9d: {  	v54 =	vld [tilespmem:s18+$0xE0];
	v16 =	vadd.f32 v17, v16;
	v17 =	vmul.f32 v49, v48  }
0x9e: {  	v55 =	vld [tilespmem:s18+$0x28E0]  }
0x9f: {  	v56 =	vld [tilespmem:s18+$0xF0];
	v16 =	vadd.f32 v17, v16;
	v17 =	vmul.f32 v51, v50  }
0xa0: {  	v57 =	vld [tilespmem:s18+$0x28F0]  }
0xa1: {  	v58 =	vld [tilespmem:s18+$0x100];
	v16 =	vadd.f32 v17, v16;
	v17 =	vmul.f32 v53, v52  }
0xa2: {  	v59 =	vld [tilespmem:s18+$0x2900]  }
0xa3: {  	v60 =	vld [tilespmem:s18+$0x110];
	v16 =	vadd.f32 v17, v16;
	v17 =	vmul.f32 v55, v54  }
0xa4: {  	v61 =	vld [tilespmem:s18+$0x2910]  }
0xa5: {  	v16 =	vadd.f32 v17, v16;
	v17 =	vmul.f32 v57, v56;
	_ =	sdelay $0x1  }
0xa6: {  	v16 =	vadd.f32 v17, v16;
	v17 =	vmul.f32 v59, v58;
	_ =	sdelay $0x1  }
0xa7: {  	v16 =	vadd.f32 v17, v16;
	v17 =	vmul.f32 v61, v60;
	_ =	sdelay $0x1  }
0xa8: {  	v16 =	vadd.f32 v17, v16  }
0xa9: {  	s18 =	sor.u32 $0x4, s21  }
0xaa: {  	s22 =	sshll.u32 s18, $0x4;
	[tilespmem:$0x5FE8] =	vst v16  }
0xab: {  	v16 =	vld [tilespmem:s22+$0x50A0]  }
0xac: {  	s18 =	sshll.u32 s18, $0x7;
	v17 =	vld [tilespmem:s22+$0x55A0]  }
0xad: {  	v62 =	vld [tilespmem:s18+$0xA0]  }
0xae: {  	v63 =	vld [tilespmem:s18+$0x28A0]  }
0xaf: {  	v24 =	vld [tilespmem:s18+$0xB0]  }
0xb0: {  	v25 =	vld [tilespmem:s18+$0x28B0]  }
0xb1: {  	v26 =	vld [tilespmem:s18+$0xC0]  }
0xb2: {  	v27 =	vld [tilespmem:s18+$0x28C0]  }
0xb3: {  	v28 =	vld [tilespmem:s18+$0xD0];
	v16 =	vmul.f32 v17, v16;
	v17 =	vmul.f32 v63, v62  }
0xb4: {  	v29 =	vld [tilespmem:s18+$0x28D0]  }
0xb5: {  	v30 =	vld [tilespmem:s18+$0xE0];
	v16 =	vadd.f32 v17, v16;
	v17 =	vmul.f32 v25, v24  }
0xb6: {  	v31 =	vld [tilespmem:s18+$0x28E0]  }
0xb7: {  	v32 =	vld [tilespmem:s18+$0xF0];
	v16 =	vadd.f32 v17, v16;
	v17 =	vmul.f32 v27, v26  }
0xb8: {  	v33 =	vld [tilespmem:s18+$0x28F0]  }
0xb9: {  	v34 =	vld [tilespmem:s18+$0x100];
	v16 =	vadd.f32 v17, v16;
	v17 =	vmul.f32 v29, v28  }
0xba: {  	v35 =	vld [tilespmem:s18+$0x2900]  }
0xbb: {  	v36 =	vld [tilespmem:s18+$0x110];
	v16 =	vadd.f32 v17, v16;
	v17 =	vmul.f32 v31, v30  }
0xbc: {  	v37 =	vld [tilespmem:s18+$0x2910]  }
0xbd: {  	v16 =	vadd.f32 v17, v16;
	v17 =	vmul.f32 v33, v32;
	_ =	sdelay $0x1  }
0xbe: {  	v16 =	vadd.f32 v17, v16;
	v17 =	vmul.f32 v35, v34;
	_ =	sdelay $0x1  }
0xbf: {  	v16 =	vadd.f32 v17, v16;
	v17 =	vmul.f32 v37, v36;
	_ =	sdelay $0x1  }
0xc0: {  	v16 =	vadd.f32 v17, v16  }
0xc1: {  	s18 =	sor.u32 $0x5, s21  }
0xc2: {  	s22 =	sshll.u32 s18, $0x4;
	[tilespmem:$0x6000] =	vst v16  }
0xc3: {  	v16 =	vld [tilespmem:s22+$0x50A0]  }
0xc4: {  	s18 =	sshll.u32 s18, $0x7;
	v17 =	vld [tilespmem:s22+$0x55A0]  }
0xc5: {  	v38 =	vld [tilespmem:s18+$0xA0]  }
0xc6: {  	v39 =	vld [tilespmem:s18+$0x28A0]  }
0xc7: {  	v40 =	vld [tilespmem:s18+$0xB0]  }
0xc8: {  	v41 =	vld [tilespmem:s18+$0x28B0]  }
0xc9: {  	v42 =	vld [tilespmem:s18+$0xC0]  }
0xca: {  	v43 =	vld [tilespmem:s18+$0x28C0]  }
0xcb: {  	v44 =	vld [tilespmem:s18+$0xD0];
	v16 =	vmul.f32 v17, v16;
	v17 =	vmul.f32 v39, v38  }
0xcc: {  	v45 =	vld [tilespmem:s18+$0x28D0]  }
0xcd: {  	v46 =	vld [tilespmem:s18+$0xE0];
	v16 =	vadd.f32 v17, v16;
	v17 =	vmul.f32 v41, v40  }
0xce: {  	v47 =	vld [tilespmem:s18+$0x28E0]  }
0xcf: {  	v48 =	vld [tilespmem:s18+$0xF0];
	v16 =	vadd.f32 v17, v16;
	v17 =	vmul.f32 v43, v42  }
0xd0: {  	v49 =	vld [tilespmem:s18+$0x28F0]  }
0xd1: {  	v50 =	vld [tilespmem:s18+$0x100];
	v16 =	vadd.f32 v17, v16;
	v17 =	vmul.f32 v45, v44  }
0xd2: {  	v51 =	vld [tilespmem:s18+$0x2900]  }
0xd3: {  	v52 =	vld [tilespmem:s18+$0x110];
	v16 =	vadd.f32 v17, v16;
	v17 =	vmul.f32 v47, v46  }
0xd4: {  	v53 =	vld [tilespmem:s18+$0x2910]  }
0xd5: {  	v16 =	vadd.f32 v17, v16;
	v17 =	vmul.f32 v49, v48;
	_ =	sdelay $0x1  }
0xd6: {  	v16 =	vadd.f32 v17, v16;
	v17 =	vmul.f32 v51, v50;
	_ =	sdelay $0x1  }
0xd7: {  	v16 =	vadd.f32 v17, v16;
	v17 =	vmul.f32 v53, v52;
	_ =	sdelay $0x1  }
0xd8: {  	v16 =	vadd.f32 v17, v16  }
0xd9: {  	s18 =	sor.u32 $0x6, s21  }
0xda: {  	s22 =	sshll.u32 s18, $0x4;
	[tilespmem:$0x6018] =	vst v16  }
0xdb: {  	v16 =	vld [tilespmem:s22+$0x50A0]  }
0xdc: {  	s18 =	sshll.u32 s18, $0x7;
	v17 =	vld [tilespmem:s22+$0x55A0]  }
0xdd: {  	v54 =	vld [tilespmem:s18+$0xA0]  }
0xde: {  	v55 =	vld [tilespmem:s18+$0x28A0]  }
0xdf: {  	v56 =	vld [tilespmem:s18+$0xB0]  }
0xe0: {  	v57 =	vld [tilespmem:s18+$0x28B0]  }
0xe1: {  	v58 =	vld [tilespmem:s18+$0xC0]  }
0xe2: {  	v59 =	vld [tilespmem:s18+$0x28C0]  }
0xe3: {  	v60 =	vld [tilespmem:s18+$0xD0];
	v16 =	vmul.f32 v17, v16;
	v17 =	vmul.f32 v55, v54  }
0xe4: {  	v61 =	vld [tilespmem:s18+$0x28D0]  }
0xe5: {  	v62 =	vld [tilespmem:s18+$0xE0];
	v16 =	vadd.f32 v17, v16;
	v17 =	vmul.f32 v57, v56  }
0xe6: {  	v63 =	vld [tilespmem:s18+$0x28E0]  }
0xe7: {  	v24 =	vld [tilespmem:s18+$0xF0];
	v16 =	vadd.f32 v17, v16;
	v17 =	vmul.f32 v59, v58  }
0xe8: {  	v25 =	vld [tilespmem:s18+$0x28F0]  }
0xe9: {  	v26 =	vld [tilespmem:s18+$0x100];
	v16 =	vadd.f32 v17, v16;
	v17 =	vmul.f32 v61, v60  }
0xea: {  	v27 =	vld [tilespmem:s18+$0x2900]  }
0xeb: {  	v28 =	vld [tilespmem:s18+$0x110];
	v16 =	vadd.f32 v17, v16;
	v17 =	vmul.f32 v63, v62  }
0xec: {  	v29 =	vld [tilespmem:s18+$0x2910]  }
0xed: {  	v16 =	vadd.f32 v17, v16;
	v17 =	vmul.f32 v25, v24;
	_ =	sdelay $0x1  }
0xee: {  	v16 =	vadd.f32 v17, v16;
	v17 =	vmul.f32 v27, v26;
	_ =	sdelay $0x1  }
0xef: {  	v16 =	vadd.f32 v17, v16;
	v17 =	vmul.f32 v29, v28;
	_ =	sdelay $0x1  }
0xf0: {  	v16 =	vadd.f32 v17, v16  }
0xf1: {  	s18 =	sor.u32 $0x7, s21  }
0xf2: {  	s22 =	sshll.u32 s18, $0x4;
	[tilespmem:$0x6030] =	vst v16  }
0xf3: {  	v16 =	vld [tilespmem:s22+$0x50A0]  }
0xf4: {  	s18 =	sshll.u32 s18, $0x7;
	v17 =	vld [tilespmem:s22+$0x55A0]  }
0xf5: {  	v30 =	vld [tilespmem:s18+$0xA0]  }
0xf6: {  	v31 =	vld [tilespmem:s18+$0x28A0]  }
0xf7: {  	v32 =	vld [tilespmem:s18+$0xB0]  }
0xf8: {  	v33 =	vld [tilespmem:s18+$0x28B0]  }
0xf9: {  	v34 =	vld [tilespmem:s18+$0xC0]  }
0xfa: {  	v35 =	vld [tilespmem:s18+$0x28C0]  }
0xfb: {  	v36 =	vld [tilespmem:s18+$0xD0];
	v16 =	vmul.f32 v17, v16;
	v17 =	vmul.f32 v31, v30  }
0xfc: {  	v37 =	vld [tilespmem:s18+$0x28D0]  }
0xfd: {  	v38 =	vld [tilespmem:s18+$0xE0];
	v16 =	vadd.f32 v17, v16;
	v17 =	vmul.f32 v33, v32  }
0xfe: {  	v39 =	vld [tilespmem:s18+$0x28E0]  }
0xff: {  	v40 =	vld [tilespmem:s18+$0xF0];
	v16 =	vadd.f32 v17, v16;
	v17 =	vmul.f32 v35, v34  }
0x100: {  	v41 =	vld [tilespmem:s18+$0x28F0]  }
0x101: {  	v42 =	vld [tilespmem:s18+$0x100];
	v16 =	vadd.f32 v17, v16;
	v17 =	vmul.f32 v37, v36  }
0x102: {  	v43 =	vld [tilespmem:s18+$0x2900]  }
0x103: {  	v44 =	vld [tilespmem:s18+$0x110];
	v16 =	vadd.f32 v17, v16;
	v17 =	vmul.f32 v39, v38  }
0x104: {  	v45 =	vld [tilespmem:s18+$0x2910]  }
0x105: {  	v16 =	vadd.f32 v17, v16;
	v17 =	vmul.f32 v41, v40;
	_ =	sdelay $0x1  }
0x106: {  	v16 =	vadd.f32 v17, v16;
	v17 =	vmul.f32 v43, v42;
	_ =	sdelay $0x1  }
0x107: {  	v16 =	vadd.f32 v17, v16;
	v17 =	vmul.f32 v45, v44;
	_ =	sdelay $0x1  }
0x108: {  	v16 =	vadd.f32 v17, v16  }
0x109: {  	s18 =	sor.u32 $0x8, s21  }
0x10a: {  	s22 =	sshll.u32 s18, $0x4;
	[tilespmem:$0x6048] =	vst v16  }
0x10b: {  	v16 =	vld [tilespmem:s22+$0x50A0]  }
0x10c: {  	s18 =	sshll.u32 s18, $0x7;
	v17 =	vld [tilespmem:s22+$0x55A0]  }
0x10d: {  	v46 =	vld [tilespmem:s18+$0xA0]  }
0x10e: {  	v47 =	vld [tilespmem:s18+$0x28A0]  }
0x10f: {  	v48 =	vld [tilespmem:s18+$0xB0]  }
0x110: {  	v49 =	vld [tilespmem:s18+$0x28B0]  }
0x111: {  	v50 =	vld [tilespmem:s18+$0xC0]  }
0x112: {  	v51 =	vld [tilespmem:s18+$0x28C0]  }
0x113: {  	v52 =	vld [tilespmem:s18+$0xD0];
	v16 =	vmul.f32 v17, v16;
	v17 =	vmul.f32 v47, v46  }
0x114: {  	v53 =	vld [tilespmem:s18+$0x28D0]  }
0x115: {  	v54 =	vld [tilespmem:s18+$0xE0];
	v16 =	vadd.f32 v17, v16;
	v17 =	vmul.f32 v49, v48  }
0x116: {  	v55 =	vld [tilespmem:s18+$0x28E0]  }
0x117: {  	v56 =	vld [tilespmem:s18+$0xF0];
	v16 =	vadd.f32 v17, v16;
	v17 =	vmul.f32 v51, v50  }
0x118: {  	v57 =	vld [tilespmem:s18+$0x28F0]  }
0x119: {  	v58 =	vld [tilespmem:s18+$0x100];
	v16 =	vadd.f32 v17, v16;
	v17 =	vmul.f32 v53, v52  }
0x11a: {  	v59 =	vld [tilespmem:s18+$0x2900]  }
0x11b: {  	v60 =	vld [tilespmem:s18+$0x110];
	v16 =	vadd.f32 v17, v16;
	v17 =	vmul.f32 v55, v54  }
0x11c: {  	v61 =	vld [tilespmem:s18+$0x2910]  }
0x11d: {  	v16 =	vadd.f32 v17, v16;
	v17 =	vmul.f32 v57, v56;
	_ =	sdelay $0x1  }
0x11e: {  	v16 =	vadd.f32 v17, v16;
	v17 =	vmul.f32 v59, v58;
	_ =	sdelay $0x1  }
0x11f: {  	v16 =	vadd.f32 v17, v16;
	v17 =	vmul.f32 v61, v60;
	_ =	sdelay $0x1  }
0x120: {  	v16 =	vadd.f32 v17, v16  }
0x121: {  	s18 =	sor.u32 $0x9, s21  }
0x122: {  	s22 =	sshll.u32 s18, $0x4;
	[tilespmem:$0x6060] =	vst v16  }
0x123: {  	v16 =	vld [tilespmem:s22+$0x50A0]  }
0x124: {  	s18 =	sshll.u32 s18, $0x7;
	v17 =	vld [tilespmem:s22+$0x55A0]  }
0x125: {  	v62 =	vld [tilespmem:s18+$0xA0]  }
0x126: {  	v63 =	vld [tilespmem:s18+$0x28A0]  }
0x127: {  	v24 =	vld [tilespmem:s18+$0xB0]  }
0x128: {  	v25 =	vld [tilespmem:s18+$0x28B0]  }
0x129: {  	v26 =	vld [tilespmem:s18+$0xC0]  }
0x12a: {  	v27 =	vld [tilespmem:s18+$0x28C0]  }
0x12b: {  	v28 =	vld [tilespmem:s18+$0xD0];
	v16 =	vmul.f32 v17, v16;
	v17 =	vmul.f32 v63, v62  }
0x12c: {  	v29 =	vld [tilespmem:s18+$0x28D0]  }
0x12d: {  	v30 =	vld [tilespmem:s18+$0xE0];
	v16 =	vadd.f32 v17, v16;
	v17 =	vmul.f32 v25, v24  }
0x12e: {  	v31 =	vld [tilespmem:s18+$0x28E0]  }
0x12f: {  	v32 =	vld [tilespmem:s18+$0xF0];
	v16 =	vadd.f32 v17, v16;
	v17 =	vmul.f32 v27, v26  }
0x130: {  	v33 =	vld [tilespmem:s18+$0x28F0]  }
0x131: {  	v34 =	vld [tilespmem:s18+$0x100];
	v16 =	vadd.f32 v17, v16;
	v17 =	vmul.f32 v29, v28  }
0x132: {  	v35 =	vld [tilespmem:s18+$0x2900]  }
0x133: {  	v36 =	vld [tilespmem:s18+$0x110];
	v16 =	vadd.f32 v17, v16;
	v17 =	vmul.f32 v31, v30  }
0x134: {  	v37 =	vld [tilespmem:s18+$0x2910]  }
0x135: {  	v16 =	vadd.f32 v17, v16;
	v17 =	vmul.f32 v33, v32;
	_ =	sdelay $0x1  }
0x136: {  	v16 =	vadd.f32 v17, v16;
	v17 =	vmul.f32 v35, v34;
	_ =	sdelay $0x1  }
0x137: {  	v16 =	vadd.f32 v17, v16;
	v17 =	vmul.f32 v37, v36;
	_ =	sdelay $0x1  }
0x138: {  	v16 =	vadd.f32 v17, v16  }
0x139: {  	s18 =	sor.u32 $0xA, s21  }
0x13a: {  	s22 =	sshll.u32 s18, $0x4;
	[tilespmem:$0x6078] =	vst v16  }
0x13b: {  	v16 =	vld [tilespmem:s22+$0x50A0]  }
0x13c: {  	s18 =	sshll.u32 s18, $0x7;
	v17 =	vld [tilespmem:s22+$0x55A0]  }
0x13d: {  	v38 =	vld [tilespmem:s18+$0xA0]  }
0x13e: {  	v39 =	vld [tilespmem:s18+$0x28A0]  }
0x13f: {  	v40 =	vld [tilespmem:s18+$0xB0]  }
0x140: {  	v41 =	vld [tilespmem:s18+$0x28B0]  }
0x141: {  	v42 =	vld [tilespmem:s18+$0xC0]  }
0x142: {  	v43 =	vld [tilespmem:s18+$0x28C0]  }
0x143: {  	v44 =	vld [tilespmem:s18+$0xD0];
	v16 =	vmul.f32 v17, v16;
	v17 =	vmul.f32 v39, v38  }
0x144: {  	v45 =	vld [tilespmem:s18+$0x28D0]  }
0x145: {  	v46 =	vld [tilespmem:s18+$0xE0];
	v16 =	vadd.f32 v17, v16;
	v17 =	vmul.f32 v41, v40  }
0x146: {  	v47 =	vld [tilespmem:s18+$0x28E0]  }
0x147: {  	v48 =	vld [tilespmem:s18+$0xF0];
	v16 =	vadd.f32 v17, v16;
	v17 =	vmul.f32 v43, v42  }
0x148: {  	v49 =	vld [tilespmem:s18+$0x28F0]  }
0x149: {  	v50 =	vld [tilespmem:s18+$0x100];
	v16 =	vadd.f32 v17, v16;
	v17 =	vmul.f32 v45, v44  }
0x14a: {  	v51 =	vld [tilespmem:s18+$0x2900]  }
0x14b: {  	v52 =	vld [tilespmem:s18+$0x110];
	v16 =	vadd.f32 v17, v16;
	v17 =	vmul.f32 v47, v46  }
0x14c: {  	v53 =	vld [tilespmem:s18+$0x2910]  }
0x14d: {  	v16 =	vadd.f32 v17, v16;
	v17 =	vmul.f32 v49, v48;
	_ =	sdelay $0x1  }
0x14e: {  	v16 =	vadd.f32 v17, v16;
	v17 =	vmul.f32 v51, v50;
	_ =	sdelay $0x1  }
0x14f: {  	v16 =	vadd.f32 v17, v16;
	v17 =	vmul.f32 v53, v52;
	_ =	sdelay $0x1  }
0x150: {  	v16 =	vadd.f32 v17, v16  }
0x151: {  	s18 =	sor.u32 $0xB, s21  }
0x152: {  	s22 =	sshll.u32 s18, $0x4;
	[tilespmem:$0x6090] =	vst v16  }
0x153: {  	v16 =	vld [tilespmem:s22+$0x50A0]  }
0x154: {  	s18 =	sshll.u32 s18, $0x7;
	v17 =	vld [tilespmem:s22+$0x55A0]  }
0x155: {  	v54 =	vld [tilespmem:s18+$0xA0]  }
0x156: {  	v55 =	vld [tilespmem:s18+$0x28A0]  }
0x157: {  	v56 =	vld [tilespmem:s18+$0xB0]  }
0x158: {  	v57 =	vld [tilespmem:s18+$0x28B0]  }
0x159: {  	v58 =	vld [tilespmem:s18+$0xC0]  }
0x15a: {  	v59 =	vld [tilespmem:s18+$0x28C0]  }
0x15b: {  	v60 =	vld [tilespmem:s18+$0xD0];
	v16 =	vmul.f32 v17, v16;
	v17 =	vmul.f32 v55, v54  }
0x15c: {  	v61 =	vld [tilespmem:s18+$0x28D0]  }
0x15d: {  	v62 =	vld [tilespmem:s18+$0xE0];
	v16 =	vadd.f32 v17, v16;
	v17 =	vmul.f32 v57, v56  }
0x15e: {  	v63 =	vld [tilespmem:s18+$0x28E0]  }
0x15f: {  	v24 =	vld [tilespmem:s18+$0xF0];
	v16 =	vadd.f32 v17, v16;
	v17 =	vmul.f32 v59, v58  }
0x160: {  	v25 =	vld [tilespmem:s18+$0x28F0]  }
0x161: {  	v26 =	vld [tilespmem:s18+$0x100];
	v16 =	vadd.f32 v17, v16;
	v17 =	vmul.f32 v61, v60  }
0x162: {  	v27 =	vld [tilespmem:s18+$0x2900]  }
0x163: {  	v28 =	vld [tilespmem:s18+$0x110];
	v16 =	vadd.f32 v17, v16;
	v17 =	vmul.f32 v63, v62  }
0x164: {  	v29 =	vld [tilespmem:s18+$0x2910]  }
0x165: {  	v16 =	vadd.f32 v17, v16;
	v17 =	vmul.f32 v25, v24;
	_ =	sdelay $0x1  }
0x166: {  	v16 =	vadd.f32 v17, v16;
	v17 =	vmul.f32 v27, v26;
	_ =	sdelay $0x1  }
0x167: {  	v16 =	vadd.f32 v17, v16;
	v17 =	vmul.f32 v29, v28;
	_ =	sdelay $0x1  }
0x168: {  	v16 =	vadd.f32 v17, v16  }
0x169: {  	s18 =	sor.u32 $0xC, s21  }
0x16a: {  	s22 =	sshll.u32 s18, $0x4;
	[tilespmem:$0x60A8] =	vst v16  }
0x16b: {  	v16 =	vld [tilespmem:s22+$0x50A0]  }
0x16c: {  	s18 =	sshll.u32 s18, $0x7;
	v17 =	vld [tilespmem:s22+$0x55A0]  }
0x16d: {  	v30 =	vld [tilespmem:s18+$0xA0]  }
0x16e: {  	v31 =	vld [tilespmem:s18+$0x28A0]  }
0x16f: {  	v32 =	vld [tilespmem:s18+$0xB0]  }
0x170: {  	v33 =	vld [tilespmem:s18+$0x28B0]  }
0x171: {  	v34 =	vld [tilespmem:s18+$0xC0]  }
0x172: {  	v35 =	vld [tilespmem:s18+$0x28C0]  }
0x173: {  	v36 =	vld [tilespmem:s18+$0xD0];
	v16 =	vmul.f32 v17, v16;
	v17 =	vmul.f32 v31, v30  }
0x174: {  	v37 =	vld [tilespmem:s18+$0x28D0]  }
0x175: {  	v38 =	vld [tilespmem:s18+$0xE0];
	v16 =	vadd.f32 v17, v16;
	v17 =	vmul.f32 v33, v32  }
0x176: {  	v39 =	vld [tilespmem:s18+$0x28E0]  }
0x177: {  	v40 =	vld [tilespmem:s18+$0xF0];
	v16 =	vadd.f32 v17, v16;
	v17 =	vmul.f32 v35, v34  }
0x178: {  	v41 =	vld [tilespmem:s18+$0x28F0]  }
0x179: {  	v42 =	vld [tilespmem:s18+$0x100];
	v16 =	vadd.f32 v17, v16;
	v17 =	vmul.f32 v37, v36  }
0x17a: {  	v43 =	vld [tilespmem:s18+$0x2900]  }
0x17b: {  	v44 =	vld [tilespmem:s18+$0x110];
	v16 =	vadd.f32 v17, v16;
	v17 =	vmul.f32 v39, v38  }
0x17c: {  	v45 =	vld [tilespmem:s18+$0x2910]  }
0x17d: {  	v16 =	vadd.f32 v17, v16;
	v17 =	vmul.f32 v41, v40;
	_ =	sdelay $0x1  }
0x17e: {  	v16 =	vadd.f32 v17, v16;
	v17 =	vmul.f32 v43, v42;
	_ =	sdelay $0x1  }
0x17f: {  	v16 =	vadd.f32 v17, v16;
	v17 =	vmul.f32 v45, v44;
	_ =	sdelay $0x1  }
0x180: {  	v16 =	vadd.f32 v17, v16  }
0x181: {  	s18 =	sor.u32 $0xD, s21  }
0x182: {  	s22 =	sshll.u32 s18, $0x4;
	[tilespmem:$0x60C0] =	vst v16  }
0x183: {  	v16 =	vld [tilespmem:s22+$0x50A0]  }
0x184: {  	s18 =	sshll.u32 s18, $0x7;
	v17 =	vld [tilespmem:s22+$0x55A0]  }
0x185: {  	v46 =	vld [tilespmem:s18+$0xA0]  }
0x186: {  	v47 =	vld [tilespmem:s18+$0x28A0]  }
0x187: {  	v48 =	vld [tilespmem:s18+$0xB0]  }
0x188: {  	v49 =	vld [tilespmem:s18+$0x28B0]  }
0x189: {  	v50 =	vld [tilespmem:s18+$0xC0]  }
0x18a: {  	v51 =	vld [tilespmem:s18+$0x28C0]  }
0x18b: {  	v52 =	vld [tilespmem:s18+$0xD0];
	v16 =	vmul.f32 v17, v16;
	v17 =	vmul.f32 v47, v46  }
0x18c: {  	v53 =	vld [tilespmem:s18+$0x28D0]  }
0x18d: {  	v54 =	vld [tilespmem:s18+$0xE0];
	v16 =	vadd.f32 v17, v16;
	v17 =	vmul.f32 v49, v48  }
0x18e: {  	v55 =	vld [tilespmem:s18+$0x28E0]  }
0x18f: {  	v56 =	vld [tilespmem:s18+$0xF0];
	v16 =	vadd.f32 v17, v16;
	v17 =	vmul.f32 v51, v50  }
0x190: {  	v57 =	vld [tilespmem:s18+$0x28F0]  }
0x191: {  	v58 =	vld [tilespmem:s18+$0x100];
	v16 =	vadd.f32 v17, v16;
	v17 =	vmul.f32 v53, v52  }
0x192: {  	v59 =	vld [tilespmem:s18+$0x2900]  }
0x193: {  	v60 =	vld [tilespmem:s18+$0x110];
	v16 =	vadd.f32 v17, v16;
	v17 =	vmul.f32 v55, v54  }
0x194: {  	v61 =	vld [tilespmem:s18+$0x2910]  }
0x195: {  	v16 =	vadd.f32 v17, v16;
	v17 =	vmul.f32 v57, v56;
	_ =	sdelay $0x1  }
0x196: {  	v16 =	vadd.f32 v17, v16;
	v17 =	vmul.f32 v59, v58;
	_ =	sdelay $0x1  }
0x197: {  	v16 =	vadd.f32 v17, v16;
	v17 =	vmul.f32 v61, v60;
	_ =	sdelay $0x1  }
0x198: {  	v16 =	vadd.f32 v17, v16  }
0x199: {  	s18 =	sor.u32 $0xE, s21  }
0x19a: {  	s22 =	sshll.u32 s18, $0x4;
	[tilespmem:$0x60D8] =	vst v16  }
0x19b: {  	v16 =	vld [tilespmem:s22+$0x50A0]  }
0x19c: {  	s18 =	sshll.u32 s18, $0x7;
	v17 =	vld [tilespmem:s22+$0x55A0]  }
0x19d: {  	v62 =	vld [tilespmem:s18+$0xA0]  }
0x19e: {  	v63 =	vld [tilespmem:s18+$0x28A0]  }
0x19f: {  	v24 =	vld [tilespmem:s18+$0xB0]  }
0x1a0: {  	v25 =	vld [tilespmem:s18+$0x28B0]  }
0x1a1: {  	v26 =	vld [tilespmem:s18+$0xC0]  }
0x1a2: {  	v27 =	vld [tilespmem:s18+$0x28C0]  }
0x1a3: {  	v28 =	vld [tilespmem:s18+$0xD0];
	v16 =	vmul.f32 v17, v16;
	v17 =	vmul.f32 v63, v62  }
0x1a4: {  	v29 =	vld [tilespmem:s18+$0x28D0]  }
0x1a5: {  	v30 =	vld [tilespmem:s18+$0xE0];
	v16 =	vadd.f32 v17, v16;
	v17 =	vmul.f32 v25, v24  }
0x1a6: {  	v31 =	vld [tilespmem:s18+$0x28E0]  }
0x1a7: {  	v32 =	vld [tilespmem:s18+$0xF0];
	v16 =	vadd.f32 v17, v16;
	v17 =	vmul.f32 v27, v26  }
0x1a8: {  	v33 =	vld [tilespmem:s18+$0x28F0]  }
0x1a9: {  	v34 =	vld [tilespmem:s18+$0x100];
	v16 =	vadd.f32 v17, v16;
	v17 =	vmul.f32 v29, v28  }
0x1aa: {  	v35 =	vld [tilespmem:s18+$0x2900]  }
0x1ab: {  	v36 =	vld [tilespmem:s18+$0x110];
	v16 =	vadd.f32 v17, v16;
	v17 =	vmul.f32 v31, v30  }
0x1ac: {  	v37 =	vld [tilespmem:s18+$0x2910]  }
0x1ad: {  	v16 =	vadd.f32 v17, v16;
	v17 =	vmul.f32 v33, v32;
	_ =	sdelay $0x1  }
0x1ae: {  	v16 =	vadd.f32 v17, v16;
	v17 =	vmul.f32 v35, v34;
	_ =	sdelay $0x1  }
0x1af: {  	v16 =	vadd.f32 v17, v16;
	v17 =	vmul.f32 v37, v36;
	_ =	sdelay $0x1  }
0x1b0: {  	v16 =	vadd.f32 v17, v16  }
0x1b1: {  	s18 =	sshllo.u32 s20, $0x4  }
0x1b2: {  	s22 =	sshll.u32 s18, $0x4;
	[tilespmem:$0x60F0] =	vst v16  }
0x1b3: {  	v16 =	vld [tilespmem:s22+$0x50A0]  }
0x1b4: {  	s18 =	sshll.u32 s18, $0x7;
	v17 =	vld [tilespmem:s22+$0x55A0]  }
0x1b5: {  	v38 =	vld [tilespmem:s18+$0xA0]  }
0x1b6: {  	v39 =	vld [tilespmem:s18+$0x28A0]  }
0x1b7: {  	v40 =	vld [tilespmem:s18+$0xB0]  }
0x1b8: {  	v41 =	vld [tilespmem:s18+$0x28B0]  }
0x1b9: {  	v42 =	vld [tilespmem:s18+$0xC0]  }
0x1ba: {  	v43 =	vld [tilespmem:s18+$0x28C0]  }
0x1bb: {  	v44 =	vld [tilespmem:s18+$0xD0];
	v16 =	vmul.f32 v17, v16;
	v17 =	vmul.f32 v39, v38  }
0x1bc: {  	v45 =	vld [tilespmem:s18+$0x28D0]  }
0x1bd: {  	v46 =	vld [tilespmem:s18+$0xE0];
	v16 =	vadd.f32 v17, v16;
	v17 =	vmul.f32 v41, v40  }
0x1be: {  	v47 =	vld [tilespmem:s18+$0x28E0]  }
0x1bf: {  	v48 =	vld [tilespmem:s18+$0xF0];
	v16 =	vadd.f32 v17, v16;
	v17 =	vmul.f32 v43, v42  }
0x1c0: {  	v49 =	vld [tilespmem:s18+$0x28F0]  }
0x1c1: {  	v50 =	vld [tilespmem:s18+$0x100];
	v16 =	vadd.f32 v17, v16;
	v17 =	vmul.f32 v45, v44  }
0x1c2: {  	v51 =	vld [tilespmem:s18+$0x2900]  }
0x1c3: {  	v52 =	vld [tilespmem:s18+$0x110];
	v16 =	vadd.f32 v17, v16;
	v17 =	vmul.f32 v47, v46  }
0x1c4: {  	v53 =	vld [tilespmem:s18+$0x2910]  }
0x1c5: {  	v16 =	vadd.f32 v17, v16;
	v17 =	vmul.f32 v49, v48;
	_ =	sdelay $0x1  }
0x1c6: {  	v16 =	vadd.f32 v17, v16;
	v17 =	vmul.f32 v51, v50;
	_ =	sdelay $0x1  }
0x1c7: {  	v16 =	vadd.f32 v17, v16;
	v17 =	vmul.f32 v53, v52;
	_ =	sdelay $0x1  }
0x1c8: {  	v16 =	vadd.f32 v17, v16;
	_ =	sdelay $0x1  }
0x1c9: {  	[tilespmem:$0x6108] =	vst v16  }
0x1ca: {  	v16 =	vld.idx.msk [tilespmem:v0+s3+$0x0], $0xffff  }
0x1cb: {  	v17 =	vld.idx.msk [tilespmem:v1+s3+$0x0], $0xffff;
	_ =	sdelay $0x1  }
0x1cc: {  	v54 =	vld.idx.msk [tilespmem:v2+s3+$0x0], $0xffff;
	_ =	sdelay $0x1  }
0x1cd: {  	v55 =	vld.idx.msk [tilespmem:v3+s3+$0x0], $0xffff  }
0x1ce: {  	v16 =	vadd.f32 v17, v16  }
0x1cf: {  	v17 =	vld.idx.msk [tilespmem:v4+s3+$0x0], $0xffff  }
0x1d0: {  	v16 =	vadd.f32 v54, v16  }
0x1d1: {  	v56 =	vld.idx.msk [tilespmem:v5+s3+$0x0], $0xffff  }
0x1d2: {  	v16 =	vadd.f32 v55, v16  }
0x1d3: {  	v57 =	vld.idx.msk [tilespmem:v6+s3+$0x0], $0xffff  }
0x1d4: {  	v16 =	vadd.f32 v17, v16  }
0x1d5: {  	v17 =	vld.idx.msk [tilespmem:v7+s3+$0x0], $0xffff  }
0x1d6: {  	v16 =	vadd.f32 v56, v16  }
0x1d7: {  	v58 =	vld.idx.msk [tilespmem:v8+s3+$0x0], $0xffff  }
0x1d8: {  	v16 =	vadd.f32 v57, v16  }
0x1d9: {  	v59 =	vld.idx.msk [tilespmem:v9+s3+$0x0], $0xffff  }
0x1da: {  	v16 =	vadd.f32 v17, v16  }
0x1db: {  	v17 =	vld.idx.msk [tilespmem:v10+s3+$0x0], $0xffff  }
0x1dc: {  	v16 =	vadd.f32 v58, v16  }
0x1dd: {  	v60 =	vld.idx.msk [tilespmem:v11+s3+$0x0], $0xffff  }
0x1de: {  	v16 =	vadd.f32 v59, v16  }
0x1df: {  	v61 =	vld.idx.msk [tilespmem:v12+s3+$0x0], $0xffff  }
0x1e0: {  	v16 =	vadd.f32 v17, v16  }
0x1e1: {  	v17 =	vld.idx.msk [tilespmem:v13+s3+$0x0], $0xffff  }
0x1e2: {  	v16 =	vadd.f32 v60, v16  }
0x1e3: {  	v62 =	vld.idx.msk [tilespmem:v14+s3+$0x0], $0xffff  }
0x1e4: {  	v16 =	vadd.f32 v61, v16  }
0x1e5: {  	v63 =	vld.idx.msk [tilespmem:v15+s3+$0x0], $0xffff  }
0x1e6: {  	v16 =	vadd.f32 v17, v16;
	_ =	sdelay $0x1  }
0x1e7: {  	v16 =	vadd.f32 v62, v16;
	_ =	sdelay $0x1  }
0x1e8: {  	v16 =	vadd.f32 v63, v16;
	_ =	sdelay $0x1  }
0x1e9: {  	v16 =	vmul.f32 $8.838834610e-02, v16;
	_ =	sdelay $0x1  }
0x1ea: {  	v16 =	vmul.f32 $1.442695020e+00, v16;
	_ =	sdelay $0x1  }
0x1eb: {  	(erf) = vpow2.f32 v16;
	_ =	sdelay $0x2  }
0x1ec: {  	v16 =	vld [tilespmem:s21+$0x50];
	_ =	sdelay $0x2  }
0x1ed: {  	p0 =	sne.s32 s20, $0x4  }
.Ltmp0:
0x1ee: {  	_ = 	snop;
	(pc) =	sbr.rel @p0 .LBB2_3-.Ltmp0, $4  }
0x1ef: {  	_ = 	snop  }
0x1f0: {  	v17 =	vpop (erf)  }
0x1f1: {  	[tilespmem:s21+$0x6120] =	vst v17  }
0x1f2: {  	s20 =	sadd.s32 $0x1, s20;
	[tilespmem:v16+s24+$0x0] =	vst.idx.add.f32.msk $0xffff, v17  }
0x1f3: {  	s18 =	simm.s32 $0x0  }
0x1f4: {  	v16 =	vmov s18;
	_ =	sdelay $0x1  }
0x1f5: {  	s20 =	simm.s32 $0x55A0  }
0x1f6: {  	[tilespmem:s26], [sflag:$0x3] =	stream.indirect.gather [hbm4b:s10+s25], $0x80, s18, s25, $0xb8;
	[tilespmem:$0x1E810] =	vst v63  }
0x1f7: {  	v17 =	vld [tilespmem:s20+$0x0]  }
0x1f8: {  	v16 =	vld.idx.msk [tilespmem:v16+s12+$0x0], $0xffff;
	_ =	sdelay $0x1  }
0x1f9: {  	s21 =	simm.s32 $0x1  }
0x1fa: {  	v18 =	vmov s21;
	_ =	sdelay $0x1  }
0x1fb: {  	v16 =	vmul.f32 v17, v16  }
0x1fc: {  	s20 =	simm.s32 $0x5AA0  }
0x1fd: {  	[tilespmem:s20+$0x0] =	vst v16  }
0x1fe: {  	s21 =	simm.s32 $0x55B0;
	v16 =	vld.idx.msk [tilespmem:v18+s12+$0x0], $0xffff  }
0x1ff: {  	v18 =	vld [tilespmem:s21+$0x0];
	_ =	sdelay $0x1  }
0x200: {  	s22 =	simm.s32 $0x2  }
0x201: {  	v17 =	vmov s22;
	s22 =	simm.s32 $0x3  }
.LBB2_5:
0x202: {  	p0 =	sne.s32 s22, $0x4F  }
0x203: {  	v16 =	vmul.f32 v18, v16  }
0x204: {  	s20 =	sadd.s32 $0x10, s20  }
0x205: {  	[tilespmem:s20+$0x0] =	vst v16  }
.Ltmp1:
0x206: {  	s21 =	sadd.s32 $0x10, s21;
	v16 =	vld.idx.msk [tilespmem:v17+s12+$0x0], $0xffff;
	(pc) =	sbr.rel @p0 .LBB2_5-.Ltmp1, $2  }
0x207: {  	v18 =	vld [tilespmem:s21+$0x0];
	_ =	sdelay $0x2  }
0x208: {  	v17 =	vmov s22;
	s22 =	sadd.s32 $0x1, s22  }
0x209: {  	_ = 	snop  }
0x20a: {  	v16 =	vmul.f32 v18, v16  }
0x20b: {  	s18 =	sadd.s32 $0x10, s20  }
0x20c: {  	[tilespmem:s18+$0x0] =	vst v16  }
0x20d: {  	s21 =	sadd.s32 $0x10, s21;
	v16 =	vld.idx.msk [tilespmem:v17+s12+$0x0], $0xffff  }
0x20e: {  	v17 =	vld [tilespmem:s21+$0x0];
	_ =	sdelay $0x4  }
0x20f: {  	v16 =	vmul.f32 v17, v16  }
0x210: {  	s18 =	sadd.s32 $0x10, s18  }
0x211: {  	[tilespmem:s18+$0x0] =	vst v16  }
0x212: {  	s22 =	simm.s32 $0x0;
	_ =	swait.ge [sflag:s14], $0x2800  }
0x213: {  	v16 =	vmov s22;
	[sflag:s14] =	ssyncset.done $0x0  }
0x214: {  	s20 =	simm.s32 $0xE0;
	[sflag:s14] =	ssyncadd.s32 $0xFFFFD800  }
0x215: {  	v20 =	vld [tilespmem:s20+$0x30]  }
0x216: {  	v23 =	vld [tilespmem:s20+$0x10]  }
0x217: {  	v21 =	vld [tilespmem:s20+$0xFFFFFFC0]  }
0x218: {  	v17 =	vld.idx.msk [tilespmem:v16+s12+$0x0], $0xffff  }
0x219: {  	v25 =	vld [tilespmem:s20+$0xFFFFFFE0]  }
0x21a: {  	v18 =	vld [tilespmem:s20+$0x20]  }
0x21b: {  	v19 =	vld [tilespmem:s20+$0xFFFFFFD0]  }
0x21c: {  	v16 =	vld [tilespmem:s20+$0xFFFFFFF0]  }
0x21d: {  	v24 =	vmul.f32 v20, v17;
	v20 =	vld [tilespmem:s20+$0x0]  }
0x21e: {  	v22 =	vmul.f32 v21, v17  }
0x21f: {  	s21 =	simm.s32 $0x1;
	s22 =	simm.s32 $0xE0;
	v21 =	vmul.f32 v25, v17;
	v23 =	vmul.f32 v23, v17  }
.LBB2_7:
0x220: {  	p0 =	sne.s32 s21, $0x4F  }
0x221: {  	v19 =	vmul.f32 v19, v17;
	v18 =	vmul.f32 v18, v17;
	[tilespmem:s20+$0x30] =	vst v24;
	s22 =	sadd.s32 $0x80, s22;
	s18 =	smov.u32 s21;
	s21 =	sadd.s32 $0x1, s21  }
0x222: {  	[tilespmem:s20+$0xFFFFFFC0] =	vst v22;
	v22 =	vmul.f32 v16, v17;
	v17 =	vmul.f32 v20, v17  }
0x223: {  	[tilespmem:s20+$0x10] =	vst v23  }
0x224: {  	v20 =	vmov s18;
	[tilespmem:s20+$0xFFFFFFE0] =	vst v21  }
0x225: {  	v16 =	vld [tilespmem:s22+$0xFFFFFFF0];
	[tilespmem:s20+$0xFFFFFFF0] =	vst v22  }
0x226: {  	v21 =	vld [tilespmem:s22+$0x30];
	[tilespmem:s20+$0x0] =	vst v17  }
0x227: {  	v23 =	vld [tilespmem:s22+$0x10];
	[tilespmem:s20+$0x20] =	vst v18  }
0x228: {  	v22 =	vld [tilespmem:s22+$0xFFFFFFC0];
	[tilespmem:s20+$0xFFFFFFD0] =	vst v19;
	s20 =	smov.u32 s22  }
0x229: {  	v17 =	vld.idx.msk [tilespmem:v20+s12+$0x0], $0xffff  }
0x22a: {  	v25 =	vld [tilespmem:s22+$0xFFFFFFE0]  }
0x22b: {  	v18 =	vld [tilespmem:s22+$0x20]  }
.Ltmp2:
0x22c: {  	v19 =	vld [tilespmem:s22+$0xFFFFFFD0];
	(pc) =	sbr.rel @p0 .LBB2_7-.Ltmp2, $3  }
0x22d: {  	v20 =	vld [tilespmem:s22+$0x0];
	_ =	sdelay $0x1  }
0x22e: {  	v22 =	vmul.f32 v22, v17;
	v24 =	vmul.f32 v21, v17  }
0x22f: {  	v23 =	vmul.f32 v23, v17;
	v21 =	vmul.f32 v25, v17  }
0x230: {  	[tilespmem:s20+$0x30] =	vst v24  }
0x231: {  	[tilespmem:s20+$0xFFFFFFC0] =	vst v22  }
0x232: {  	v16 =	vmul.f32 v16, v17;
	[tilespmem:s20+$0x10] =	vst v23  }
0x233: {  	v18 =	vmul.f32 v18, v17;
	[tilespmem:s20+$0xFFFFFFE0] =	vst v21  }
0x234: {  	v20 =	vmul.f32 v20, v17;
	[tilespmem:s20+$0xFFFFFFF0] =	vst v16  }
0x235: {  	v16 =	vmul.f32 v19, v17;
	[tilespmem:s20+$0x20] =	vst v18  }
0x236: {  	[tilespmem:s20+$0x0] =	vst v20  }
0x237: {  	[tilespmem:s20+$0xFFFFFFD0] =	vst v16  }
0x238: {  	[spmem:s1] =	stream.indirect.scatter.add.f32 [tilespmem:s26], [sflag:$0x5], $0x80, s25, s25, $0xb8;
	[tilespmem:$0x1E810] =	vst v63  }
0x239: {  	s19 =	sadd.s32 $0x1, s19;
	_ =	swait.ge [sflag:s23], $0x2800  }
0x23a: {  	p0 =	sne.s32 s19, $0x7D;
	[sflag:s23] =	ssyncset.done $0x0  }
.Ltmp3:
0x23b: {  	[sflag:s23] =	ssyncadd.s32 $0xFFFFD800;
	(pc) =	sbr.rel @p0 .LBB2_2-.Ltmp3, $4  }
0x23c: {  	[spmem:s2] =	stream.indirect.scatter.add.f32 [tilespmem:s16], [sflag:$0x5], $0x10, s25, s25, $0xb8;
	[tilespmem:$0x1E810] =	vst v63  }
0x23d: {  	_ =	swait.ge [sflag:s23], $0x500  }
0x23e: {  	[sflag:s23] =	ssyncset.done $0x0  }
0x23f: {  	[sflag:s23] =	ssyncadd.s32 $0xFFFFFB00  }
0x240: {  	s21 =	simm.s32 $0x0;
	s18 =	rddreg [dreg:$0x9]  }
0x241: {  	[hbm4b:s18+s21] =	stream.linear.scatter [tilespmem:s24], [sflag:$0x5], $0x2710, $0x38;
	[tilespmem:$0x1E810] =	vst v63  }
0x242: {  	_ =	swait.ge [sflag:s23], $0x2710  }
0x243: {  	[sflag:s23] =	ssyncset.done $0x0  }
0x244: {  	[sflag:s23] =	ssyncadd.s32 $0xFFFFD8F0  }
0x245: {  	[bflag:$0x0] =	sbarrier.arrive $0xFFFF  }
0x246: {  	s20 =	rddreg [dreg:$0xa]  }
0x247: {  	s19 =	rddreg [dreg:$0xd]  }
0x248: {  	[hbm:s20], [sflag:s15] =	dma.local [spmem:s19], $0x2710  }
0x249: {  	_ =	swait.ge [sflag:s23], $0x2710  }
0x24a: {  	[sflag:s23] =	ssyncset.done $0x0;
	s22 =	rddreg [dreg:$0xb]  }
0x24b: {  	s20 =	rddreg [dreg:$0xe];
	[sflag:s23] =	ssyncadd.s32 $0xFFFFD8F0  }
0x24c: {  	[hbm:s22], [sflag:s15] =	dma.local [spmem:s20], $0x4E2  }
0x24d: {  	_ =	swait.ge [sflag:s23], $0x4E2  }
0x24e: {  	s17 =	sadd.s32 $0x1, s17;
	s22 =	rddreg [dreg:$0xc]  }
0x24f: {  	p0 =	sne.s32 s17, s22  }
.Ltmp4:
0x250: {  	_ = 	snop;
	(pc) =	sbr.rel @p0 .LBB2_1-.Ltmp4, $3  }
0x251: {  	_ =	sdelay $0x1  }
0x252: {  	[sflag:s23] =	ssyncset.done $0x0  }
0x253: {  	[sflag:s23] =	ssyncadd.s32 $0xFFFFFB1E  }
0x254: {  	_ =	sfence.sel $0x180000  }
0x255: {  	[bflag:$0x0] =	sbarrier.arrive $0xFFFF  }
0x256: {  	_ =	strace $0x9000004A  }
0x257: {  	s0 =	stileid.u32;
	[bflag:$0x2] =	sbarrier.arrive $0xFFFF  }
0x258: {  	p0 =	sne.s32 s0, $0x0;
	s0 =	rddreg [dreg:$0x4]  }
0x259: {  	s0 =	sadd.s32 @!p0 $0x100000, s0  }
0x25a: {  	[sflag:s0] =	ssyncadd.tile.s32 @!p0 $0x1;
	_ =	shalt  }
.Lfunc_end2:
_tile_overlayer_lowered:
.L_overlay_start_2:
0x25b: {  	(tag) =	ssettag $0x2  }
0x25c: {  	s0 =	rddreg [dreg:$0x0];
	s2 =	stileid.u32  }
0x25d: {  	s1 =	rddreg [dreg:$0x1];
	p0 =	sne.s32 s2, $0x0  }
0x25e: {  	s3 =	rddreg [dreg:$0x2];
	[bflag:$0x3] =	sbarrier.arrive $0xFFFF;
	s2 =	simm.s32 @!p0 $0x1C05  }
0x25f: {  	[timem:s3], [sflag:s2] =	dma.local @!p0 [hbm:s0], s1  }
0x260: {  	s0 =	simm.s32 @!p0 $0x5  }
0x261: {  	_ =	swait.ge @!p0 [sflag:s0], s1  }
0x262: {  	s1 =	ssub.s32 @!p0 $0x0, s1;
	[sflag:s0] =	ssyncset.done @!p0 $0x0  }
0x263: {  	[sflag:s0] =	ssyncadd.s32 @!p0 s1  }
0x264: {  	[bflag:$0x3] =	sbarrier.arrive $0xFFFF  }
0x265: {  	_ =	shalt  }

</sc_bundles>
